<compile_context>
chip_gen: v7x
topology: tpu7x:2x2x1
jax: 0.10.2.dev20260603
libtpu: 0.0.44.dev20260713+nightly
codegen_flags: <defaults>
</compile_context>

<pallas_src>
import functools

import jax
import jax.numpy as jnp
from jax import lax
from jax.experimental import pallas as pl
from jax.experimental.pallas import tpu as pltpu
from jax.experimental.pallas import tpu_sc as plsc

N = 10000
NP = 10240
E = 320000
D_IN = 128
D1 = 128
D2 = 64
NC = 2
NS = 16
NT = NC * NS
CH = 128
CPT = 80
EPT = CPT * CH
EP = NT * EPT
DEGW = 16
BR = 256

BOUND = 9728
RPS = BOUND // NS
REM = N - BOUND
REMP = REM + 1
DRPS = NP // NS

_mesh = plsc.VectorSubcoreMesh(
    core_axis_name="c", subcore_axis_name="s", num_cores=NC, num_subcores=NS
)



def _deg_body(dst_hbm, degp_hbm, dstb, ones, zbuf, acc):
    c = lax.axis_index("c")
    s = lax.axis_index("s")
    wid = c * NS + s
    pltpu.sync_copy(dst_hbm.at[wid], dstb)

    @pl.loop(0, CH)
    def _(i):
        ones[i, :] = jnp.full((DEGW,), 1.0, jnp.float32)
        zbuf[i, :] = jnp.zeros((DEGW,), jnp.float32)

    for k in range(DRPS // CH):
        pltpu.sync_copy(zbuf, acc.at[pl.ds(s * DRPS + k * CH, CH)])
    plsc.subcore_barrier()

    @pl.loop(0, CPT)
    def _(j):
        pltpu.sync_copy(ones, acc.at[dstb.at[j]], add=True)

    plsc.subcore_barrier()
    pltpu.sync_copy(acc.at[pl.ds(s * DRPS, DRPS)],
                    degp_hbm.at[c].at[pl.ds(s * DRPS, DRPS)])


_deg_kernel = functools.partial(
    pl.kernel,
    out_type=jax.ShapeDtypeStruct((NC, NP, DEGW), jnp.float32),
    mesh=_mesh,
    scratch_types=[
        pltpu.VMEM((CPT, CH), jnp.int32),
        pltpu.VMEM((CH, DEGW), jnp.float32),
        pltpu.VMEM((CH, DEGW), jnp.float32),
        pltpu.VMEM_SHARED((NP, DEGW), jnp.float32),
    ],
)(_deg_body)


NBUF = 8
M = 32
NCH = EPT // M


def _agg_body(g_hbm, src_hbm, i1_hbm, srcr_hbm, ir_hbm, pa_hbm, pb_hbm,
              sstg, istg, r0, r1, r2, r3, r4, r5, r6, r7, accS, sem):
    c = lax.axis_index("c")
    s = lax.axis_index("s")
    wid = c * NS + s
    bufs = (r0, r1, r2, r3, r4, r5, r6, r7)

    def zero_r0():
        @pl.loop(0, M)
        def _(i):
            @pl.loop(0, D1, step=16)
            def _(jj):
                r0[i, pl.ds(jj, 16)] = jnp.zeros((16,), jnp.float32)

    def zero_rows(zrows):
        for k in range(zrows // M):
            pltpu.sync_copy(r0, accS.at[pl.ds(s * zrows + k * M, M)])
        if zrows % M:
            pltpu.sync_copy(
                r0.at[pl.ds(0, zrows % M)],
                accS.at[pl.ds(s * zrows + (zrows // M) * M, zrows % M)])

    def edge_loop(sh, ih):
        @pl.loop(0, NCH, step=NBUF)
        def _(j):
            pltpu.sync_copy(sh.at[pl.ds(j, NBUF)], sstg)
            pltpu.sync_copy(ih.at[pl.ds(j, NBUF)], istg)
            for b in range(NBUF):
                pltpu.async_copy(g_hbm.at[sstg.at[b]], bufs[b], sem)
            for b in range(NBUF):
                pltpu.make_async_copy(g_hbm.at[sstg.at[0]], bufs[b], sem).wait()
            for b in range(NBUF):
                pltpu.sync_copy(bufs[b], accS.at[istg.at[b]], add=True)

    zero_r0()
    zero_rows(RPS)
    plsc.subcore_barrier()
    edge_loop(src_hbm.at[wid], i1_hbm.at[wid])
    plsc.subcore_barrier()
    pltpu.sync_copy(accS.at[pl.ds(s * RPS, RPS)],
                    pa_hbm.at[c].at[pl.ds(s * RPS, RPS)])
    plsc.subcore_barrier()

    zero_r0()
    zero_rows(33)
    plsc.subcore_barrier()
    edge_loop(srcr_hbm.at[wid], ir_hbm.at[wid])
    plsc.subcore_barrier()
    pltpu.sync_copy(accS.at[pl.ds(s * 32, 32)],
                    pb_hbm.at[c].at[pl.ds(s * 32, 32)])


_agg_kernel = functools.partial(
    pl.kernel,
    out_type=[
        jax.ShapeDtypeStruct((NC, BOUND, D1), jnp.float32),
        jax.ShapeDtypeStruct((NC, 512, D1), jnp.float32),
    ],
    mesh=_mesh,
    scratch_types=[
        pltpu.VMEM((NBUF, M), jnp.int32),
        pltpu.VMEM((NBUF, M), jnp.int32),
    ] + [pltpu.VMEM((M, D1), jnp.float32) for _ in range(NBUF)] + [
        pltpu.VMEM_SHARED((BOUND, D1), jnp.float32),
        pltpu.SemaphoreType.DMA,
    ],
)(_agg_body)



def _dinv(degp_blk):
    deg = jnp.sum(degp_blk[0] + degp_blk[1], axis=1) * (1.0 / DEGW) + 1.0
    return lax.rsqrt(deg)


def _mm(a, b, contract):
    return lax.dot_general(a, b, (contract, ((), ())),
                           preferred_element_type=jnp.float32,
                           precision=lax.Precision.HIGHEST)


def _merge(pb):
    def body(pbb, ob, sb):
        t = pbb[0] + pbb[1]
        ob[...] = t
        tot = jnp.sum(t, axis=0, keepdims=True)
        sb[...] = jnp.concatenate(
            [tot, jnp.zeros((7, 128), jnp.float32)], axis=0)

    return pl.pallas_call(
        body,
        grid=(1,),
        in_specs=[pl.BlockSpec((NC, NP - BOUND, 128), lambda i: (0, 0, 0))],
        out_specs=[
            pl.BlockSpec((NP - BOUND, 128), lambda i: (0, 0)),
            pl.BlockSpec((8, 128), lambda i: (0, 0)),
        ],
        out_shape=[
            jax.ShapeDtypeStruct((NP - BOUND, 128), jnp.float32),
            jax.ShapeDtypeStruct((8, 128), jnp.float32),
        ],
    )(pb)


def _assemble(i, pab, pbsb, spurb, gb):
    rows = i * BR + lax.broadcasted_iota(jnp.int32, (BR, 1), 0)
    ta = pab[0] + pab[1]
    t = jnp.where(rows < BOUND, ta, pbsb[...])
    t = t - jnp.where(rows == 0, spurb[0:1, :], 0.0)
    return t + gb[...]


def _row_mask(i, val):
    rows = i * BR + lax.broadcasted_iota(jnp.int32, (BR, 1), 0)
    return jnp.where(rows < N, val, 0.0)


_PBS_SPEC = pl.BlockSpec(
    (BR, 128), lambda i: (jnp.where(i < BOUND // BR, 0, i - BOUND // BR), 0))
_PA_SPEC = pl.BlockSpec(
    (NC, BR, D1),
    lambda i: (0, jnp.where(i < BOUND // BR, i, BOUND // BR - 1), 0))


def _tc1(xp, W1, degp):
    def body(xb, w1, dp, ob):
        i = pl.program_id(0)
        dinv = _dinv(dp)
        h = _mm(xb[...], w1[...], ((1,), (1,)))
        ob[...] = _row_mask(i, h * dinv[:, None])

    return pl.pallas_call(
        body,
        grid=(NP // BR,),
        in_specs=[
            pl.BlockSpec((BR, D_IN), lambda i: (i, 0)),
            pl.BlockSpec((D1, D_IN), lambda i: (0, 0)),
            pl.BlockSpec((NC, BR, DEGW), lambda i: (0, i, 0)),
        ],
        out_specs=pl.BlockSpec((BR, D1), lambda i: (i, 0)),
        out_shape=jax.ShapeDtypeStruct((NP, D1), jnp.float32),
    )(xp, W1, degp)


def _tc2(pa, pbs, spur, g1, degp, b1r, W2):
    def body(pab, pbsb, spurb, g1b, dp, b1b, w2, ob):
        i = pl.program_id(0)
        dinv = _dinv(dp)
        t = _assemble(i, pab, pbsb, spurb, g1b)
        h1 = jnp.maximum(t * dinv[:, None] + b1b[...], 0.0)
        h2 = _mm(h1, w2[...], ((1,), (1,)))
        g2 = _row_mask(i, h2 * dinv[:, None])
        ob[...] = jnp.concatenate(
            [g2, jnp.zeros((BR, D1 - D2), jnp.float32)], axis=1)

    return pl.pallas_call(
        body,
        grid=(NP // BR,),
        in_specs=[
            _PA_SPEC,
            _PBS_SPEC,
            pl.BlockSpec((8, 128), lambda i: (0, 0)),
            pl.BlockSpec((BR, D1), lambda i: (i, 0)),
            pl.BlockSpec((NC, BR, DEGW), lambda i: (0, i, 0)),
            pl.BlockSpec((1, D1), lambda i: (0, 0)),
            pl.BlockSpec((D2, D1), lambda i: (0, 0)),
        ],
        out_specs=pl.BlockSpec((BR, D1), lambda i: (i, 0)),
        out_shape=jax.ShapeDtypeStruct((NP, D1), jnp.float32),
    )(pa, pbs, spur, g1, degp, b1r, W2)


def _tc3(qa, qbs, qspur, g2, degp, b2r, wfct, bfcp):
    def body(pab, pbsb, spurb, g2b, dp, b2b, wf, bf, ob):
        i = pl.program_id(0)
        dinv = _dinv(dp)
        t = _assemble(i, pab, pbsb, spurb, g2b)[:, :D2]
        h2 = jnp.maximum(t * dinv[:, None] + b2b[...], 0.0)
        ob[...] = _mm(h2, wf[...], ((1,), (0,))) + bf[...]

    return pl.pallas_call(
        body,
        grid=(NP // BR,),
        in_specs=[
            _PA_SPEC,
            _PBS_SPEC,
            pl.BlockSpec((8, 128), lambda i: (0, 0)),
            pl.BlockSpec((BR, D1), lambda i: (i, 0)),
            pl.BlockSpec((NC, BR, DEGW), lambda i: (0, i, 0)),
            pl.BlockSpec((1, D2), lambda i: (0, 0)),
            pl.BlockSpec((D2, 128), lambda i: (0, 0)),
            pl.BlockSpec((1, 128), lambda i: (0, 0)),
        ],
        out_specs=pl.BlockSpec((BR, 128), lambda i: (i, 0)),
        out_shape=jax.ShapeDtypeStruct((NP, 128), jnp.float32),
    )(qa, qbs, qspur, g2, degp, b2r, wfct, bfcp)



def kernel(x, edge_index, W1, b1, W2, b2, Wfc, bfc):
    f32 = jnp.float32
    src = edge_index[0].astype(jnp.int32)
    dst = edge_index[1].astype(jnp.int32)
    srcp = jnp.concatenate([src, jnp.full((EP - E,), NP - 1, jnp.int32)])
    dstp = jnp.concatenate([dst, jnp.zeros((EP - E,), jnp.int32)])
    src2 = srcp.reshape(NT, NCH, M)
    dst3 = jnp.concatenate(
        [dst, jnp.full((EP - E,), NP - 1, jnp.int32)]).reshape(NT, CPT, CH)
    rem_mask = dstp >= BOUND
    idx1 = jnp.where(rem_mask, 0, dstp).reshape(NT, NCH, M)
    idxr = jnp.where(rem_mask, dstp - BOUND, 512).reshape(NT, NCH, M)
    srcr = jnp.where(rem_mask, srcp, NP - 1).reshape(NT, NCH, M)
    xp = jnp.pad(x, ((0, NP - N), (0, 0)))
    wfct = jnp.zeros((D2, 128), f32).at[:, :6].set(Wfc.T)
    bfcp = jnp.zeros((1, 128), f32).at[0, :6].set(bfc)

    degp = _deg_kernel(dst3)
    g1 = _tc1(xp, W1, degp)
    pa, pb = _agg_kernel(g1, src2, idx1, srcr, idxr)
    pbs, spur = _merge(pb)
    g2 = _tc2(pa, pbs, spur, g1, degp, b1.reshape(1, D1), W2)
    qa, qb = _agg_kernel(g2, src2, idx1, srcr, idxr)
    qbs, qspur = _merge(qb)
    outf = _tc3(qa, qbs, qspur, g2, degp,
                b2.reshape(1, D2), wfct, bfcp)
    return outf[:N, :6]

# --- scband reference (transcript-rebuilt; emitter-appended) ---
"""Pipeline reference for scband-autoencoder-72894184948286 (READ-ONLY COPY).

The authoritative reference and input builder live on the scoring server;
editing this copy changes nothing except your own understanding.
"""

import jax, jax.numpy as jnp
import numpy as np

N_NODES = 10000
N_EDGES = 320000
D_IN = 128
D_H = 64  # hidden_channels


def setup_inputs(seed: int = 0) -> dict:
    key = jax.random.key(seed)
    k = jax.random.split(key, 8)
    x = jax.random.normal(k[0], (N_NODES, D_IN), dtype=jnp.float32)
    edge_index = jax.random.randint(k[1], (2, N_EDGES), 0, N_NODES, dtype=jnp.int64)
    # GCNConv1: in=128 -> out=2*hidden=128
    W1 = jax.random.normal(k[2], (2 * D_H, D_IN), dtype=jnp.float32) * (1.0 / np.sqrt(D_IN))
    b1 = jnp.zeros((2 * D_H,), dtype=jnp.float32)
    # GCNConv2: in=128 -> out=64
    W2 = jax.random.normal(k[3], (D_H, 2 * D_H), dtype=jnp.float32) * (1.0 / np.sqrt(2 * D_H))
    b2 = jnp.zeros((D_H,), dtype=jnp.float32)
    # fc: 64 -> 6
    Wfc = jax.random.normal(k[4], (6, D_H), dtype=jnp.float32) * (1.0 / np.sqrt(D_H))
    bfc = jnp.zeros((6,), dtype=jnp.float32)
    return {"x": x, "edge_index": edge_index, "W1": W1, "b1": b1, "W2": W2, "b2": b2, "Wfc": Wfc, "bfc": bfc}


def _gcn_conv(x, edge_index, W, b, num_nodes):
    # PyG GCNConv: add self-loops, symmetric normalization, linear transform,
    # scatter-add aggregation by destination node, then bias.
    src = edge_index[0]
    dst = edge_index[1]
    loop = jnp.arange(num_nodes, dtype=src.dtype)
    src = jnp.concatenate([src, loop])
    dst = jnp.concatenate([dst, loop])
    deg = jnp.zeros((num_nodes,), dtype=x.dtype).at[dst].add(1.0)
    dinv = jnp.where(deg > 0, deg ** -0.5, 0.0)
    norm = dinv[src] * dinv[dst]
    h = x @ W.T
    msg = h[src] * norm[:, None]
    out = jnp.zeros((num_nodes, h.shape[1]), dtype=x.dtype).at[dst].add(msg)
    return out + b


def reference(x, edge_index, W1, b1, W2, b2, Wfc, bfc):
    n = x.shape[0]
    h = jax.nn.relu(_gcn_conv(x, edge_index, W1, b1, n))
    h = jax.nn.relu(_gcn_conv(h, edge_index, W2, b2, n))
    out = h @ Wfc.T + bfc
    return out

if __name__ == "__main__":
    import jax
    _d = setup_inputs()
    print(jax.jit(kernel)(*tuple(_d.values())))

</pallas_src>

<mosaic_0001>
#map = affine_map<(d0, d1) -> (0, 0, 0)>
module attributes {stable_mosaic.version = 14 : i64} {
  func.func @_deg_body(%arg0: i32, %arg1: i32, %arg2: memref<32x80x128xi32, #tpu.memory_space<hbm>>, %arg3: memref<2x10240x16xf32, #tpu.memory_space<hbm>>, %arg4: memref<80x128xi32, #tpu.memory_space<vmem>>, %arg5: memref<128x16xf32, #tpu.memory_space<vmem>>, %arg6: memref<128x16xf32, #tpu.memory_space<vmem>>, %arg7: memref<10240x16xf32, #tpu.memory_space<vmem_shared>>) attributes {dimension_semantics = [#tpu.dimension_semantics<core_parallel>, #tpu.dimension_semantics<subcore_parallel>], iteration_bounds = array<i64: 2, 16>, scalar_prefetch = 0 : i64, scratch_operands = 4 : i64, tpu.core_type = #tpu.core_type<sc_vector_subcore>, window_params = [{transform_indices = #map}, {transform_indices = #map}]} {
    %mul3A = arith.constant 16 : i32
    %mul3A_0 = arith.muli %arg0, %mul3A : i32
    %add3A = arith.addi %mul3A_0, %arg1 : i32
    "tpu.region"() ({
      %run_scoped3A = tpu.sem_alloc : memref<!tpu.dma_semaphore, #tpu.memory_space<semaphore_mem>>
      %dma_start3A = arith.constant 0 : i32
      %dma_start3A_35 = arith.constant 0 : i32
      %dma_start3A_36 = tpu.memref_slice %arg2[%add3A, %dma_start3A, %dma_start3A_35] : memref<32x80x128xi32, #tpu.memory_space<hbm>> -> memref<1x80x128xi32, #tpu.memory_space<hbm>>
      %dma_start3A_37 = tpu.memref_squeeze %dma_start3A_36 : memref<1x80x128xi32, #tpu.memory_space<hbm>> -> memref<80x128xi32, #tpu.memory_space<hbm>>
      %dma_start3A_38 = arith.constant 0 : i32
      %dma_start3A_39 = arith.constant 0 : i32
      %dma_start3A_40 = tpu.memref_slice %arg2[%add3A, %dma_start3A_38, %dma_start3A_39] : memref<32x80x128xi32, #tpu.memory_space<hbm>> -> memref<1x80x128xi32, #tpu.memory_space<hbm>>
      %dma_start3A_41 = tpu.memref_squeeze %dma_start3A_40 : memref<1x80x128xi32, #tpu.memory_space<hbm>> -> memref<80x128xi32, #tpu.memory_space<hbm>>
      tpu.enqueue_dma source(%dma_start3A_41 : memref<80x128xi32, #tpu.memory_space<hbm>>) target(%arg4 : memref<80x128xi32, #tpu.memory_space<vmem>>) target_semaphore(%run_scoped3A : memref<!tpu.dma_semaphore, #tpu.memory_space<semaphore_mem>>)
      %dma_wait3A = arith.constant 0 : i32
      %dma_wait3A_42 = arith.constant 0 : i32
      %dma_wait3A_43 = tpu.memref_slice %arg2[%add3A, %dma_wait3A, %dma_wait3A_42] : memref<32x80x128xi32, #tpu.memory_space<hbm>> -> memref<1x80x128xi32, #tpu.memory_space<hbm>>
      %dma_wait3A_44 = tpu.memref_squeeze %dma_wait3A_43 : memref<1x80x128xi32, #tpu.memory_space<hbm>> -> memref<80x128xi32, #tpu.memory_space<hbm>>
      %dma_wait3A_45 = arith.constant 0 : i32
      %dma_wait3A_46 = arith.constant 0 : i32
      %dma_wait3A_47 = tpu.memref_slice %arg2[%add3A, %dma_wait3A_45, %dma_wait3A_46] : memref<32x80x128xi32, #tpu.memory_space<hbm>> -> memref<1x80x128xi32, #tpu.memory_space<hbm>>
      %dma_wait3A_48 = tpu.memref_squeeze %dma_wait3A_47 : memref<1x80x128xi32, #tpu.memory_space<hbm>> -> memref<80x128xi32, #tpu.memory_space<hbm>>
      tpu.wait_dma2 semaphore(%run_scoped3A : memref<!tpu.dma_semaphore, #tpu.memory_space<semaphore_mem>>) src(%dma_wait3A_48 : memref<80x128xi32, #tpu.memory_space<hbm>>) dst(%arg4 : memref<80x128xi32, #tpu.memory_space<vmem>>)
      tpu.yield
    }) : () -> ()
    %scan3A = arith.constant 0 : i32
    %scan3A_1 = arith.constant 128 : i32
    %scan3A_2 = arith.addi %scan3A, %scan3A_1 : i32
    %scan3A_3 = arith.constant 1 : i32
    scf.for %scan3A_35 = %scan3A to %scan3A_2 step %scan3A_3  : i32 {
      %mul3A_36 = arith.constant 1 : i32
      %mul3A_37 = arith.muli %scan3A_35, %mul3A_36 : i32
      %add3A_38 = arith.constant 0 : i32
      %add3A_39 = arith.addi %add3A_38, %mul3A_37 : i32
      %broadcast_in_dim3A = arith.constant 1.000000e+00 : f32
      %broadcast_in_dim3A_40 = vector.broadcast %broadcast_in_dim3A : f32 to vector<16xf32>
      %swap3A = arith.index_cast %add3A_39 : i32 to index
      %swap3A_41 = arith.constant 0 : index
      %swap3A_42 = tpu.vector_load %arg5[%swap3A, %swap3A_41] {strides = array<i32>} : memref<128x16xf32, #tpu.memory_space<vmem>>, vector<1x16xf32>,
      %swap3A_43 = vector.shape_cast %swap3A_42 : vector<1x16xf32> to vector<16xf32>
      %swap3A_44 = vector.shape_cast %broadcast_in_dim3A_40 : vector<16xf32> to vector<1x16xf32>
      tpu.vector_store %arg5[%swap3A, %swap3A_41], %swap3A_44 {strides = array<i32>} : memref<128x16xf32, #tpu.memory_space<vmem>>, vector<1x16xf32>,
      %broadcast_in_dim3A_45 = arith.constant 0.000000e+00 : f32
      %broadcast_in_dim3A_46 = vector.broadcast %broadcast_in_dim3A_45 : f32 to vector<16xf32>
      %swap3A_47 = arith.index_cast %add3A_39 : i32 to index
      %swap3A_48 = arith.constant 0 : index
      %swap3A_49 = tpu.vector_load %arg6[%swap3A_47, %swap3A_48] {strides = array<i32>} : memref<128x16xf32, #tpu.memory_space<vmem>>, vector<1x16xf32>,
      %swap3A_50 = vector.shape_cast %swap3A_49 : vector<1x16xf32> to vector<16xf32>
      %swap3A_51 = vector.shape_cast %broadcast_in_dim3A_46 : vector<16xf32> to vector<1x16xf32>
      tpu.vector_store %arg6[%swap3A_47, %swap3A_48], %swap3A_51 {strides = array<i32>} : memref<128x16xf32, #tpu.memory_space<vmem>>, vector<1x16xf32>,
    }
    %scan3A_4 = arith.constant 128 : i32
    %mul3A_5 = arith.constant 640 : i32
    %mul3A_6 = arith.muli %arg1, %mul3A_5 : i32
    %add3A_7 = arith.constant 0 : i32
    %add3A_8 = arith.addi %mul3A_6, %add3A_7 : i32
    "tpu.region"() ({
      %run_scoped3A = tpu.sem_alloc : memref<!tpu.dma_semaphore, #tpu.memory_space<semaphore_mem>>
      %dma_start3A = arith.constant 0 : i32
      %dma_start3A_35 = tpu.memref_slice %arg7[%add3A_8, %dma_start3A] : memref<10240x16xf32, #tpu.memory_space<vmem_shared>> -> memref<128x16xf32, #tpu.memory_space<vmem_shared>>
      %dma_start3A_36 = arith.constant 0 : i32
      %dma_start3A_37 = tpu.memref_slice %arg7[%add3A_8, %dma_start3A_36] : memref<10240x16xf32, #tpu.memory_space<vmem_shared>> -> memref<128x16xf32, #tpu.memory_space<vmem_shared>>
      tpu.enqueue_dma source(%arg6 : memref<128x16xf32, #tpu.memory_space<vmem>>) target(%dma_start3A_37 : memref<128x16xf32, #tpu.memory_space<vmem_shared>>) target_semaphore(%run_scoped3A : memref<!tpu.dma_semaphore, #tpu.memory_space<semaphore_mem>>)
      %dma_wait3A = arith.constant 0 : i32
      %dma_wait3A_38 = tpu.memref_slice %arg7[%add3A_8, %dma_wait3A] : memref<10240x16xf32, #tpu.memory_space<vmem_shared>> -> memref<128x16xf32, #tpu.memory_space<vmem_shared>>
      %dma_wait3A_39 = arith.constant 0 : i32
      %dma_wait3A_40 = tpu.memref_slice %arg7[%add3A_8, %dma_wait3A_39] : memref<10240x16xf32, #tpu.memory_space<vmem_shared>> -> memref<128x16xf32, #tpu.memory_space<vmem_shared>>
      tpu.wait_dma2 semaphore(%run_scoped3A : memref<!tpu.dma_semaphore, #tpu.memory_space<semaphore_mem>>) src(%arg6 : memref<128x16xf32, #tpu.memory_space<vmem>>) dst(%dma_wait3A_40 : memref<128x16xf32, #tpu.memory_space<vmem_shared>>)
      tpu.yield
    }) : () -> ()
    %mul3A_9 = arith.constant 640 : i32
    %mul3A_10 = arith.muli %arg1, %mul3A_9 : i32
    %add3A_11 = arith.constant 128 : i32
    %add3A_12 = arith.addi %mul3A_10, %add3A_11 : i32
    "tpu.region"() ({
      %run_scoped3A = tpu.sem_alloc : memref<!tpu.dma_semaphore, #tpu.memory_space<semaphore_mem>>
      %dma_start3A = arith.constant 0 : i32
      %dma_start3A_35 = tpu.memref_slice %arg7[%add3A_12, %dma_start3A] : memref<10240x16xf32, #tpu.memory_space<vmem_shared>> -> memref<128x16xf32, #tpu.memory_space<vmem_shared>>
      %dma_start3A_36 = arith.constant 0 : i32
      %dma_start3A_37 = tpu.memref_slice %arg7[%add3A_12, %dma_start3A_36] : memref<10240x16xf32, #tpu.memory_space<vmem_shared>> -> memref<128x16xf32, #tpu.memory_space<vmem_shared>>
      tpu.enqueue_dma source(%arg6 : memref<128x16xf32, #tpu.memory_space<vmem>>) target(%dma_start3A_37 : memref<128x16xf32, #tpu.memory_space<vmem_shared>>) target_semaphore(%run_scoped3A : memref<!tpu.dma_semaphore, #tpu.memory_space<semaphore_mem>>)
      %dma_wait3A = arith.constant 0 : i32
      %dma_wait3A_38 = tpu.memref_slice %arg7[%add3A_12, %dma_wait3A] : memref<10240x16xf32, #tpu.memory_space<vmem_shared>> -> memref<128x16xf32, #tpu.memory_space<vmem_shared>>
      %dma_wait3A_39 = arith.constant 0 : i32
      %dma_wait3A_40 = tpu.memref_slice %arg7[%add3A_12, %dma_wait3A_39] : memref<10240x16xf32, #tpu.memory_space<vmem_shared>> -> memref<128x16xf32, #tpu.memory_space<vmem_shared>>
      tpu.wait_dma2 semaphore(%run_scoped3A : memref<!tpu.dma_semaphore, #tpu.memory_space<semaphore_mem>>) src(%arg6 : memref<128x16xf32, #tpu.memory_space<vmem>>) dst(%dma_wait3A_40 : memref<128x16xf32, #tpu.memory_space<vmem_shared>>)
      tpu.yield
    }) : () -> ()
    %mul3A_13 = arith.constant 640 : i32
    %mul3A_14 = arith.muli %arg1, %mul3A_13 : i32
    %add3A_15 = arith.constant 256 : i32
    %add3A_16 = arith.addi %mul3A_14, %add3A_15 : i32
    "tpu.region"() ({
      %run_scoped3A = tpu.sem_alloc : memref<!tpu.dma_semaphore, #tpu.memory_space<semaphore_mem>>
      %dma_start3A = arith.constant 0 : i32
      %dma_start3A_35 = tpu.memref_slice %arg7[%add3A_16, %dma_start3A] : memref<10240x16xf32, #tpu.memory_space<vmem_shared>> -> memref<128x16xf32, #tpu.memory_space<vmem_shared>>
      %dma_start3A_36 = arith.constant 0 : i32
      %dma_start3A_37 = tpu.memref_slice %arg7[%add3A_16, %dma_start3A_36] : memref<10240x16xf32, #tpu.memory_space<vmem_shared>> -> memref<128x16xf32, #tpu.memory_space<vmem_shared>>
      tpu.enqueue_dma source(%arg6 : memref<128x16xf32, #tpu.memory_space<vmem>>) target(%dma_start3A_37 : memref<128x16xf32, #tpu.memory_space<vmem_shared>>) target_semaphore(%run_scoped3A : memref<!tpu.dma_semaphore, #tpu.memory_space<semaphore_mem>>)
      %dma_wait3A = arith.constant 0 : i32
      %dma_wait3A_38 = tpu.memref_slice %arg7[%add3A_16, %dma_wait3A] : memref<10240x16xf32, #tpu.memory_space<vmem_shared>> -> memref<128x16xf32, #tpu.memory_space<vmem_shared>>
      %dma_wait3A_39 = arith.constant 0 : i32
      %dma_wait3A_40 = tpu.memref_slice %arg7[%add3A_16, %dma_wait3A_39] : memref<10240x16xf32, #tpu.memory_space<vmem_shared>> -> memref<128x16xf32, #tpu.memory_space<vmem_shared>>
      tpu.wait_dma2 semaphore(%run_scoped3A : memref<!tpu.dma_semaphore, #tpu.memory_space<semaphore_mem>>) src(%arg6 : memref<128x16xf32, #tpu.memory_space<vmem>>) dst(%dma_wait3A_40 : memref<128x16xf32, #tpu.memory_space<vmem_shared>>)
      tpu.yield
    }) : () -> ()
    %mul3A_17 = arith.constant 640 : i32
    %mul3A_18 = arith.muli %arg1, %mul3A_17 : i32
    %add3A_19 = arith.constant 384 : i32
    %add3A_20 = arith.addi %mul3A_18, %add3A_19 : i32
    "tpu.region"() ({
      %run_scoped3A = tpu.sem_alloc : memref<!tpu.dma_semaphore, #tpu.memory_space<semaphore_mem>>
      %dma_start3A = arith.constant 0 : i32
      %dma_start3A_35 = tpu.memref_slice %arg7[%add3A_20, %dma_start3A] : memref<10240x16xf32, #tpu.memory_space<vmem_shared>> -> memref<128x16xf32, #tpu.memory_space<vmem_shared>>
      %dma_start3A_36 = arith.constant 0 : i32
      %dma_start3A_37 = tpu.memref_slice %arg7[%add3A_20, %dma_start3A_36] : memref<10240x16xf32, #tpu.memory_space<vmem_shared>> -> memref<128x16xf32, #tpu.memory_space<vmem_shared>>
      tpu.enqueue_dma source(%arg6 : memref<128x16xf32, #tpu.memory_space<vmem>>) target(%dma_start3A_37 : memref<128x16xf32, #tpu.memory_space<vmem_shared>>) target_semaphore(%run_scoped3A : memref<!tpu.dma_semaphore, #tpu.memory_space<semaphore_mem>>)
      %dma_wait3A = arith.constant 0 : i32
      %dma_wait3A_38 = tpu.memref_slice %arg7[%add3A_20, %dma_wait3A] : memref<10240x16xf32, #tpu.memory_space<vmem_shared>> -> memref<128x16xf32, #tpu.memory_space<vmem_shared>>
      %dma_wait3A_39 = arith.constant 0 : i32
      %dma_wait3A_40 = tpu.memref_slice %arg7[%add3A_20, %dma_wait3A_39] : memref<10240x16xf32, #tpu.memory_space<vmem_shared>> -> memref<128x16xf32, #tpu.memory_space<vmem_shared>>
      tpu.wait_dma2 semaphore(%run_scoped3A : memref<!tpu.dma_semaphore, #tpu.memory_space<semaphore_mem>>) src(%arg6 : memref<128x16xf32, #tpu.memory_space<vmem>>) dst(%dma_wait3A_40 : memref<128x16xf32, #tpu.memory_space<vmem_shared>>)
      tpu.yield
    }) : () -> ()
    %mul3A_21 = arith.constant 640 : i32
    %mul3A_22 = arith.muli %arg1, %mul3A_21 : i32
    %add3A_23 = arith.constant 512 : i32
    %add3A_24 = arith.addi %mul3A_22, %add3A_23 : i32
    "tpu.region"() ({
      %run_scoped3A = tpu.sem_alloc : memref<!tpu.dma_semaphore, #tpu.memory_space<semaphore_mem>>
      %dma_start3A = arith.constant 0 : i32
      %dma_start3A_35 = tpu.memref_slice %arg7[%add3A_24, %dma_start3A] : memref<10240x16xf32, #tpu.memory_space<vmem_shared>> -> memref<128x16xf32, #tpu.memory_space<vmem_shared>>
      %dma_start3A_36 = arith.constant 0 : i32
      %dma_start3A_37 = tpu.memref_slice %arg7[%add3A_24, %dma_start3A_36] : memref<10240x16xf32, #tpu.memory_space<vmem_shared>> -> memref<128x16xf32, #tpu.memory_space<vmem_shared>>
      tpu.enqueue_dma source(%arg6 : memref<128x16xf32, #tpu.memory_space<vmem>>) target(%dma_start3A_37 : memref<128x16xf32, #tpu.memory_space<vmem_shared>>) target_semaphore(%run_scoped3A : memref<!tpu.dma_semaphore, #tpu.memory_space<semaphore_mem>>)
      %dma_wait3A = arith.constant 0 : i32
      %dma_wait3A_38 = tpu.memref_slice %arg7[%add3A_24, %dma_wait3A] : memref<10240x16xf32, #tpu.memory_space<vmem_shared>> -> memref<128x16xf32, #tpu.memory_space<vmem_shared>>
      %dma_wait3A_39 = arith.constant 0 : i32
      %dma_wait3A_40 = tpu.memref_slice %arg7[%add3A_24, %dma_wait3A_39] : memref<10240x16xf32, #tpu.memory_space<vmem_shared>> -> memref<128x16xf32, #tpu.memory_space<vmem_shared>>
      tpu.wait_dma2 semaphore(%run_scoped3A : memref<!tpu.dma_semaphore, #tpu.memory_space<semaphore_mem>>) src(%arg6 : memref<128x16xf32, #tpu.memory_space<vmem>>) dst(%dma_wait3A_40 : memref<128x16xf32, #tpu.memory_space<vmem_shared>>)
      tpu.yield
    }) : () -> ()
    %barrier3A = arith.constant 0 : index
    tpu.barrier barrier_id(%barrier3A)
    %scan3A_25 = arith.constant 0 : i32
    %scan3A_26 = arith.constant 80 : i32
    %scan3A_27 = arith.addi %scan3A_25, %scan3A_26 : i32
    %scan3A_28 = arith.constant 1 : i32
    scf.for %scan3A_35 = %scan3A_25 to %scan3A_27 step %scan3A_28  : i32 {
      %mul3A_36 = arith.constant 1 : i32
      %mul3A_37 = arith.muli %scan3A_35, %mul3A_36 : i32
      %add3A_38 = arith.constant 0 : i32
      %add3A_39 = arith.addi %add3A_38, %mul3A_37 : i32
      "tpu.region"() ({
        %run_scoped3A = tpu.sem_alloc : memref<!tpu.dma_semaphore, #tpu.memory_space<semaphore_mem>>
        %dma_start3A = arith.constant 0 : i32
        %dma_start3A_40 = tpu.memref_slice %arg4[%add3A_39, %dma_start3A] : memref<80x128xi32, #tpu.memory_space<vmem>> -> memref<1x128xi32, #tpu.memory_space<vmem>>
        %dma_start3A_41 = tpu.memref_squeeze %dma_start3A_40 : memref<1x128xi32, #tpu.memory_space<vmem>> -> memref<128xi32, #tpu.memory_space<vmem>>
        %dma_start3A_42 = arith.constant 0 : i32
        %dma_start3A_43 = arith.constant 0 : i32
        %dma_start3A_44 = tpu.memref_slice %arg7[%dma_start3A_42, %dma_start3A_43] : memref<10240x16xf32, #tpu.memory_space<vmem_shared>> -> memref<10240x16xf32, #tpu.memory_space<vmem_shared>>
        tpu.enqueue_indirect_dma source(%arg5 : memref<128x16xf32, #tpu.memory_space<vmem>>) target(%dma_start3A_44 : memref<10240x16xf32, #tpu.memory_space<vmem_shared>>) offsets(%dma_start3A_41 : memref<128xi32, #tpu.memory_space<vmem>>) semaphore(%run_scoped3A : memref<!tpu.dma_semaphore, #tpu.memory_space<semaphore_mem>>) {add = true}
        %dma_wait3A = arith.constant 0 : i32
        %dma_wait3A_45 = tpu.memref_slice %arg4[%add3A_39, %dma_wait3A] : memref<80x128xi32, #tpu.memory_space<vmem>> -> memref<1x128xi32, #tpu.memory_space<vmem>>
        %dma_wait3A_46 = tpu.memref_squeeze %dma_wait3A_45 : memref<1x128xi32, #tpu.memory_space<vmem>> -> memref<128xi32, #tpu.memory_space<vmem>>
        %dma_wait3A_47 = arith.constant 0 : i32
        %dma_wait3A_48 = arith.constant 0 : i32
        %dma_wait3A_49 = tpu.memref_slice %arg7[%dma_wait3A_47, %dma_wait3A_48] : memref<10240x16xf32, #tpu.memory_space<vmem_shared>> -> memref<10240x16xf32, #tpu.memory_space<vmem_shared>>
        tpu.wait_indirect_dma semaphore(%run_scoped3A : memref<!tpu.dma_semaphore, #tpu.memory_space<semaphore_mem>>) src(%arg5 : memref<128x16xf32, #tpu.memory_space<vmem>>) dst(%dma_wait3A_49 : memref<10240x16xf32, #tpu.memory_space<vmem_shared>>)
        tpu.yield
      }) : () -> ()
    }
    %scan3A_29 = arith.constant 80 : i32
    %barrier3A_30 = arith.constant 0 : index
    tpu.barrier barrier_id(%barrier3A_30)
    %mul3A_31 = arith.constant 640 : i32
    %mul3A_32 = arith.muli %arg1, %mul3A_31 : i32
    %mul3A_33 = arith.constant 640 : i32
    %mul3A_34 = arith.muli %arg1, %mul3A_33 : i32
    "tpu.region"() ({
      %run_scoped3A = tpu.sem_alloc : memref<!tpu.dma_semaphore, #tpu.memory_space<semaphore_mem>>
      %dma_start3A = arith.constant 0 : i32
      %dma_start3A_35 = arith.constant 0 : i32
      %dma_start3A_36 = tpu.memref_slice %arg3[%arg0, %dma_start3A, %dma_start3A_35] : memref<2x10240x16xf32, #tpu.memory_space<hbm>> -> memref<1x10240x16xf32, #tpu.memory_space<hbm>>
      %dma_start3A_37 = tpu.memref_squeeze %dma_start3A_36 : memref<1x10240x16xf32, #tpu.memory_space<hbm>> -> memref<10240x16xf32, #tpu.memory_space<hbm>>
      %dma_start3A_38 = arith.constant 0 : i32
      %dma_start3A_39 = tpu.memref_slice %dma_start3A_37[%mul3A_34, %dma_start3A_38] : memref<10240x16xf32, #tpu.memory_space<hbm>> -> memref<640x16xf32, #tpu.memory_space<hbm>>
      %dma_start3A_40 = arith.constant 0 : i32
      %dma_start3A_41 = tpu.memref_slice %arg7[%mul3A_32, %dma_start3A_40] : memref<10240x16xf32, #tpu.memory_space<vmem_shared>> -> memref<640x16xf32, #tpu.memory_space<vmem_shared>>
      tpu.enqueue_dma source(%dma_start3A_41 : memref<640x16xf32, #tpu.memory_space<vmem_shared>>) target(%dma_start3A_39 : memref<640x16xf32, #tpu.memory_space<hbm>>) target_semaphore(%run_scoped3A : memref<!tpu.dma_semaphore, #tpu.memory_space<semaphore_mem>>)
      %dma_wait3A = arith.constant 0 : i32
      %dma_wait3A_42 = arith.constant 0 : i32
      %dma_wait3A_43 = tpu.memref_slice %arg3[%arg0, %dma_wait3A, %dma_wait3A_42] : memref<2x10240x16xf32, #tpu.memory_space<hbm>> -> memref<1x10240x16xf32, #tpu.memory_space<hbm>>
      %dma_wait3A_44 = tpu.memref_squeeze %dma_wait3A_43 : memref<1x10240x16xf32, #tpu.memory_space<hbm>> -> memref<10240x16xf32, #tpu.memory_space<hbm>>
      %dma_wait3A_45 = arith.constant 0 : i32
      %dma_wait3A_46 = tpu.memref_slice %dma_wait3A_44[%mul3A_34, %dma_wait3A_45] : memref<10240x16xf32, #tpu.memory_space<hbm>> -> memref<640x16xf32, #tpu.memory_space<hbm>>
      %dma_wait3A_47 = arith.constant 0 : i32
      %dma_wait3A_48 = tpu.memref_slice %arg7[%mul3A_32, %dma_wait3A_47] : memref<10240x16xf32, #tpu.memory_space<vmem_shared>> -> memref<640x16xf32, #tpu.memory_space<vmem_shared>>
      tpu.wait_dma2 semaphore(%run_scoped3A : memref<!tpu.dma_semaphore, #tpu.memory_space<semaphore_mem>>) src(%dma_wait3A_48 : memref<640x16xf32, #tpu.memory_space<vmem_shared>>) dst(%dma_wait3A_46 : memref<640x16xf32, #tpu.memory_space<hbm>>)
      tpu.yield
    }) : () -> ()
    return
  }
}

#map = affine_map<(d0, d1) -> (0, 0)>
#map1 = affine_map<(d0, d1) -> (0, 0, 0)>
module attributes {stable_mosaic.version = 14 : i64} {
  func.func @_agg_body(%arg0: i32, %arg1: i32, %arg2: memref<10240x128xf32, #tpu.memory_space<hbm>>, %arg3: memref<32x320x32xi32, #tpu.memory_space<hbm>>, %arg4: memref<32x320x32xi32, #tpu.memory_space<hbm>>, %arg5: memref<32x320x32xi32, #tpu.memory_space<hbm>>, %arg6: memref<32x320x32xi32, #tpu.memory_space<hbm>>, %arg7: memref<2x9728x128xf32, #tpu.memory_space<hbm>>, %arg8: memref<2x512x128xf32, #tpu.memory_space<hbm>>, %arg9: memref<8x32xi32, #tpu.memory_space<vmem>>, %arg10: memref<8x32xi32, #tpu.memory_space<vmem>>, %arg11: memref<32x128xf32, #tpu.memory_space<vmem>>, %arg12: memref<32x128xf32, #tpu.memory_space<vmem>>, %arg13: memref<32x128xf32, #tpu.memory_space<vmem>>, %arg14: memref<32x128xf32, #tpu.memory_space<vmem>>, %arg15: memref<32x128xf32, #tpu.memory_space<vmem>>, %arg16: memref<32x128xf32, #tpu.memory_space<vmem>>, %arg17: memref<32x128xf32, #tpu.memory_space<vmem>>, %arg18: memref<32x128xf32, #tpu.memory_space<vmem>>, %arg19: memref<9728x128xf32, #tpu.memory_space<vmem_shared>>, %arg20: memref<!tpu.dma_semaphore, #tpu.memory_space<semaphore_mem>>) attributes {dimension_semantics = [#tpu.dimension_semantics<core_parallel>, #tpu.dimension_semantics<subcore_parallel>], iteration_bounds = array<i64: 2, 16>, scalar_prefetch = 0 : i64, scratch_operands = 12 : i64, tpu.core_type = #tpu.core_type<sc_vector_subcore>, window_params = [{transform_indices = #map}, {transform_indices = #map1}, {transform_indices = #map1}, {transform_indices = #map1}, {transform_indices = #map1}, {transform_indices = #map1}, {transform_indices = #map1}]} {
    %mul3A = arith.constant 16 : i32
    %mul3A_0 = arith.muli %arg0, %mul3A : i32
    %add3A = arith.addi %mul3A_0, %arg1 : i32
    %scan3A = arith.constant 0 : i32
    %scan3A_1 = arith.constant 32 : i32
    %scan3A_2 = arith.addi %scan3A, %scan3A_1 : i32
    %scan3A_3 = arith.constant 1 : i32
    scf.for %scan3A_116 = %scan3A to %scan3A_2 step %scan3A_3  : i32 {
      %mul3A_117 = arith.constant 1 : i32
      %mul3A_118 = arith.muli %scan3A_116, %mul3A_117 : i32
      %add3A_119 = arith.constant 0 : i32
      %add3A_120 = arith.addi %add3A_119, %mul3A_118 : i32
      %scan3A_121 = arith.constant 0 : i32
      %scan3A_122 = arith.constant 8 : i32
      %scan3A_123 = arith.addi %scan3A_121, %scan3A_122 : i32
      %scan3A_124 = arith.constant 1 : i32
      scf.for %scan3A_126 = %scan3A_121 to %scan3A_123 step %scan3A_124  : i32 {
        %mul3A_127 = arith.constant 16 : i32
        %mul3A_128 = arith.muli %scan3A_126, %mul3A_127 : i32
        %add3A_129 = arith.constant 0 : i32
        %add3A_130 = arith.addi %add3A_129, %mul3A_128 : i32
        %broadcast_in_dim3A = arith.constant 0.000000e+00 : f32
        %broadcast_in_dim3A_131 = vector.broadcast %broadcast_in_dim3A : f32 to vector<16xf32>
        %swap3A = arith.index_cast %add3A_120 : i32 to index
        %swap3A_132 = arith.index_cast %add3A_130 : i32 to index
        %swap3A_133 = tpu.vector_load %arg11[%swap3A, %swap3A_132] {strides = array<i32>} : memref<32x128xf32, #tpu.memory_space<vmem>>, vector<1x16xf32>,
        %swap3A_134 = vector.shape_cast %swap3A_133 : vector<1x16xf32> to vector<16xf32>
        %swap3A_135 = vector.shape_cast %broadcast_in_dim3A_131 : vector<16xf32> to vector<1x16xf32>
        tpu.vector_store %arg11[%swap3A, %swap3A_132], %swap3A_135 {strides = array<i32>} : memref<32x128xf32, #tpu.memory_space<vmem>>, vector<1x16xf32>,
      }
      %scan3A_125 = arith.constant 8 : i32
    }
    %scan3A_4 = arith.constant 32 : i32
    %mul3A_5 = arith.constant 608 : i32
    %mul3A_6 = arith.muli %arg1, %mul3A_5 : i32
    %add3A_7 = arith.constant 0 : i32
    %add3A_8 = arith.addi %mul3A_6, %add3A_7 : i32
    "tpu.region"() ({
      %run_scoped3A = tpu.sem_alloc : memref<!tpu.dma_semaphore, #tpu.memory_space<semaphore_mem>>
      %dma_start3A = arith.constant 0 : i32
      %dma_start3A_116 = tpu.memref_slice %arg19[%add3A_8, %dma_start3A] : memref<9728x128xf32, #tpu.memory_space<vmem_shared>> -> memref<32x128xf32, #tpu.memory_space<vmem_shared>>
      %dma_start3A_117 = arith.constant 0 : i32
      %dma_start3A_118 = tpu.memref_slice %arg19[%add3A_8, %dma_start3A_117] : memref<9728x128xf32, #tpu.memory_space<vmem_shared>> -> memref<32x128xf32, #tpu.memory_space<vmem_shared>>
      tpu.enqueue_dma source(%arg11 : memref<32x128xf32, #tpu.memory_space<vmem>>) target(%dma_start3A_118 : memref<32x128xf32, #tpu.memory_space<vmem_shared>>) target_semaphore(%run_scoped3A : memref<!tpu.dma_semaphore, #tpu.memory_space<semaphore_mem>>)
      %dma_wait3A = arith.constant 0 : i32
      %dma_wait3A_119 = tpu.memref_slice %arg19[%add3A_8, %dma_wait3A] : memref<9728x128xf32, #tpu.memory_space<vmem_shared>> -> memref<32x128xf32, #tpu.memory_space<vmem_shared>>
      %dma_wait3A_120 = arith.constant 0 : i32
      %dma_wait3A_121 = tpu.memref_slice %arg19[%add3A_8, %dma_wait3A_120] : memref<9728x128xf32, #tpu.memory_space<vmem_shared>> -> memref<32x128xf32, #tpu.memory_space<vmem_shared>>
      tpu.wait_dma2 semaphore(%run_scoped3A : memref<!tpu.dma_semaphore, #tpu.memory_space<semaphore_mem>>) src(%arg11 : memref<32x128xf32, #tpu.memory_space<vmem>>) dst(%dma_wait3A_121 : memref<32x128xf32, #tpu.memory_space<vmem_shared>>)
      tpu.yield
    }) : () -> ()
    %mul3A_9 = arith.constant 608 : i32
    %mul3A_10 = arith.muli %arg1, %mul3A_9 : i32
    %add3A_11 = arith.constant 32 : i32
    %add3A_12 = arith.addi %mul3A_10, %add3A_11 : i32
    "tpu.region"() ({
      %run_scoped3A = tpu.sem_alloc : memref<!tpu.dma_semaphore, #tpu.memory_space<semaphore_mem>>
      %dma_start3A = arith.constant 0 : i32
      %dma_start3A_116 = tpu.memref_slice %arg19[%add3A_12, %dma_start3A] : memref<9728x128xf32, #tpu.memory_space<vmem_shared>> -> memref<32x128xf32, #tpu.memory_space<vmem_shared>>
      %dma_start3A_117 = arith.constant 0 : i32
      %dma_start3A_118 = tpu.memref_slice %arg19[%add3A_12, %dma_start3A_117] : memref<9728x128xf32, #tpu.memory_space<vmem_shared>> -> memref<32x128xf32, #tpu.memory_space<vmem_shared>>
      tpu.enqueue_dma source(%arg11 : memref<32x128xf32, #tpu.memory_space<vmem>>) target(%dma_start3A_118 : memref<32x128xf32, #tpu.memory_space<vmem_shared>>) target_semaphore(%run_scoped3A : memref<!tpu.dma_semaphore, #tpu.memory_space<semaphore_mem>>)
      %dma_wait3A = arith.constant 0 : i32
      %dma_wait3A_119 = tpu.memref_slice %arg19[%add3A_12, %dma_wait3A] : memref<9728x128xf32, #tpu.memory_space<vmem_shared>> -> memref<32x128xf32, #tpu.memory_space<vmem_shared>>
      %dma_wait3A_120 = arith.constant 0 : i32
      %dma_wait3A_121 = tpu.memref_slice %arg19[%add3A_12, %dma_wait3A_120] : memref<9728x128xf32, #tpu.memory_space<vmem_shared>> -> memref<32x128xf32, #tpu.memory_space<vmem_shared>>
      tpu.wait_dma2 semaphore(%run_scoped3A : memref<!tpu.dma_semaphore, #tpu.memory_space<semaphore_mem>>) src(%arg11 : memref<32x128xf32, #tpu.memory_space<vmem>>) dst(%dma_wait3A_121 : memref<32x128xf32, #tpu.memory_space<vmem_shared>>)
      tpu.yield
    }) : () -> ()
    %mul3A_13 = arith.constant 608 : i32
    %mul3A_14 = arith.muli %arg1, %mul3A_13 : i32
    %add3A_15 = arith.constant 64 : i32
    %add3A_16 = arith.addi %mul3A_14, %add3A_15 : i32
    "tpu.region"() ({
      %run_scoped3A = tpu.sem_alloc : memref<!tpu.dma_semaphore, #tpu.memory_space<semaphore_mem>>
      %dma_start3A = arith.constant 0 : i32
      %dma_start3A_116 = tpu.memref_slice %arg19[%add3A_16, %dma_start3A] : memref<9728x128xf32, #tpu.memory_space<vmem_shared>> -> memref<32x128xf32, #tpu.memory_space<vmem_shared>>
      %dma_start3A_117 = arith.constant 0 : i32
      %dma_start3A_118 = tpu.memref_slice %arg19[%add3A_16, %dma_start3A_117] : memref<9728x128xf32, #tpu.memory_space<vmem_shared>> -> memref<32x128xf32, #tpu.memory_space<vmem_shared>>
      tpu.enqueue_dma source(%arg11 : memref<32x128xf32, #tpu.memory_space<vmem>>) target(%dma_start3A_118 : memref<32x128xf32, #tpu.memory_space<vmem_shared>>) target_semaphore(%run_scoped3A : memref<!tpu.dma_semaphore, #tpu.memory_space<semaphore_mem>>)
      %dma_wait3A = arith.constant 0 : i32
      %dma_wait3A_119 = tpu.memref_slice %arg19[%add3A_16, %dma_wait3A] : memref<9728x128xf32, #tpu.memory_space<vmem_shared>> -> memref<32x128xf32, #tpu.memory_space<vmem_shared>>
      %dma_wait3A_120 = arith.constant 0 : i32
      %dma_wait3A_121 = tpu.memref_slice %arg19[%add3A_16, %dma_wait3A_120] : memref<9728x128xf32, #tpu.memory_space<vmem_shared>> -> memref<32x128xf32, #tpu.memory_space<vmem_shared>>
      tpu.wait_dma2 semaphore(%run_scoped3A : memref<!tpu.dma_semaphore, #tpu.memory_space<semaphore_mem>>) src(%arg11 : memref<32x128xf32, #tpu.memory_space<vmem>>) dst(%dma_wait3A_121 : memref<32x128xf32, #tpu.memory_space<vmem_shared>>)
      tpu.yield
    }) : () -> ()
    %mul3A_17 = arith.constant 608 : i32
    %mul3A_18 = arith.muli %arg1, %mul3A_17 : i32
    %add3A_19 = arith.constant 96 : i32
    %add3A_20 = arith.addi %mul3A_18, %add3A_19 : i32
    "tpu.region"() ({
      %run_scoped3A = tpu.sem_alloc : memref<!tpu.dma_semaphore, #tpu.memory_space<semaphore_mem>>
      %dma_start3A = arith.constant 0 : i32
      %dma_start3A_116 = tpu.memref_slice %arg19[%add3A_20, %dma_start3A] : memref<9728x128xf32, #tpu.memory_space<vmem_shared>> -> memref<32x128xf32, #tpu.memory_space<vmem_shared>>
      %dma_start3A_117 = arith.constant 0 : i32
      %dma_start3A_118 = tpu.memref_slice %arg19[%add3A_20, %dma_start3A_117] : memref<9728x128xf32, #tpu.memory_space<vmem_shared>> -> memref<32x128xf32, #tpu.memory_space<vmem_shared>>
      tpu.enqueue_dma source(%arg11 : memref<32x128xf32, #tpu.memory_space<vmem>>) target(%dma_start3A_118 : memref<32x128xf32, #tpu.memory_space<vmem_shared>>) target_semaphore(%run_scoped3A : memref<!tpu.dma_semaphore, #tpu.memory_space<semaphore_mem>>)
      %dma_wait3A = arith.constant 0 : i32
      %dma_wait3A_119 = tpu.memref_slice %arg19[%add3A_20, %dma_wait3A] : memref<9728x128xf32, #tpu.memory_space<vmem_shared>> -> memref<32x128xf32, #tpu.memory_space<vmem_shared>>
      %dma_wait3A_120 = arith.constant 0 : i32
      %dma_wait3A_121 = tpu.memref_slice %arg19[%add3A_20, %dma_wait3A_120] : memref<9728x128xf32, #tpu.memory_space<vmem_shared>> -> memref<32x128xf32, #tpu.memory_space<vmem_shared>>
      tpu.wait_dma2 semaphore(%run_scoped3A : memref<!tpu.dma_semaphore, #tpu.memory_space<semaphore_mem>>) src(%arg11 : memref<32x128xf32, #tpu.memory_space<vmem>>) dst(%dma_wait3A_121 : memref<32x128xf32, #tpu.memory_space<vmem_shared>>)
      tpu.yield
    }) : () -> ()
    %mul3A_21 = arith.constant 608 : i32
    %mul3A_22 = arith.muli %arg1, %mul3A_21 : i32
    %add3A_23 = arith.constant 128 : i32
    %add3A_24 = arith.addi %mul3A_22, %add3A_23 : i32
    "tpu.region"() ({
      %run_scoped3A = tpu.sem_alloc : memref<!tpu.dma_semaphore, #tpu.memory_space<semaphore_mem>>
      %dma_start3A = arith.constant 0 : i32
      %dma_start3A_116 = tpu.memref_slice %arg19[%add3A_24, %dma_start3A] : memref<9728x128xf32, #tpu.memory_space<vmem_shared>> -> memref<32x128xf32, #tpu.memory_space<vmem_shared>>
      %dma_start3A_117 = arith.constant 0 : i32
      %dma_start3A_118 = tpu.memref_slice %arg19[%add3A_24, %dma_start3A_117] : memref<9728x128xf32, #tpu.memory_space<vmem_shared>> -> memref<32x128xf32, #tpu.memory_space<vmem_shared>>
      tpu.enqueue_dma source(%arg11 : memref<32x128xf32, #tpu.memory_space<vmem>>) target(%dma_start3A_118 : memref<32x128xf32, #tpu.memory_space<vmem_shared>>) target_semaphore(%run_scoped3A : memref<!tpu.dma_semaphore, #tpu.memory_space<semaphore_mem>>)
      %dma_wait3A = arith.constant 0 : i32
      %dma_wait3A_119 = tpu.memref_slice %arg19[%add3A_24, %dma_wait3A] : memref<9728x128xf32, #tpu.memory_space<vmem_shared>> -> memref<32x128xf32, #tpu.memory_space<vmem_shared>>
      %dma_wait3A_120 = arith.constant 0 : i32
      %dma_wait3A_121 = tpu.memref_slice %arg19[%add3A_24, %dma_wait3A_120] : memref<9728x128xf32, #tpu.memory_space<vmem_shared>> -> memref<32x128xf32, #tpu.memory_space<vmem_shared>>
      tpu.wait_dma2 semaphore(%run_scoped3A : memref<!tpu.dma_semaphore, #tpu.memory_space<semaphore_mem>>) src(%arg11 : memref<32x128xf32, #tpu.memory_space<vmem>>) dst(%dma_wait3A_121 : memref<32x128xf32, #tpu.memory_space<vmem_shared>>)
      tpu.yield
    }) : () -> ()
    %mul3A_25 = arith.constant 608 : i32
    %mul3A_26 = arith.muli %arg1, %mul3A_25 : i32
    %add3A_27 = arith.constant 160 : i32
    %add3A_28 = arith.addi %mul3A_26, %add3A_27 : i32
    "tpu.region"() ({
      %run_scoped3A = tpu.sem_alloc : memref<!tpu.dma_semaphore, #tpu.memory_space<semaphore_mem>>
      %dma_start3A = arith.constant 0 : i32
      %dma_start3A_116 = tpu.memref_slice %arg19[%add3A_28, %dma_start3A] : memref<9728x128xf32, #tpu.memory_space<vmem_shared>> -> memref<32x128xf32, #tpu.memory_space<vmem_shared>>
      %dma_start3A_117 = arith.constant 0 : i32
      %dma_start3A_118 = tpu.memref_slice %arg19[%add3A_28, %dma_start3A_117] : memref<9728x128xf32, #tpu.memory_space<vmem_shared>> -> memref<32x128xf32, #tpu.memory_space<vmem_shared>>
      tpu.enqueue_dma source(%arg11 : memref<32x128xf32, #tpu.memory_space<vmem>>) target(%dma_start3A_118 : memref<32x128xf32, #tpu.memory_space<vmem_shared>>) target_semaphore(%run_scoped3A : memref<!tpu.dma_semaphore, #tpu.memory_space<semaphore_mem>>)
      %dma_wait3A = arith.constant 0 : i32
      %dma_wait3A_119 = tpu.memref_slice %arg19[%add3A_28, %dma_wait3A] : memref<9728x128xf32, #tpu.memory_space<vmem_shared>> -> memref<32x128xf32, #tpu.memory_space<vmem_shared>>
      %dma_wait3A_120 = arith.constant 0 : i32
      %dma_wait3A_121 = tpu.memref_slice %arg19[%add3A_28, %dma_wait3A_120] : memref<9728x128xf32, #tpu.memory_space<vmem_shared>> -> memref<32x128xf32, #tpu.memory_space<vmem_shared>>
      tpu.wait_dma2 semaphore(%run_scoped3A : memref<!tpu.dma_semaphore, #tpu.memory_space<semaphore_mem>>) src(%arg11 : memref<32x128xf32, #tpu.memory_space<vmem>>) dst(%dma_wait3A_121 : memref<32x128xf32, #tpu.memory_space<vmem_shared>>)
      tpu.yield
    }) : () -> ()
    %mul3A_29 = arith.constant 608 : i32
    %mul3A_30 = arith.muli %arg1, %mul3A_29 : i32
    %add3A_31 = arith.constant 192 : i32
    %add3A_32 = arith.addi %mul3A_30, %add3A_31 : i32
    "tpu.region"() ({
      %run_scoped3A = tpu.sem_alloc : memref<!tpu.dma_semaphore, #tpu.memory_space<semaphore_mem>>
      %dma_start3A = arith.constant 0 : i32
      %dma_start3A_116 = tpu.memref_slice %arg19[%add3A_32, %dma_start3A] : memref<9728x128xf32, #tpu.memory_space<vmem_shared>> -> memref<32x128xf32, #tpu.memory_space<vmem_shared>>
      %dma_start3A_117 = arith.constant 0 : i32
      %dma_start3A_118 = tpu.memref_slice %arg19[%add3A_32, %dma_start3A_117] : memref<9728x128xf32, #tpu.memory_space<vmem_shared>> -> memref<32x128xf32, #tpu.memory_space<vmem_shared>>
      tpu.enqueue_dma source(%arg11 : memref<32x128xf32, #tpu.memory_space<vmem>>) target(%dma_start3A_118 : memref<32x128xf32, #tpu.memory_space<vmem_shared>>) target_semaphore(%run_scoped3A : memref<!tpu.dma_semaphore, #tpu.memory_space<semaphore_mem>>)
      %dma_wait3A = arith.constant 0 : i32
      %dma_wait3A_119 = tpu.memref_slice %arg19[%add3A_32, %dma_wait3A] : memref<9728x128xf32, #tpu.memory_space<vmem_shared>> -> memref<32x128xf32, #tpu.memory_space<vmem_shared>>
      %dma_wait3A_120 = arith.constant 0 : i32
      %dma_wait3A_121 = tpu.memref_slice %arg19[%add3A_32, %dma_wait3A_120] : memref<9728x128xf32, #tpu.memory_space<vmem_shared>> -> memref<32x128xf32, #tpu.memory_space<vmem_shared>>
      tpu.wait_dma2 semaphore(%run_scoped3A : memref<!tpu.dma_semaphore, #tpu.memory_space<semaphore_mem>>) src(%arg11 : memref<32x128xf32, #tpu.memory_space<vmem>>) dst(%dma_wait3A_121 : memref<32x128xf32, #tpu.memory_space<vmem_shared>>)
      tpu.yield
    }) : () -> ()
    %mul3A_33 = arith.constant 608 : i32
    %mul3A_34 = arith.muli %arg1, %mul3A_33 : i32
    %add3A_35 = arith.constant 224 : i32
    %add3A_36 = arith.addi %mul3A_34, %add3A_35 : i32
    "tpu.region"() ({
      %run_scoped3A = tpu.sem_alloc : memref<!tpu.dma_semaphore, #tpu.memory_space<semaphore_mem>>
      %dma_start3A = arith.constant 0 : i32
      %dma_start3A_116 = tpu.memref_slice %arg19[%add3A_36, %dma_start3A] : memref<9728x128xf32, #tpu.memory_space<vmem_shared>> -> memref<32x128xf32, #tpu.memory_space<vmem_shared>>
      %dma_start3A_117 = arith.constant 0 : i32
      %dma_start3A_118 = tpu.memref_slice %arg19[%add3A_36, %dma_start3A_117] : memref<9728x128xf32, #tpu.memory_space<vmem_shared>> -> memref<32x128xf32, #tpu.memory_space<vmem_shared>>
      tpu.enqueue_dma source(%arg11 : memref<32x128xf32, #tpu.memory_space<vmem>>) target(%dma_start3A_118 : memref<32x128xf32, #tpu.memory_space<vmem_shared>>) target_semaphore(%run_scoped3A : memref<!tpu.dma_semaphore, #tpu.memory_space<semaphore_mem>>)
      %dma_wait3A = arith.constant 0 : i32
      %dma_wait3A_119 = tpu.memref_slice %arg19[%add3A_36, %dma_wait3A] : memref<9728x128xf32, #tpu.memory_space<vmem_shared>> -> memref<32x128xf32, #tpu.memory_space<vmem_shared>>
      %dma_wait3A_120 = arith.constant 0 : i32
      %dma_wait3A_121 = tpu.memref_slice %arg19[%add3A_36, %dma_wait3A_120] : memref<9728x128xf32, #tpu.memory_space<vmem_shared>> -> memref<32x128xf32, #tpu.memory_space<vmem_shared>>
      tpu.wait_dma2 semaphore(%run_scoped3A : memref<!tpu.dma_semaphore, #tpu.memory_space<semaphore_mem>>) src(%arg11 : memref<32x128xf32, #tpu.memory_space<vmem>>) dst(%dma_wait3A_121 : memref<32x128xf32, #tpu.memory_space<vmem_shared>>)
      tpu.yield
    }) : () -> ()
    %mul3A_37 = arith.constant 608 : i32
    %mul3A_38 = arith.muli %arg1, %mul3A_37 : i32
    %add3A_39 = arith.constant 256 : i32
    %add3A_40 = arith.addi %mul3A_38, %add3A_39 : i32
    "tpu.region"() ({
      %run_scoped3A = tpu.sem_alloc : memref<!tpu.dma_semaphore, #tpu.memory_space<semaphore_mem>>
      %dma_start3A = arith.constant 0 : i32
      %dma_start3A_116 = tpu.memref_slice %arg19[%add3A_40, %dma_start3A] : memref<9728x128xf32, #tpu.memory_space<vmem_shared>> -> memref<32x128xf32, #tpu.memory_space<vmem_shared>>
      %dma_start3A_117 = arith.constant 0 : i32
      %dma_start3A_118 = tpu.memref_slice %arg19[%add3A_40, %dma_start3A_117] : memref<9728x128xf32, #tpu.memory_space<vmem_shared>> -> memref<32x128xf32, #tpu.memory_space<vmem_shared>>
      tpu.enqueue_dma source(%arg11 : memref<32x128xf32, #tpu.memory_space<vmem>>) target(%dma_start3A_118 : memref<32x128xf32, #tpu.memory_space<vmem_shared>>) target_semaphore(%run_scoped3A : memref<!tpu.dma_semaphore, #tpu.memory_space<semaphore_mem>>)
      %dma_wait3A = arith.constant 0 : i32
      %dma_wait3A_119 = tpu.memref_slice %arg19[%add3A_40, %dma_wait3A] : memref<9728x128xf32, #tpu.memory_space<vmem_shared>> -> memref<32x128xf32, #tpu.memory_space<vmem_shared>>
      %dma_wait3A_120 = arith.constant 0 : i32
      %dma_wait3A_121 = tpu.memref_slice %arg19[%add3A_40, %dma_wait3A_120] : memref<9728x128xf32, #tpu.memory_space<vmem_shared>> -> memref<32x128xf32, #tpu.memory_space<vmem_shared>>
      tpu.wait_dma2 semaphore(%run_scoped3A : memref<!tpu.dma_semaphore, #tpu.memory_space<semaphore_mem>>) src(%arg11 : memref<32x128xf32, #tpu.memory_space<vmem>>) dst(%dma_wait3A_121 : memref<32x128xf32, #tpu.memory_space<vmem_shared>>)
      tpu.yield
    }) : () -> ()
    %mul3A_41 = arith.constant 608 : i32
    %mul3A_42 = arith.muli %arg1, %mul3A_41 : i32
    %add3A_43 = arith.constant 288 : i32
    %add3A_44 = arith.addi %mul3A_42, %add3A_43 : i32
    "tpu.region"() ({
      %run_scoped3A = tpu.sem_alloc : memref<!tpu.dma_semaphore, #tpu.memory_space<semaphore_mem>>
      %dma_start3A = arith.constant 0 : i32
      %dma_start3A_116 = tpu.memref_slice %arg19[%add3A_44, %dma_start3A] : memref<9728x128xf32, #tpu.memory_space<vmem_shared>> -> memref<32x128xf32, #tpu.memory_space<vmem_shared>>
      %dma_start3A_117 = arith.constant 0 : i32
      %dma_start3A_118 = tpu.memref_slice %arg19[%add3A_44, %dma_start3A_117] : memref<9728x128xf32, #tpu.memory_space<vmem_shared>> -> memref<32x128xf32, #tpu.memory_space<vmem_shared>>
      tpu.enqueue_dma source(%arg11 : memref<32x128xf32, #tpu.memory_space<vmem>>) target(%dma_start3A_118 : memref<32x128xf32, #tpu.memory_space<vmem_shared>>) target_semaphore(%run_scoped3A : memref<!tpu.dma_semaphore, #tpu.memory_space<semaphore_mem>>)
      %dma_wait3A = arith.constant 0 : i32
      %dma_wait3A_119 = tpu.memref_slice %arg19[%add3A_44, %dma_wait3A] : memref<9728x128xf32, #tpu.memory_space<vmem_shared>> -> memref<32x128xf32, #tpu.memory_space<vmem_shared>>
      %dma_wait3A_120 = arith.constant 0 : i32
      %dma_wait3A_121 = tpu.memref_slice %arg19[%add3A_44, %dma_wait3A_120] : memref<9728x128xf32, #tpu.memory_space<vmem_shared>> -> memref<32x128xf32, #tpu.memory_space<vmem_shared>>
      tpu.wait_dma2 semaphore(%run_scoped3A : memref<!tpu.dma_semaphore, #tpu.memory_space<semaphore_mem>>) src(%arg11 : memref<32x128xf32, #tpu.memory_space<vmem>>) dst(%dma_wait3A_121 : memref<32x128xf32, #tpu.memory_space<vmem_shared>>)
      tpu.yield
    }) : () -> ()
    %mul3A_45 = arith.constant 608 : i32
    %mul3A_46 = arith.muli %arg1, %mul3A_45 : i32
    %add3A_47 = arith.constant 320 : i32
    %add3A_48 = arith.addi %mul3A_46, %add3A_47 : i32
    "tpu.region"() ({
      %run_scoped3A = tpu.sem_alloc : memref<!tpu.dma_semaphore, #tpu.memory_space<semaphore_mem>>
      %dma_start3A = arith.constant 0 : i32
      %dma_start3A_116 = tpu.memref_slice %arg19[%add3A_48, %dma_start3A] : memref<9728x128xf32, #tpu.memory_space<vmem_shared>> -> memref<32x128xf32, #tpu.memory_space<vmem_shared>>
      %dma_start3A_117 = arith.constant 0 : i32
      %dma_start3A_118 = tpu.memref_slice %arg19[%add3A_48, %dma_start3A_117] : memref<9728x128xf32, #tpu.memory_space<vmem_shared>> -> memref<32x128xf32, #tpu.memory_space<vmem_shared>>
      tpu.enqueue_dma source(%arg11 : memref<32x128xf32, #tpu.memory_space<vmem>>) target(%dma_start3A_118 : memref<32x128xf32, #tpu.memory_space<vmem_shared>>) target_semaphore(%run_scoped3A : memref<!tpu.dma_semaphore, #tpu.memory_space<semaphore_mem>>)
      %dma_wait3A = arith.constant 0 : i32
      %dma_wait3A_119 = tpu.memref_slice %arg19[%add3A_48, %dma_wait3A] : memref<9728x128xf32, #tpu.memory_space<vmem_shared>> -> memref<32x128xf32, #tpu.memory_space<vmem_shared>>
      %dma_wait3A_120 = arith.constant 0 : i32
      %dma_wait3A_121 = tpu.memref_slice %arg19[%add3A_48, %dma_wait3A_120] : memref<9728x128xf32, #tpu.memory_space<vmem_shared>> -> memref<32x128xf32, #tpu.memory_space<vmem_shared>>
      tpu.wait_dma2 semaphore(%run_scoped3A : memref<!tpu.dma_semaphore, #tpu.memory_space<semaphore_mem>>) src(%arg11 : memref<32x128xf32, #tpu.memory_space<vmem>>) dst(%dma_wait3A_121 : memref<32x128xf32, #tpu.memory_space<vmem_shared>>)
      tpu.yield
    }) : () -> ()
    %mul3A_49 = arith.constant 608 : i32
    %mul3A_50 = arith.muli %arg1, %mul3A_49 : i32
    %add3A_51 = arith.constant 352 : i32
    %add3A_52 = arith.addi %mul3A_50, %add3A_51 : i32
    "tpu.region"() ({
      %run_scoped3A = tpu.sem_alloc : memref<!tpu.dma_semaphore, #tpu.memory_space<semaphore_mem>>
      %dma_start3A = arith.constant 0 : i32
      %dma_start3A_116 = tpu.memref_slice %arg19[%add3A_52, %dma_start3A] : memref<9728x128xf32, #tpu.memory_space<vmem_shared>> -> memref<32x128xf32, #tpu.memory_space<vmem_shared>>
      %dma_start3A_117 = arith.constant 0 : i32
      %dma_start3A_118 = tpu.memref_slice %arg19[%add3A_52, %dma_start3A_117] : memref<9728x128xf32, #tpu.memory_space<vmem_shared>> -> memref<32x128xf32, #tpu.memory_space<vmem_shared>>
      tpu.enqueue_dma source(%arg11 : memref<32x128xf32, #tpu.memory_space<vmem>>) target(%dma_start3A_118 : memref<32x128xf32, #tpu.memory_space<vmem_shared>>) target_semaphore(%run_scoped3A : memref<!tpu.dma_semaphore, #tpu.memory_space<semaphore_mem>>)
      %dma_wait3A = arith.constant 0 : i32
      %dma_wait3A_119 = tpu.memref_slice %arg19[%add3A_52, %dma_wait3A] : memref<9728x128xf32, #tpu.memory_space<vmem_shared>> -> memref<32x128xf32, #tpu.memory_space<vmem_shared>>
      %dma_wait3A_120 = arith.constant 0 : i32
      %dma_wait3A_121 = tpu.memref_slice %arg19[%add3A_52, %dma_wait3A_120] : memref<9728x128xf32, #tpu.memory_space<vmem_shared>> -> memref<32x128xf32, #tpu.memory_space<vmem_shared>>
      tpu.wait_dma2 semaphore(%run_scoped3A : memref<!tpu.dma_semaphore, #tpu.memory_space<semaphore_mem>>) src(%arg11 : memref<32x128xf32, #tpu.memory_space<vmem>>) dst(%dma_wait3A_121 : memref<32x128xf32, #tpu.memory_space<vmem_shared>>)
      tpu.yield
    }) : () -> ()
    %mul3A_53 = arith.constant 608 : i32
    %mul3A_54 = arith.muli %arg1, %mul3A_53 : i32
    %add3A_55 = arith.constant 384 : i32
    %add3A_56 = arith.addi %mul3A_54, %add3A_55 : i32
    "tpu.region"() ({
      %run_scoped3A = tpu.sem_alloc : memref<!tpu.dma_semaphore, #tpu.memory_space<semaphore_mem>>
      %dma_start3A = arith.constant 0 : i32
      %dma_start3A_116 = tpu.memref_slice %arg19[%add3A_56, %dma_start3A] : memref<9728x128xf32, #tpu.memory_space<vmem_shared>> -> memref<32x128xf32, #tpu.memory_space<vmem_shared>>
      %dma_start3A_117 = arith.constant 0 : i32
      %dma_start3A_118 = tpu.memref_slice %arg19[%add3A_56, %dma_start3A_117] : memref<9728x128xf32, #tpu.memory_space<vmem_shared>> -> memref<32x128xf32, #tpu.memory_space<vmem_shared>>
      tpu.enqueue_dma source(%arg11 : memref<32x128xf32, #tpu.memory_space<vmem>>) target(%dma_start3A_118 : memref<32x128xf32, #tpu.memory_space<vmem_shared>>) target_semaphore(%run_scoped3A : memref<!tpu.dma_semaphore, #tpu.memory_space<semaphore_mem>>)
      %dma_wait3A = arith.constant 0 : i32
      %dma_wait3A_119 = tpu.memref_slice %arg19[%add3A_56, %dma_wait3A] : memref<9728x128xf32, #tpu.memory_space<vmem_shared>> -> memref<32x128xf32, #tpu.memory_space<vmem_shared>>
      %dma_wait3A_120 = arith.constant 0 : i32
      %dma_wait3A_121 = tpu.memref_slice %arg19[%add3A_56, %dma_wait3A_120] : memref<9728x128xf32, #tpu.memory_space<vmem_shared>> -> memref<32x128xf32, #tpu.memory_space<vmem_shared>>
      tpu.wait_dma2 semaphore(%run_scoped3A : memref<!tpu.dma_semaphore, #tpu.memory_space<semaphore_mem>>) src(%arg11 : memref<32x128xf32, #tpu.memory_space<vmem>>) dst(%dma_wait3A_121 : memref<32x128xf32, #tpu.memory_space<vmem_shared>>)
      tpu.yield
    }) : () -> ()
    %mul3A_57 = arith.constant 608 : i32
    %mul3A_58 = arith.muli %arg1, %mul3A_57 : i32
    %add3A_59 = arith.constant 416 : i32
    %add3A_60 = arith.addi %mul3A_58, %add3A_59 : i32
    "tpu.region"() ({
      %run_scoped3A = tpu.sem_alloc : memref<!tpu.dma_semaphore, #tpu.memory_space<semaphore_mem>>
      %dma_start3A = arith.constant 0 : i32
      %dma_start3A_116 = tpu.memref_slice %arg19[%add3A_60, %dma_start3A] : memref<9728x128xf32, #tpu.memory_space<vmem_shared>> -> memref<32x128xf32, #tpu.memory_space<vmem_shared>>
      %dma_start3A_117 = arith.constant 0 : i32
      %dma_start3A_118 = tpu.memref_slice %arg19[%add3A_60, %dma_start3A_117] : memref<9728x128xf32, #tpu.memory_space<vmem_shared>> -> memref<32x128xf32, #tpu.memory_space<vmem_shared>>
      tpu.enqueue_dma source(%arg11 : memref<32x128xf32, #tpu.memory_space<vmem>>) target(%dma_start3A_118 : memref<32x128xf32, #tpu.memory_space<vmem_shared>>) target_semaphore(%run_scoped3A : memref<!tpu.dma_semaphore, #tpu.memory_space<semaphore_mem>>)
      %dma_wait3A = arith.constant 0 : i32
      %dma_wait3A_119 = tpu.memref_slice %arg19[%add3A_60, %dma_wait3A] : memref<9728x128xf32, #tpu.memory_space<vmem_shared>> -> memref<32x128xf32, #tpu.memory_space<vmem_shared>>
      %dma_wait3A_120 = arith.constant 0 : i32
      %dma_wait3A_121 = tpu.memref_slice %arg19[%add3A_60, %dma_wait3A_120] : memref<9728x128xf32, #tpu.memory_space<vmem_shared>> -> memref<32x128xf32, #tpu.memory_space<vmem_shared>>
      tpu.wait_dma2 semaphore(%run_scoped3A : memref<!tpu.dma_semaphore, #tpu.memory_space<semaphore_mem>>) src(%arg11 : memref<32x128xf32, #tpu.memory_space<vmem>>) dst(%dma_wait3A_121 : memref<32x128xf32, #tpu.memory_space<vmem_shared>>)
      tpu.yield
    }) : () -> ()
    %mul3A_61 = arith.constant 608 : i32
    %mul3A_62 = arith.muli %arg1, %mul3A_61 : i32
    %add3A_63 = arith.constant 448 : i32
    %add3A_64 = arith.addi %mul3A_62, %add3A_63 : i32
    "tpu.region"() ({
      %run_scoped3A = tpu.sem_alloc : memref<!tpu.dma_semaphore, #tpu.memory_space<semaphore_mem>>
      %dma_start3A = arith.constant 0 : i32
      %dma_start3A_116 = tpu.memref_slice %arg19[%add3A_64, %dma_start3A] : memref<9728x128xf32, #tpu.memory_space<vmem_shared>> -> memref<32x128xf32, #tpu.memory_space<vmem_shared>>
      %dma_start3A_117 = arith.constant 0 : i32
      %dma_start3A_118 = tpu.memref_slice %arg19[%add3A_64, %dma_start3A_117] : memref<9728x128xf32, #tpu.memory_space<vmem_shared>> -> memref<32x128xf32, #tpu.memory_space<vmem_shared>>
      tpu.enqueue_dma source(%arg11 : memref<32x128xf32, #tpu.memory_space<vmem>>) target(%dma_start3A_118 : memref<32x128xf32, #tpu.memory_space<vmem_shared>>) target_semaphore(%run_scoped3A : memref<!tpu.dma_semaphore, #tpu.memory_space<semaphore_mem>>)
      %dma_wait3A = arith.constant 0 : i32
      %dma_wait3A_119 = tpu.memref_slice %arg19[%add3A_64, %dma_wait3A] : memref<9728x128xf32, #tpu.memory_space<vmem_shared>> -> memref<32x128xf32, #tpu.memory_space<vmem_shared>>
      %dma_wait3A_120 = arith.constant 0 : i32
      %dma_wait3A_121 = tpu.memref_slice %arg19[%add3A_64, %dma_wait3A_120] : memref<9728x128xf32, #tpu.memory_space<vmem_shared>> -> memref<32x128xf32, #tpu.memory_space<vmem_shared>>
      tpu.wait_dma2 semaphore(%run_scoped3A : memref<!tpu.dma_semaphore, #tpu.memory_space<semaphore_mem>>) src(%arg11 : memref<32x128xf32, #tpu.memory_space<vmem>>) dst(%dma_wait3A_121 : memref<32x128xf32, #tpu.memory_space<vmem_shared>>)
      tpu.yield
    }) : () -> ()
    %mul3A_65 = arith.constant 608 : i32
    %mul3A_66 = arith.muli %arg1, %mul3A_65 : i32
    %add3A_67 = arith.constant 480 : i32
    %add3A_68 = arith.addi %mul3A_66, %add3A_67 : i32
    "tpu.region"() ({
      %run_scoped3A = tpu.sem_alloc : memref<!tpu.dma_semaphore, #tpu.memory_space<semaphore_mem>>
      %dma_start3A = arith.constant 0 : i32
      %dma_start3A_116 = tpu.memref_slice %arg19[%add3A_68, %dma_start3A] : memref<9728x128xf32, #tpu.memory_space<vmem_shared>> -> memref<32x128xf32, #tpu.memory_space<vmem_shared>>
      %dma_start3A_117 = arith.constant 0 : i32
      %dma_start3A_118 = tpu.memref_slice %arg19[%add3A_68, %dma_start3A_117] : memref<9728x128xf32, #tpu.memory_space<vmem_shared>> -> memref<32x128xf32, #tpu.memory_space<vmem_shared>>
      tpu.enqueue_dma source(%arg11 : memref<32x128xf32, #tpu.memory_space<vmem>>) target(%dma_start3A_118 : memref<32x128xf32, #tpu.memory_space<vmem_shared>>) target_semaphore(%run_scoped3A : memref<!tpu.dma_semaphore, #tpu.memory_space<semaphore_mem>>)
      %dma_wait3A = arith.constant 0 : i32
      %dma_wait3A_119 = tpu.memref_slice %arg19[%add3A_68, %dma_wait3A] : memref<9728x128xf32, #tpu.memory_space<vmem_shared>> -> memref<32x128xf32, #tpu.memory_space<vmem_shared>>
      %dma_wait3A_120 = arith.constant 0 : i32
      %dma_wait3A_121 = tpu.memref_slice %arg19[%add3A_68, %dma_wait3A_120] : memref<9728x128xf32, #tpu.memory_space<vmem_shared>> -> memref<32x128xf32, #tpu.memory_space<vmem_shared>>
      tpu.wait_dma2 semaphore(%run_scoped3A : memref<!tpu.dma_semaphore, #tpu.memory_space<semaphore_mem>>) src(%arg11 : memref<32x128xf32, #tpu.memory_space<vmem>>) dst(%dma_wait3A_121 : memref<32x128xf32, #tpu.memory_space<vmem_shared>>)
      tpu.yield
    }) : () -> ()
    %mul3A_69 = arith.constant 608 : i32
    %mul3A_70 = arith.muli %arg1, %mul3A_69 : i32
    %add3A_71 = arith.constant 512 : i32
    %add3A_72 = arith.addi %mul3A_70, %add3A_71 : i32
    "tpu.region"() ({
      %run_scoped3A = tpu.sem_alloc : memref<!tpu.dma_semaphore, #tpu.memory_space<semaphore_mem>>
      %dma_start3A = arith.constant 0 : i32
      %dma_start3A_116 = tpu.memref_slice %arg19[%add3A_72, %dma_start3A] : memref<9728x128xf32, #tpu.memory_space<vmem_shared>> -> memref<32x128xf32, #tpu.memory_space<vmem_shared>>
      %dma_start3A_117 = arith.constant 0 : i32
      %dma_start3A_118 = tpu.memref_slice %arg19[%add3A_72, %dma_start3A_117] : memref<9728x128xf32, #tpu.memory_space<vmem_shared>> -> memref<32x128xf32, #tpu.memory_space<vmem_shared>>
      tpu.enqueue_dma source(%arg11 : memref<32x128xf32, #tpu.memory_space<vmem>>) target(%dma_start3A_118 : memref<32x128xf32, #tpu.memory_space<vmem_shared>>) target_semaphore(%run_scoped3A : memref<!tpu.dma_semaphore, #tpu.memory_space<semaphore_mem>>)
      %dma_wait3A = arith.constant 0 : i32
      %dma_wait3A_119 = tpu.memref_slice %arg19[%add3A_72, %dma_wait3A] : memref<9728x128xf32, #tpu.memory_space<vmem_shared>> -> memref<32x128xf32, #tpu.memory_space<vmem_shared>>
      %dma_wait3A_120 = arith.constant 0 : i32
      %dma_wait3A_121 = tpu.memref_slice %arg19[%add3A_72, %dma_wait3A_120] : memref<9728x128xf32, #tpu.memory_space<vmem_shared>> -> memref<32x128xf32, #tpu.memory_space<vmem_shared>>
      tpu.wait_dma2 semaphore(%run_scoped3A : memref<!tpu.dma_semaphore, #tpu.memory_space<semaphore_mem>>) src(%arg11 : memref<32x128xf32, #tpu.memory_space<vmem>>) dst(%dma_wait3A_121 : memref<32x128xf32, #tpu.memory_space<vmem_shared>>)
      tpu.yield
    }) : () -> ()
    %mul3A_73 = arith.constant 608 : i32
    %mul3A_74 = arith.muli %arg1, %mul3A_73 : i32
    %add3A_75 = arith.constant 544 : i32
    %add3A_76 = arith.addi %mul3A_74, %add3A_75 : i32
    "tpu.region"() ({
      %run_scoped3A = tpu.sem_alloc : memref<!tpu.dma_semaphore, #tpu.memory_space<semaphore_mem>>
      %dma_start3A = arith.constant 0 : i32
      %dma_start3A_116 = tpu.memref_slice %arg19[%add3A_76, %dma_start3A] : memref<9728x128xf32, #tpu.memory_space<vmem_shared>> -> memref<32x128xf32, #tpu.memory_space<vmem_shared>>
      %dma_start3A_117 = arith.constant 0 : i32
      %dma_start3A_118 = tpu.memref_slice %arg19[%add3A_76, %dma_start3A_117] : memref<9728x128xf32, #tpu.memory_space<vmem_shared>> -> memref<32x128xf32, #tpu.memory_space<vmem_shared>>
      tpu.enqueue_dma source(%arg11 : memref<32x128xf32, #tpu.memory_space<vmem>>) target(%dma_start3A_118 : memref<32x128xf32, #tpu.memory_space<vmem_shared>>) target_semaphore(%run_scoped3A : memref<!tpu.dma_semaphore, #tpu.memory_space<semaphore_mem>>)
      %dma_wait3A = arith.constant 0 : i32
      %dma_wait3A_119 = tpu.memref_slice %arg19[%add3A_76, %dma_wait3A] : memref<9728x128xf32, #tpu.memory_space<vmem_shared>> -> memref<32x128xf32, #tpu.memory_space<vmem_shared>>
      %dma_wait3A_120 = arith.constant 0 : i32
      %dma_wait3A_121 = tpu.memref_slice %arg19[%add3A_76, %dma_wait3A_120] : memref<9728x128xf32, #tpu.memory_space<vmem_shared>> -> memref<32x128xf32, #tpu.memory_space<vmem_shared>>
      tpu.wait_dma2 semaphore(%run_scoped3A : memref<!tpu.dma_semaphore, #tpu.memory_space<semaphore_mem>>) src(%arg11 : memref<32x128xf32, #tpu.memory_space<vmem>>) dst(%dma_wait3A_121 : memref<32x128xf32, #tpu.memory_space<vmem_shared>>)
      tpu.yield
    }) : () -> ()
    %mul3A_77 = arith.constant 608 : i32
    %mul3A_78 = arith.muli %arg1, %mul3A_77 : i32
    %add3A_79 = arith.constant 576 : i32
    %add3A_80 = arith.addi %mul3A_78, %add3A_79 : i32
    "tpu.region"() ({
      %run_scoped3A = tpu.sem_alloc : memref<!tpu.dma_semaphore, #tpu.memory_space<semaphore_mem>>
      %dma_start3A = arith.constant 0 : i32
      %dma_start3A_116 = tpu.memref_slice %arg19[%add3A_80, %dma_start3A] : memref<9728x128xf32, #tpu.memory_space<vmem_shared>> -> memref<32x128xf32, #tpu.memory_space<vmem_shared>>
      %dma_start3A_117 = arith.constant 0 : i32
      %dma_start3A_118 = tpu.memref_slice %arg19[%add3A_80, %dma_start3A_117] : memref<9728x128xf32, #tpu.memory_space<vmem_shared>> -> memref<32x128xf32, #tpu.memory_space<vmem_shared>>
      tpu.enqueue_dma source(%arg11 : memref<32x128xf32, #tpu.memory_space<vmem>>) target(%dma_start3A_118 : memref<32x128xf32, #tpu.memory_space<vmem_shared>>) target_semaphore(%run_scoped3A : memref<!tpu.dma_semaphore, #tpu.memory_space<semaphore_mem>>)
      %dma_wait3A = arith.constant 0 : i32
      %dma_wait3A_119 = tpu.memref_slice %arg19[%add3A_80, %dma_wait3A] : memref<9728x128xf32, #tpu.memory_space<vmem_shared>> -> memref<32x128xf32, #tpu.memory_space<vmem_shared>>
      %dma_wait3A_120 = arith.constant 0 : i32
      %dma_wait3A_121 = tpu.memref_slice %arg19[%add3A_80, %dma_wait3A_120] : memref<9728x128xf32, #tpu.memory_space<vmem_shared>> -> memref<32x128xf32, #tpu.memory_space<vmem_shared>>
      tpu.wait_dma2 semaphore(%run_scoped3A : memref<!tpu.dma_semaphore, #tpu.memory_space<semaphore_mem>>) src(%arg11 : memref<32x128xf32, #tpu.memory_space<vmem>>) dst(%dma_wait3A_121 : memref<32x128xf32, #tpu.memory_space<vmem_shared>>)
      tpu.yield
    }) : () -> ()
    %barrier3A = arith.constant 0 : index
    tpu.barrier barrier_id(%barrier3A)
    %scan3A_81 = arith.constant 0 : i32
    %scan3A_82 = arith.constant 40 : i32
    %scan3A_83 = arith.addi %scan3A_81, %scan3A_82 : i32
    %scan3A_84 = arith.constant 1 : i32
    scf.for %scan3A_116 = %scan3A_81 to %scan3A_83 step %scan3A_84  : i32 {
      %mul3A_117 = arith.constant 8 : i32
      %mul3A_118 = arith.muli %scan3A_116, %mul3A_117 : i32
      %add3A_119 = arith.constant 0 : i32
      %add3A_120 = arith.addi %add3A_119, %mul3A_118 : i32
      "tpu.region"() ({
        %run_scoped3A_238 = tpu.sem_alloc : memref<!tpu.dma_semaphore, #tpu.memory_space<semaphore_mem>>
        %dma_start3A_239 = arith.constant 0 : i32
        %dma_start3A_240 = arith.constant 0 : i32
        %dma_start3A_241 = tpu.memref_slice %arg3[%add3A, %dma_start3A_239, %dma_start3A_240] : memref<32x320x32xi32, #tpu.memory_space<hbm>> -> memref<1x320x32xi32, #tpu.memory_space<hbm>>
        %dma_start3A_242 = tpu.memref_squeeze %dma_start3A_241 : memref<1x320x32xi32, #tpu.memory_space<hbm>> -> memref<320x32xi32, #tpu.memory_space<hbm>>
        %dma_start3A_243 = arith.constant 0 : i32
        %dma_start3A_244 = tpu.memref_slice %dma_start3A_242[%add3A_120, %dma_start3A_243] : memref<320x32xi32, #tpu.memory_space<hbm>> -> memref<8x32xi32, #tpu.memory_space<hbm>>
        %dma_start3A_245 = arith.constant 0 : i32
        %dma_start3A_246 = arith.constant 0 : i32
        %dma_start3A_247 = tpu.memref_slice %arg3[%add3A, %dma_start3A_245, %dma_start3A_246] : memref<32x320x32xi32, #tpu.memory_space<hbm>> -> memref<1x320x32xi32, #tpu.memory_space<hbm>>
        %dma_start3A_248 = tpu.memref_squeeze %dma_start3A_247 : memref<1x320x32xi32, #tpu.memory_space<hbm>> -> memref<320x32xi32, #tpu.memory_space<hbm>>
        %dma_start3A_249 = arith.constant 0 : i32
        %dma_start3A_250 = tpu.memref_slice %dma_start3A_248[%add3A_120, %dma_start3A_249] : memref<320x32xi32, #tpu.memory_space<hbm>> -> memref<8x32xi32, #tpu.memory_space<hbm>>
        tpu.enqueue_dma source(%dma_start3A_250 : memref<8x32xi32, #tpu.memory_space<hbm>>) target(%arg9 : memref<8x32xi32, #tpu.memory_space<vmem>>) target_semaphore(%run_scoped3A_238 : memref<!tpu.dma_semaphore, #tpu.memory_space<semaphore_mem>>)
        %dma_wait3A_251 = arith.constant 0 : i32
        %dma_wait3A_252 = arith.constant 0 : i32
        %dma_wait3A_253 = tpu.memref_slice %arg3[%add3A, %dma_wait3A_251, %dma_wait3A_252] : memref<32x320x32xi32, #tpu.memory_space<hbm>> -> memref<1x320x32xi32, #tpu.memory_space<hbm>>
        %dma_wait3A_254 = tpu.memref_squeeze %dma_wait3A_253 : memref<1x320x32xi32, #tpu.memory_space<hbm>> -> memref<320x32xi32, #tpu.memory_space<hbm>>
        %dma_wait3A_255 = arith.constant 0 : i32
        %dma_wait3A_256 = tpu.memref_slice %dma_wait3A_254[%add3A_120, %dma_wait3A_255] : memref<320x32xi32, #tpu.memory_space<hbm>> -> memref<8x32xi32, #tpu.memory_space<hbm>>
        %dma_wait3A_257 = arith.constant 0 : i32
        %dma_wait3A_258 = arith.constant 0 : i32
        %dma_wait3A_259 = tpu.memref_slice %arg3[%add3A, %dma_wait3A_257, %dma_wait3A_258] : memref<32x320x32xi32, #tpu.memory_space<hbm>> -> memref<1x320x32xi32, #tpu.memory_space<hbm>>
        %dma_wait3A_260 = tpu.memref_squeeze %dma_wait3A_259 : memref<1x320x32xi32, #tpu.memory_space<hbm>> -> memref<320x32xi32, #tpu.memory_space<hbm>>
        %dma_wait3A_261 = arith.constant 0 : i32
        %dma_wait3A_262 = tpu.memref_slice %dma_wait3A_260[%add3A_120, %dma_wait3A_261] : memref<320x32xi32, #tpu.memory_space<hbm>> -> memref<8x32xi32, #tpu.memory_space<hbm>>
        tpu.wait_dma2 semaphore(%run_scoped3A_238 : memref<!tpu.dma_semaphore, #tpu.memory_space<semaphore_mem>>) src(%dma_wait3A_262 : memref<8x32xi32, #tpu.memory_space<hbm>>) dst(%arg9 : memref<8x32xi32, #tpu.memory_space<vmem>>)
        tpu.yield
      }) : () -> ()
      "tpu.region"() ({
        %run_scoped3A_238 = tpu.sem_alloc : memref<!tpu.dma_semaphore, #tpu.memory_space<semaphore_mem>>
        %dma_start3A_239 = arith.constant 0 : i32
        %dma_start3A_240 = arith.constant 0 : i32
        %dma_start3A_241 = tpu.memref_slice %arg4[%add3A, %dma_start3A_239, %dma_start3A_240] : memref<32x320x32xi32, #tpu.memory_space<hbm>> -> memref<1x320x32xi32, #tpu.memory_space<hbm>>
        %dma_start3A_242 = tpu.memref_squeeze %dma_start3A_241 : memref<1x320x32xi32, #tpu.memory_space<hbm>> -> memref<320x32xi32, #tpu.memory_space<hbm>>
        %dma_start3A_243 = arith.constant 0 : i32
        %dma_start3A_244 = tpu.memref_slice %dma_start3A_242[%add3A_120, %dma_start3A_243] : memref<320x32xi32, #tpu.memory_space<hbm>> -> memref<8x32xi32, #tpu.memory_space<hbm>>
        %dma_start3A_245 = arith.constant 0 : i32
        %dma_start3A_246 = arith.constant 0 : i32
        %dma_start3A_247 = tpu.memref_slice %arg4[%add3A, %dma_start3A_245, %dma_start3A_246] : memref<32x320x32xi32, #tpu.memory_space<hbm>> -> memref<1x320x32xi32, #tpu.memory_space<hbm>>
        %dma_start3A_248 = tpu.memref_squeeze %dma_start3A_247 : memref<1x320x32xi32, #tpu.memory_space<hbm>> -> memref<320x32xi32, #tpu.memory_space<hbm>>
        %dma_start3A_249 = arith.constant 0 : i32
        %dma_start3A_250 = tpu.memref_slice %dma_start3A_248[%add3A_120, %dma_start3A_249] : memref<320x32xi32, #tpu.memory_space<hbm>> -> memref<8x32xi32, #tpu.memory_space<hbm>>
        tpu.enqueue_dma source(%dma_start3A_250 : memref<8x32xi32, #tpu.memory_space<hbm>>) target(%arg10 : memref<8x32xi32, #tpu.memory_space<vmem>>) target_semaphore(%run_scoped3A_238 : memref<!tpu.dma_semaphore, #tpu.memory_space<semaphore_mem>>)
        %dma_wait3A_251 = arith.constant 0 : i32
        %dma_wait3A_252 = arith.constant 0 : i32
        %dma_wait3A_253 = tpu.memref_slice %arg4[%add3A, %dma_wait3A_251, %dma_wait3A_252] : memref<32x320x32xi32, #tpu.memory_space<hbm>> -> memref<1x320x32xi32, #tpu.memory_space<hbm>>
        %dma_wait3A_254 = tpu.memref_squeeze %dma_wait3A_253 : memref<1x320x32xi32, #tpu.memory_space<hbm>> -> memref<320x32xi32, #tpu.memory_space<hbm>>
        %dma_wait3A_255 = arith.constant 0 : i32
        %dma_wait3A_256 = tpu.memref_slice %dma_wait3A_254[%add3A_120, %dma_wait3A_255] : memref<320x32xi32, #tpu.memory_space<hbm>> -> memref<8x32xi32, #tpu.memory_space<hbm>>
        %dma_wait3A_257 = arith.constant 0 : i32
        %dma_wait3A_258 = arith.constant 0 : i32
        %dma_wait3A_259 = tpu.memref_slice %arg4[%add3A, %dma_wait3A_257, %dma_wait3A_258] : memref<32x320x32xi32, #tpu.memory_space<hbm>> -> memref<1x320x32xi32, #tpu.memory_space<hbm>>
        %dma_wait3A_260 = tpu.memref_squeeze %dma_wait3A_259 : memref<1x320x32xi32, #tpu.memory_space<hbm>> -> memref<320x32xi32, #tpu.memory_space<hbm>>
        %dma_wait3A_261 = arith.constant 0 : i32
        %dma_wait3A_262 = tpu.memref_slice %dma_wait3A_260[%add3A_120, %dma_wait3A_261] : memref<320x32xi32, #tpu.memory_space<hbm>> -> memref<8x32xi32, #tpu.memory_space<hbm>>
        tpu.wait_dma2 semaphore(%run_scoped3A_238 : memref<!tpu.dma_semaphore, #tpu.memory_space<semaphore_mem>>) src(%dma_wait3A_262 : memref<8x32xi32, #tpu.memory_space<hbm>>) dst(%arg10 : memref<8x32xi32, #tpu.memory_space<vmem>>)
        tpu.yield
      }) : () -> ()
      %dma_start3A = arith.constant 0 : i32
      %dma_start3A_121 = arith.constant 0 : i32
      %dma_start3A_122 = tpu.memref_slice %arg9[%dma_start3A, %dma_start3A_121] : memref<8x32xi32, #tpu.memory_space<vmem>> -> memref<1x32xi32, #tpu.memory_space<vmem>>
      %dma_start3A_123 = tpu.memref_squeeze %dma_start3A_122 : memref<1x32xi32, #tpu.memory_space<vmem>> -> memref<32xi32, #tpu.memory_space<vmem>>
      %dma_start3A_124 = arith.constant 0 : i32
      %dma_start3A_125 = arith.constant 0 : i32
      %dma_start3A_126 = tpu.memref_slice %arg2[%dma_start3A_124, %dma_start3A_125] : memref<10240x128xf32, #tpu.memory_space<hbm>> -> memref<10240x128xf32, #tpu.memory_space<hbm>>
      tpu.enqueue_indirect_dma source(%dma_start3A_126 : memref<10240x128xf32, #tpu.memory_space<hbm>>) target(%arg11 : memref<32x128xf32, #tpu.memory_space<vmem>>) offsets(%dma_start3A_123 : memref<32xi32, #tpu.memory_space<vmem>>) semaphore(%arg20 : memref<!tpu.dma_semaphore, #tpu.memory_space<semaphore_mem>>)
      %dma_start3A_127 = arith.constant 1 : i32
      %dma_start3A_128 = arith.constant 0 : i32
      %dma_start3A_129 = tpu.memref_slice %arg9[%dma_start3A_127, %dma_start3A_128] : memref<8x32xi32, #tpu.memory_space<vmem>> -> memref<1x32xi32, #tpu.memory_space<vmem>>
      %dma_start3A_130 = tpu.memref_squeeze %dma_start3A_129 : memref<1x32xi32, #tpu.memory_space<vmem>> -> memref<32xi32, #tpu.memory_space<vmem>>
      %dma_start3A_131 = arith.constant 0 : i32
      %dma_start3A_132 = arith.constant 0 : i32
      %dma_start3A_133 = tpu.memref_slice %arg2[%dma_start3A_131, %dma_start3A_132] : memref<10240x128xf32, #tpu.memory_space<hbm>> -> memref<10240x128xf32, #tpu.memory_space<hbm>>
      tpu.enqueue_indirect_dma source(%dma_start3A_133 : memref<10240x128xf32, #tpu.memory_space<hbm>>) target(%arg12 : memref<32x128xf32, #tpu.memory_space<vmem>>) offsets(%dma_start3A_130 : memref<32xi32, #tpu.memory_space<vmem>>) semaphore(%arg20 : memref<!tpu.dma_semaphore, #tpu.memory_space<semaphore_mem>>)
      %dma_start3A_134 = arith.constant 2 : i32
      %dma_start3A_135 = arith.constant 0 : i32
      %dma_start3A_136 = tpu.memref_slice %arg9[%dma_start3A_134, %dma_start3A_135] : memref<8x32xi32, #tpu.memory_space<vmem>> -> memref<1x32xi32, #tpu.memory_space<vmem>>
      %dma_start3A_137 = tpu.memref_squeeze %dma_start3A_136 : memref<1x32xi32, #tpu.memory_space<vmem>> -> memref<32xi32, #tpu.memory_space<vmem>>
      %dma_start3A_138 = arith.constant 0 : i32
      %dma_start3A_139 = arith.constant 0 : i32
      %dma_start3A_140 = tpu.memref_slice %arg2[%dma_start3A_138, %dma_start3A_139] : memref<10240x128xf32, #tpu.memory_space<hbm>> -> memref<10240x128xf32, #tpu.memory_space<hbm>>
      tpu.enqueue_indirect_dma source(%dma_start3A_140 : memref<10240x128xf32, #tpu.memory_space<hbm>>) target(%arg13 : memref<32x128xf32, #tpu.memory_space<vmem>>) offsets(%dma_start3A_137 : memref<32xi32, #tpu.memory_space<vmem>>) semaphore(%arg20 : memref<!tpu.dma_semaphore, #tpu.memory_space<semaphore_mem>>)
      %dma_start3A_141 = arith.constant 3 : i32
      %dma_start3A_142 = arith.constant 0 : i32
      %dma_start3A_143 = tpu.memref_slice %arg9[%dma_start3A_141, %dma_start3A_142] : memref<8x32xi32, #tpu.memory_space<vmem>> -> memref<1x32xi32, #tpu.memory_space<vmem>>
      %dma_start3A_144 = tpu.memref_squeeze %dma_start3A_143 : memref<1x32xi32, #tpu.memory_space<vmem>> -> memref<32xi32, #tpu.memory_space<vmem>>
      %dma_start3A_145 = arith.constant 0 : i32
      %dma_start3A_146 = arith.constant 0 : i32
      %dma_start3A_147 = tpu.memref_slice %arg2[%dma_start3A_145, %dma_start3A_146] : memref<10240x128xf32, #tpu.memory_space<hbm>> -> memref<10240x128xf32, #tpu.memory_space<hbm>>
      tpu.enqueue_indirect_dma source(%dma_start3A_147 : memref<10240x128xf32, #tpu.memory_space<hbm>>) target(%arg14 : memref<32x128xf32, #tpu.memory_space<vmem>>) offsets(%dma_start3A_144 : memref<32xi32, #tpu.memory_space<vmem>>) semaphore(%arg20 : memref<!tpu.dma_semaphore, #tpu.memory_space<semaphore_mem>>)
      %dma_start3A_148 = arith.constant 4 : i32
      %dma_start3A_149 = arith.constant 0 : i32
      %dma_start3A_150 = tpu.memref_slice %arg9[%dma_start3A_148, %dma_start3A_149] : memref<8x32xi32, #tpu.memory_space<vmem>> -> memref<1x32xi32, #tpu.memory_space<vmem>>
      %dma_start3A_151 = tpu.memref_squeeze %dma_start3A_150 : memref<1x32xi32, #tpu.memory_space<vmem>> -> memref<32xi32, #tpu.memory_space<vmem>>
      %dma_start3A_152 = arith.constant 0 : i32
      %dma_start3A_153 = arith.constant 0 : i32
      %dma_start3A_154 = tpu.memref_slice %arg2[%dma_start3A_152, %dma_start3A_153] : memref<10240x128xf32, #tpu.memory_space<hbm>> -> memref<10240x128xf32, #tpu.memory_space<hbm>>
      tpu.enqueue_indirect_dma source(%dma_start3A_154 : memref<10240x128xf32, #tpu.memory_space<hbm>>) target(%arg15 : memref<32x128xf32, #tpu.memory_space<vmem>>) offsets(%dma_start3A_151 : memref<32xi32, #tpu.memory_space<vmem>>) semaphore(%arg20 : memref<!tpu.dma_semaphore, #tpu.memory_space<semaphore_mem>>)
      %dma_start3A_155 = arith.constant 5 : i32
      %dma_start3A_156 = arith.constant 0 : i32
      %dma_start3A_157 = tpu.memref_slice %arg9[%dma_start3A_155, %dma_start3A_156] : memref<8x32xi32, #tpu.memory_space<vmem>> -> memref<1x32xi32, #tpu.memory_space<vmem>>
      %dma_start3A_158 = tpu.memref_squeeze %dma_start3A_157 : memref<1x32xi32, #tpu.memory_space<vmem>> -> memref<32xi32, #tpu.memory_space<vmem>>
      %dma_start3A_159 = arith.constant 0 : i32
      %dma_start3A_160 = arith.constant 0 : i32
      %dma_start3A_161 = tpu.memref_slice %arg2[%dma_start3A_159, %dma_start3A_160] : memref<10240x128xf32, #tpu.memory_space<hbm>> -> memref<10240x128xf32, #tpu.memory_space<hbm>>
      tpu.enqueue_indirect_dma source(%dma_start3A_161 : memref<10240x128xf32, #tpu.memory_space<hbm>>) target(%arg16 : memref<32x128xf32, #tpu.memory_space<vmem>>) offsets(%dma_start3A_158 : memref<32xi32, #tpu.memory_space<vmem>>) semaphore(%arg20 : memref<!tpu.dma_semaphore, #tpu.memory_space<semaphore_mem>>)
      %dma_start3A_162 = arith.constant 6 : i32
      %dma_start3A_163 = arith.constant 0 : i32
      %dma_start3A_164 = tpu.memref_slice %arg9[%dma_start3A_162, %dma_start3A_163] : memref<8x32xi32, #tpu.memory_space<vmem>> -> memref<1x32xi32, #tpu.memory_space<vmem>>
      %dma_start3A_165 = tpu.memref_squeeze %dma_start3A_164 : memref<1x32xi32, #tpu.memory_space<vmem>> -> memref<32xi32, #tpu.memory_space<vmem>>
      %dma_start3A_166 = arith.constant 0 : i32
      %dma_start3A_167 = arith.constant 0 : i32
      %dma_start3A_168 = tpu.memref_slice %arg2[%dma_start3A_166, %dma_start3A_167] : memref<10240x128xf32, #tpu.memory_space<hbm>> -> memref<10240x128xf32, #tpu.memory_space<hbm>>
      tpu.enqueue_indirect_dma source(%dma_start3A_168 : memref<10240x128xf32, #tpu.memory_space<hbm>>) target(%arg17 : memref<32x128xf32, #tpu.memory_space<vmem>>) offsets(%dma_start3A_165 : memref<32xi32, #tpu.memory_space<vmem>>) semaphore(%arg20 : memref<!tpu.dma_semaphore, #tpu.memory_space<semaphore_mem>>)
      %dma_start3A_169 = arith.constant 7 : i32
      %dma_start3A_170 = arith.constant 0 : i32
      %dma_start3A_171 = tpu.memref_slice %arg9[%dma_start3A_169, %dma_start3A_170] : memref<8x32xi32, #tpu.memory_space<vmem>> -> memref<1x32xi32, #tpu.memory_space<vmem>>
      %dma_start3A_172 = tpu.memref_squeeze %dma_start3A_171 : memref<1x32xi32, #tpu.memory_space<vmem>> -> memref<32xi32, #tpu.memory_space<vmem>>
      %dma_start3A_173 = arith.constant 0 : i32
      %dma_start3A_174 = arith.constant 0 : i32
      %dma_start3A_175 = tpu.memref_slice %arg2[%dma_start3A_173, %dma_start3A_174] : memref<10240x128xf32, #tpu.memory_space<hbm>> -> memref<10240x128xf32, #tpu.memory_space<hbm>>
      tpu.enqueue_indirect_dma source(%dma_start3A_175 : memref<10240x128xf32, #tpu.memory_space<hbm>>) target(%arg18 : memref<32x128xf32, #tpu.memory_space<vmem>>) offsets(%dma_start3A_172 : memref<32xi32, #tpu.memory_space<vmem>>) semaphore(%arg20 : memref<!tpu.dma_semaphore, #tpu.memory_space<semaphore_mem>>)
      %dma_wait3A = arith.constant 0 : i32
      %dma_wait3A_176 = arith.constant 0 : i32
      %dma_wait3A_177 = tpu.memref_slice %arg9[%dma_wait3A, %dma_wait3A_176] : memref<8x32xi32, #tpu.memory_space<vmem>> -> memref<1x32xi32, #tpu.memory_space<vmem>>
      %dma_wait3A_178 = tpu.memref_squeeze %dma_wait3A_177 : memref<1x32xi32, #tpu.memory_space<vmem>> -> memref<32xi32, #tpu.memory_space<vmem>>
      %dma_wait3A_179 = arith.constant 0 : i32
      %dma_wait3A_180 = arith.constant 0 : i32
      %dma_wait3A_181 = tpu.memref_slice %arg2[%dma_wait3A_179, %dma_wait3A_180] : memref<10240x128xf32, #tpu.memory_space<hbm>> -> memref<10240x128xf32, #tpu.memory_space<hbm>>
      tpu.wait_indirect_dma semaphore(%arg20 : memref<!tpu.dma_semaphore, #tpu.memory_space<semaphore_mem>>) src(%dma_wait3A_181 : memref<10240x128xf32, #tpu.memory_space<hbm>>) dst(%arg11 : memref<32x128xf32, #tpu.memory_space<vmem>>)
      %dma_wait3A_182 = arith.constant 0 : i32
      %dma_wait3A_183 = arith.constant 0 : i32
      %dma_wait3A_184 = tpu.memref_slice %arg9[%dma_wait3A_182, %dma_wait3A_183] : memref<8x32xi32, #tpu.memory_space<vmem>> -> memref<1x32xi32, #tpu.memory_space<vmem>>
      %dma_wait3A_185 = tpu.memref_squeeze %dma_wait3A_184 : memref<1x32xi32, #tpu.memory_space<vmem>> -> memref<32xi32, #tpu.memory_space<vmem>>
      %dma_wait3A_186 = arith.constant 0 : i32
      %dma_wait3A_187 = arith.constant 0 : i32
      %dma_wait3A_188 = tpu.memref_slice %arg2[%dma_wait3A_186, %dma_wait3A_187] : memref<10240x128xf32, #tpu.memory_space<hbm>> -> memref<10240x128xf32, #tpu.memory_space<hbm>>
      tpu.wait_indirect_dma semaphore(%arg20 : memref<!tpu.dma_semaphore, #tpu.memory_space<semaphore_mem>>) src(%dma_wait3A_188 : memref<10240x128xf32, #tpu.memory_space<hbm>>) dst(%arg12 : memref<32x128xf32, #tpu.memory_space<vmem>>)
      %dma_wait3A_189 = arith.constant 0 : i32
      %dma_wait3A_190 = arith.constant 0 : i32
      %dma_wait3A_191 = tpu.memref_slice %arg9[%dma_wait3A_189, %dma_wait3A_190] : memref<8x32xi32, #tpu.memory_space<vmem>> -> memref<1x32xi32, #tpu.memory_space<vmem>>
      %dma_wait3A_192 = tpu.memref_squeeze %dma_wait3A_191 : memref<1x32xi32, #tpu.memory_space<vmem>> -> memref<32xi32, #tpu.memory_space<vmem>>
      %dma_wait3A_193 = arith.constant 0 : i32
      %dma_wait3A_194 = arith.constant 0 : i32
      %dma_wait3A_195 = tpu.memref_slice %arg2[%dma_wait3A_193, %dma_wait3A_194] : memref<10240x128xf32, #tpu.memory_space<hbm>> -> memref<10240x128xf32, #tpu.memory_space<hbm>>
      tpu.wait_indirect_dma semaphore(%arg20 : memref<!tpu.dma_semaphore, #tpu.memory_space<semaphore_mem>>) src(%dma_wait3A_195 : memref<10240x128xf32, #tpu.memory_space<hbm>>) dst(%arg13 : memref<32x128xf32, #tpu.memory_space<vmem>>)
      %dma_wait3A_196 = arith.constant 0 : i32
      %dma_wait3A_197 = arith.constant 0 : i32
      %dma_wait3A_198 = tpu.memref_slice %arg9[%dma_wait3A_196, %dma_wait3A_197] : memref<8x32xi32, #tpu.memory_space<vmem>> -> memref<1x32xi32, #tpu.memory_space<vmem>>
      %dma_wait3A_199 = tpu.memref_squeeze %dma_wait3A_198 : memref<1x32xi32, #tpu.memory_space<vmem>> -> memref<32xi32, #tpu.memory_space<vmem>>
      %dma_wait3A_200 = arith.constant 0 : i32
      %dma_wait3A_201 = arith.constant 0 : i32
      %dma_wait3A_202 = tpu.memref_slice %arg2[%dma_wait3A_200, %dma_wait3A_201] : memref<10240x128xf32, #tpu.memory_space<hbm>> -> memref<10240x128xf32, #tpu.memory_space<hbm>>
      tpu.wait_indirect_dma semaphore(%arg20 : memref<!tpu.dma_semaphore, #tpu.memory_space<semaphore_mem>>) src(%dma_wait3A_202 : memref<10240x128xf32, #tpu.memory_space<hbm>>) dst(%arg14 : memref<32x128xf32, #tpu.memory_space<vmem>>)
      %dma_wait3A_203 = arith.constant 0 : i32
      %dma_wait3A_204 = arith.constant 0 : i32
      %dma_wait3A_205 = tpu.memref_slice %arg9[%dma_wait3A_203, %dma_wait3A_204] : memref<8x32xi32, #tpu.memory_space<vmem>> -> memref<1x32xi32, #tpu.memory_space<vmem>>
      %dma_wait3A_206 = tpu.memref_squeeze %dma_wait3A_205 : memref<1x32xi32, #tpu.memory_space<vmem>> -> memref<32xi32, #tpu.memory_space<vmem>>
      %dma_wait3A_207 = arith.constant 0 : i32
      %dma_wait3A_208 = arith.constant 0 : i32
      %dma_wait3A_209 = tpu.memref_slice %arg2[%dma_wait3A_207, %dma_wait3A_208] : memref<10240x128xf32, #tpu.memory_space<hbm>> -> memref<10240x128xf32, #tpu.memory_space<hbm>>
      tpu.wait_indirect_dma semaphore(%arg20 : memref<!tpu.dma_semaphore, #tpu.memory_space<semaphore_mem>>) src(%dma_wait3A_209 : memref<10240x128xf32, #tpu.memory_space<hbm>>) dst(%arg15 : memref<32x128xf32, #tpu.memory_space<vmem>>)
      %dma_wait3A_210 = arith.constant 0 : i32
      %dma_wait3A_211 = arith.constant 0 : i32
      %dma_wait3A_212 = tpu.memref_slice %arg9[%dma_wait3A_210, %dma_wait3A_211] : memref<8x32xi32, #tpu.memory_space<vmem>> -> memref<1x32xi32, #tpu.memory_space<vmem>>
      %dma_wait3A_213 = tpu.memref_squeeze %dma_wait3A_212 : memref<1x32xi32, #tpu.memory_space<vmem>> -> memref<32xi32, #tpu.memory_space<vmem>>
      %dma_wait3A_214 = arith.constant 0 : i32
      %dma_wait3A_215 = arith.constant 0 : i32
      %dma_wait3A_216 = tpu.memref_slice %arg2[%dma_wait3A_214, %dma_wait3A_215] : memref<10240x128xf32, #tpu.memory_space<hbm>> -> memref<10240x128xf32, #tpu.memory_space<hbm>>
      tpu.wait_indirect_dma semaphore(%arg20 : memref<!tpu.dma_semaphore, #tpu.memory_space<semaphore_mem>>) src(%dma_wait3A_216 : memref<10240x128xf32, #tpu.memory_space<hbm>>) dst(%arg16 : memref<32x128xf32, #tpu.memory_space<vmem>>)
      %dma_wait3A_217 = arith.constant 0 : i32
      %dma_wait3A_218 = arith.constant 0 : i32
      %dma_wait3A_219 = tpu.memref_slice %arg9[%dma_wait3A_217, %dma_wait3A_218] : memref<8x32xi32, #tpu.memory_space<vmem>> -> memref<1x32xi32, #tpu.memory_space<vmem>>
      %dma_wait3A_220 = tpu.memref_squeeze %dma_wait3A_219 : memref<1x32xi32, #tpu.memory_space<vmem>> -> memref<32xi32, #tpu.memory_space<vmem>>
      %dma_wait3A_221 = arith.constant 0 : i32
      %dma_wait3A_222 = arith.constant 0 : i32
      %dma_wait3A_223 = tpu.memref_slice %arg2[%dma_wait3A_221, %dma_wait3A_222] : memref<10240x128xf32, #tpu.memory_space<hbm>> -> memref<10240x128xf32, #tpu.memory_space<hbm>>
      tpu.wait_indirect_dma semaphore(%arg20 : memref<!tpu.dma_semaphore, #tpu.memory_space<semaphore_mem>>) src(%dma_wait3A_223 : memref<10240x128xf32, #tpu.memory_space<hbm>>) dst(%arg17 : memref<32x128xf32, #tpu.memory_space<vmem>>)
      %dma_wait3A_224 = arith.constant 0 : i32
      %dma_wait3A_225 = arith.constant 0 : i32
      %dma_wait3A_226 = tpu.memref_slice %arg9[%dma_wait3A_224, %dma_wait3A_225] : memref<8x32xi32, #tpu.memory_space<vmem>> -> memref<1x32xi32, #tpu.memory_space<vmem>>
      %dma_wait3A_227 = tpu.memref_squeeze %dma_wait3A_226 : memref<1x32xi32, #tpu.memory_space<vmem>> -> memref<32xi32, #tpu.memory_space<vmem>>
      %dma_wait3A_228 = arith.constant 0 : i32
      %dma_wait3A_229 = arith.constant 0 : i32
      %dma_wait3A_230 = tpu.memref_slice %arg2[%dma_wait3A_228, %dma_wait3A_229] : memref<10240x128xf32, #tpu.memory_space<hbm>> -> memref<10240x128xf32, #tpu.memory_space<hbm>>
      tpu.wait_indirect_dma semaphore(%arg20 : memref<!tpu.dma_semaphore, #tpu.memory_space<semaphore_mem>>) src(%dma_wait3A_230 : memref<10240x128xf32, #tpu.memory_space<hbm>>) dst(%arg18 : memref<32x128xf32, #tpu.memory_space<vmem>>)
      %run_scoped3A = arith.constant 0 : i32
      "tpu.region"() ({
        %run_scoped3A_238 = tpu.sem_alloc : memref<!tpu.dma_semaphore, #tpu.memory_space<semaphore_mem>>
        %dma_start3A_239 = arith.constant 0 : i32
        %dma_start3A_240 = tpu.memref_slice %arg10[%run_scoped3A, %dma_start3A_239] : memref<8x32xi32, #tpu.memory_space<vmem>> -> memref<1x32xi32, #tpu.memory_space<vmem>>
        %dma_start3A_241 = tpu.memref_squeeze %dma_start3A_240 : memref<1x32xi32, #tpu.memory_space<vmem>> -> memref<32xi32, #tpu.memory_space<vmem>>
        %dma_start3A_242 = arith.constant 0 : i32
        %dma_start3A_243 = arith.constant 0 : i32
        %dma_start3A_244 = tpu.memref_slice %arg19[%dma_start3A_242, %dma_start3A_243] : memref<9728x128xf32, #tpu.memory_space<vmem_shared>> -> memref<9728x128xf32, #tpu.memory_space<vmem_shared>>
        tpu.enqueue_indirect_dma source(%arg11 : memref<32x128xf32, #tpu.memory_space<vmem>>) target(%dma_start3A_244 : memref<9728x128xf32, #tpu.memory_space<vmem_shared>>) offsets(%dma_start3A_241 : memref<32xi32, #tpu.memory_space<vmem>>) semaphore(%run_scoped3A_238 : memref<!tpu.dma_semaphore, #tpu.memory_space<semaphore_mem>>) {add = true}
        %dma_wait3A_245 = arith.constant 0 : i32
        %dma_wait3A_246 = tpu.memref_slice %arg10[%run_scoped3A, %dma_wait3A_245] : memref<8x32xi32, #tpu.memory_space<vmem>> -> memref<1x32xi32, #tpu.memory_space<vmem>>
        %dma_wait3A_247 = tpu.memref_squeeze %dma_wait3A_246 : memref<1x32xi32, #tpu.memory_space<vmem>> -> memref<32xi32, #tpu.memory_space<vmem>>
        %dma_wait3A_248 = arith.constant 0 : i32
        %dma_wait3A_249 = arith.constant 0 : i32
        %dma_wait3A_250 = tpu.memref_slice %arg19[%dma_wait3A_248, %dma_wait3A_249] : memref<9728x128xf32, #tpu.memory_space<vmem_shared>> -> memref<9728x128xf32, #tpu.memory_space<vmem_shared>>
        tpu.wait_indirect_dma semaphore(%run_scoped3A_238 : memref<!tpu.dma_semaphore, #tpu.memory_space<semaphore_mem>>) src(%arg11 : memref<32x128xf32, #tpu.memory_space<vmem>>) dst(%dma_wait3A_250 : memref<9728x128xf32, #tpu.memory_space<vmem_shared>>)
        tpu.yield
      }) : () -> ()
      %run_scoped3A_231 = arith.constant 1 : i32
      "tpu.region"() ({
        %run_scoped3A_238 = tpu.sem_alloc : memref<!tpu.dma_semaphore, #tpu.memory_space<semaphore_mem>>
        %dma_start3A_239 = arith.constant 0 : i32
        %dma_start3A_240 = tpu.memref_slice %arg10[%run_scoped3A_231, %dma_start3A_239] : memref<8x32xi32, #tpu.memory_space<vmem>> -> memref<1x32xi32, #tpu.memory_space<vmem>>
        %dma_start3A_241 = tpu.memref_squeeze %dma_start3A_240 : memref<1x32xi32, #tpu.memory_space<vmem>> -> memref<32xi32, #tpu.memory_space<vmem>>
        %dma_start3A_242 = arith.constant 0 : i32
        %dma_start3A_243 = arith.constant 0 : i32
        %dma_start3A_244 = tpu.memref_slice %arg19[%dma_start3A_242, %dma_start3A_243] : memref<9728x128xf32, #tpu.memory_space<vmem_shared>> -> memref<9728x128xf32, #tpu.memory_space<vmem_shared>>
        tpu.enqueue_indirect_dma source(%arg12 : memref<32x128xf32, #tpu.memory_space<vmem>>) target(%dma_start3A_244 : memref<9728x128xf32, #tpu.memory_space<vmem_shared>>) offsets(%dma_start3A_241 : memref<32xi32, #tpu.memory_space<vmem>>) semaphore(%run_scoped3A_238 : memref<!tpu.dma_semaphore, #tpu.memory_space<semaphore_mem>>) {add = true}
        %dma_wait3A_245 = arith.constant 0 : i32
        %dma_wait3A_246 = tpu.memref_slice %arg10[%run_scoped3A_231, %dma_wait3A_245] : memref<8x32xi32, #tpu.memory_space<vmem>> -> memref<1x32xi32, #tpu.memory_space<vmem>>
        %dma_wait3A_247 = tpu.memref_squeeze %dma_wait3A_246 : memref<1x32xi32, #tpu.memory_space<vmem>> -> memref<32xi32, #tpu.memory_space<vmem>>
        %dma_wait3A_248 = arith.constant 0 : i32
        %dma_wait3A_249 = arith.constant 0 : i32
        %dma_wait3A_250 = tpu.memref_slice %arg19[%dma_wait3A_248, %dma_wait3A_249] : memref<9728x128xf32, #tpu.memory_space<vmem_shared>> -> memref<9728x128xf32, #tpu.memory_space<vmem_shared>>
        tpu.wait_indirect_dma semaphore(%run_scoped3A_238 : memref<!tpu.dma_semaphore, #tpu.memory_space<semaphore_mem>>) src(%arg12 : memref<32x128xf32, #tpu.memory_space<vmem>>) dst(%dma_wait3A_250 : memref<9728x128xf32, #tpu.memory_space<vmem_shared>>)
        tpu.yield
      }) : () -> ()
      %run_scoped3A_232 = arith.constant 2 : i32
      "tpu.region"() ({
        %run_scoped3A_238 = tpu.sem_alloc : memref<!tpu.dma_semaphore, #tpu.memory_space<semaphore_mem>>
        %dma_start3A_239 = arith.constant 0 : i32
        %dma_start3A_240 = tpu.memref_slice %arg10[%run_scoped3A_232, %dma_start3A_239] : memref<8x32xi32, #tpu.memory_space<vmem>> -> memref<1x32xi32, #tpu.memory_space<vmem>>
        %dma_start3A_241 = tpu.memref_squeeze %dma_start3A_240 : memref<1x32xi32, #tpu.memory_space<vmem>> -> memref<32xi32, #tpu.memory_space<vmem>>
        %dma_start3A_242 = arith.constant 0 : i32
        %dma_start3A_243 = arith.constant 0 : i32
        %dma_start3A_244 = tpu.memref_slice %arg19[%dma_start3A_242, %dma_start3A_243] : memref<9728x128xf32, #tpu.memory_space<vmem_shared>> -> memref<9728x128xf32, #tpu.memory_space<vmem_shared>>
        tpu.enqueue_indirect_dma source(%arg13 : memref<32x128xf32, #tpu.memory_space<vmem>>) target(%dma_start3A_244 : memref<9728x128xf32, #tpu.memory_space<vmem_shared>>) offsets(%dma_start3A_241 : memref<32xi32, #tpu.memory_space<vmem>>) semaphore(%run_scoped3A_238 : memref<!tpu.dma_semaphore, #tpu.memory_space<semaphore_mem>>) {add = true}
        %dma_wait3A_245 = arith.constant 0 : i32
        %dma_wait3A_246 = tpu.memref_slice %arg10[%run_scoped3A_232, %dma_wait3A_245] : memref<8x32xi32, #tpu.memory_space<vmem>> -> memref<1x32xi32, #tpu.memory_space<vmem>>
        %dma_wait3A_247 = tpu.memref_squeeze %dma_wait3A_246 : memref<1x32xi32, #tpu.memory_space<vmem>> -> memref<32xi32, #tpu.memory_space<vmem>>
        %dma_wait3A_248 = arith.constant 0 : i32
        %dma_wait3A_249 = arith.constant 0 : i32
        %dma_wait3A_250 = tpu.memref_slice %arg19[%dma_wait3A_248, %dma_wait3A_249] : memref<9728x128xf32, #tpu.memory_space<vmem_shared>> -> memref<9728x128xf32, #tpu.memory_space<vmem_shared>>
        tpu.wait_indirect_dma semaphore(%run_scoped3A_238 : memref<!tpu.dma_semaphore, #tpu.memory_space<semaphore_mem>>) src(%arg13 : memref<32x128xf32, #tpu.memory_space<vmem>>) dst(%dma_wait3A_250 : memref<9728x128xf32, #tpu.memory_space<vmem_shared>>)
        tpu.yield
      }) : () -> ()
      %run_scoped3A_233 = arith.constant 3 : i32
      "tpu.region"() ({
        %run_scoped3A_238 = tpu.sem_alloc : memref<!tpu.dma_semaphore, #tpu.memory_space<semaphore_mem>>
        %dma_start3A_239 = arith.constant 0 : i32
        %dma_start3A_240 = tpu.memref_slice %arg10[%run_scoped3A_233, %dma_start3A_239] : memref<8x32xi32, #tpu.memory_space<vmem>> -> memref<1x32xi32, #tpu.memory_space<vmem>>
        %dma_start3A_241 = tpu.memref_squeeze %dma_start3A_240 : memref<1x32xi32, #tpu.memory_space<vmem>> -> memref<32xi32, #tpu.memory_space<vmem>>
        %dma_start3A_242 = arith.constant 0 : i32
        %dma_start3A_243 = arith.constant 0 : i32
        %dma_start3A_244 = tpu.memref_slice %arg19[%dma_start3A_242, %dma_start3A_243] : memref<9728x128xf32, #tpu.memory_space<vmem_shared>> -> memref<9728x128xf32, #tpu.memory_space<vmem_shared>>
        tpu.enqueue_indirect_dma source(%arg14 : memref<32x128xf32, #tpu.memory_space<vmem>>) target(%dma_start3A_244 : memref<9728x128xf32, #tpu.memory_space<vmem_shared>>) offsets(%dma_start3A_241 : memref<32xi32, #tpu.memory_space<vmem>>) semaphore(%run_scoped3A_238 : memref<!tpu.dma_semaphore, #tpu.memory_space<semaphore_mem>>) {add = true}
        %dma_wait3A_245 = arith.constant 0 : i32
        %dma_wait3A_246 = tpu.memref_slice %arg10[%run_scoped3A_233, %dma_wait3A_245] : memref<8x32xi32, #tpu.memory_space<vmem>> -> memref<1x32xi32, #tpu.memory_space<vmem>>
        %dma_wait3A_247 = tpu.memref_squeeze %dma_wait3A_246 : memref<1x32xi32, #tpu.memory_space<vmem>> -> memref<32xi32, #tpu.memory_space<vmem>>
        %dma_wait3A_248 = arith.constant 0 : i32
        %dma_wait3A_249 = arith.constant 0 : i32
        %dma_wait3A_250 = tpu.memref_slice %arg19[%dma_wait3A_248, %dma_wait3A_249] : memref<9728x128xf32, #tpu.memory_space<vmem_shared>> -> memref<9728x128xf32, #tpu.memory_space<vmem_shared>>
        tpu.wait_indirect_dma semaphore(%run_scoped3A_238 : memref<!tpu.dma_semaphore, #tpu.memory_space<semaphore_mem>>) src(%arg14 : memref<32x128xf32, #tpu.memory_space<vmem>>) dst(%dma_wait3A_250 : memref<9728x128xf32, #tpu.memory_space<vmem_shared>>)
        tpu.yield
      }) : () -> ()
      %run_scoped3A_234 = arith.constant 4 : i32
      "tpu.region"() ({
        %run_scoped3A_238 = tpu.sem_alloc : memref<!tpu.dma_semaphore, #tpu.memory_space<semaphore_mem>>
        %dma_start3A_239 = arith.constant 0 : i32
        %dma_start3A_240 = tpu.memref_slice %arg10[%run_scoped3A_234, %dma_start3A_239] : memref<8x32xi32, #tpu.memory_space<vmem>> -> memref<1x32xi32, #tpu.memory_space<vmem>>
        %dma_start3A_241 = tpu.memref_squeeze %dma_start3A_240 : memref<1x32xi32, #tpu.memory_space<vmem>> -> memref<32xi32, #tpu.memory_space<vmem>>
        %dma_start3A_242 = arith.constant 0 : i32
        %dma_start3A_243 = arith.constant 0 : i32
        %dma_start3A_244 = tpu.memref_slice %arg19[%dma_start3A_242, %dma_start3A_243] : memref<9728x128xf32, #tpu.memory_space<vmem_shared>> -> memref<9728x128xf32, #tpu.memory_space<vmem_shared>>
        tpu.enqueue_indirect_dma source(%arg15 : memref<32x128xf32, #tpu.memory_space<vmem>>) target(%dma_start3A_244 : memref<9728x128xf32, #tpu.memory_space<vmem_shared>>) offsets(%dma_start3A_241 : memref<32xi32, #tpu.memory_space<vmem>>) semaphore(%run_scoped3A_238 : memref<!tpu.dma_semaphore, #tpu.memory_space<semaphore_mem>>) {add = true}
        %dma_wait3A_245 = arith.constant 0 : i32
        %dma_wait3A_246 = tpu.memref_slice %arg10[%run_scoped3A_234, %dma_wait3A_245] : memref<8x32xi32, #tpu.memory_space<vmem>> -> memref<1x32xi32, #tpu.memory_space<vmem>>
        %dma_wait3A_247 = tpu.memref_squeeze %dma_wait3A_246 : memref<1x32xi32, #tpu.memory_space<vmem>> -> memref<32xi32, #tpu.memory_space<vmem>>
        %dma_wait3A_248 = arith.constant 0 : i32
        %dma_wait3A_249 = arith.constant 0 : i32
        %dma_wait3A_250 = tpu.memref_slice %arg19[%dma_wait3A_248, %dma_wait3A_249] : memref<9728x128xf32, #tpu.memory_space<vmem_shared>> -> memref<9728x128xf32, #tpu.memory_space<vmem_shared>>
        tpu.wait_indirect_dma semaphore(%run_scoped3A_238 : memref<!tpu.dma_semaphore, #tpu.memory_space<semaphore_mem>>) src(%arg15 : memref<32x128xf32, #tpu.memory_space<vmem>>) dst(%dma_wait3A_250 : memref<9728x128xf32, #tpu.memory_space<vmem_shared>>)
        tpu.yield
      }) : () -> ()
      %run_scoped3A_235 = arith.constant 5 : i32
      "tpu.region"() ({
        %run_scoped3A_238 = tpu.sem_alloc : memref<!tpu.dma_semaphore, #tpu.memory_space<semaphore_mem>>
        %dma_start3A_239 = arith.constant 0 : i32
        %dma_start3A_240 = tpu.memref_slice %arg10[%run_scoped3A_235, %dma_start3A_239] : memref<8x32xi32, #tpu.memory_space<vmem>> -> memref<1x32xi32, #tpu.memory_space<vmem>>
        %dma_start3A_241 = tpu.memref_squeeze %dma_start3A_240 : memref<1x32xi32, #tpu.memory_space<vmem>> -> memref<32xi32, #tpu.memory_space<vmem>>
        %dma_start3A_242 = arith.constant 0 : i32
        %dma_start3A_243 = arith.constant 0 : i32
        %dma_start3A_244 = tpu.memref_slice %arg19[%dma_start3A_242, %dma_start3A_243] : memref<9728x128xf32, #tpu.memory_space<vmem_shared>> -> memref<9728x128xf32, #tpu.memory_space<vmem_shared>>
        tpu.enqueue_indirect_dma source(%arg16 : memref<32x128xf32, #tpu.memory_space<vmem>>) target(%dma_start3A_244 : memref<9728x128xf32, #tpu.memory_space<vmem_shared>>) offsets(%dma_start3A_241 : memref<32xi32, #tpu.memory_space<vmem>>) semaphore(%run_scoped3A_238 : memref<!tpu.dma_semaphore, #tpu.memory_space<semaphore_mem>>) {add = true}
        %dma_wait3A_245 = arith.constant 0 : i32
        %dma_wait3A_246 = tpu.memref_slice %arg10[%run_scoped3A_235, %dma_wait3A_245] : memref<8x32xi32, #tpu.memory_space<vmem>> -> memref<1x32xi32, #tpu.memory_space<vmem>>
        %dma_wait3A_247 = tpu.memref_squeeze %dma_wait3A_246 : memref<1x32xi32, #tpu.memory_space<vmem>> -> memref<32xi32, #tpu.memory_space<vmem>>
        %dma_wait3A_248 = arith.constant 0 : i32
        %dma_wait3A_249 = arith.constant 0 : i32
        %dma_wait3A_250 = tpu.memref_slice %arg19[%dma_wait3A_248, %dma_wait3A_249] : memref<9728x128xf32, #tpu.memory_space<vmem_shared>> -> memref<9728x128xf32, #tpu.memory_space<vmem_shared>>
        tpu.wait_indirect_dma semaphore(%run_scoped3A_238 : memref<!tpu.dma_semaphore, #tpu.memory_space<semaphore_mem>>) src(%arg16 : memref<32x128xf32, #tpu.memory_space<vmem>>) dst(%dma_wait3A_250 : memref<9728x128xf32, #tpu.memory_space<vmem_shared>>)
        tpu.yield
      }) : () -> ()
      %run_scoped3A_236 = arith.constant 6 : i32
      "tpu.region"() ({
        %run_scoped3A_238 = tpu.sem_alloc : memref<!tpu.dma_semaphore, #tpu.memory_space<semaphore_mem>>
        %dma_start3A_239 = arith.constant 0 : i32
        %dma_start3A_240 = tpu.memref_slice %arg10[%run_scoped3A_236, %dma_start3A_239] : memref<8x32xi32, #tpu.memory_space<vmem>> -> memref<1x32xi32, #tpu.memory_space<vmem>>
        %dma_start3A_241 = tpu.memref_squeeze %dma_start3A_240 : memref<1x32xi32, #tpu.memory_space<vmem>> -> memref<32xi32, #tpu.memory_space<vmem>>
        %dma_start3A_242 = arith.constant 0 : i32
        %dma_start3A_243 = arith.constant 0 : i32
        %dma_start3A_244 = tpu.memref_slice %arg19[%dma_start3A_242, %dma_start3A_243] : memref<9728x128xf32, #tpu.memory_space<vmem_shared>> -> memref<9728x128xf32, #tpu.memory_space<vmem_shared>>
        tpu.enqueue_indirect_dma source(%arg17 : memref<32x128xf32, #tpu.memory_space<vmem>>) target(%dma_start3A_244 : memref<9728x128xf32, #tpu.memory_space<vmem_shared>>) offsets(%dma_start3A_241 : memref<32xi32, #tpu.memory_space<vmem>>) semaphore(%run_scoped3A_238 : memref<!tpu.dma_semaphore, #tpu.memory_space<semaphore_mem>>) {add = true}
        %dma_wait3A_245 = arith.constant 0 : i32
        %dma_wait3A_246 = tpu.memref_slice %arg10[%run_scoped3A_236, %dma_wait3A_245] : memref<8x32xi32, #tpu.memory_space<vmem>> -> memref<1x32xi32, #tpu.memory_space<vmem>>
        %dma_wait3A_247 = tpu.memref_squeeze %dma_wait3A_246 : memref<1x32xi32, #tpu.memory_space<vmem>> -> memref<32xi32, #tpu.memory_space<vmem>>
        %dma_wait3A_248 = arith.constant 0 : i32
        %dma_wait3A_249 = arith.constant 0 : i32
        %dma_wait3A_250 = tpu.memref_slice %arg19[%dma_wait3A_248, %dma_wait3A_249] : memref<9728x128xf32, #tpu.memory_space<vmem_shared>> -> memref<9728x128xf32, #tpu.memory_space<vmem_shared>>
        tpu.wait_indirect_dma semaphore(%run_scoped3A_238 : memref<!tpu.dma_semaphore, #tpu.memory_space<semaphore_mem>>) src(%arg17 : memref<32x128xf32, #tpu.memory_space<vmem>>) dst(%dma_wait3A_250 : memref<9728x128xf32, #tpu.memory_space<vmem_shared>>)
        tpu.yield
      }) : () -> ()
      %run_scoped3A_237 = arith.constant 7 : i32
      "tpu.region"() ({
        %run_scoped3A_238 = tpu.sem_alloc : memref<!tpu.dma_semaphore, #tpu.memory_space<semaphore_mem>>
        %dma_start3A_239 = arith.constant 0 : i32
        %dma_start3A_240 = tpu.memref_slice %arg10[%run_scoped3A_237, %dma_start3A_239] : memref<8x32xi32, #tpu.memory_space<vmem>> -> memref<1x32xi32, #tpu.memory_space<vmem>>
        %dma_start3A_241 = tpu.memref_squeeze %dma_start3A_240 : memref<1x32xi32, #tpu.memory_space<vmem>> -> memref<32xi32, #tpu.memory_space<vmem>>
        %dma_start3A_242 = arith.constant 0 : i32
        %dma_start3A_243 = arith.constant 0 : i32
        %dma_start3A_244 = tpu.memref_slice %arg19[%dma_start3A_242, %dma_start3A_243] : memref<9728x128xf32, #tpu.memory_space<vmem_shared>> -> memref<9728x128xf32, #tpu.memory_space<vmem_shared>>
        tpu.enqueue_indirect_dma source(%arg18 : memref<32x128xf32, #tpu.memory_space<vmem>>) target(%dma_start3A_244 : memref<9728x128xf32, #tpu.memory_space<vmem_shared>>) offsets(%dma_start3A_241 : memref<32xi32, #tpu.memory_space<vmem>>) semaphore(%run_scoped3A_238 : memref<!tpu.dma_semaphore, #tpu.memory_space<semaphore_mem>>) {add = true}
        %dma_wait3A_245 = arith.constant 0 : i32
        %dma_wait3A_246 = tpu.memref_slice %arg10[%run_scoped3A_237, %dma_wait3A_245] : memref<8x32xi32, #tpu.memory_space<vmem>> -> memref<1x32xi32, #tpu.memory_space<vmem>>
        %dma_wait3A_247 = tpu.memref_squeeze %dma_wait3A_246 : memref<1x32xi32, #tpu.memory_space<vmem>> -> memref<32xi32, #tpu.memory_space<vmem>>
        %dma_wait3A_248 = arith.constant 0 : i32
        %dma_wait3A_249 = arith.constant 0 : i32
        %dma_wait3A_250 = tpu.memref_slice %arg19[%dma_wait3A_248, %dma_wait3A_249] : memref<9728x128xf32, #tpu.memory_space<vmem_shared>> -> memref<9728x128xf32, #tpu.memory_space<vmem_shared>>
        tpu.wait_indirect_dma semaphore(%run_scoped3A_238 : memref<!tpu.dma_semaphore, #tpu.memory_space<semaphore_mem>>) src(%arg18 : memref<32x128xf32, #tpu.memory_space<vmem>>) dst(%dma_wait3A_250 : memref<9728x128xf32, #tpu.memory_space<vmem_shared>>)
        tpu.yield
      }) : () -> ()
    }
    %scan3A_85 = arith.constant 40 : i32
    %barrier3A_86 = arith.constant 0 : index
    tpu.barrier barrier_id(%barrier3A_86)
    %mul3A_87 = arith.constant 608 : i32
    %mul3A_88 = arith.muli %arg1, %mul3A_87 : i32
    %mul3A_89 = arith.constant 608 : i32
    %mul3A_90 = arith.muli %arg1, %mul3A_89 : i32
    "tpu.region"() ({
      %run_scoped3A = tpu.sem_alloc : memref<!tpu.dma_semaphore, #tpu.memory_space<semaphore_mem>>
      %dma_start3A = arith.constant 0 : i32
      %dma_start3A_116 = arith.constant 0 : i32
      %dma_start3A_117 = tpu.memref_slice %arg7[%arg0, %dma_start3A, %dma_start3A_116] : memref<2x9728x128xf32, #tpu.memory_space<hbm>> -> memref<1x9728x128xf32, #tpu.memory_space<hbm>>
      %dma_start3A_118 = tpu.memref_squeeze %dma_start3A_117 : memref<1x9728x128xf32, #tpu.memory_space<hbm>> -> memref<9728x128xf32, #tpu.memory_space<hbm>>
      %dma_start3A_119 = arith.constant 0 : i32
      %dma_start3A_120 = tpu.memref_slice %dma_start3A_118[%mul3A_90, %dma_start3A_119] : memref<9728x128xf32, #tpu.memory_space<hbm>> -> memref<608x128xf32, #tpu.memory_space<hbm>>
      %dma_start3A_121 = arith.constant 0 : i32
      %dma_start3A_122 = tpu.memref_slice %arg19[%mul3A_88, %dma_start3A_121] : memref<9728x128xf32, #tpu.memory_space<vmem_shared>> -> memref<608x128xf32, #tpu.memory_space<vmem_shared>>
      tpu.enqueue_dma source(%dma_start3A_122 : memref<608x128xf32, #tpu.memory_space<vmem_shared>>) target(%dma_start3A_120 : memref<608x128xf32, #tpu.memory_space<hbm>>) target_semaphore(%run_scoped3A : memref<!tpu.dma_semaphore, #tpu.memory_space<semaphore_mem>>)
      %dma_wait3A = arith.constant 0 : i32
      %dma_wait3A_123 = arith.constant 0 : i32
      %dma_wait3A_124 = tpu.memref_slice %arg7[%arg0, %dma_wait3A, %dma_wait3A_123] : memref<2x9728x128xf32, #tpu.memory_space<hbm>> -> memref<1x9728x128xf32, #tpu.memory_space<hbm>>
      %dma_wait3A_125 = tpu.memref_squeeze %dma_wait3A_124 : memref<1x9728x128xf32, #tpu.memory_space<hbm>> -> memref<9728x128xf32, #tpu.memory_space<hbm>>
      %dma_wait3A_126 = arith.constant 0 : i32
      %dma_wait3A_127 = tpu.memref_slice %dma_wait3A_125[%mul3A_90, %dma_wait3A_126] : memref<9728x128xf32, #tpu.memory_space<hbm>> -> memref<608x128xf32, #tpu.memory_space<hbm>>
      %dma_wait3A_128 = arith.constant 0 : i32
      %dma_wait3A_129 = tpu.memref_slice %arg19[%mul3A_88, %dma_wait3A_128] : memref<9728x128xf32, #tpu.memory_space<vmem_shared>> -> memref<608x128xf32, #tpu.memory_space<vmem_shared>>
      tpu.wait_dma2 semaphore(%run_scoped3A : memref<!tpu.dma_semaphore, #tpu.memory_space<semaphore_mem>>) src(%dma_wait3A_129 : memref<608x128xf32, #tpu.memory_space<vmem_shared>>) dst(%dma_wait3A_127 : memref<608x128xf32, #tpu.memory_space<hbm>>)
      tpu.yield
    }) : () -> ()
    %barrier3A_91 = arith.constant 0 : index
    tpu.barrier barrier_id(%barrier3A_91)
    %scan3A_92 = arith.constant 0 : i32
    %scan3A_93 = arith.constant 32 : i32
    %scan3A_94 = arith.addi %scan3A_92, %scan3A_93 : i32
    %scan3A_95 = arith.constant 1 : i32
    scf.for %scan3A_116 = %scan3A_92 to %scan3A_94 step %scan3A_95  : i32 {
      %mul3A_117 = arith.constant 1 : i32
      %mul3A_118 = arith.muli %scan3A_116, %mul3A_117 : i32
      %add3A_119 = arith.constant 0 : i32
      %add3A_120 = arith.addi %add3A_119, %mul3A_118 : i32
      %scan3A_121 = arith.constant 0 : i32
      %scan3A_122 = arith.constant 8 : i32
      %scan3A_123 = arith.addi %scan3A_121, %scan3A_122 : i32
      %scan3A_124 = arith.constant 1 : i32
      scf.for %scan3A_126 = %scan3A_121 to %scan3A_123 step %scan3A_124  : i32 {
        %mul3A_127 = arith.constant 16 : i32
        %mul3A_128 = arith.muli %scan3A_126, %mul3A_127 : i32
        %add3A_129 = arith.constant 0 : i32
        %add3A_130 = arith.addi %add3A_129, %mul3A_128 : i32
        %broadcast_in_dim3A = arith.constant 0.000000e+00 : f32
        %broadcast_in_dim3A_131 = vector.broadcast %broadcast_in_dim3A : f32 to vector<16xf32>
        %swap3A = arith.index_cast %add3A_120 : i32 to index
        %swap3A_132 = arith.index_cast %add3A_130 : i32 to index
        %swap3A_133 = tpu.vector_load %arg11[%swap3A, %swap3A_132] {strides = array<i32>} : memref<32x128xf32, #tpu.memory_space<vmem>>, vector<1x16xf32>,
        %swap3A_134 = vector.shape_cast %swap3A_133 : vector<1x16xf32> to vector<16xf32>
        %swap3A_135 = vector.shape_cast %broadcast_in_dim3A_131 : vector<16xf32> to vector<1x16xf32>
        tpu.vector_store %arg11[%swap3A, %swap3A_132], %swap3A_135 {strides = array<i32>} : memref<32x128xf32, #tpu.memory_space<vmem>>, vector<1x16xf32>,
      }
      %scan3A_125 = arith.constant 8 : i32
    }
    %scan3A_96 = arith.constant 32 : i32
    %mul3A_97 = arith.constant 33 : i32
    %mul3A_98 = arith.muli %arg1, %mul3A_97 : i32
    %add3A_99 = arith.constant 0 : i32
    %add3A_100 = arith.addi %mul3A_98, %add3A_99 : i32
    "tpu.region"() ({
      %run_scoped3A = tpu.sem_alloc : memref<!tpu.dma_semaphore, #tpu.memory_space<semaphore_mem>>
      %dma_start3A = arith.constant 0 : i32
      %dma_start3A_116 = tpu.memref_slice %arg19[%add3A_100, %dma_start3A] : memref<9728x128xf32, #tpu.memory_space<vmem_shared>> -> memref<32x128xf32, #tpu.memory_space<vmem_shared>>
      %dma_start3A_117 = arith.constant 0 : i32
      %dma_start3A_118 = tpu.memref_slice %arg19[%add3A_100, %dma_start3A_117] : memref<9728x128xf32, #tpu.memory_space<vmem_shared>> -> memref<32x128xf32, #tpu.memory_space<vmem_shared>>
      tpu.enqueue_dma source(%arg11 : memref<32x128xf32, #tpu.memory_space<vmem>>) target(%dma_start3A_118 : memref<32x128xf32, #tpu.memory_space<vmem_shared>>) target_semaphore(%run_scoped3A : memref<!tpu.dma_semaphore, #tpu.memory_space<semaphore_mem>>)
      %dma_wait3A = arith.constant 0 : i32
      %dma_wait3A_119 = tpu.memref_slice %arg19[%add3A_100, %dma_wait3A] : memref<9728x128xf32, #tpu.memory_space<vmem_shared>> -> memref<32x128xf32, #tpu.memory_space<vmem_shared>>
      %dma_wait3A_120 = arith.constant 0 : i32
      %dma_wait3A_121 = tpu.memref_slice %arg19[%add3A_100, %dma_wait3A_120] : memref<9728x128xf32, #tpu.memory_space<vmem_shared>> -> memref<32x128xf32, #tpu.memory_space<vmem_shared>>
      tpu.wait_dma2 semaphore(%run_scoped3A : memref<!tpu.dma_semaphore, #tpu.memory_space<semaphore_mem>>) src(%arg11 : memref<32x128xf32, #tpu.memory_space<vmem>>) dst(%dma_wait3A_121 : memref<32x128xf32, #tpu.memory_space<vmem_shared>>)
      tpu.yield
    }) : () -> ()
    %mul3A_101 = arith.constant 33 : i32
    %mul3A_102 = arith.muli %arg1, %mul3A_101 : i32
    %add3A_103 = arith.constant 32 : i32
    %add3A_104 = arith.addi %mul3A_102, %add3A_103 : i32
    "tpu.region"() ({
      %run_scoped3A = tpu.sem_alloc : memref<!tpu.dma_semaphore, #tpu.memory_space<semaphore_mem>>
      %dma_start3A = arith.constant 0 : i32
      %dma_start3A_116 = arith.constant 0 : i32
      %dma_start3A_117 = tpu.memref_slice %arg11[%dma_start3A, %dma_start3A_116] : memref<32x128xf32, #tpu.memory_space<vmem>> -> memref<1x128xf32, #tpu.memory_space<vmem>>
      %dma_start3A_118 = arith.constant 0 : i32
      %dma_start3A_119 = tpu.memref_slice %arg19[%add3A_104, %dma_start3A_118] : memref<9728x128xf32, #tpu.memory_space<vmem_shared>> -> memref<1x128xf32, #tpu.memory_space<vmem_shared>>
      %dma_start3A_120 = arith.constant 0 : i32
      %dma_start3A_121 = tpu.memref_slice %arg19[%add3A_104, %dma_start3A_120] : memref<9728x128xf32, #tpu.memory_space<vmem_shared>> -> memref<1x128xf32, #tpu.memory_space<vmem_shared>>
      %dma_start3A_122 = arith.constant 0 : i32
      %dma_start3A_123 = arith.constant 0 : i32
      %dma_start3A_124 = tpu.memref_slice %arg11[%dma_start3A_122, %dma_start3A_123] : memref<32x128xf32, #tpu.memory_space<vmem>> -> memref<1x128xf32, #tpu.memory_space<vmem>>
      tpu.enqueue_dma source(%dma_start3A_124 : memref<1x128xf32, #tpu.memory_space<vmem>>) target(%dma_start3A_121 : memref<1x128xf32, #tpu.memory_space<vmem_shared>>) target_semaphore(%run_scoped3A : memref<!tpu.dma_semaphore, #tpu.memory_space<semaphore_mem>>)
      %dma_wait3A = arith.constant 0 : i32
      %dma_wait3A_125 = arith.constant 0 : i32
      %dma_wait3A_126 = tpu.memref_slice %arg11[%dma_wait3A, %dma_wait3A_125] : memref<32x128xf32, #tpu.memory_space<vmem>> -> memref<1x128xf32, #tpu.memory_space<vmem>>
      %dma_wait3A_127 = arith.constant 0 : i32
      %dma_wait3A_128 = tpu.memref_slice %arg19[%add3A_104, %dma_wait3A_127] : memref<9728x128xf32, #tpu.memory_space<vmem_shared>> -> memref<1x128xf32, #tpu.memory_space<vmem_shared>>
      %dma_wait3A_129 = arith.constant 0 : i32
      %dma_wait3A_130 = tpu.memref_slice %arg19[%add3A_104, %dma_wait3A_129] : memref<9728x128xf32, #tpu.memory_space<vmem_shared>> -> memref<1x128xf32, #tpu.memory_space<vmem_shared>>
      %dma_wait3A_131 = arith.constant 0 : i32
      %dma_wait3A_132 = arith.constant 0 : i32
      %dma_wait3A_133 = tpu.memref_slice %arg11[%dma_wait3A_131, %dma_wait3A_132] : memref<32x128xf32, #tpu.memory_space<vmem>> -> memref<1x128xf32, #tpu.memory_space<vmem>>
      tpu.wait_dma2 semaphore(%run_scoped3A : memref<!tpu.dma_semaphore, #tpu.memory_space<semaphore_mem>>) src(%dma_wait3A_133 : memref<1x128xf32, #tpu.memory_space<vmem>>) dst(%dma_wait3A_130 : memref<1x128xf32, #tpu.memory_space<vmem_shared>>)
      tpu.yield
    }) : () -> ()
    %barrier3A_105 = arith.constant 0 : index
    tpu.barrier barrier_id(%barrier3A_105)
    %scan3A_106 = arith.constant 0 : i32
    %scan3A_107 = arith.constant 40 : i32
    %scan3A_108 = arith.addi %scan3A_106, %scan3A_107 : i32
    %scan3A_109 = arith.constant 1 : i32
    scf.for %scan3A_116 = %scan3A_106 to %scan3A_108 step %scan3A_109  : i32 {
      %mul3A_117 = arith.constant 8 : i32
      %mul3A_118 = arith.muli %scan3A_116, %mul3A_117 : i32
      %add3A_119 = arith.constant 0 : i32
      %add3A_120 = arith.addi %add3A_119, %mul3A_118 : i32
      "tpu.region"() ({
        %run_scoped3A_238 = tpu.sem_alloc : memref<!tpu.dma_semaphore, #tpu.memory_space<semaphore_mem>>
        %dma_start3A_239 = arith.constant 0 : i32
        %dma_start3A_240 = arith.constant 0 : i32
        %dma_start3A_241 = tpu.memref_slice %arg5[%add3A, %dma_start3A_239, %dma_start3A_240] : memref<32x320x32xi32, #tpu.memory_space<hbm>> -> memref<1x320x32xi32, #tpu.memory_space<hbm>>
        %dma_start3A_242 = tpu.memref_squeeze %dma_start3A_241 : memref<1x320x32xi32, #tpu.memory_space<hbm>> -> memref<320x32xi32, #tpu.memory_space<hbm>>
        %dma_start3A_243 = arith.constant 0 : i32
        %dma_start3A_244 = tpu.memref_slice %dma_start3A_242[%add3A_120, %dma_start3A_243] : memref<320x32xi32, #tpu.memory_space<hbm>> -> memref<8x32xi32, #tpu.memory_space<hbm>>
        %dma_start3A_245 = arith.constant 0 : i32
        %dma_start3A_246 = arith.constant 0 : i32
        %dma_start3A_247 = tpu.memref_slice %arg5[%add3A, %dma_start3A_245, %dma_start3A_246] : memref<32x320x32xi32, #tpu.memory_space<hbm>> -> memref<1x320x32xi32, #tpu.memory_space<hbm>>
        %dma_start3A_248 = tpu.memref_squeeze %dma_start3A_247 : memref<1x320x32xi32, #tpu.memory_space<hbm>> -> memref<320x32xi32, #tpu.memory_space<hbm>>
        %dma_start3A_249 = arith.constant 0 : i32
        %dma_start3A_250 = tpu.memref_slice %dma_start3A_248[%add3A_120, %dma_start3A_249] : memref<320x32xi32, #tpu.memory_space<hbm>> -> memref<8x32xi32, #tpu.memory_space<hbm>>
        tpu.enqueue_dma source(%dma_start3A_250 : memref<8x32xi32, #tpu.memory_space<hbm>>) target(%arg9 : memref<8x32xi32, #tpu.memory_space<vmem>>) target_semaphore(%run_scoped3A_238 : memref<!tpu.dma_semaphore, #tpu.memory_space<semaphore_mem>>)
        %dma_wait3A_251 = arith.constant 0 : i32
        %dma_wait3A_252 = arith.constant 0 : i32
        %dma_wait3A_253 = tpu.memref_slice %arg5[%add3A, %dma_wait3A_251, %dma_wait3A_252] : memref<32x320x32xi32, #tpu.memory_space<hbm>> -> memref<1x320x32xi32, #tpu.memory_space<hbm>>
        %dma_wait3A_254 = tpu.memref_squeeze %dma_wait3A_253 : memref<1x320x32xi32, #tpu.memory_space<hbm>> -> memref<320x32xi32, #tpu.memory_space<hbm>>
        %dma_wait3A_255 = arith.constant 0 : i32
        %dma_wait3A_256 = tpu.memref_slice %dma_wait3A_254[%add3A_120, %dma_wait3A_255] : memref<320x32xi32, #tpu.memory_space<hbm>> -> memref<8x32xi32, #tpu.memory_space<hbm>>
        %dma_wait3A_257 = arith.constant 0 : i32
        %dma_wait3A_258 = arith.constant 0 : i32
        %dma_wait3A_259 = tpu.memref_slice %arg5[%add3A, %dma_wait3A_257, %dma_wait3A_258] : memref<32x320x32xi32, #tpu.memory_space<hbm>> -> memref<1x320x32xi32, #tpu.memory_space<hbm>>
        %dma_wait3A_260 = tpu.memref_squeeze %dma_wait3A_259 : memref<1x320x32xi32, #tpu.memory_space<hbm>> -> memref<320x32xi32, #tpu.memory_space<hbm>>
        %dma_wait3A_261 = arith.constant 0 : i32
        %dma_wait3A_262 = tpu.memref_slice %dma_wait3A_260[%add3A_120, %dma_wait3A_261] : memref<320x32xi32, #tpu.memory_space<hbm>> -> memref<8x32xi32, #tpu.memory_space<hbm>>
        tpu.wait_dma2 semaphore(%run_scoped3A_238 : memref<!tpu.dma_semaphore, #tpu.memory_space<semaphore_mem>>) src(%dma_wait3A_262 : memref<8x32xi32, #tpu.memory_space<hbm>>) dst(%arg9 : memref<8x32xi32, #tpu.memory_space<vmem>>)
        tpu.yield
      }) : () -> ()
      "tpu.region"() ({
        %run_scoped3A_238 = tpu.sem_alloc : memref<!tpu.dma_semaphore, #tpu.memory_space<semaphore_mem>>
        %dma_start3A_239 = arith.constant 0 : i32
        %dma_start3A_240 = arith.constant 0 : i32
        %dma_start3A_241 = tpu.memref_slice %arg6[%add3A, %dma_start3A_239, %dma_start3A_240] : memref<32x320x32xi32, #tpu.memory_space<hbm>> -> memref<1x320x32xi32, #tpu.memory_space<hbm>>
        %dma_start3A_242 = tpu.memref_squeeze %dma_start3A_241 : memref<1x320x32xi32, #tpu.memory_space<hbm>> -> memref<320x32xi32, #tpu.memory_space<hbm>>
        %dma_start3A_243 = arith.constant 0 : i32
        %dma_start3A_244 = tpu.memref_slice %dma_start3A_242[%add3A_120, %dma_start3A_243] : memref<320x32xi32, #tpu.memory_space<hbm>> -> memref<8x32xi32, #tpu.memory_space<hbm>>
        %dma_start3A_245 = arith.constant 0 : i32
        %dma_start3A_246 = arith.constant 0 : i32
        %dma_start3A_247 = tpu.memref_slice %arg6[%add3A, %dma_start3A_245, %dma_start3A_246] : memref<32x320x32xi32, #tpu.memory_space<hbm>> -> memref<1x320x32xi32, #tpu.memory_space<hbm>>
        %dma_start3A_248 = tpu.memref_squeeze %dma_start3A_247 : memref<1x320x32xi32, #tpu.memory_space<hbm>> -> memref<320x32xi32, #tpu.memory_space<hbm>>
        %dma_start3A_249 = arith.constant 0 : i32
        %dma_start3A_250 = tpu.memref_slice %dma_start3A_248[%add3A_120, %dma_start3A_249] : memref<320x32xi32, #tpu.memory_space<hbm>> -> memref<8x32xi32, #tpu.memory_space<hbm>>
        tpu.enqueue_dma source(%dma_start3A_250 : memref<8x32xi32, #tpu.memory_space<hbm>>) target(%arg10 : memref<8x32xi32, #tpu.memory_space<vmem>>) target_semaphore(%run_scoped3A_238 : memref<!tpu.dma_semaphore, #tpu.memory_space<semaphore_mem>>)
        %dma_wait3A_251 = arith.constant 0 : i32
        %dma_wait3A_252 = arith.constant 0 : i32
        %dma_wait3A_253 = tpu.memref_slice %arg6[%add3A, %dma_wait3A_251, %dma_wait3A_252] : memref<32x320x32xi32, #tpu.memory_space<hbm>> -> memref<1x320x32xi32, #tpu.memory_space<hbm>>
        %dma_wait3A_254 = tpu.memref_squeeze %dma_wait3A_253 : memref<1x320x32xi32, #tpu.memory_space<hbm>> -> memref<320x32xi32, #tpu.memory_space<hbm>>
        %dma_wait3A_255 = arith.constant 0 : i32
        %dma_wait3A_256 = tpu.memref_slice %dma_wait3A_254[%add3A_120, %dma_wait3A_255] : memref<320x32xi32, #tpu.memory_space<hbm>> -> memref<8x32xi32, #tpu.memory_space<hbm>>
        %dma_wait3A_257 = arith.constant 0 : i32
        %dma_wait3A_258 = arith.constant 0 : i32
        %dma_wait3A_259 = tpu.memref_slice %arg6[%add3A, %dma_wait3A_257, %dma_wait3A_258] : memref<32x320x32xi32, #tpu.memory_space<hbm>> -> memref<1x320x32xi32, #tpu.memory_space<hbm>>
        %dma_wait3A_260 = tpu.memref_squeeze %dma_wait3A_259 : memref<1x320x32xi32, #tpu.memory_space<hbm>> -> memref<320x32xi32, #tpu.memory_space<hbm>>
        %dma_wait3A_261 = arith.constant 0 : i32
        %dma_wait3A_262 = tpu.memref_slice %dma_wait3A_260[%add3A_120, %dma_wait3A_261] : memref<320x32xi32, #tpu.memory_space<hbm>> -> memref<8x32xi32, #tpu.memory_space<hbm>>
        tpu.wait_dma2 semaphore(%run_scoped3A_238 : memref<!tpu.dma_semaphore, #tpu.memory_space<semaphore_mem>>) src(%dma_wait3A_262 : memref<8x32xi32, #tpu.memory_space<hbm>>) dst(%arg10 : memref<8x32xi32, #tpu.memory_space<vmem>>)
        tpu.yield
      }) : () -> ()
      %dma_start3A = arith.constant 0 : i32
      %dma_start3A_121 = arith.constant 0 : i32
      %dma_start3A_122 = tpu.memref_slice %arg9[%dma_start3A, %dma_start3A_121] : memref<8x32xi32, #tpu.memory_space<vmem>> -> memref<1x32xi32, #tpu.memory_space<vmem>>
      %dma_start3A_123 = tpu.memref_squeeze %dma_start3A_122 : memref<1x32xi32, #tpu.memory_space<vmem>> -> memref<32xi32, #tpu.memory_space<vmem>>
      %dma_start3A_124 = arith.constant 0 : i32
      %dma_start3A_125 = arith.constant 0 : i32
      %dma_start3A_126 = tpu.memref_slice %arg2[%dma_start3A_124, %dma_start3A_125] : memref<10240x128xf32, #tpu.memory_space<hbm>> -> memref<10240x128xf32, #tpu.memory_space<hbm>>
      tpu.enqueue_indirect_dma source(%dma_start3A_126 : memref<10240x128xf32, #tpu.memory_space<hbm>>) target(%arg11 : memref<32x128xf32, #tpu.memory_space<vmem>>) offsets(%dma_start3A_123 : memref<32xi32, #tpu.memory_space<vmem>>) semaphore(%arg20 : memref<!tpu.dma_semaphore, #tpu.memory_space<semaphore_mem>>)
      %dma_start3A_127 = arith.constant 1 : i32
      %dma_start3A_128 = arith.constant 0 : i32
      %dma_start3A_129 = tpu.memref_slice %arg9[%dma_start3A_127, %dma_start3A_128] : memref<8x32xi32, #tpu.memory_space<vmem>> -> memref<1x32xi32, #tpu.memory_space<vmem>>
      %dma_start3A_130 = tpu.memref_squeeze %dma_start3A_129 : memref<1x32xi32, #tpu.memory_space<vmem>> -> memref<32xi32, #tpu.memory_space<vmem>>
      %dma_start3A_131 = arith.constant 0 : i32
      %dma_start3A_132 = arith.constant 0 : i32
      %dma_start3A_133 = tpu.memref_slice %arg2[%dma_start3A_131, %dma_start3A_132] : memref<10240x128xf32, #tpu.memory_space<hbm>> -> memref<10240x128xf32, #tpu.memory_space<hbm>>
      tpu.enqueue_indirect_dma source(%dma_start3A_133 : memref<10240x128xf32, #tpu.memory_space<hbm>>) target(%arg12 : memref<32x128xf32, #tpu.memory_space<vmem>>) offsets(%dma_start3A_130 : memref<32xi32, #tpu.memory_space<vmem>>) semaphore(%arg20 : memref<!tpu.dma_semaphore, #tpu.memory_space<semaphore_mem>>)
      %dma_start3A_134 = arith.constant 2 : i32
      %dma_start3A_135 = arith.constant 0 : i32
      %dma_start3A_136 = tpu.memref_slice %arg9[%dma_start3A_134, %dma_start3A_135] : memref<8x32xi32, #tpu.memory_space<vmem>> -> memref<1x32xi32, #tpu.memory_space<vmem>>
      %dma_start3A_137 = tpu.memref_squeeze %dma_start3A_136 : memref<1x32xi32, #tpu.memory_space<vmem>> -> memref<32xi32, #tpu.memory_space<vmem>>
      %dma_start3A_138 = arith.constant 0 : i32
      %dma_start3A_139 = arith.constant 0 : i32
      %dma_start3A_140 = tpu.memref_slice %arg2[%dma_start3A_138, %dma_start3A_139] : memref<10240x128xf32, #tpu.memory_space<hbm>> -> memref<10240x128xf32, #tpu.memory_space<hbm>>
      tpu.enqueue_indirect_dma source(%dma_start3A_140 : memref<10240x128xf32, #tpu.memory_space<hbm>>) target(%arg13 : memref<32x128xf32, #tpu.memory_space<vmem>>) offsets(%dma_start3A_137 : memref<32xi32, #tpu.memory_space<vmem>>) semaphore(%arg20 : memref<!tpu.dma_semaphore, #tpu.memory_space<semaphore_mem>>)
      %dma_start3A_141 = arith.constant 3 : i32
      %dma_start3A_142 = arith.constant 0 : i32
      %dma_start3A_143 = tpu.memref_slice %arg9[%dma_start3A_141, %dma_start3A_142] : memref<8x32xi32, #tpu.memory_space<vmem>> -> memref<1x32xi32, #tpu.memory_space<vmem>>
      %dma_start3A_144 = tpu.memref_squeeze %dma_start3A_143 : memref<1x32xi32, #tpu.memory_space<vmem>> -> memref<32xi32, #tpu.memory_space<vmem>>
      %dma_start3A_145 = arith.constant 0 : i32
      %dma_start3A_146 = arith.constant 0 : i32
      %dma_start3A_147 = tpu.memref_slice %arg2[%dma_start3A_145, %dma_start3A_146] : memref<10240x128xf32, #tpu.memory_space<hbm>> -> memref<10240x128xf32, #tpu.memory_space<hbm>>
      tpu.enqueue_indirect_dma source(%dma_start3A_147 : memref<10240x128xf32, #tpu.memory_space<hbm>>) target(%arg14 : memref<32x128xf32, #tpu.memory_space<vmem>>) offsets(%dma_start3A_144 : memref<32xi32, #tpu.memory_space<vmem>>) semaphore(%arg20 : memref<!tpu.dma_semaphore, #tpu.memory_space<semaphore_mem>>)
      %dma_start3A_148 = arith.constant 4 : i32
      %dma_start3A_149 = arith.constant 0 : i32
      %dma_start3A_150 = tpu.memref_slice %arg9[%dma_start3A_148, %dma_start3A_149] : memref<8x32xi32, #tpu.memory_space<vmem>> -> memref<1x32xi32, #tpu.memory_space<vmem>>
      %dma_start3A_151 = tpu.memref_squeeze %dma_start3A_150 : memref<1x32xi32, #tpu.memory_space<vmem>> -> memref<32xi32, #tpu.memory_space<vmem>>
      %dma_start3A_152 = arith.constant 0 : i32
      %dma_start3A_153 = arith.constant 0 : i32
      %dma_start3A_154 = tpu.memref_slice %arg2[%dma_start3A_152, %dma_start3A_153] : memref<10240x128xf32, #tpu.memory_space<hbm>> -> memref<10240x128xf32, #tpu.memory_space<hbm>>
      tpu.enqueue_indirect_dma source(%dma_start3A_154 : memref<10240x128xf32, #tpu.memory_space<hbm>>) target(%arg15 : memref<32x128xf32, #tpu.memory_space<vmem>>) offsets(%dma_start3A_151 : memref<32xi32, #tpu.memory_space<vmem>>) semaphore(%arg20 : memref<!tpu.dma_semaphore, #tpu.memory_space<semaphore_mem>>)
      %dma_start3A_155 = arith.constant 5 : i32
      %dma_start3A_156 = arith.constant 0 : i32
      %dma_start3A_157 = tpu.memref_slice %arg9[%dma_start3A_155, %dma_start3A_156] : memref<8x32xi32, #tpu.memory_space<vmem>> -> memref<1x32xi32, #tpu.memory_space<vmem>>
      %dma_start3A_158 = tpu.memref_squeeze %dma_start3A_157 : memref<1x32xi32, #tpu.memory_space<vmem>> -> memref<32xi32, #tpu.memory_space<vmem>>
      %dma_start3A_159 = arith.constant 0 : i32
      %dma_start3A_160 = arith.constant 0 : i32
      %dma_start3A_161 = tpu.memref_slice %arg2[%dma_start3A_159, %dma_start3A_160] : memref<10240x128xf32, #tpu.memory_space<hbm>> -> memref<10240x128xf32, #tpu.memory_space<hbm>>
      tpu.enqueue_indirect_dma source(%dma_start3A_161 : memref<10240x128xf32, #tpu.memory_space<hbm>>) target(%arg16 : memref<32x128xf32, #tpu.memory_space<vmem>>) offsets(%dma_start3A_158 : memref<32xi32, #tpu.memory_space<vmem>>) semaphore(%arg20 : memref<!tpu.dma_semaphore, #tpu.memory_space<semaphore_mem>>)
      %dma_start3A_162 = arith.constant 6 : i32
      %dma_start3A_163 = arith.constant 0 : i32
      %dma_start3A_164 = tpu.memref_slice %arg9[%dma_start3A_162, %dma_start3A_163] : memref<8x32xi32, #tpu.memory_space<vmem>> -> memref<1x32xi32, #tpu.memory_space<vmem>>
      %dma_start3A_165 = tpu.memref_squeeze %dma_start3A_164 : memref<1x32xi32, #tpu.memory_space<vmem>> -> memref<32xi32, #tpu.memory_space<vmem>>
      %dma_start3A_166 = arith.constant 0 : i32
      %dma_start3A_167 = arith.constant 0 : i32
      %dma_start3A_168 = tpu.memref_slice %arg2[%dma_start3A_166, %dma_start3A_167] : memref<10240x128xf32, #tpu.memory_space<hbm>> -> memref<10240x128xf32, #tpu.memory_space<hbm>>
      tpu.enqueue_indirect_dma source(%dma_start3A_168 : memref<10240x128xf32, #tpu.memory_space<hbm>>) target(%arg17 : memref<32x128xf32, #tpu.memory_space<vmem>>) offsets(%dma_start3A_165 : memref<32xi32, #tpu.memory_space<vmem>>) semaphore(%arg20 : memref<!tpu.dma_semaphore, #tpu.memory_space<semaphore_mem>>)
      %dma_start3A_169 = arith.constant 7 : i32
      %dma_start3A_170 = arith.constant 0 : i32
      %dma_start3A_171 = tpu.memref_slice %arg9[%dma_start3A_169, %dma_start3A_170] : memref<8x32xi32, #tpu.memory_space<vmem>> -> memref<1x32xi32, #tpu.memory_space<vmem>>
      %dma_start3A_172 = tpu.memref_squeeze %dma_start3A_171 : memref<1x32xi32, #tpu.memory_space<vmem>> -> memref<32xi32, #tpu.memory_space<vmem>>
      %dma_start3A_173 = arith.constant 0 : i32
      %dma_start3A_174 = arith.constant 0 : i32
      %dma_start3A_175 = tpu.memref_slice %arg2[%dma_start3A_173, %dma_start3A_174] : memref<10240x128xf32, #tpu.memory_space<hbm>> -> memref<10240x128xf32, #tpu.memory_space<hbm>>
      tpu.enqueue_indirect_dma source(%dma_start3A_175 : memref<10240x128xf32, #tpu.memory_space<hbm>>) target(%arg18 : memref<32x128xf32, #tpu.memory_space<vmem>>) offsets(%dma_start3A_172 : memref<32xi32, #tpu.memory_space<vmem>>) semaphore(%arg20 : memref<!tpu.dma_semaphore, #tpu.memory_space<semaphore_mem>>)
      %dma_wait3A = arith.constant 0 : i32
      %dma_wait3A_176 = arith.constant 0 : i32
      %dma_wait3A_177 = tpu.memref_slice %arg9[%dma_wait3A, %dma_wait3A_176] : memref<8x32xi32, #tpu.memory_space<vmem>> -> memref<1x32xi32, #tpu.memory_space<vmem>>
      %dma_wait3A_178 = tpu.memref_squeeze %dma_wait3A_177 : memref<1x32xi32, #tpu.memory_space<vmem>> -> memref<32xi32, #tpu.memory_space<vmem>>
      %dma_wait3A_179 = arith.constant 0 : i32
      %dma_wait3A_180 = arith.constant 0 : i32
      %dma_wait3A_181 = tpu.memref_slice %arg2[%dma_wait3A_179, %dma_wait3A_180] : memref<10240x128xf32, #tpu.memory_space<hbm>> -> memref<10240x128xf32, #tpu.memory_space<hbm>>
      tpu.wait_indirect_dma semaphore(%arg20 : memref<!tpu.dma_semaphore, #tpu.memory_space<semaphore_mem>>) src(%dma_wait3A_181 : memref<10240x128xf32, #tpu.memory_space<hbm>>) dst(%arg11 : memref<32x128xf32, #tpu.memory_space<vmem>>)
      %dma_wait3A_182 = arith.constant 0 : i32
      %dma_wait3A_183 = arith.constant 0 : i32
      %dma_wait3A_184 = tpu.memref_slice %arg9[%dma_wait3A_182, %dma_wait3A_183] : memref<8x32xi32, #tpu.memory_space<vmem>> -> memref<1x32xi32, #tpu.memory_space<vmem>>
      %dma_wait3A_185 = tpu.memref_squeeze %dma_wait3A_184 : memref<1x32xi32, #tpu.memory_space<vmem>> -> memref<32xi32, #tpu.memory_space<vmem>>
      %dma_wait3A_186 = arith.constant 0 : i32
      %dma_wait3A_187 = arith.constant 0 : i32
      %dma_wait3A_188 = tpu.memref_slice %arg2[%dma_wait3A_186, %dma_wait3A_187] : memref<10240x128xf32, #tpu.memory_space<hbm>> -> memref<10240x128xf32, #tpu.memory_space<hbm>>
      tpu.wait_indirect_dma semaphore(%arg20 : memref<!tpu.dma_semaphore, #tpu.memory_space<semaphore_mem>>) src(%dma_wait3A_188 : memref<10240x128xf32, #tpu.memory_space<hbm>>) dst(%arg12 : memref<32x128xf32, #tpu.memory_space<vmem>>)
      %dma_wait3A_189 = arith.constant 0 : i32
      %dma_wait3A_190 = arith.constant 0 : i32
      %dma_wait3A_191 = tpu.memref_slice %arg9[%dma_wait3A_189, %dma_wait3A_190] : memref<8x32xi32, #tpu.memory_space<vmem>> -> memref<1x32xi32, #tpu.memory_space<vmem>>
      %dma_wait3A_192 = tpu.memref_squeeze %dma_wait3A_191 : memref<1x32xi32, #tpu.memory_space<vmem>> -> memref<32xi32, #tpu.memory_space<vmem>>
      %dma_wait3A_193 = arith.constant 0 : i32
      %dma_wait3A_194 = arith.constant 0 : i32
      %dma_wait3A_195 = tpu.memref_slice %arg2[%dma_wait3A_193, %dma_wait3A_194] : memref<10240x128xf32, #tpu.memory_space<hbm>> -> memref<10240x128xf32, #tpu.memory_space<hbm>>
      tpu.wait_indirect_dma semaphore(%arg20 : memref<!tpu.dma_semaphore, #tpu.memory_space<semaphore_mem>>) src(%dma_wait3A_195 : memref<10240x128xf32, #tpu.memory_space<hbm>>) dst(%arg13 : memref<32x128xf32, #tpu.memory_space<vmem>>)
      %dma_wait3A_196 = arith.constant 0 : i32
      %dma_wait3A_197 = arith.constant 0 : i32
      %dma_wait3A_198 = tpu.memref_slice %arg9[%dma_wait3A_196, %dma_wait3A_197] : memref<8x32xi32, #tpu.memory_space<vmem>> -> memref<1x32xi32, #tpu.memory_space<vmem>>
      %dma_wait3A_199 = tpu.memref_squeeze %dma_wait3A_198 : memref<1x32xi32, #tpu.memory_space<vmem>> -> memref<32xi32, #tpu.memory_space<vmem>>
      %dma_wait3A_200 = arith.constant 0 : i32
      %dma_wait3A_201 = arith.constant 0 : i32
      %dma_wait3A_202 = tpu.memref_slice %arg2[%dma_wait3A_200, %dma_wait3A_201] : memref<10240x128xf32, #tpu.memory_space<hbm>> -> memref<10240x128xf32, #tpu.memory_space<hbm>>
      tpu.wait_indirect_dma semaphore(%arg20 : memref<!tpu.dma_semaphore, #tpu.memory_space<semaphore_mem>>) src(%dma_wait3A_202 : memref<10240x128xf32, #tpu.memory_space<hbm>>) dst(%arg14 : memref<32x128xf32, #tpu.memory_space<vmem>>)
      %dma_wait3A_203 = arith.constant 0 : i32
      %dma_wait3A_204 = arith.constant 0 : i32
      %dma_wait3A_205 = tpu.memref_slice %arg9[%dma_wait3A_203, %dma_wait3A_204] : memref<8x32xi32, #tpu.memory_space<vmem>> -> memref<1x32xi32, #tpu.memory_space<vmem>>
      %dma_wait3A_206 = tpu.memref_squeeze %dma_wait3A_205 : memref<1x32xi32, #tpu.memory_space<vmem>> -> memref<32xi32, #tpu.memory_space<vmem>>
      %dma_wait3A_207 = arith.constant 0 : i32
      %dma_wait3A_208 = arith.constant 0 : i32
      %dma_wait3A_209 = tpu.memref_slice %arg2[%dma_wait3A_207, %dma_wait3A_208] : memref<10240x128xf32, #tpu.memory_space<hbm>> -> memref<10240x128xf32, #tpu.memory_space<hbm>>
      tpu.wait_indirect_dma semaphore(%arg20 : memref<!tpu.dma_semaphore, #tpu.memory_space<semaphore_mem>>) src(%dma_wait3A_209 : memref<10240x128xf32, #tpu.memory_space<hbm>>) dst(%arg15 : memref<32x128xf32, #tpu.memory_space<vmem>>)
      %dma_wait3A_210 = arith.constant 0 : i32
      %dma_wait3A_211 = arith.constant 0 : i32
      %dma_wait3A_212 = tpu.memref_slice %arg9[%dma_wait3A_210, %dma_wait3A_211] : memref<8x32xi32, #tpu.memory_space<vmem>> -> memref<1x32xi32, #tpu.memory_space<vmem>>
      %dma_wait3A_213 = tpu.memref_squeeze %dma_wait3A_212 : memref<1x32xi32, #tpu.memory_space<vmem>> -> memref<32xi32, #tpu.memory_space<vmem>>
      %dma_wait3A_214 = arith.constant 0 : i32
      %dma_wait3A_215 = arith.constant 0 : i32
      %dma_wait3A_216 = tpu.memref_slice %arg2[%dma_wait3A_214, %dma_wait3A_215] : memref<10240x128xf32, #tpu.memory_space<hbm>> -> memref<10240x128xf32, #tpu.memory_space<hbm>>
      tpu.wait_indirect_dma semaphore(%arg20 : memref<!tpu.dma_semaphore, #tpu.memory_space<semaphore_mem>>) src(%dma_wait3A_216 : memref<10240x128xf32, #tpu.memory_space<hbm>>) dst(%arg16 : memref<32x128xf32, #tpu.memory_space<vmem>>)
      %dma_wait3A_217 = arith.constant 0 : i32
      %dma_wait3A_218 = arith.constant 0 : i32
      %dma_wait3A_219 = tpu.memref_slice %arg9[%dma_wait3A_217, %dma_wait3A_218] : memref<8x32xi32, #tpu.memory_space<vmem>> -> memref<1x32xi32, #tpu.memory_space<vmem>>
      %dma_wait3A_220 = tpu.memref_squeeze %dma_wait3A_219 : memref<1x32xi32, #tpu.memory_space<vmem>> -> memref<32xi32, #tpu.memory_space<vmem>>
      %dma_wait3A_221 = arith.constant 0 : i32
      %dma_wait3A_222 = arith.constant 0 : i32
      %dma_wait3A_223 = tpu.memref_slice %arg2[%dma_wait3A_221, %dma_wait3A_222] : memref<10240x128xf32, #tpu.memory_space<hbm>> -> memref<10240x128xf32, #tpu.memory_space<hbm>>
      tpu.wait_indirect_dma semaphore(%arg20 : memref<!tpu.dma_semaphore, #tpu.memory_space<semaphore_mem>>) src(%dma_wait3A_223 : memref<10240x128xf32, #tpu.memory_space<hbm>>) dst(%arg17 : memref<32x128xf32, #tpu.memory_space<vmem>>)
      %dma_wait3A_224 = arith.constant 0 : i32
      %dma_wait3A_225 = arith.constant 0 : i32
      %dma_wait3A_226 = tpu.memref_slice %arg9[%dma_wait3A_224, %dma_wait3A_225] : memref<8x32xi32, #tpu.memory_space<vmem>> -> memref<1x32xi32, #tpu.memory_space<vmem>>
      %dma_wait3A_227 = tpu.memref_squeeze %dma_wait3A_226 : memref<1x32xi32, #tpu.memory_space<vmem>> -> memref<32xi32, #tpu.memory_space<vmem>>
      %dma_wait3A_228 = arith.constant 0 : i32
      %dma_wait3A_229 = arith.constant 0 : i32
      %dma_wait3A_230 = tpu.memref_slice %arg2[%dma_wait3A_228, %dma_wait3A_229] : memref<10240x128xf32, #tpu.memory_space<hbm>> -> memref<10240x128xf32, #tpu.memory_space<hbm>>
      tpu.wait_indirect_dma semaphore(%arg20 : memref<!tpu.dma_semaphore, #tpu.memory_space<semaphore_mem>>) src(%dma_wait3A_230 : memref<10240x128xf32, #tpu.memory_space<hbm>>) dst(%arg18 : memref<32x128xf32, #tpu.memory_space<vmem>>)
      %run_scoped3A = arith.constant 0 : i32
      "tpu.region"() ({
        %run_scoped3A_238 = tpu.sem_alloc : memref<!tpu.dma_semaphore, #tpu.memory_space<semaphore_mem>>
        %dma_start3A_239 = arith.constant 0 : i32
        %dma_start3A_240 = tpu.memref_slice %arg10[%run_scoped3A, %dma_start3A_239] : memref<8x32xi32, #tpu.memory_space<vmem>> -> memref<1x32xi32, #tpu.memory_space<vmem>>
        %dma_start3A_241 = tpu.memref_squeeze %dma_start3A_240 : memref<1x32xi32, #tpu.memory_space<vmem>> -> memref<32xi32, #tpu.memory_space<vmem>>
        %dma_start3A_242 = arith.constant 0 : i32
        %dma_start3A_243 = arith.constant 0 : i32
        %dma_start3A_244 = tpu.memref_slice %arg19[%dma_start3A_242, %dma_start3A_243] : memref<9728x128xf32, #tpu.memory_space<vmem_shared>> -> memref<9728x128xf32, #tpu.memory_space<vmem_shared>>
        tpu.enqueue_indirect_dma source(%arg11 : memref<32x128xf32, #tpu.memory_space<vmem>>) target(%dma_start3A_244 : memref<9728x128xf32, #tpu.memory_space<vmem_shared>>) offsets(%dma_start3A_241 : memref<32xi32, #tpu.memory_space<vmem>>) semaphore(%run_scoped3A_238 : memref<!tpu.dma_semaphore, #tpu.memory_space<semaphore_mem>>) {add = true}
        %dma_wait3A_245 = arith.constant 0 : i32
        %dma_wait3A_246 = tpu.memref_slice %arg10[%run_scoped3A, %dma_wait3A_245] : memref<8x32xi32, #tpu.memory_space<vmem>> -> memref<1x32xi32, #tpu.memory_space<vmem>>
        %dma_wait3A_247 = tpu.memref_squeeze %dma_wait3A_246 : memref<1x32xi32, #tpu.memory_space<vmem>> -> memref<32xi32, #tpu.memory_space<vmem>>
        %dma_wait3A_248 = arith.constant 0 : i32
        %dma_wait3A_249 = arith.constant 0 : i32
        %dma_wait3A_250 = tpu.memref_slice %arg19[%dma_wait3A_248, %dma_wait3A_249] : memref<9728x128xf32, #tpu.memory_space<vmem_shared>> -> memref<9728x128xf32, #tpu.memory_space<vmem_shared>>
        tpu.wait_indirect_dma semaphore(%run_scoped3A_238 : memref<!tpu.dma_semaphore, #tpu.memory_space<semaphore_mem>>) src(%arg11 : memref<32x128xf32, #tpu.memory_space<vmem>>) dst(%dma_wait3A_250 : memref<9728x128xf32, #tpu.memory_space<vmem_shared>>)
        tpu.yield
      }) : () -> ()
      %run_scoped3A_231 = arith.constant 1 : i32
      "tpu.region"() ({
        %run_scoped3A_238 = tpu.sem_alloc : memref<!tpu.dma_semaphore, #tpu.memory_space<semaphore_mem>>
        %dma_start3A_239 = arith.constant 0 : i32
        %dma_start3A_240 = tpu.memref_slice %arg10[%run_scoped3A_231, %dma_start3A_239] : memref<8x32xi32, #tpu.memory_space<vmem>> -> memref<1x32xi32, #tpu.memory_space<vmem>>
        %dma_start3A_241 = tpu.memref_squeeze %dma_start3A_240 : memref<1x32xi32, #tpu.memory_space<vmem>> -> memref<32xi32, #tpu.memory_space<vmem>>
        %dma_start3A_242 = arith.constant 0 : i32
        %dma_start3A_243 = arith.constant 0 : i32
        %dma_start3A_244 = tpu.memref_slice %arg19[%dma_start3A_242, %dma_start3A_243] : memref<9728x128xf32, #tpu.memory_space<vmem_shared>> -> memref<9728x128xf32, #tpu.memory_space<vmem_shared>>
        tpu.enqueue_indirect_dma source(%arg12 : memref<32x128xf32, #tpu.memory_space<vmem>>) target(%dma_start3A_244 : memref<9728x128xf32, #tpu.memory_space<vmem_shared>>) offsets(%dma_start3A_241 : memref<32xi32, #tpu.memory_space<vmem>>) semaphore(%run_scoped3A_238 : memref<!tpu.dma_semaphore, #tpu.memory_space<semaphore_mem>>) {add = true}
        %dma_wait3A_245 = arith.constant 0 : i32
        %dma_wait3A_246 = tpu.memref_slice %arg10[%run_scoped3A_231, %dma_wait3A_245] : memref<8x32xi32, #tpu.memory_space<vmem>> -> memref<1x32xi32, #tpu.memory_space<vmem>>
        %dma_wait3A_247 = tpu.memref_squeeze %dma_wait3A_246 : memref<1x32xi32, #tpu.memory_space<vmem>> -> memref<32xi32, #tpu.memory_space<vmem>>
        %dma_wait3A_248 = arith.constant 0 : i32
        %dma_wait3A_249 = arith.constant 0 : i32
        %dma_wait3A_250 = tpu.memref_slice %arg19[%dma_wait3A_248, %dma_wait3A_249] : memref<9728x128xf32, #tpu.memory_space<vmem_shared>> -> memref<9728x128xf32, #tpu.memory_space<vmem_shared>>
        tpu.wait_indirect_dma semaphore(%run_scoped3A_238 : memref<!tpu.dma_semaphore, #tpu.memory_space<semaphore_mem>>) src(%arg12 : memref<32x128xf32, #tpu.memory_space<vmem>>) dst(%dma_wait3A_250 : memref<9728x128xf32, #tpu.memory_space<vmem_shared>>)
        tpu.yield
      }) : () -> ()
      %run_scoped3A_232 = arith.constant 2 : i32
      "tpu.region"() ({
        %run_scoped3A_238 = tpu.sem_alloc : memref<!tpu.dma_semaphore, #tpu.memory_space<semaphore_mem>>
        %dma_start3A_239 = arith.constant 0 : i32
        %dma_start3A_240 = tpu.memref_slice %arg10[%run_scoped3A_232, %dma_start3A_239] : memref<8x32xi32, #tpu.memory_space<vmem>> -> memref<1x32xi32, #tpu.memory_space<vmem>>
        %dma_start3A_241 = tpu.memref_squeeze %dma_start3A_240 : memref<1x32xi32, #tpu.memory_space<vmem>> -> memref<32xi32, #tpu.memory_space<vmem>>
        %dma_start3A_242 = arith.constant 0 : i32
        %dma_start3A_243 = arith.constant 0 : i32
        %dma_start3A_244 = tpu.memref_slice %arg19[%dma_start3A_242, %dma_start3A_243] : memref<9728x128xf32, #tpu.memory_space<vmem_shared>> -> memref<9728x128xf32, #tpu.memory_space<vmem_shared>>
        tpu.enqueue_indirect_dma source(%arg13 : memref<32x128xf32, #tpu.memory_space<vmem>>) target(%dma_start3A_244 : memref<9728x128xf32, #tpu.memory_space<vmem_shared>>) offsets(%dma_start3A_241 : memref<32xi32, #tpu.memory_space<vmem>>) semaphore(%run_scoped3A_238 : memref<!tpu.dma_semaphore, #tpu.memory_space<semaphore_mem>>) {add = true}
        %dma_wait3A_245 = arith.constant 0 : i32
        %dma_wait3A_246 = tpu.memref_slice %arg10[%run_scoped3A_232, %dma_wait3A_245] : memref<8x32xi32, #tpu.memory_space<vmem>> -> memref<1x32xi32, #tpu.memory_space<vmem>>
        %dma_wait3A_247 = tpu.memref_squeeze %dma_wait3A_246 : memref<1x32xi32, #tpu.memory_space<vmem>> -> memref<32xi32, #tpu.memory_space<vmem>>
        %dma_wait3A_248 = arith.constant 0 : i32
        %dma_wait3A_249 = arith.constant 0 : i32
        %dma_wait3A_250 = tpu.memref_slice %arg19[%dma_wait3A_248, %dma_wait3A_249] : memref<9728x128xf32, #tpu.memory_space<vmem_shared>> -> memref<9728x128xf32, #tpu.memory_space<vmem_shared>>
        tpu.wait_indirect_dma semaphore(%run_scoped3A_238 : memref<!tpu.dma_semaphore, #tpu.memory_space<semaphore_mem>>) src(%arg13 : memref<32x128xf32, #tpu.memory_space<vmem>>) dst(%dma_wait3A_250 : memref<9728x128xf32, #tpu.memory_space<vmem_shared>>)
        tpu.yield
      }) : () -> ()
      %run_scoped3A_233 = arith.constant 3 : i32
      "tpu.region"() ({
        %run_scoped3A_238 = tpu.sem_alloc : memref<!tpu.dma_semaphore, #tpu.memory_space<semaphore_mem>>
        %dma_start3A_239 = arith.constant 0 : i32
        %dma_start3A_240 = tpu.memref_slice %arg10[%run_scoped3A_233, %dma_start3A_239] : memref<8x32xi32, #tpu.memory_space<vmem>> -> memref<1x32xi32, #tpu.memory_space<vmem>>
        %dma_start3A_241 = tpu.memref_squeeze %dma_start3A_240 : memref<1x32xi32, #tpu.memory_space<vmem>> -> memref<32xi32, #tpu.memory_space<vmem>>
        %dma_start3A_242 = arith.constant 0 : i32
        %dma_start3A_243 = arith.constant 0 : i32
        %dma_start3A_244 = tpu.memref_slice %arg19[%dma_start3A_242, %dma_start3A_243] : memref<9728x128xf32, #tpu.memory_space<vmem_shared>> -> memref<9728x128xf32, #tpu.memory_space<vmem_shared>>
        tpu.enqueue_indirect_dma source(%arg14 : memref<32x128xf32, #tpu.memory_space<vmem>>) target(%dma_start3A_244 : memref<9728x128xf32, #tpu.memory_space<vmem_shared>>) offsets(%dma_start3A_241 : memref<32xi32, #tpu.memory_space<vmem>>) semaphore(%run_scoped3A_238 : memref<!tpu.dma_semaphore, #tpu.memory_space<semaphore_mem>>) {add = true}
        %dma_wait3A_245 = arith.constant 0 : i32
        %dma_wait3A_246 = tpu.memref_slice %arg10[%run_scoped3A_233, %dma_wait3A_245] : memref<8x32xi32, #tpu.memory_space<vmem>> -> memref<1x32xi32, #tpu.memory_space<vmem>>
        %dma_wait3A_247 = tpu.memref_squeeze %dma_wait3A_246 : memref<1x32xi32, #tpu.memory_space<vmem>> -> memref<32xi32, #tpu.memory_space<vmem>>
        %dma_wait3A_248 = arith.constant 0 : i32
        %dma_wait3A_249 = arith.constant 0 : i32
        %dma_wait3A_250 = tpu.memref_slice %arg19[%dma_wait3A_248, %dma_wait3A_249] : memref<9728x128xf32, #tpu.memory_space<vmem_shared>> -> memref<9728x128xf32, #tpu.memory_space<vmem_shared>>
        tpu.wait_indirect_dma semaphore(%run_scoped3A_238 : memref<!tpu.dma_semaphore, #tpu.memory_space<semaphore_mem>>) src(%arg14 : memref<32x128xf32, #tpu.memory_space<vmem>>) dst(%dma_wait3A_250 : memref<9728x128xf32, #tpu.memory_space<vmem_shared>>)
        tpu.yield
      }) : () -> ()
      %run_scoped3A_234 = arith.constant 4 : i32
      "tpu.region"() ({
        %run_scoped3A_238 = tpu.sem_alloc : memref<!tpu.dma_semaphore, #tpu.memory_space<semaphore_mem>>
        %dma_start3A_239 = arith.constant 0 : i32
        %dma_start3A_240 = tpu.memref_slice %arg10[%run_scoped3A_234, %dma_start3A_239] : memref<8x32xi32, #tpu.memory_space<vmem>> -> memref<1x32xi32, #tpu.memory_space<vmem>>
        %dma_start3A_241 = tpu.memref_squeeze %dma_start3A_240 : memref<1x32xi32, #tpu.memory_space<vmem>> -> memref<32xi32, #tpu.memory_space<vmem>>
        %dma_start3A_242 = arith.constant 0 : i32
        %dma_start3A_243 = arith.constant 0 : i32
        %dma_start3A_244 = tpu.memref_slice %arg19[%dma_start3A_242, %dma_start3A_243] : memref<9728x128xf32, #tpu.memory_space<vmem_shared>> -> memref<9728x128xf32, #tpu.memory_space<vmem_shared>>
        tpu.enqueue_indirect_dma source(%arg15 : memref<32x128xf32, #tpu.memory_space<vmem>>) target(%dma_start3A_244 : memref<9728x128xf32, #tpu.memory_space<vmem_shared>>) offsets(%dma_start3A_241 : memref<32xi32, #tpu.memory_space<vmem>>) semaphore(%run_scoped3A_238 : memref<!tpu.dma_semaphore, #tpu.memory_space<semaphore_mem>>) {add = true}
        %dma_wait3A_245 = arith.constant 0 : i32
        %dma_wait3A_246 = tpu.memref_slice %arg10[%run_scoped3A_234, %dma_wait3A_245] : memref<8x32xi32, #tpu.memory_space<vmem>> -> memref<1x32xi32, #tpu.memory_space<vmem>>
        %dma_wait3A_247 = tpu.memref_squeeze %dma_wait3A_246 : memref<1x32xi32, #tpu.memory_space<vmem>> -> memref<32xi32, #tpu.memory_space<vmem>>
        %dma_wait3A_248 = arith.constant 0 : i32
        %dma_wait3A_249 = arith.constant 0 : i32
        %dma_wait3A_250 = tpu.memref_slice %arg19[%dma_wait3A_248, %dma_wait3A_249] : memref<9728x128xf32, #tpu.memory_space<vmem_shared>> -> memref<9728x128xf32, #tpu.memory_space<vmem_shared>>
        tpu.wait_indirect_dma semaphore(%run_scoped3A_238 : memref<!tpu.dma_semaphore, #tpu.memory_space<semaphore_mem>>) src(%arg15 : memref<32x128xf32, #tpu.memory_space<vmem>>) dst(%dma_wait3A_250 : memref<9728x128xf32, #tpu.memory_space<vmem_shared>>)
        tpu.yield
      }) : () -> ()
      %run_scoped3A_235 = arith.constant 5 : i32
      "tpu.region"() ({
        %run_scoped3A_238 = tpu.sem_alloc : memref<!tpu.dma_semaphore, #tpu.memory_space<semaphore_mem>>
        %dma_start3A_239 = arith.constant 0 : i32
        %dma_start3A_240 = tpu.memref_slice %arg10[%run_scoped3A_235, %dma_start3A_239] : memref<8x32xi32, #tpu.memory_space<vmem>> -> memref<1x32xi32, #tpu.memory_space<vmem>>
        %dma_start3A_241 = tpu.memref_squeeze %dma_start3A_240 : memref<1x32xi32, #tpu.memory_space<vmem>> -> memref<32xi32, #tpu.memory_space<vmem>>
        %dma_start3A_242 = arith.constant 0 : i32
        %dma_start3A_243 = arith.constant 0 : i32
        %dma_start3A_244 = tpu.memref_slice %arg19[%dma_start3A_242, %dma_start3A_243] : memref<9728x128xf32, #tpu.memory_space<vmem_shared>> -> memref<9728x128xf32, #tpu.memory_space<vmem_shared>>
        tpu.enqueue_indirect_dma source(%arg16 : memref<32x128xf32, #tpu.memory_space<vmem>>) target(%dma_start3A_244 : memref<9728x128xf32, #tpu.memory_space<vmem_shared>>) offsets(%dma_start3A_241 : memref<32xi32, #tpu.memory_space<vmem>>) semaphore(%run_scoped3A_238 : memref<!tpu.dma_semaphore, #tpu.memory_space<semaphore_mem>>) {add = true}
        %dma_wait3A_245 = arith.constant 0 : i32
        %dma_wait3A_246 = tpu.memref_slice %arg10[%run_scoped3A_235, %dma_wait3A_245] : memref<8x32xi32, #tpu.memory_space<vmem>> -> memref<1x32xi32, #tpu.memory_space<vmem>>
        %dma_wait3A_247 = tpu.memref_squeeze %dma_wait3A_246 : memref<1x32xi32, #tpu.memory_space<vmem>> -> memref<32xi32, #tpu.memory_space<vmem>>
        %dma_wait3A_248 = arith.constant 0 : i32
        %dma_wait3A_249 = arith.constant 0 : i32
        %dma_wait3A_250 = tpu.memref_slice %arg19[%dma_wait3A_248, %dma_wait3A_249] : memref<9728x128xf32, #tpu.memory_space<vmem_shared>> -> memref<9728x128xf32, #tpu.memory_space<vmem_shared>>
        tpu.wait_indirect_dma semaphore(%run_scoped3A_238 : memref<!tpu.dma_semaphore, #tpu.memory_space<semaphore_mem>>) src(%arg16 : memref<32x128xf32, #tpu.memory_space<vmem>>) dst(%dma_wait3A_250 : memref<9728x128xf32, #tpu.memory_space<vmem_shared>>)
        tpu.yield
      }) : () -> ()
      %run_scoped3A_236 = arith.constant 6 : i32
      "tpu.region"() ({
        %run_scoped3A_238 = tpu.sem_alloc : memref<!tpu.dma_semaphore, #tpu.memory_space<semaphore_mem>>
        %dma_start3A_239 = arith.constant 0 : i32
        %dma_start3A_240 = tpu.memref_slice %arg10[%run_scoped3A_236, %dma_start3A_239] : memref<8x32xi32, #tpu.memory_space<vmem>> -> memref<1x32xi32, #tpu.memory_space<vmem>>
        %dma_start3A_241 = tpu.memref_squeeze %dma_start3A_240 : memref<1x32xi32, #tpu.memory_space<vmem>> -> memref<32xi32, #tpu.memory_space<vmem>>
        %dma_start3A_242 = arith.constant 0 : i32
        %dma_start3A_243 = arith.constant 0 : i32
        %dma_start3A_244 = tpu.memref_slice %arg19[%dma_start3A_242, %dma_start3A_243] : memref<9728x128xf32, #tpu.memory_space<vmem_shared>> -> memref<9728x128xf32, #tpu.memory_space<vmem_shared>>
        tpu.enqueue_indirect_dma source(%arg17 : memref<32x128xf32, #tpu.memory_space<vmem>>) target(%dma_start3A_244 : memref<9728x128xf32, #tpu.memory_space<vmem_shared>>) offsets(%dma_start3A_241 : memref<32xi32, #tpu.memory_space<vmem>>) semaphore(%run_scoped3A_238 : memref<!tpu.dma_semaphore, #tpu.memory_space<semaphore_mem>>) {add = true}
        %dma_wait3A_245 = arith.constant 0 : i32
        %dma_wait3A_246 = tpu.memref_slice %arg10[%run_scoped3A_236, %dma_wait3A_245] : memref<8x32xi32, #tpu.memory_space<vmem>> -> memref<1x32xi32, #tpu.memory_space<vmem>>
        %dma_wait3A_247 = tpu.memref_squeeze %dma_wait3A_246 : memref<1x32xi32, #tpu.memory_space<vmem>> -> memref<32xi32, #tpu.memory_space<vmem>>
        %dma_wait3A_248 = arith.constant 0 : i32
        %dma_wait3A_249 = arith.constant 0 : i32
        %dma_wait3A_250 = tpu.memref_slice %arg19[%dma_wait3A_248, %dma_wait3A_249] : memref<9728x128xf32, #tpu.memory_space<vmem_shared>> -> memref<9728x128xf32, #tpu.memory_space<vmem_shared>>
        tpu.wait_indirect_dma semaphore(%run_scoped3A_238 : memref<!tpu.dma_semaphore, #tpu.memory_space<semaphore_mem>>) src(%arg17 : memref<32x128xf32, #tpu.memory_space<vmem>>) dst(%dma_wait3A_250 : memref<9728x128xf32, #tpu.memory_space<vmem_shared>>)
        tpu.yield
      }) : () -> ()
      %run_scoped3A_237 = arith.constant 7 : i32
      "tpu.region"() ({
        %run_scoped3A_238 = tpu.sem_alloc : memref<!tpu.dma_semaphore, #tpu.memory_space<semaphore_mem>>
        %dma_start3A_239 = arith.constant 0 : i32
        %dma_start3A_240 = tpu.memref_slice %arg10[%run_scoped3A_237, %dma_start3A_239] : memref<8x32xi32, #tpu.memory_space<vmem>> -> memref<1x32xi32, #tpu.memory_space<vmem>>
        %dma_start3A_241 = tpu.memref_squeeze %dma_start3A_240 : memref<1x32xi32, #tpu.memory_space<vmem>> -> memref<32xi32, #tpu.memory_space<vmem>>
        %dma_start3A_242 = arith.constant 0 : i32
        %dma_start3A_243 = arith.constant 0 : i32
        %dma_start3A_244 = tpu.memref_slice %arg19[%dma_start3A_242, %dma_start3A_243] : memref<9728x128xf32, #tpu.memory_space<vmem_shared>> -> memref<9728x128xf32, #tpu.memory_space<vmem_shared>>
        tpu.enqueue_indirect_dma source(%arg18 : memref<32x128xf32, #tpu.memory_space<vmem>>) target(%dma_start3A_244 : memref<9728x128xf32, #tpu.memory_space<vmem_shared>>) offsets(%dma_start3A_241 : memref<32xi32, #tpu.memory_space<vmem>>) semaphore(%run_scoped3A_238 : memref<!tpu.dma_semaphore, #tpu.memory_space<semaphore_mem>>) {add = true}
        %dma_wait3A_245 = arith.constant 0 : i32
        %dma_wait3A_246 = tpu.memref_slice %arg10[%run_scoped3A_237, %dma_wait3A_245] : memref<8x32xi32, #tpu.memory_space<vmem>> -> memref<1x32xi32, #tpu.memory_space<vmem>>
        %dma_wait3A_247 = tpu.memref_squeeze %dma_wait3A_246 : memref<1x32xi32, #tpu.memory_space<vmem>> -> memref<32xi32, #tpu.memory_space<vmem>>
        %dma_wait3A_248 = arith.constant 0 : i32
        %dma_wait3A_249 = arith.constant 0 : i32
        %dma_wait3A_250 = tpu.memref_slice %arg19[%dma_wait3A_248, %dma_wait3A_249] : memref<9728x128xf32, #tpu.memory_space<vmem_shared>> -> memref<9728x128xf32, #tpu.memory_space<vmem_shared>>
        tpu.wait_indirect_dma semaphore(%run_scoped3A_238 : memref<!tpu.dma_semaphore, #tpu.memory_space<semaphore_mem>>) src(%arg18 : memref<32x128xf32, #tpu.memory_space<vmem>>) dst(%dma_wait3A_250 : memref<9728x128xf32, #tpu.memory_space<vmem_shared>>)
        tpu.yield
      }) : () -> ()
    }
    %scan3A_110 = arith.constant 40 : i32
    %barrier3A_111 = arith.constant 0 : index
    tpu.barrier barrier_id(%barrier3A_111)
    %mul3A_112 = arith.constant 32 : i32
    %mul3A_113 = arith.muli %arg1, %mul3A_112 : i32
    %mul3A_114 = arith.constant 32 : i32
    %mul3A_115 = arith.muli %arg1, %mul3A_114 : i32
    "tpu.region"() ({
      %run_scoped3A = tpu.sem_alloc : memref<!tpu.dma_semaphore, #tpu.memory_space<semaphore_mem>>
      %dma_start3A = arith.constant 0 : i32
      %dma_start3A_116 = arith.constant 0 : i32
      %dma_start3A_117 = tpu.memref_slice %arg8[%arg0, %dma_start3A, %dma_start3A_116] : memref<2x512x128xf32, #tpu.memory_space<hbm>> -> memref<1x512x128xf32, #tpu.memory_space<hbm>>
      %dma_start3A_118 = tpu.memref_squeeze %dma_start3A_117 : memref<1x512x128xf32, #tpu.memory_space<hbm>> -> memref<512x128xf32, #tpu.memory_space<hbm>>
      %dma_start3A_119 = arith.constant 0 : i32
      %dma_start3A_120 = tpu.memref_slice %dma_start3A_118[%mul3A_115, %dma_start3A_119] : memref<512x128xf32, #tpu.memory_space<hbm>> -> memref<32x128xf32, #tpu.memory_space<hbm>>
      %dma_start3A_121 = arith.constant 0 : i32
      %dma_start3A_122 = tpu.memref_slice %arg19[%mul3A_113, %dma_start3A_121] : memref<9728x128xf32, #tpu.memory_space<vmem_shared>> -> memref<32x128xf32, #tpu.memory_space<vmem_shared>>
      tpu.enqueue_dma source(%dma_start3A_122 : memref<32x128xf32, #tpu.memory_space<vmem_shared>>) target(%dma_start3A_120 : memref<32x128xf32, #tpu.memory_space<hbm>>) target_semaphore(%run_scoped3A : memref<!tpu.dma_semaphore, #tpu.memory_space<semaphore_mem>>)
      %dma_wait3A = arith.constant 0 : i32
      %dma_wait3A_123 = arith.constant 0 : i32
      %dma_wait3A_124 = tpu.memref_slice %arg8[%arg0, %dma_wait3A, %dma_wait3A_123] : memref<2x512x128xf32, #tpu.memory_space<hbm>> -> memref<1x512x128xf32, #tpu.memory_space<hbm>>
      %dma_wait3A_125 = tpu.memref_squeeze %dma_wait3A_124 : memref<1x512x128xf32, #tpu.memory_space<hbm>> -> memref<512x128xf32, #tpu.memory_space<hbm>>
      %dma_wait3A_126 = arith.constant 0 : i32
      %dma_wait3A_127 = tpu.memref_slice %dma_wait3A_125[%mul3A_115, %dma_wait3A_126] : memref<512x128xf32, #tpu.memory_space<hbm>> -> memref<32x128xf32, #tpu.memory_space<hbm>>
      %dma_wait3A_128 = arith.constant 0 : i32
      %dma_wait3A_129 = tpu.memref_slice %arg19[%mul3A_113, %dma_wait3A_128] : memref<9728x128xf32, #tpu.memory_space<vmem_shared>> -> memref<32x128xf32, #tpu.memory_space<vmem_shared>>
      tpu.wait_dma2 semaphore(%run_scoped3A : memref<!tpu.dma_semaphore, #tpu.memory_space<semaphore_mem>>) src(%dma_wait3A_129 : memref<32x128xf32, #tpu.memory_space<vmem_shared>>) dst(%dma_wait3A_127 : memref<32x128xf32, #tpu.memory_space<hbm>>)
      tpu.yield
    }) : () -> ()
    return
  }
}

#map = affine_map<(d0, d1) -> (0, 0)>
#map1 = affine_map<(d0, d1) -> (0, 0, 0)>
module attributes {stable_mosaic.version = 14 : i64} {
  func.func @_agg_body(%arg0: i32, %arg1: i32, %arg2: memref<10240x128xf32, #tpu.memory_space<hbm>>, %arg3: memref<32x320x32xi32, #tpu.memory_space<hbm>>, %arg4: memref<32x320x32xi32, #tpu.memory_space<hbm>>, %arg5: memref<32x320x32xi32, #tpu.memory_space<hbm>>, %arg6: memref<32x320x32xi32, #tpu.memory_space<hbm>>, %arg7: memref<2x9728x128xf32, #tpu.memory_space<hbm>>, %arg8: memref<2x512x128xf32, #tpu.memory_space<hbm>>, %arg9: memref<8x32xi32, #tpu.memory_space<vmem>>, %arg10: memref<8x32xi32, #tpu.memory_space<vmem>>, %arg11: memref<32x128xf32, #tpu.memory_space<vmem>>, %arg12: memref<32x128xf32, #tpu.memory_space<vmem>>, %arg13: memref<32x128xf32, #tpu.memory_space<vmem>>, %arg14: memref<32x128xf32, #tpu.memory_space<vmem>>, %arg15: memref<32x128xf32, #tpu.memory_space<vmem>>, %arg16: memref<32x128xf32, #tpu.memory_space<vmem>>, %arg17: memref<32x128xf32, #tpu.memory_space<vmem>>, %arg18: memref<32x128xf32, #tpu.memory_space<vmem>>, %arg19: memref<9728x128xf32, #tpu.memory_space<vmem_shared>>, %arg20: memref<!tpu.dma_semaphore, #tpu.memory_space<semaphore_mem>>) attributes {dimension_semantics = [#tpu.dimension_semantics<core_parallel>, #tpu.dimension_semantics<subcore_parallel>], iteration_bounds = array<i64: 2, 16>, scalar_prefetch = 0 : i64, scratch_operands = 12 : i64, tpu.core_type = #tpu.core_type<sc_vector_subcore>, window_params = [{transform_indices = #map}, {transform_indices = #map1}, {transform_indices = #map1}, {transform_indices = #map1}, {transform_indices = #map1}, {transform_indices = #map1}, {transform_indices = #map1}]} {
    %mul3A = arith.constant 16 : i32
    %mul3A_0 = arith.muli %arg0, %mul3A : i32
    %add3A = arith.addi %mul3A_0, %arg1 : i32
    %scan3A = arith.constant 0 : i32
    %scan3A_1 = arith.constant 32 : i32
    %scan3A_2 = arith.addi %scan3A, %scan3A_1 : i32
    %scan3A_3 = arith.constant 1 : i32
    scf.for %scan3A_116 = %scan3A to %scan3A_2 step %scan3A_3  : i32 {
      %mul3A_117 = arith.constant 1 : i32
      %mul3A_118 = arith.muli %scan3A_116, %mul3A_117 : i32
      %add3A_119 = arith.constant 0 : i32
      %add3A_120 = arith.addi %add3A_119, %mul3A_118 : i32
      %scan3A_121 = arith.constant 0 : i32
      %scan3A_122 = arith.constant 8 : i32
      %scan3A_123 = arith.addi %scan3A_121, %scan3A_122 : i32
      %scan3A_124 = arith.constant 1 : i32
      scf.for %scan3A_126 = %scan3A_121 to %scan3A_123 step %scan3A_124  : i32 {
        %mul3A_127 = arith.constant 16 : i32
        %mul3A_128 = arith.muli %scan3A_126, %mul3A_127 : i32
        %add3A_129 = arith.constant 0 : i32
        %add3A_130 = arith.addi %add3A_129, %mul3A_128 : i32
        %broadcast_in_dim3A = arith.constant 0.000000e+00 : f32
        %broadcast_in_dim3A_131 = vector.broadcast %broadcast_in_dim3A : f32 to vector<16xf32>
        %swap3A = arith.index_cast %add3A_120 : i32 to index
        %swap3A_132 = arith.index_cast %add3A_130 : i32 to index
        %swap3A_133 = tpu.vector_load %arg11[%swap3A, %swap3A_132] {strides = array<i32>} : memref<32x128xf32, #tpu.memory_space<vmem>>, vector<1x16xf32>,
        %swap3A_134 = vector.shape_cast %swap3A_133 : vector<1x16xf32> to vector<16xf32>
        %swap3A_135 = vector.shape_cast %broadcast_in_dim3A_131 : vector<16xf32> to vector<1x16xf32>
        tpu.vector_store %arg11[%swap3A, %swap3A_132], %swap3A_135 {strides = array<i32>} : memref<32x128xf32, #tpu.memory_space<vmem>>, vector<1x16xf32>,
      }
      %scan3A_125 = arith.constant 8 : i32
    }
    %scan3A_4 = arith.constant 32 : i32
    %mul3A_5 = arith.constant 608 : i32
    %mul3A_6 = arith.muli %arg1, %mul3A_5 : i32
    %add3A_7 = arith.constant 0 : i32
    %add3A_8 = arith.addi %mul3A_6, %add3A_7 : i32
    "tpu.region"() ({
      %run_scoped3A = tpu.sem_alloc : memref<!tpu.dma_semaphore, #tpu.memory_space<semaphore_mem>>
      %dma_start3A = arith.constant 0 : i32
      %dma_start3A_116 = tpu.memref_slice %arg19[%add3A_8, %dma_start3A] : memref<9728x128xf32, #tpu.memory_space<vmem_shared>> -> memref<32x128xf32, #tpu.memory_space<vmem_shared>>
      %dma_start3A_117 = arith.constant 0 : i32
      %dma_start3A_118 = tpu.memref_slice %arg19[%add3A_8, %dma_start3A_117] : memref<9728x128xf32, #tpu.memory_space<vmem_shared>> -> memref<32x128xf32, #tpu.memory_space<vmem_shared>>
      tpu.enqueue_dma source(%arg11 : memref<32x128xf32, #tpu.memory_space<vmem>>) target(%dma_start3A_118 : memref<32x128xf32, #tpu.memory_space<vmem_shared>>) target_semaphore(%run_scoped3A : memref<!tpu.dma_semaphore, #tpu.memory_space<semaphore_mem>>)
      %dma_wait3A = arith.constant 0 : i32
      %dma_wait3A_119 = tpu.memref_slice %arg19[%add3A_8, %dma_wait3A] : memref<9728x128xf32, #tpu.memory_space<vmem_shared>> -> memref<32x128xf32, #tpu.memory_space<vmem_shared>>
      %dma_wait3A_120 = arith.constant 0 : i32
      %dma_wait3A_121 = tpu.memref_slice %arg19[%add3A_8, %dma_wait3A_120] : memref<9728x128xf32, #tpu.memory_space<vmem_shared>> -> memref<32x128xf32, #tpu.memory_space<vmem_shared>>
      tpu.wait_dma2 semaphore(%run_scoped3A : memref<!tpu.dma_semaphore, #tpu.memory_space<semaphore_mem>>) src(%arg11 : memref<32x128xf32, #tpu.memory_space<vmem>>) dst(%dma_wait3A_121 : memref<32x128xf32, #tpu.memory_space<vmem_shared>>)
      tpu.yield
    }) : () -> ()
    %mul3A_9 = arith.constant 608 : i32
    %mul3A_10 = arith.muli %arg1, %mul3A_9 : i32
    %add3A_11 = arith.constant 32 : i32
    %add3A_12 = arith.addi %mul3A_10, %add3A_11 : i32
    "tpu.region"() ({
      %run_scoped3A = tpu.sem_alloc : memref<!tpu.dma_semaphore, #tpu.memory_space<semaphore_mem>>
      %dma_start3A = arith.constant 0 : i32
      %dma_start3A_116 = tpu.memref_slice %arg19[%add3A_12, %dma_start3A] : memref<9728x128xf32, #tpu.memory_space<vmem_shared>> -> memref<32x128xf32, #tpu.memory_space<vmem_shared>>
      %dma_start3A_117 = arith.constant 0 : i32
      %dma_start3A_118 = tpu.memref_slice %arg19[%add3A_12, %dma_start3A_117] : memref<9728x128xf32, #tpu.memory_space<vmem_shared>> -> memref<32x128xf32, #tpu.memory_space<vmem_shared>>
      tpu.enqueue_dma source(%arg11 : memref<32x128xf32, #tpu.memory_space<vmem>>) target(%dma_start3A_118 : memref<32x128xf32, #tpu.memory_space<vmem_shared>>) target_semaphore(%run_scoped3A : memref<!tpu.dma_semaphore, #tpu.memory_space<semaphore_mem>>)
      %dma_wait3A = arith.constant 0 : i32
      %dma_wait3A_119 = tpu.memref_slice %arg19[%add3A_12, %dma_wait3A] : memref<9728x128xf32, #tpu.memory_space<vmem_shared>> -> memref<32x128xf32, #tpu.memory_space<vmem_shared>>
      %dma_wait3A_120 = arith.constant 0 : i32
      %dma_wait3A_121 = tpu.memref_slice %arg19[%add3A_12, %dma_wait3A_120] : memref<9728x128xf32, #tpu.memory_space<vmem_shared>> -> memref<32x128xf32, #tpu.memory_space<vmem_shared>>
      tpu.wait_dma2 semaphore(%run_scoped3A : memref<!tpu.dma_semaphore, #tpu.memory_space<semaphore_mem>>) src(%arg11 : memref<32x128xf32, #tpu.memory_space<vmem>>) dst(%dma_wait3A_121 : memref<32x128xf32, #tpu.memory_space<vmem_shared>>)
      tpu.yield
    }) : () -> ()
    %mul3A_13 = arith.constant 608 : i32
    %mul3A_14 = arith.muli %arg1, %mul3A_13 : i32
    %add3A_15 = arith.constant 64 : i32
    %add3A_16 = arith.addi %mul3A_14, %add3A_15 : i32
    "tpu.region"() ({
      %run_scoped3A = tpu.sem_alloc : memref<!tpu.dma_semaphore, #tpu.memory_space<semaphore_mem>>
      %dma_start3A = arith.constant 0 : i32
      %dma_start3A_116 = tpu.memref_slice %arg19[%add3A_16, %dma_start3A] : memref<9728x128xf32, #tpu.memory_space<vmem_shared>> -> memref<32x128xf32, #tpu.memory_space<vmem_shared>>
      %dma_start3A_117 = arith.constant 0 : i32
      %dma_start3A_118 = tpu.memref_slice %arg19[%add3A_16, %dma_start3A_117] : memref<9728x128xf32, #tpu.memory_space<vmem_shared>> -> memref<32x128xf32, #tpu.memory_space<vmem_shared>>
      tpu.enqueue_dma source(%arg11 : memref<32x128xf32, #tpu.memory_space<vmem>>) target(%dma_start3A_118 : memref<32x128xf32, #tpu.memory_space<vmem_shared>>) target_semaphore(%run_scoped3A : memref<!tpu.dma_semaphore, #tpu.memory_space<semaphore_mem>>)
      %dma_wait3A = arith.constant 0 : i32
      %dma_wait3A_119 = tpu.memref_slice %arg19[%add3A_16, %dma_wait3A] : memref<9728x128xf32, #tpu.memory_space<vmem_shared>> -> memref<32x128xf32, #tpu.memory_space<vmem_shared>>
      %dma_wait3A_120 = arith.constant 0 : i32
      %dma_wait3A_121 = tpu.memref_slice %arg19[%add3A_16, %dma_wait3A_120] : memref<9728x128xf32, #tpu.memory_space<vmem_shared>> -> memref<32x128xf32, #tpu.memory_space<vmem_shared>>
      tpu.wait_dma2 semaphore(%run_scoped3A : memref<!tpu.dma_semaphore, #tpu.memory_space<semaphore_mem>>) src(%arg11 : memref<32x128xf32, #tpu.memory_space<vmem>>) dst(%dma_wait3A_121 : memref<32x128xf32, #tpu.memory_space<vmem_shared>>)
      tpu.yield
    }) : () -> ()
    %mul3A_17 = arith.constant 608 : i32
    %mul3A_18 = arith.muli %arg1, %mul3A_17 : i32
    %add3A_19 = arith.constant 96 : i32
    %add3A_20 = arith.addi %mul3A_18, %add3A_19 : i32
    "tpu.region"() ({
      %run_scoped3A = tpu.sem_alloc : memref<!tpu.dma_semaphore, #tpu.memory_space<semaphore_mem>>
      %dma_start3A = arith.constant 0 : i32
      %dma_start3A_116 = tpu.memref_slice %arg19[%add3A_20, %dma_start3A] : memref<9728x128xf32, #tpu.memory_space<vmem_shared>> -> memref<32x128xf32, #tpu.memory_space<vmem_shared>>
      %dma_start3A_117 = arith.constant 0 : i32
      %dma_start3A_118 = tpu.memref_slice %arg19[%add3A_20, %dma_start3A_117] : memref<9728x128xf32, #tpu.memory_space<vmem_shared>> -> memref<32x128xf32, #tpu.memory_space<vmem_shared>>
      tpu.enqueue_dma source(%arg11 : memref<32x128xf32, #tpu.memory_space<vmem>>) target(%dma_start3A_118 : memref<32x128xf32, #tpu.memory_space<vmem_shared>>) target_semaphore(%run_scoped3A : memref<!tpu.dma_semaphore, #tpu.memory_space<semaphore_mem>>)
      %dma_wait3A = arith.constant 0 : i32
      %dma_wait3A_119 = tpu.memref_slice %arg19[%add3A_20, %dma_wait3A] : memref<9728x128xf32, #tpu.memory_space<vmem_shared>> -> memref<32x128xf32, #tpu.memory_space<vmem_shared>>
      %dma_wait3A_120 = arith.constant 0 : i32
      %dma_wait3A_121 = tpu.memref_slice %arg19[%add3A_20, %dma_wait3A_120] : memref<9728x128xf32, #tpu.memory_space<vmem_shared>> -> memref<32x128xf32, #tpu.memory_space<vmem_shared>>
      tpu.wait_dma2 semaphore(%run_scoped3A : memref<!tpu.dma_semaphore, #tpu.memory_space<semaphore_mem>>) src(%arg11 : memref<32x128xf32, #tpu.memory_space<vmem>>) dst(%dma_wait3A_121 : memref<32x128xf32, #tpu.memory_space<vmem_shared>>)
      tpu.yield
    }) : () -> ()
    %mul3A_21 = arith.constant 608 : i32
    %mul3A_22 = arith.muli %arg1, %mul3A_21 : i32
    %add3A_23 = arith.constant 128 : i32
    %add3A_24 = arith.addi %mul3A_22, %add3A_23 : i32
    "tpu.region"() ({
      %run_scoped3A = tpu.sem_alloc : memref<!tpu.dma_semaphore, #tpu.memory_space<semaphore_mem>>
      %dma_start3A = arith.constant 0 : i32
      %dma_start3A_116 = tpu.memref_slice %arg19[%add3A_24, %dma_start3A] : memref<9728x128xf32, #tpu.memory_space<vmem_shared>> -> memref<32x128xf32, #tpu.memory_space<vmem_shared>>
      %dma_start3A_117 = arith.constant 0 : i32
      %dma_start3A_118 = tpu.memref_slice %arg19[%add3A_24, %dma_start3A_117] : memref<9728x128xf32, #tpu.memory_space<vmem_shared>> -> memref<32x128xf32, #tpu.memory_space<vmem_shared>>
      tpu.enqueue_dma source(%arg11 : memref<32x128xf32, #tpu.memory_space<vmem>>) target(%dma_start3A_118 : memref<32x128xf32, #tpu.memory_space<vmem_shared>>) target_semaphore(%run_scoped3A : memref<!tpu.dma_semaphore, #tpu.memory_space<semaphore_mem>>)
      %dma_wait3A = arith.constant 0 : i32
      %dma_wait3A_119 = tpu.memref_slice %arg19[%add3A_24, %dma_wait3A] : memref<9728x128xf32, #tpu.memory_space<vmem_shared>> -> memref<32x128xf32, #tpu.memory_space<vmem_shared>>
      %dma_wait3A_120 = arith.constant 0 : i32
      %dma_wait3A_121 = tpu.memref_slice %arg19[%add3A_24, %dma_wait3A_120] : memref<9728x128xf32, #tpu.memory_space<vmem_shared>> -> memref<32x128xf32, #tpu.memory_space<vmem_shared>>
      tpu.wait_dma2 semaphore(%run_scoped3A : memref<!tpu.dma_semaphore, #tpu.memory_space<semaphore_mem>>) src(%arg11 : memref<32x128xf32, #tpu.memory_space<vmem>>) dst(%dma_wait3A_121 : memref<32x128xf32, #tpu.memory_space<vmem_shared>>)
      tpu.yield
    }) : () -> ()
    %mul3A_25 = arith.constant 608 : i32
    %mul3A_26 = arith.muli %arg1, %mul3A_25 : i32
    %add3A_27 = arith.constant 160 : i32
    %add3A_28 = arith.addi %mul3A_26, %add3A_27 : i32
    "tpu.region"() ({
      %run_scoped3A = tpu.sem_alloc : memref<!tpu.dma_semaphore, #tpu.memory_space<semaphore_mem>>
      %dma_start3A = arith.constant 0 : i32
      %dma_start3A_116 = tpu.memref_slice %arg19[%add3A_28, %dma_start3A] : memref<9728x128xf32, #tpu.memory_space<vmem_shared>> -> memref<32x128xf32, #tpu.memory_space<vmem_shared>>
      %dma_start3A_117 = arith.constant 0 : i32
      %dma_start3A_118 = tpu.memref_slice %arg19[%add3A_28, %dma_start3A_117] : memref<9728x128xf32, #tpu.memory_space<vmem_shared>> -> memref<32x128xf32, #tpu.memory_space<vmem_shared>>
      tpu.enqueue_dma source(%arg11 : memref<32x128xf32, #tpu.memory_space<vmem>>) target(%dma_start3A_118 : memref<32x128xf32, #tpu.memory_space<vmem_shared>>) target_semaphore(%run_scoped3A : memref<!tpu.dma_semaphore, #tpu.memory_space<semaphore_mem>>)
      %dma_wait3A = arith.constant 0 : i32
      %dma_wait3A_119 = tpu.memref_slice %arg19[%add3A_28, %dma_wait3A] : memref<9728x128xf32, #tpu.memory_space<vmem_shared>> -> memref<32x128xf32, #tpu.memory_space<vmem_shared>>
      %dma_wait3A_120 = arith.constant 0 : i32
      %dma_wait3A_121 = tpu.memref_slice %arg19[%add3A_28, %dma_wait3A_120] : memref<9728x128xf32, #tpu.memory_space<vmem_shared>> -> memref<32x128xf32, #tpu.memory_space<vmem_shared>>
      tpu.wait_dma2 semaphore(%run_scoped3A : memref<!tpu.dma_semaphore, #tpu.memory_space<semaphore_mem>>) src(%arg11 : memref<32x128xf32, #tpu.memory_space<vmem>>) dst(%dma_wait3A_121 : memref<32x128xf32, #tpu.memory_space<vmem_shared>>)
      tpu.yield
    }) : () -> ()
    %mul3A_29 = arith.constant 608 : i32
    %mul3A_30 = arith.muli %arg1, %mul3A_29 : i32
    %add3A_31 = arith.constant 192 : i32
    %add3A_32 = arith.addi %mul3A_30, %add3A_31 : i32
    "tpu.region"() ({
      %run_scoped3A = tpu.sem_alloc : memref<!tpu.dma_semaphore, #tpu.memory_space<semaphore_mem>>
      %dma_start3A = arith.constant 0 : i32
      %dma_start3A_116 = tpu.memref_slice %arg19[%add3A_32, %dma_start3A] : memref<9728x128xf32, #tpu.memory_space<vmem_shared>> -> memref<32x128xf32, #tpu.memory_space<vmem_shared>>
      %dma_start3A_117 = arith.constant 0 : i32
      %dma_start3A_118 = tpu.memref_slice %arg19[%add3A_32, %dma_start3A_117] : memref<9728x128xf32, #tpu.memory_space<vmem_shared>> -> memref<32x128xf32, #tpu.memory_space<vmem_shared>>
      tpu.enqueue_dma source(%arg11 : memref<32x128xf32, #tpu.memory_space<vmem>>) target(%dma_start3A_118 : memref<32x128xf32, #tpu.memory_space<vmem_shared>>) target_semaphore(%run_scoped3A : memref<!tpu.dma_semaphore, #tpu.memory_space<semaphore_mem>>)
      %dma_wait3A = arith.constant 0 : i32
      %dma_wait3A_119 = tpu.memref_slice %arg19[%add3A_32, %dma_wait3A] : memref<9728x128xf32, #tpu.memory_space<vmem_shared>> -> memref<32x128xf32, #tpu.memory_space<vmem_shared>>
      %dma_wait3A_120 = arith.constant 0 : i32
      %dma_wait3A_121 = tpu.memref_slice %arg19[%add3A_32, %dma_wait3A_120] : memref<9728x128xf32, #tpu.memory_space<vmem_shared>> -> memref<32x128xf32, #tpu.memory_space<vmem_shared>>
      tpu.wait_dma2 semaphore(%run_scoped3A : memref<!tpu.dma_semaphore, #tpu.memory_space<semaphore_mem>>) src(%arg11 : memref<32x128xf32, #tpu.memory_space<vmem>>) dst(%dma_wait3A_121 : memref<32x128xf32, #tpu.memory_space<vmem_shared>>)
      tpu.yield
    }) : () -> ()
    %mul3A_33 = arith.constant 608 : i32
    %mul3A_34 = arith.muli %arg1, %mul3A_33 : i32
    %add3A_35 = arith.constant 224 : i32
    %add3A_36 = arith.addi %mul3A_34, %add3A_35 : i32
    "tpu.region"() ({
      %run_scoped3A = tpu.sem_alloc : memref<!tpu.dma_semaphore, #tpu.memory_space<semaphore_mem>>
      %dma_start3A = arith.constant 0 : i32
      %dma_start3A_116 = tpu.memref_slice %arg19[%add3A_36, %dma_start3A] : memref<9728x128xf32, #tpu.memory_space<vmem_shared>> -> memref<32x128xf32, #tpu.memory_space<vmem_shared>>
      %dma_start3A_117 = arith.constant 0 : i32
      %dma_start3A_118 = tpu.memref_slice %arg19[%add3A_36, %dma_start3A_117] : memref<9728x128xf32, #tpu.memory_space<vmem_shared>> -> memref<32x128xf32, #tpu.memory_space<vmem_shared>>
      tpu.enqueue_dma source(%arg11 : memref<32x128xf32, #tpu.memory_space<vmem>>) target(%dma_start3A_118 : memref<32x128xf32, #tpu.memory_space<vmem_shared>>) target_semaphore(%run_scoped3A : memref<!tpu.dma_semaphore, #tpu.memory_space<semaphore_mem>>)
      %dma_wait3A = arith.constant 0 : i32
      %dma_wait3A_119 = tpu.memref_slice %arg19[%add3A_36, %dma_wait3A] : memref<9728x128xf32, #tpu.memory_space<vmem_shared>> -> memref<32x128xf32, #tpu.memory_space<vmem_shared>>
      %dma_wait3A_120 = arith.constant 0 : i32
      %dma_wait3A_121 = tpu.memref_slice %arg19[%add3A_36, %dma_wait3A_120] : memref<9728x128xf32, #tpu.memory_space<vmem_shared>> -> memref<32x128xf32, #tpu.memory_space<vmem_shared>>
      tpu.wait_dma2 semaphore(%run_scoped3A : memref<!tpu.dma_semaphore, #tpu.memory_space<semaphore_mem>>) src(%arg11 : memref<32x128xf32, #tpu.memory_space<vmem>>) dst(%dma_wait3A_121 : memref<32x128xf32, #tpu.memory_space<vmem_shared>>)
      tpu.yield
    }) : () -> ()
    %mul3A_37 = arith.constant 608 : i32
    %mul3A_38 = arith.muli %arg1, %mul3A_37 : i32
    %add3A_39 = arith.constant 256 : i32
    %add3A_40 = arith.addi %mul3A_38, %add3A_39 : i32
    "tpu.region"() ({
      %run_scoped3A = tpu.sem_alloc : memref<!tpu.dma_semaphore, #tpu.memory_space<semaphore_mem>>
      %dma_start3A = arith.constant 0 : i32
      %dma_start3A_116 = tpu.memref_slice %arg19[%add3A_40, %dma_start3A] : memref<9728x128xf32, #tpu.memory_space<vmem_shared>> -> memref<32x128xf32, #tpu.memory_space<vmem_shared>>
      %dma_start3A_117 = arith.constant 0 : i32
      %dma_start3A_118 = tpu.memref_slice %arg19[%add3A_40, %dma_start3A_117] : memref<9728x128xf32, #tpu.memory_space<vmem_shared>> -> memref<32x128xf32, #tpu.memory_space<vmem_shared>>
      tpu.enqueue_dma source(%arg11 : memref<32x128xf32, #tpu.memory_space<vmem>>) target(%dma_start3A_118 : memref<32x128xf32, #tpu.memory_space<vmem_shared>>) target_semaphore(%run_scoped3A : memref<!tpu.dma_semaphore, #tpu.memory_space<semaphore_mem>>)
      %dma_wait3A = arith.constant 0 : i32
      %dma_wait3A_119 = tpu.memref_slice %arg19[%add3A_40, %dma_wait3A] : memref<9728x128xf32, #tpu.memory_space<vmem_shared>> -> memref<32x128xf32, #tpu.memory_space<vmem_shared>>
      %dma_wait3A_120 = arith.constant 0 : i32
      %dma_wait3A_121 = tpu.memref_slice %arg19[%add3A_40, %dma_wait3A_120] : memref<9728x128xf32, #tpu.memory_space<vmem_shared>> -> memref<32x128xf32, #tpu.memory_space<vmem_shared>>
      tpu.wait_dma2 semaphore(%run_scoped3A : memref<!tpu.dma_semaphore, #tpu.memory_space<semaphore_mem>>) src(%arg11 : memref<32x128xf32, #tpu.memory_space<vmem>>) dst(%dma_wait3A_121 : memref<32x128xf32, #tpu.memory_space<vmem_shared>>)
      tpu.yield
    }) : () -> ()
    %mul3A_41 = arith.constant 608 : i32
    %mul3A_42 = arith.muli %arg1, %mul3A_41 : i32
    %add3A_43 = arith.constant 288 : i32
    %add3A_44 = arith.addi %mul3A_42, %add3A_43 : i32
    "tpu.region"() ({
      %run_scoped3A = tpu.sem_alloc : memref<!tpu.dma_semaphore, #tpu.memory_space<semaphore_mem>>
      %dma_start3A = arith.constant 0 : i32
      %dma_start3A_116 = tpu.memref_slice %arg19[%add3A_44, %dma_start3A] : memref<9728x128xf32, #tpu.memory_space<vmem_shared>> -> memref<32x128xf32, #tpu.memory_space<vmem_shared>>
      %dma_start3A_117 = arith.constant 0 : i32
      %dma_start3A_118 = tpu.memref_slice %arg19[%add3A_44, %dma_start3A_117] : memref<9728x128xf32, #tpu.memory_space<vmem_shared>> -> memref<32x128xf32, #tpu.memory_space<vmem_shared>>
      tpu.enqueue_dma source(%arg11 : memref<32x128xf32, #tpu.memory_space<vmem>>) target(%dma_start3A_118 : memref<32x128xf32, #tpu.memory_space<vmem_shared>>) target_semaphore(%run_scoped3A : memref<!tpu.dma_semaphore, #tpu.memory_space<semaphore_mem>>)
      %dma_wait3A = arith.constant 0 : i32
      %dma_wait3A_119 = tpu.memref_slice %arg19[%add3A_44, %dma_wait3A] : memref<9728x128xf32, #tpu.memory_space<vmem_shared>> -> memref<32x128xf32, #tpu.memory_space<vmem_shared>>
      %dma_wait3A_120 = arith.constant 0 : i32
      %dma_wait3A_121 = tpu.memref_slice %arg19[%add3A_44, %dma_wait3A_120] : memref<9728x128xf32, #tpu.memory_space<vmem_shared>> -> memref<32x128xf32, #tpu.memory_space<vmem_shared>>
      tpu.wait_dma2 semaphore(%run_scoped3A : memref<!tpu.dma_semaphore, #tpu.memory_space<semaphore_mem>>) src(%arg11 : memref<32x128xf32, #tpu.memory_space<vmem>>) dst(%dma_wait3A_121 : memref<32x128xf32, #tpu.memory_space<vmem_shared>>)
      tpu.yield
    }) : () -> ()
    %mul3A_45 = arith.constant 608 : i32
    %mul3A_46 = arith.muli %arg1, %mul3A_45 : i32
    %add3A_47 = arith.constant 320 : i32
    %add3A_48 = arith.addi %mul3A_46, %add3A_47 : i32
    "tpu.region"() ({
      %run_scoped3A = tpu.sem_alloc : memref<!tpu.dma_semaphore, #tpu.memory_space<semaphore_mem>>
      %dma_start3A = arith.constant 0 : i32
      %dma_start3A_116 = tpu.memref_slice %arg19[%add3A_48, %dma_start3A] : memref<9728x128xf32, #tpu.memory_space<vmem_shared>> -> memref<32x128xf32, #tpu.memory_space<vmem_shared>>
      %dma_start3A_117 = arith.constant 0 : i32
      %dma_start3A_118 = tpu.memref_slice %arg19[%add3A_48, %dma_start3A_117] : memref<9728x128xf32, #tpu.memory_space<vmem_shared>> -> memref<32x128xf32, #tpu.memory_space<vmem_shared>>
      tpu.enqueue_dma source(%arg11 : memref<32x128xf32, #tpu.memory_space<vmem>>) target(%dma_start3A_118 : memref<32x128xf32, #tpu.memory_space<vmem_shared>>) target_semaphore(%run_scoped3A : memref<!tpu.dma_semaphore, #tpu.memory_space<semaphore_mem>>)
      %dma_wait3A = arith.constant 0 : i32
      %dma_wait3A_119 = tpu.memref_slice %arg19[%add3A_48, %dma_wait3A] : memref<9728x128xf32, #tpu.memory_space<vmem_shared>> -> memref<32x128xf32, #tpu.memory_space<vmem_shared>>
      %dma_wait3A_120 = arith.constant 0 : i32
      %dma_wait3A_121 = tpu.memref_slice %arg19[%add3A_48, %dma_wait3A_120] : memref<9728x128xf32, #tpu.memory_space<vmem_shared>> -> memref<32x128xf32, #tpu.memory_space<vmem_shared>>
      tpu.wait_dma2 semaphore(%run_scoped3A : memref<!tpu.dma_semaphore, #tpu.memory_space<semaphore_mem>>) src(%arg11 : memref<32x128xf32, #tpu.memory_space<vmem>>) dst(%dma_wait3A_121 : memref<32x128xf32, #tpu.memory_space<vmem_shared>>)
      tpu.yield
    }) : () -> ()
    %mul3A_49 = arith.constant 608 : i32
    %mul3A_50 = arith.muli %arg1, %mul3A_49 : i32
    %add3A_51 = arith.constant 352 : i32
    %add3A_52 = arith.addi %mul3A_50, %add3A_51 : i32
    "tpu.region"() ({
      %run_scoped3A = tpu.sem_alloc : memref<!tpu.dma_semaphore, #tpu.memory_space<semaphore_mem>>
      %dma_start3A = arith.constant 0 : i32
      %dma_start3A_116 = tpu.memref_slice %arg19[%add3A_52, %dma_start3A] : memref<9728x128xf32, #tpu.memory_space<vmem_shared>> -> memref<32x128xf32, #tpu.memory_space<vmem_shared>>
      %dma_start3A_117 = arith.constant 0 : i32
      %dma_start3A_118 = tpu.memref_slice %arg19[%add3A_52, %dma_start3A_117] : memref<9728x128xf32, #tpu.memory_space<vmem_shared>> -> memref<32x128xf32, #tpu.memory_space<vmem_shared>>
      tpu.enqueue_dma source(%arg11 : memref<32x128xf32, #tpu.memory_space<vmem>>) target(%dma_start3A_118 : memref<32x128xf32, #tpu.memory_space<vmem_shared>>) target_semaphore(%run_scoped3A : memref<!tpu.dma_semaphore, #tpu.memory_space<semaphore_mem>>)
      %dma_wait3A = arith.constant 0 : i32
      %dma_wait3A_119 = tpu.memref_slice %arg19[%add3A_52, %dma_wait3A] : memref<9728x128xf32, #tpu.memory_space<vmem_shared>> -> memref<32x128xf32, #tpu.memory_space<vmem_shared>>
      %dma_wait3A_120 = arith.constant 0 : i32
      %dma_wait3A_121 = tpu.memref_slice %arg19[%add3A_52, %dma_wait3A_120] : memref<9728x128xf32, #tpu.memory_space<vmem_shared>> -> memref<32x128xf32, #tpu.memory_space<vmem_shared>>
      tpu.wait_dma2 semaphore(%run_scoped3A : memref<!tpu.dma_semaphore, #tpu.memory_space<semaphore_mem>>) src(%arg11 : memref<32x128xf32, #tpu.memory_space<vmem>>) dst(%dma_wait3A_121 : memref<32x128xf32, #tpu.memory_space<vmem_shared>>)
      tpu.yield
    }) : () -> ()
    %mul3A_53 = arith.constant 608 : i32
    %mul3A_54 = arith.muli %arg1, %mul3A_53 : i32
    %add3A_55 = arith.constant 384 : i32
    %add3A_56 = arith.addi %mul3A_54, %add3A_55 : i32
    "tpu.region"() ({
      %run_scoped3A = tpu.sem_alloc : memref<!tpu.dma_semaphore, #tpu.memory_space<semaphore_mem>>
      %dma_start3A = arith.constant 0 : i32
      %dma_start3A_116 = tpu.memref_slice %arg19[%add3A_56, %dma_start3A] : memref<9728x128xf32, #tpu.memory_space<vmem_shared>> -> memref<32x128xf32, #tpu.memory_space<vmem_shared>>
      %dma_start3A_117 = arith.constant 0 : i32
      %dma_start3A_118 = tpu.memref_slice %arg19[%add3A_56, %dma_start3A_117] : memref<9728x128xf32, #tpu.memory_space<vmem_shared>> -> memref<32x128xf32, #tpu.memory_space<vmem_shared>>
      tpu.enqueue_dma source(%arg11 : memref<32x128xf32, #tpu.memory_space<vmem>>) target(%dma_start3A_118 : memref<32x128xf32, #tpu.memory_space<vmem_shared>>) target_semaphore(%run_scoped3A : memref<!tpu.dma_semaphore, #tpu.memory_space<semaphore_mem>>)
      %dma_wait3A = arith.constant 0 : i32
      %dma_wait3A_119 = tpu.memref_slice %arg19[%add3A_56, %dma_wait3A] : memref<9728x128xf32, #tpu.memory_space<vmem_shared>> -> memref<32x128xf32, #tpu.memory_space<vmem_shared>>
      %dma_wait3A_120 = arith.constant 0 : i32
      %dma_wait3A_121 = tpu.memref_slice %arg19[%add3A_56, %dma_wait3A_120] : memref<9728x128xf32, #tpu.memory_space<vmem_shared>> -> memref<32x128xf32, #tpu.memory_space<vmem_shared>>
      tpu.wait_dma2 semaphore(%run_scoped3A : memref<!tpu.dma_semaphore, #tpu.memory_space<semaphore_mem>>) src(%arg11 : memref<32x128xf32, #tpu.memory_space<vmem>>) dst(%dma_wait3A_121 : memref<32x128xf32, #tpu.memory_space<vmem_shared>>)
      tpu.yield
    }) : () -> ()
    %mul3A_57 = arith.constant 608 : i32
    %mul3A_58 = arith.muli %arg1, %mul3A_57 : i32
    %add3A_59 = arith.constant 416 : i32
    %add3A_60 = arith.addi %mul3A_58, %add3A_59 : i32
    "tpu.region"() ({
      %run_scoped3A = tpu.sem_alloc : memref<!tpu.dma_semaphore, #tpu.memory_space<semaphore_mem>>
      %dma_start3A = arith.constant 0 : i32
      %dma_start3A_116 = tpu.memref_slice %arg19[%add3A_60, %dma_start3A] : memref<9728x128xf32, #tpu.memory_space<vmem_shared>> -> memref<32x128xf32, #tpu.memory_space<vmem_shared>>
      %dma_start3A_117 = arith.constant 0 : i32
      %dma_start3A_118 = tpu.memref_slice %arg19[%add3A_60, %dma_start3A_117] : memref<9728x128xf32, #tpu.memory_space<vmem_shared>> -> memref<32x128xf32, #tpu.memory_space<vmem_shared>>
      tpu.enqueue_dma source(%arg11 : memref<32x128xf32, #tpu.memory_space<vmem>>) target(%dma_start3A_118 : memref<32x128xf32, #tpu.memory_space<vmem_shared>>) target_semaphore(%run_scoped3A : memref<!tpu.dma_semaphore, #tpu.memory_space<semaphore_mem>>)
      %dma_wait3A = arith.constant 0 : i32
      %dma_wait3A_119 = tpu.memref_slice %arg19[%add3A_60, %dma_wait3A] : memref<9728x128xf32, #tpu.memory_space<vmem_shared>> -> memref<32x128xf32, #tpu.memory_space<vmem_shared>>
      %dma_wait3A_120 = arith.constant 0 : i32
      %dma_wait3A_121 = tpu.memref_slice %arg19[%add3A_60, %dma_wait3A_120] : memref<9728x128xf32, #tpu.memory_space<vmem_shared>> -> memref<32x128xf32, #tpu.memory_space<vmem_shared>>
      tpu.wait_dma2 semaphore(%run_scoped3A : memref<!tpu.dma_semaphore, #tpu.memory_space<semaphore_mem>>) src(%arg11 : memref<32x128xf32, #tpu.memory_space<vmem>>) dst(%dma_wait3A_121 : memref<32x128xf32, #tpu.memory_space<vmem_shared>>)
      tpu.yield
    }) : () -> ()
    %mul3A_61 = arith.constant 608 : i32
    %mul3A_62 = arith.muli %arg1, %mul3A_61 : i32
    %add3A_63 = arith.constant 448 : i32
    %add3A_64 = arith.addi %mul3A_62, %add3A_63 : i32
    "tpu.region"() ({
      %run_scoped3A = tpu.sem_alloc : memref<!tpu.dma_semaphore, #tpu.memory_space<semaphore_mem>>
      %dma_start3A = arith.constant 0 : i32
      %dma_start3A_116 = tpu.memref_slice %arg19[%add3A_64, %dma_start3A] : memref<9728x128xf32, #tpu.memory_space<vmem_shared>> -> memref<32x128xf32, #tpu.memory_space<vmem_shared>>
      %dma_start3A_117 = arith.constant 0 : i32
      %dma_start3A_118 = tpu.memref_slice %arg19[%add3A_64, %dma_start3A_117] : memref<9728x128xf32, #tpu.memory_space<vmem_shared>> -> memref<32x128xf32, #tpu.memory_space<vmem_shared>>
      tpu.enqueue_dma source(%arg11 : memref<32x128xf32, #tpu.memory_space<vmem>>) target(%dma_start3A_118 : memref<32x128xf32, #tpu.memory_space<vmem_shared>>) target_semaphore(%run_scoped3A : memref<!tpu.dma_semaphore, #tpu.memory_space<semaphore_mem>>)
      %dma_wait3A = arith.constant 0 : i32
      %dma_wait3A_119 = tpu.memref_slice %arg19[%add3A_64, %dma_wait3A] : memref<9728x128xf32, #tpu.memory_space<vmem_shared>> -> memref<32x128xf32, #tpu.memory_space<vmem_shared>>
      %dma_wait3A_120 = arith.constant 0 : i32
      %dma_wait3A_121 = tpu.memref_slice %arg19[%add3A_64, %dma_wait3A_120] : memref<9728x128xf32, #tpu.memory_space<vmem_shared>> -> memref<32x128xf32, #tpu.memory_space<vmem_shared>>
      tpu.wait_dma2 semaphore(%run_scoped3A : memref<!tpu.dma_semaphore, #tpu.memory_space<semaphore_mem>>) src(%arg11 : memref<32x128xf32, #tpu.memory_space<vmem>>) dst(%dma_wait3A_121 : memref<32x128xf32, #tpu.memory_space<vmem_shared>>)
      tpu.yield
    }) : () -> ()
    %mul3A_65 = arith.constant 608 : i32
    %mul3A_66 = arith.muli %arg1, %mul3A_65 : i32
    %add3A_67 = arith.constant 480 : i32
    %add3A_68 = arith.addi %mul3A_66, %add3A_67 : i32
    "tpu.region"() ({
      %run_scoped3A = tpu.sem_alloc : memref<!tpu.dma_semaphore, #tpu.memory_space<semaphore_mem>>
      %dma_start3A = arith.constant 0 : i32
      %dma_start3A_116 = tpu.memref_slice %arg19[%add3A_68, %dma_start3A] : memref<9728x128xf32, #tpu.memory_space<vmem_shared>> -> memref<32x128xf32, #tpu.memory_space<vmem_shared>>
      %dma_start3A_117 = arith.constant 0 : i32
      %dma_start3A_118 = tpu.memref_slice %arg19[%add3A_68, %dma_start3A_117] : memref<9728x128xf32, #tpu.memory_space<vmem_shared>> -> memref<32x128xf32, #tpu.memory_space<vmem_shared>>
      tpu.enqueue_dma source(%arg11 : memref<32x128xf32, #tpu.memory_space<vmem>>) target(%dma_start3A_118 : memref<32x128xf32, #tpu.memory_space<vmem_shared>>) target_semaphore(%run_scoped3A : memref<!tpu.dma_semaphore, #tpu.memory_space<semaphore_mem>>)
      %dma_wait3A = arith.constant 0 : i32
      %dma_wait3A_119 = tpu.memref_slice %arg19[%add3A_68, %dma_wait3A] : memref<9728x128xf32, #tpu.memory_space<vmem_shared>> -> memref<32x128xf32, #tpu.memory_space<vmem_shared>>
      %dma_wait3A_120 = arith.constant 0 : i32
      %dma_wait3A_121 = tpu.memref_slice %arg19[%add3A_68, %dma_wait3A_120] : memref<9728x128xf32, #tpu.memory_space<vmem_shared>> -> memref<32x128xf32, #tpu.memory_space<vmem_shared>>
      tpu.wait_dma2 semaphore(%run_scoped3A : memref<!tpu.dma_semaphore, #tpu.memory_space<semaphore_mem>>) src(%arg11 : memref<32x128xf32, #tpu.memory_space<vmem>>) dst(%dma_wait3A_121 : memref<32x128xf32, #tpu.memory_space<vmem_shared>>)
      tpu.yield
    }) : () -> ()
    %mul3A_69 = arith.constant 608 : i32
    %mul3A_70 = arith.muli %arg1, %mul3A_69 : i32
    %add3A_71 = arith.constant 512 : i32
    %add3A_72 = arith.addi %mul3A_70, %add3A_71 : i32
    "tpu.region"() ({
      %run_scoped3A = tpu.sem_alloc : memref<!tpu.dma_semaphore, #tpu.memory_space<semaphore_mem>>
      %dma_start3A = arith.constant 0 : i32
      %dma_start3A_116 = tpu.memref_slice %arg19[%add3A_72, %dma_start3A] : memref<9728x128xf32, #tpu.memory_space<vmem_shared>> -> memref<32x128xf32, #tpu.memory_space<vmem_shared>>
      %dma_start3A_117 = arith.constant 0 : i32
      %dma_start3A_118 = tpu.memref_slice %arg19[%add3A_72, %dma_start3A_117] : memref<9728x128xf32, #tpu.memory_space<vmem_shared>> -> memref<32x128xf32, #tpu.memory_space<vmem_shared>>
      tpu.enqueue_dma source(%arg11 : memref<32x128xf32, #tpu.memory_space<vmem>>) target(%dma_start3A_118 : memref<32x128xf32, #tpu.memory_space<vmem_shared>>) target_semaphore(%run_scoped3A : memref<!tpu.dma_semaphore, #tpu.memory_space<semaphore_mem>>)
      %dma_wait3A = arith.constant 0 : i32
      %dma_wait3A_119 = tpu.memref_slice %arg19[%add3A_72, %dma_wait3A] : memref<9728x128xf32, #tpu.memory_space<vmem_shared>> -> memref<32x128xf32, #tpu.memory_space<vmem_shared>>
      %dma_wait3A_120 = arith.constant 0 : i32
      %dma_wait3A_121 = tpu.memref_slice %arg19[%add3A_72, %dma_wait3A_120] : memref<9728x128xf32, #tpu.memory_space<vmem_shared>> -> memref<32x128xf32, #tpu.memory_space<vmem_shared>>
      tpu.wait_dma2 semaphore(%run_scoped3A : memref<!tpu.dma_semaphore, #tpu.memory_space<semaphore_mem>>) src(%arg11 : memref<32x128xf32, #tpu.memory_space<vmem>>) dst(%dma_wait3A_121 : memref<32x128xf32, #tpu.memory_space<vmem_shared>>)
      tpu.yield
    }) : () -> ()
    %mul3A_73 = arith.constant 608 : i32
    %mul3A_74 = arith.muli %arg1, %mul3A_73 : i32
    %add3A_75 = arith.constant 544 : i32
    %add3A_76 = arith.addi %mul3A_74, %add3A_75 : i32
    "tpu.region"() ({
      %run_scoped3A = tpu.sem_alloc : memref<!tpu.dma_semaphore, #tpu.memory_space<semaphore_mem>>
      %dma_start3A = arith.constant 0 : i32
      %dma_start3A_116 = tpu.memref_slice %arg19[%add3A_76, %dma_start3A] : memref<9728x128xf32, #tpu.memory_space<vmem_shared>> -> memref<32x128xf32, #tpu.memory_space<vmem_shared>>
      %dma_start3A_117 = arith.constant 0 : i32
      %dma_start3A_118 = tpu.memref_slice %arg19[%add3A_76, %dma_start3A_117] : memref<9728x128xf32, #tpu.memory_space<vmem_shared>> -> memref<32x128xf32, #tpu.memory_space<vmem_shared>>
      tpu.enqueue_dma source(%arg11 : memref<32x128xf32, #tpu.memory_space<vmem>>) target(%dma_start3A_118 : memref<32x128xf32, #tpu.memory_space<vmem_shared>>) target_semaphore(%run_scoped3A : memref<!tpu.dma_semaphore, #tpu.memory_space<semaphore_mem>>)
      %dma_wait3A = arith.constant 0 : i32
      %dma_wait3A_119 = tpu.memref_slice %arg19[%add3A_76, %dma_wait3A] : memref<9728x128xf32, #tpu.memory_space<vmem_shared>> -> memref<32x128xf32, #tpu.memory_space<vmem_shared>>
      %dma_wait3A_120 = arith.constant 0 : i32
      %dma_wait3A_121 = tpu.memref_slice %arg19[%add3A_76, %dma_wait3A_120] : memref<9728x128xf32, #tpu.memory_space<vmem_shared>> -> memref<32x128xf32, #tpu.memory_space<vmem_shared>>
      tpu.wait_dma2 semaphore(%run_scoped3A : memref<!tpu.dma_semaphore, #tpu.memory_space<semaphore_mem>>) src(%arg11 : memref<32x128xf32, #tpu.memory_space<vmem>>) dst(%dma_wait3A_121 : memref<32x128xf32, #tpu.memory_space<vmem_shared>>)
      tpu.yield
    }) : () -> ()
    %mul3A_77 = arith.constant 608 : i32
    %mul3A_78 = arith.muli %arg1, %mul3A_77 : i32
    %add3A_79 = arith.constant 576 : i32
    %add3A_80 = arith.addi %mul3A_78, %add3A_79 : i32
    "tpu.region"() ({
      %run_scoped3A = tpu.sem_alloc : memref<!tpu.dma_semaphore, #tpu.memory_space<semaphore_mem>>
      %dma_start3A = arith.constant 0 : i32
      %dma_start3A_116 = tpu.memref_slice %arg19[%add3A_80, %dma_start3A] : memref<9728x128xf32, #tpu.memory_space<vmem_shared>> -> memref<32x128xf32, #tpu.memory_space<vmem_shared>>
      %dma_start3A_117 = arith.constant 0 : i32
      %dma_start3A_118 = tpu.memref_slice %arg19[%add3A_80, %dma_start3A_117] : memref<9728x128xf32, #tpu.memory_space<vmem_shared>> -> memref<32x128xf32, #tpu.memory_space<vmem_shared>>
      tpu.enqueue_dma source(%arg11 : memref<32x128xf32, #tpu.memory_space<vmem>>) target(%dma_start3A_118 : memref<32x128xf32, #tpu.memory_space<vmem_shared>>) target_semaphore(%run_scoped3A : memref<!tpu.dma_semaphore, #tpu.memory_space<semaphore_mem>>)
      %dma_wait3A = arith.constant 0 : i32
      %dma_wait3A_119 = tpu.memref_slice %arg19[%add3A_80, %dma_wait3A] : memref<9728x128xf32, #tpu.memory_space<vmem_shared>> -> memref<32x128xf32, #tpu.memory_space<vmem_shared>>
      %dma_wait3A_120 = arith.constant 0 : i32
      %dma_wait3A_121 = tpu.memref_slice %arg19[%add3A_80, %dma_wait3A_120] : memref<9728x128xf32, #tpu.memory_space<vmem_shared>> -> memref<32x128xf32, #tpu.memory_space<vmem_shared>>
      tpu.wait_dma2 semaphore(%run_scoped3A : memref<!tpu.dma_semaphore, #tpu.memory_space<semaphore_mem>>) src(%arg11 : memref<32x128xf32, #tpu.memory_space<vmem>>) dst(%dma_wait3A_121 : memref<32x128xf32, #tpu.memory_space<vmem_shared>>)
      tpu.yield
    }) : () -> ()
    %barrier3A = arith.constant 0 : index
    tpu.barrier barrier_id(%barrier3A)
    %scan3A_81 = arith.constant 0 : i32
    %scan3A_82 = arith.constant 40 : i32
    %scan3A_83 = arith.addi %scan3A_81, %scan3A_82 : i32
    %scan3A_84 = arith.constant 1 : i32
    scf.for %scan3A_116 = %scan3A_81 to %scan3A_83 step %scan3A_84  : i32 {
      %mul3A_117 = arith.constant 8 : i32
      %mul3A_118 = arith.muli %scan3A_116, %mul3A_117 : i32
      %add3A_119 = arith.constant 0 : i32
      %add3A_120 = arith.addi %add3A_119, %mul3A_118 : i32
      "tpu.region"() ({
        %run_scoped3A_238 = tpu.sem_alloc : memref<!tpu.dma_semaphore, #tpu.memory_space<semaphore_mem>>
        %dma_start3A_239 = arith.constant 0 : i32
        %dma_start3A_240 = arith.constant 0 : i32
        %dma_start3A_241 = tpu.memref_slice %arg3[%add3A, %dma_start3A_239, %dma_start3A_240] : memref<32x320x32xi32, #tpu.memory_space<hbm>> -> memref<1x320x32xi32, #tpu.memory_space<hbm>>
        %dma_start3A_242 = tpu.memref_squeeze %dma_start3A_241 : memref<1x320x32xi32, #tpu.memory_space<hbm>> -> memref<320x32xi32, #tpu.memory_space<hbm>>
        %dma_start3A_243 = arith.constant 0 : i32
        %dma_start3A_244 = tpu.memref_slice %dma_start3A_242[%add3A_120, %dma_start3A_243] : memref<320x32xi32, #tpu.memory_space<hbm>> -> memref<8x32xi32, #tpu.memory_space<hbm>>
        %dma_start3A_245 = arith.constant 0 : i32
        %dma_start3A_246 = arith.constant 0 : i32
        %dma_start3A_247 = tpu.memref_slice %arg3[%add3A, %dma_start3A_245, %dma_start3A_246] : memref<32x320x32xi32, #tpu.memory_space<hbm>> -> memref<1x320x32xi32, #tpu.memory_space<hbm>>
        %dma_start3A_248 = tpu.memref_squeeze %dma_start3A_247 : memref<1x320x32xi32, #tpu.memory_space<hbm>> -> memref<320x32xi32, #tpu.memory_space<hbm>>
        %dma_start3A_249 = arith.constant 0 : i32
        %dma_start3A_250 = tpu.memref_slice %dma_start3A_248[%add3A_120, %dma_start3A_249] : memref<320x32xi32, #tpu.memory_space<hbm>> -> memref<8x32xi32, #tpu.memory_space<hbm>>
        tpu.enqueue_dma source(%dma_start3A_250 : memref<8x32xi32, #tpu.memory_space<hbm>>) target(%arg9 : memref<8x32xi32, #tpu.memory_space<vmem>>) target_semaphore(%run_scoped3A_238 : memref<!tpu.dma_semaphore, #tpu.memory_space<semaphore_mem>>)
        %dma_wait3A_251 = arith.constant 0 : i32
        %dma_wait3A_252 = arith.constant 0 : i32
        %dma_wait3A_253 = tpu.memref_slice %arg3[%add3A, %dma_wait3A_251, %dma_wait3A_252] : memref<32x320x32xi32, #tpu.memory_space<hbm>> -> memref<1x320x32xi32, #tpu.memory_space<hbm>>
        %dma_wait3A_254 = tpu.memref_squeeze %dma_wait3A_253 : memref<1x320x32xi32, #tpu.memory_space<hbm>> -> memref<320x32xi32, #tpu.memory_space<hbm>>
        %dma_wait3A_255 = arith.constant 0 : i32
        %dma_wait3A_256 = tpu.memref_slice %dma_wait3A_254[%add3A_120, %dma_wait3A_255] : memref<320x32xi32, #tpu.memory_space<hbm>> -> memref<8x32xi32, #tpu.memory_space<hbm>>
        %dma_wait3A_257 = arith.constant 0 : i32
        %dma_wait3A_258 = arith.constant 0 : i32
        %dma_wait3A_259 = tpu.memref_slice %arg3[%add3A, %dma_wait3A_257, %dma_wait3A_258] : memref<32x320x32xi32, #tpu.memory_space<hbm>> -> memref<1x320x32xi32, #tpu.memory_space<hbm>>
        %dma_wait3A_260 = tpu.memref_squeeze %dma_wait3A_259 : memref<1x320x32xi32, #tpu.memory_space<hbm>> -> memref<320x32xi32, #tpu.memory_space<hbm>>
        %dma_wait3A_261 = arith.constant 0 : i32
        %dma_wait3A_262 = tpu.memref_slice %dma_wait3A_260[%add3A_120, %dma_wait3A_261] : memref<320x32xi32, #tpu.memory_space<hbm>> -> memref<8x32xi32, #tpu.memory_space<hbm>>
        tpu.wait_dma2 semaphore(%run_scoped3A_238 : memref<!tpu.dma_semaphore, #tpu.memory_space<semaphore_mem>>) src(%dma_wait3A_262 : memref<8x32xi32, #tpu.memory_space<hbm>>) dst(%arg9 : memref<8x32xi32, #tpu.memory_space<vmem>>)
        tpu.yield
      }) : () -> ()
      "tpu.region"() ({
        %run_scoped3A_238 = tpu.sem_alloc : memref<!tpu.dma_semaphore, #tpu.memory_space<semaphore_mem>>
        %dma_start3A_239 = arith.constant 0 : i32
        %dma_start3A_240 = arith.constant 0 : i32
        %dma_start3A_241 = tpu.memref_slice %arg4[%add3A, %dma_start3A_239, %dma_start3A_240] : memref<32x320x32xi32, #tpu.memory_space<hbm>> -> memref<1x320x32xi32, #tpu.memory_space<hbm>>
        %dma_start3A_242 = tpu.memref_squeeze %dma_start3A_241 : memref<1x320x32xi32, #tpu.memory_space<hbm>> -> memref<320x32xi32, #tpu.memory_space<hbm>>
        %dma_start3A_243 = arith.constant 0 : i32
        %dma_start3A_244 = tpu.memref_slice %dma_start3A_242[%add3A_120, %dma_start3A_243] : memref<320x32xi32, #tpu.memory_space<hbm>> -> memref<8x32xi32, #tpu.memory_space<hbm>>
        %dma_start3A_245 = arith.constant 0 : i32
        %dma_start3A_246 = arith.constant 0 : i32
        %dma_start3A_247 = tpu.memref_slice %arg4[%add3A, %dma_start3A_245, %dma_start3A_246] : memref<32x320x32xi32, #tpu.memory_space<hbm>> -> memref<1x320x32xi32, #tpu.memory_space<hbm>>
        %dma_start3A_248 = tpu.memref_squeeze %dma_start3A_247 : memref<1x320x32xi32, #tpu.memory_space<hbm>> -> memref<320x32xi32, #tpu.memory_space<hbm>>
        %dma_start3A_249 = arith.constant 0 : i32
        %dma_start3A_250 = tpu.memref_slice %dma_start3A_248[%add3A_120, %dma_start3A_249] : memref<320x32xi32, #tpu.memory_space<hbm>> -> memref<8x32xi32, #tpu.memory_space<hbm>>
        tpu.enqueue_dma source(%dma_start3A_250 : memref<8x32xi32, #tpu.memory_space<hbm>>) target(%arg10 : memref<8x32xi32, #tpu.memory_space<vmem>>) target_semaphore(%run_scoped3A_238 : memref<!tpu.dma_semaphore, #tpu.memory_space<semaphore_mem>>)
        %dma_wait3A_251 = arith.constant 0 : i32
        %dma_wait3A_252 = arith.constant 0 : i32
        %dma_wait3A_253 = tpu.memref_slice %arg4[%add3A, %dma_wait3A_251, %dma_wait3A_252] : memref<32x320x32xi32, #tpu.memory_space<hbm>> -> memref<1x320x32xi32, #tpu.memory_space<hbm>>
        %dma_wait3A_254 = tpu.memref_squeeze %dma_wait3A_253 : memref<1x320x32xi32, #tpu.memory_space<hbm>> -> memref<320x32xi32, #tpu.memory_space<hbm>>
        %dma_wait3A_255 = arith.constant 0 : i32
        %dma_wait3A_256 = tpu.memref_slice %dma_wait3A_254[%add3A_120, %dma_wait3A_255] : memref<320x32xi32, #tpu.memory_space<hbm>> -> memref<8x32xi32, #tpu.memory_space<hbm>>
        %dma_wait3A_257 = arith.constant 0 : i32
        %dma_wait3A_258 = arith.constant 0 : i32
        %dma_wait3A_259 = tpu.memref_slice %arg4[%add3A, %dma_wait3A_257, %dma_wait3A_258] : memref<32x320x32xi32, #tpu.memory_space<hbm>> -> memref<1x320x32xi32, #tpu.memory_space<hbm>>
        %dma_wait3A_260 = tpu.memref_squeeze %dma_wait3A_259 : memref<1x320x32xi32, #tpu.memory_space<hbm>> -> memref<320x32xi32, #tpu.memory_space<hbm>>
        %dma_wait3A_261 = arith.constant 0 : i32
        %dma_wait3A_262 = tpu.memref_slice %dma_wait3A_260[%add3A_120, %dma_wait3A_261] : memref<320x32xi32, #tpu.memory_space<hbm>> -> memref<8x32xi32, #tpu.memory_space<hbm>>
        tpu.wait_dma2 semaphore(%run_scoped3A_238 : memref<!tpu.dma_semaphore, #tpu.memory_space<semaphore_mem>>) src(%dma_wait3A_262 : memref<8x32xi32, #tpu.memory_space<hbm>>) dst(%arg10 : memref<8x32xi32, #tpu.memory_space<vmem>>)
        tpu.yield
      }) : () -> ()
      %dma_start3A = arith.constant 0 : i32
      %dma_start3A_121 = arith.constant 0 : i32
      %dma_start3A_122 = tpu.memref_slice %arg9[%dma_start3A, %dma_start3A_121] : memref<8x32xi32, #tpu.memory_space<vmem>> -> memref<1x32xi32, #tpu.memory_space<vmem>>
      %dma_start3A_123 = tpu.memref_squeeze %dma_start3A_122 : memref<1x32xi32, #tpu.memory_space<vmem>> -> memref<32xi32, #tpu.memory_space<vmem>>
      %dma_start3A_124 = arith.constant 0 : i32
      %dma_start3A_125 = arith.constant 0 : i32
      %dma_start3A_126 = tpu.memref_slice %arg2[%dma_start3A_124, %dma_start3A_125] : memref<10240x128xf32, #tpu.memory_space<hbm>> -> memref<10240x128xf32, #tpu.memory_space<hbm>>
      tpu.enqueue_indirect_dma source(%dma_start3A_126 : memref<10240x128xf32, #tpu.memory_space<hbm>>) target(%arg11 : memref<32x128xf32, #tpu.memory_space<vmem>>) offsets(%dma_start3A_123 : memref<32xi32, #tpu.memory_space<vmem>>) semaphore(%arg20 : memref<!tpu.dma_semaphore, #tpu.memory_space<semaphore_mem>>)
      %dma_start3A_127 = arith.constant 1 : i32
      %dma_start3A_128 = arith.constant 0 : i32
      %dma_start3A_129 = tpu.memref_slice %arg9[%dma_start3A_127, %dma_start3A_128] : memref<8x32xi32, #tpu.memory_space<vmem>> -> memref<1x32xi32, #tpu.memory_space<vmem>>
      %dma_start3A_130 = tpu.memref_squeeze %dma_start3A_129 : memref<1x32xi32, #tpu.memory_space<vmem>> -> memref<32xi32, #tpu.memory_space<vmem>>
      %dma_start3A_131 = arith.constant 0 : i32
      %dma_start3A_132 = arith.constant 0 : i32
      %dma_start3A_133 = tpu.memref_slice %arg2[%dma_start3A_131, %dma_start3A_132] : memref<10240x128xf32, #tpu.memory_space<hbm>> -> memref<10240x128xf32, #tpu.memory_space<hbm>>
      tpu.enqueue_indirect_dma source(%dma_start3A_133 : memref<10240x128xf32, #tpu.memory_space<hbm>>) target(%arg12 : memref<32x128xf32, #tpu.memory_space<vmem>>) offsets(%dma_start3A_130 : memref<32xi32, #tpu.memory_space<vmem>>) semaphore(%arg20 : memref<!tpu.dma_semaphore, #tpu.memory_space<semaphore_mem>>)
      %dma_start3A_134 = arith.constant 2 : i32
      %dma_start3A_135 = arith.constant 0 : i32
      %dma_start3A_136 = tpu.memref_slice %arg9[%dma_start3A_134, %dma_start3A_135] : memref<8x32xi32, #tpu.memory_space<vmem>> -> memref<1x32xi32, #tpu.memory_space<vmem>>
      %dma_start3A_137 = tpu.memref_squeeze %dma_start3A_136 : memref<1x32xi32, #tpu.memory_space<vmem>> -> memref<32xi32, #tpu.memory_space<vmem>>
      %dma_start3A_138 = arith.constant 0 : i32
      %dma_start3A_139 = arith.constant 0 : i32
      %dma_start3A_140 = tpu.memref_slice %arg2[%dma_start3A_138, %dma_start3A_139] : memref<10240x128xf32, #tpu.memory_space<hbm>> -> memref<10240x128xf32, #tpu.memory_space<hbm>>
      tpu.enqueue_indirect_dma source(%dma_start3A_140 : memref<10240x128xf32, #tpu.memory_space<hbm>>) target(%arg13 : memref<32x128xf32, #tpu.memory_space<vmem>>) offsets(%dma_start3A_137 : memref<32xi32, #tpu.memory_space<vmem>>) semaphore(%arg20 : memref<!tpu.dma_semaphore, #tpu.memory_space<semaphore_mem>>)
      %dma_start3A_141 = arith.constant 3 : i32
      %dma_start3A_142 = arith.constant 0 : i32
      %dma_start3A_143 = tpu.memref_slice %arg9[%dma_start3A_141, %dma_start3A_142] : memref<8x32xi32, #tpu.memory_space<vmem>> -> memref<1x32xi32, #tpu.memory_space<vmem>>
      %dma_start3A_144 = tpu.memref_squeeze %dma_start3A_143 : memref<1x32xi32, #tpu.memory_space<vmem>> -> memref<32xi32, #tpu.memory_space<vmem>>
      %dma_start3A_145 = arith.constant 0 : i32
      %dma_start3A_146 = arith.constant 0 : i32
      %dma_start3A_147 = tpu.memref_slice %arg2[%dma_start3A_145, %dma_start3A_146] : memref<10240x128xf32, #tpu.memory_space<hbm>> -> memref<10240x128xf32, #tpu.memory_space<hbm>>
      tpu.enqueue_indirect_dma source(%dma_start3A_147 : memref<10240x128xf32, #tpu.memory_space<hbm>>) target(%arg14 : memref<32x128xf32, #tpu.memory_space<vmem>>) offsets(%dma_start3A_144 : memref<32xi32, #tpu.memory_space<vmem>>) semaphore(%arg20 : memref<!tpu.dma_semaphore, #tpu.memory_space<semaphore_mem>>)
      %dma_start3A_148 = arith.constant 4 : i32
      %dma_start3A_149 = arith.constant 0 : i32
      %dma_start3A_150 = tpu.memref_slice %arg9[%dma_start3A_148, %dma_start3A_149] : memref<8x32xi32, #tpu.memory_space<vmem>> -> memref<1x32xi32, #tpu.memory_space<vmem>>
      %dma_start3A_151 = tpu.memref_squeeze %dma_start3A_150 : memref<1x32xi32, #tpu.memory_space<vmem>> -> memref<32xi32, #tpu.memory_space<vmem>>
      %dma_start3A_152 = arith.constant 0 : i32
      %dma_start3A_153 = arith.constant 0 : i32
      %dma_start3A_154 = tpu.memref_slice %arg2[%dma_start3A_152, %dma_start3A_153] : memref<10240x128xf32, #tpu.memory_space<hbm>> -> memref<10240x128xf32, #tpu.memory_space<hbm>>
      tpu.enqueue_indirect_dma source(%dma_start3A_154 : memref<10240x128xf32, #tpu.memory_space<hbm>>) target(%arg15 : memref<32x128xf32, #tpu.memory_space<vmem>>) offsets(%dma_start3A_151 : memref<32xi32, #tpu.memory_space<vmem>>) semaphore(%arg20 : memref<!tpu.dma_semaphore, #tpu.memory_space<semaphore_mem>>)
      %dma_start3A_155 = arith.constant 5 : i32
      %dma_start3A_156 = arith.constant 0 : i32
      %dma_start3A_157 = tpu.memref_slice %arg9[%dma_start3A_155, %dma_start3A_156] : memref<8x32xi32, #tpu.memory_space<vmem>> -> memref<1x32xi32, #tpu.memory_space<vmem>>
      %dma_start3A_158 = tpu.memref_squeeze %dma_start3A_157 : memref<1x32xi32, #tpu.memory_space<vmem>> -> memref<32xi32, #tpu.memory_space<vmem>>
      %dma_start3A_159 = arith.constant 0 : i32
      %dma_start3A_160 = arith.constant 0 : i32
      %dma_start3A_161 = tpu.memref_slice %arg2[%dma_start3A_159, %dma_start3A_160] : memref<10240x128xf32, #tpu.memory_space<hbm>> -> memref<10240x128xf32, #tpu.memory_space<hbm>>
      tpu.enqueue_indirect_dma source(%dma_start3A_161 : memref<10240x128xf32, #tpu.memory_space<hbm>>) target(%arg16 : memref<32x128xf32, #tpu.memory_space<vmem>>) offsets(%dma_start3A_158 : memref<32xi32, #tpu.memory_space<vmem>>) semaphore(%arg20 : memref<!tpu.dma_semaphore, #tpu.memory_space<semaphore_mem>>)
      %dma_start3A_162 = arith.constant 6 : i32
      %dma_start3A_163 = arith.constant 0 : i32
      %dma_start3A_164 = tpu.memref_slice %arg9[%dma_start3A_162, %dma_start3A_163] : memref<8x32xi32, #tpu.memory_space<vmem>> -> memref<1x32xi32, #tpu.memory_space<vmem>>
      %dma_start3A_165 = tpu.memref_squeeze %dma_start3A_164 : memref<1x32xi32, #tpu.memory_space<vmem>> -> memref<32xi32, #tpu.memory_space<vmem>>
      %dma_start3A_166 = arith.constant 0 : i32
      %dma_start3A_167 = arith.constant 0 : i32
      %dma_start3A_168 = tpu.memref_slice %arg2[%dma_start3A_166, %dma_start3A_167] : memref<10240x128xf32, #tpu.memory_space<hbm>> -> memref<10240x128xf32, #tpu.memory_space<hbm>>
      tpu.enqueue_indirect_dma source(%dma_start3A_168 : memref<10240x128xf32, #tpu.memory_space<hbm>>) target(%arg17 : memref<32x128xf32, #tpu.memory_space<vmem>>) offsets(%dma_start3A_165 : memref<32xi32, #tpu.memory_space<vmem>>) semaphore(%arg20 : memref<!tpu.dma_semaphore, #tpu.memory_space<semaphore_mem>>)
      %dma_start3A_169 = arith.constant 7 : i32
      %dma_start3A_170 = arith.constant 0 : i32
      %dma_start3A_171 = tpu.memref_slice %arg9[%dma_start3A_169, %dma_start3A_170] : memref<8x32xi32, #tpu.memory_space<vmem>> -> memref<1x32xi32, #tpu.memory_space<vmem>>
      %dma_start3A_172 = tpu.memref_squeeze %dma_start3A_171 : memref<1x32xi32, #tpu.memory_space<vmem>> -> memref<32xi32, #tpu.memory_space<vmem>>
      %dma_start3A_173 = arith.constant 0 : i32
      %dma_start3A_174 = arith.constant 0 : i32
      %dma_start3A_175 = tpu.memref_slice %arg2[%dma_start3A_173, %dma_start3A_174] : memref<10240x128xf32, #tpu.memory_space<hbm>> -> memref<10240x128xf32, #tpu.memory_space<hbm>>
      tpu.enqueue_indirect_dma source(%dma_start3A_175 : memref<10240x128xf32, #tpu.memory_space<hbm>>) target(%arg18 : memref<32x128xf32, #tpu.memory_space<vmem>>) offsets(%dma_start3A_172 : memref<32xi32, #tpu.memory_space<vmem>>) semaphore(%arg20 : memref<!tpu.dma_semaphore, #tpu.memory_space<semaphore_mem>>)
      %dma_wait3A = arith.constant 0 : i32
      %dma_wait3A_176 = arith.constant 0 : i32
      %dma_wait3A_177 = tpu.memref_slice %arg9[%dma_wait3A, %dma_wait3A_176] : memref<8x32xi32, #tpu.memory_space<vmem>> -> memref<1x32xi32, #tpu.memory_space<vmem>>
      %dma_wait3A_178 = tpu.memref_squeeze %dma_wait3A_177 : memref<1x32xi32, #tpu.memory_space<vmem>> -> memref<32xi32, #tpu.memory_space<vmem>>
      %dma_wait3A_179 = arith.constant 0 : i32
      %dma_wait3A_180 = arith.constant 0 : i32
      %dma_wait3A_181 = tpu.memref_slice %arg2[%dma_wait3A_179, %dma_wait3A_180] : memref<10240x128xf32, #tpu.memory_space<hbm>> -> memref<10240x128xf32, #tpu.memory_space<hbm>>
      tpu.wait_indirect_dma semaphore(%arg20 : memref<!tpu.dma_semaphore, #tpu.memory_space<semaphore_mem>>) src(%dma_wait3A_181 : memref<10240x128xf32, #tpu.memory_space<hbm>>) dst(%arg11 : memref<32x128xf32, #tpu.memory_space<vmem>>)
      %dma_wait3A_182 = arith.constant 0 : i32
      %dma_wait3A_183 = arith.constant 0 : i32
      %dma_wait3A_184 = tpu.memref_slice %arg9[%dma_wait3A_182, %dma_wait3A_183] : memref<8x32xi32, #tpu.memory_space<vmem>> -> memref<1x32xi32, #tpu.memory_space<vmem>>
      %dma_wait3A_185 = tpu.memref_squeeze %dma_wait3A_184 : memref<1x32xi32, #tpu.memory_space<vmem>> -> memref<32xi32, #tpu.memory_space<vmem>>
      %dma_wait3A_186 = arith.constant 0 : i32
      %dma_wait3A_187 = arith.constant 0 : i32
      %dma_wait3A_188 = tpu.memref_slice %arg2[%dma_wait3A_186, %dma_wait3A_187] : memref<10240x128xf32, #tpu.memory_space<hbm>> -> memref<10240x128xf32, #tpu.memory_space<hbm>>
      tpu.wait_indirect_dma semaphore(%arg20 : memref<!tpu.dma_semaphore, #tpu.memory_space<semaphore_mem>>) src(%dma_wait3A_188 : memref<10240x128xf32, #tpu.memory_space<hbm>>) dst(%arg12 : memref<32x128xf32, #tpu.memory_space<vmem>>)
      %dma_wait3A_189 = arith.constant 0 : i32
      %dma_wait3A_190 = arith.constant 0 : i32
      %dma_wait3A_191 = tpu.memref_slice %arg9[%dma_wait3A_189, %dma_wait3A_190] : memref<8x32xi32, #tpu.memory_space<vmem>> -> memref<1x32xi32, #tpu.memory_space<vmem>>
      %dma_wait3A_192 = tpu.memref_squeeze %dma_wait3A_191 : memref<1x32xi32, #tpu.memory_space<vmem>> -> memref<32xi32, #tpu.memory_space<vmem>>
      %dma_wait3A_193 = arith.constant 0 : i32
      %dma_wait3A_194 = arith.constant 0 : i32
      %dma_wait3A_195 = tpu.memref_slice %arg2[%dma_wait3A_193, %dma_wait3A_194] : memref<10240x128xf32, #tpu.memory_space<hbm>> -> memref<10240x128xf32, #tpu.memory_space<hbm>>
      tpu.wait_indirect_dma semaphore(%arg20 : memref<!tpu.dma_semaphore, #tpu.memory_space<semaphore_mem>>) src(%dma_wait3A_195 : memref<10240x128xf32, #tpu.memory_space<hbm>>) dst(%arg13 : memref<32x128xf32, #tpu.memory_space<vmem>>)
      %dma_wait3A_196 = arith.constant 0 : i32
      %dma_wait3A_197 = arith.constant 0 : i32
      %dma_wait3A_198 = tpu.memref_slice %arg9[%dma_wait3A_196, %dma_wait3A_197] : memref<8x32xi32, #tpu.memory_space<vmem>> -> memref<1x32xi32, #tpu.memory_space<vmem>>
      %dma_wait3A_199 = tpu.memref_squeeze %dma_wait3A_198 : memref<1x32xi32, #tpu.memory_space<vmem>> -> memref<32xi32, #tpu.memory_space<vmem>>
      %dma_wait3A_200 = arith.constant 0 : i32
      %dma_wait3A_201 = arith.constant 0 : i32
      %dma_wait3A_202 = tpu.memref_slice %arg2[%dma_wait3A_200, %dma_wait3A_201] : memref<10240x128xf32, #tpu.memory_space<hbm>> -> memref<10240x128xf32, #tpu.memory_space<hbm>>
      tpu.wait_indirect_dma semaphore(%arg20 : memref<!tpu.dma_semaphore, #tpu.memory_space<semaphore_mem>>) src(%dma_wait3A_202 : memref<10240x128xf32, #tpu.memory_space<hbm>>) dst(%arg14 : memref<32x128xf32, #tpu.memory_space<vmem>>)
      %dma_wait3A_203 = arith.constant 0 : i32
      %dma_wait3A_204 = arith.constant 0 : i32
      %dma_wait3A_205 = tpu.memref_slice %arg9[%dma_wait3A_203, %dma_wait3A_204] : memref<8x32xi32, #tpu.memory_space<vmem>> -> memref<1x32xi32, #tpu.memory_space<vmem>>
      %dma_wait3A_206 = tpu.memref_squeeze %dma_wait3A_205 : memref<1x32xi32, #tpu.memory_space<vmem>> -> memref<32xi32, #tpu.memory_space<vmem>>
      %dma_wait3A_207 = arith.constant 0 : i32
      %dma_wait3A_208 = arith.constant 0 : i32
      %dma_wait3A_209 = tpu.memref_slice %arg2[%dma_wait3A_207, %dma_wait3A_208] : memref<10240x128xf32, #tpu.memory_space<hbm>> -> memref<10240x128xf32, #tpu.memory_space<hbm>>
      tpu.wait_indirect_dma semaphore(%arg20 : memref<!tpu.dma_semaphore, #tpu.memory_space<semaphore_mem>>) src(%dma_wait3A_209 : memref<10240x128xf32, #tpu.memory_space<hbm>>) dst(%arg15 : memref<32x128xf32, #tpu.memory_space<vmem>>)
      %dma_wait3A_210 = arith.constant 0 : i32
      %dma_wait3A_211 = arith.constant 0 : i32
      %dma_wait3A_212 = tpu.memref_slice %arg9[%dma_wait3A_210, %dma_wait3A_211] : memref<8x32xi32, #tpu.memory_space<vmem>> -> memref<1x32xi32, #tpu.memory_space<vmem>>
      %dma_wait3A_213 = tpu.memref_squeeze %dma_wait3A_212 : memref<1x32xi32, #tpu.memory_space<vmem>> -> memref<32xi32, #tpu.memory_space<vmem>>
      %dma_wait3A_214 = arith.constant 0 : i32
      %dma_wait3A_215 = arith.constant 0 : i32
      %dma_wait3A_216 = tpu.memref_slice %arg2[%dma_wait3A_214, %dma_wait3A_215] : memref<10240x128xf32, #tpu.memory_space<hbm>> -> memref<10240x128xf32, #tpu.memory_space<hbm>>
      tpu.wait_indirect_dma semaphore(%arg20 : memref<!tpu.dma_semaphore, #tpu.memory_space<semaphore_mem>>) src(%dma_wait3A_216 : memref<10240x128xf32, #tpu.memory_space<hbm>>) dst(%arg16 : memref<32x128xf32, #tpu.memory_space<vmem>>)
      %dma_wait3A_217 = arith.constant 0 : i32
      %dma_wait3A_218 = arith.constant 0 : i32
      %dma_wait3A_219 = tpu.memref_slice %arg9[%dma_wait3A_217, %dma_wait3A_218] : memref<8x32xi32, #tpu.memory_space<vmem>> -> memref<1x32xi32, #tpu.memory_space<vmem>>
      %dma_wait3A_220 = tpu.memref_squeeze %dma_wait3A_219 : memref<1x32xi32, #tpu.memory_space<vmem>> -> memref<32xi32, #tpu.memory_space<vmem>>
      %dma_wait3A_221 = arith.constant 0 : i32
      %dma_wait3A_222 = arith.constant 0 : i32
      %dma_wait3A_223 = tpu.memref_slice %arg2[%dma_wait3A_221, %dma_wait3A_222] : memref<10240x128xf32, #tpu.memory_space<hbm>> -> memref<10240x128xf32, #tpu.memory_space<hbm>>
      tpu.wait_indirect_dma semaphore(%arg20 : memref<!tpu.dma_semaphore, #tpu.memory_space<semaphore_mem>>) src(%dma_wait3A_223 : memref<10240x128xf32, #tpu.memory_space<hbm>>) dst(%arg17 : memref<32x128xf32, #tpu.memory_space<vmem>>)
      %dma_wait3A_224 = arith.constant 0 : i32
      %dma_wait3A_225 = arith.constant 0 : i32
      %dma_wait3A_226 = tpu.memref_slice %arg9[%dma_wait3A_224, %dma_wait3A_225] : memref<8x32xi32, #tpu.memory_space<vmem>> -> memref<1x32xi32, #tpu.memory_space<vmem>>
      %dma_wait3A_227 = tpu.memref_squeeze %dma_wait3A_226 : memref<1x32xi32, #tpu.memory_space<vmem>> -> memref<32xi32, #tpu.memory_space<vmem>>
      %dma_wait3A_228 = arith.constant 0 : i32
      %dma_wait3A_229 = arith.constant 0 : i32
      %dma_wait3A_230 = tpu.memref_slice %arg2[%dma_wait3A_228, %dma_wait3A_229] : memref<10240x128xf32, #tpu.memory_space<hbm>> -> memref<10240x128xf32, #tpu.memory_space<hbm>>
      tpu.wait_indirect_dma semaphore(%arg20 : memref<!tpu.dma_semaphore, #tpu.memory_space<semaphore_mem>>) src(%dma_wait3A_230 : memref<10240x128xf32, #tpu.memory_space<hbm>>) dst(%arg18 : memref<32x128xf32, #tpu.memory_space<vmem>>)
      %run_scoped3A = arith.constant 0 : i32
      "tpu.region"() ({
        %run_scoped3A_238 = tpu.sem_alloc : memref<!tpu.dma_semaphore, #tpu.memory_space<semaphore_mem>>
        %dma_start3A_239 = arith.constant 0 : i32
        %dma_start3A_240 = tpu.memref_slice %arg10[%run_scoped3A, %dma_start3A_239] : memref<8x32xi32, #tpu.memory_space<vmem>> -> memref<1x32xi32, #tpu.memory_space<vmem>>
        %dma_start3A_241 = tpu.memref_squeeze %dma_start3A_240 : memref<1x32xi32, #tpu.memory_space<vmem>> -> memref<32xi32, #tpu.memory_space<vmem>>
        %dma_start3A_242 = arith.constant 0 : i32
        %dma_start3A_243 = arith.constant 0 : i32
        %dma_start3A_244 = tpu.memref_slice %arg19[%dma_start3A_242, %dma_start3A_243] : memref<9728x128xf32, #tpu.memory_space<vmem_shared>> -> memref<9728x128xf32, #tpu.memory_space<vmem_shared>>
        tpu.enqueue_indirect_dma source(%arg11 : memref<32x128xf32, #tpu.memory_space<vmem>>) target(%dma_start3A_244 : memref<9728x128xf32, #tpu.memory_space<vmem_shared>>) offsets(%dma_start3A_241 : memref<32xi32, #tpu.memory_space<vmem>>) semaphore(%run_scoped3A_238 : memref<!tpu.dma_semaphore, #tpu.memory_space<semaphore_mem>>) {add = true}
        %dma_wait3A_245 = arith.constant 0 : i32
        %dma_wait3A_246 = tpu.memref_slice %arg10[%run_scoped3A, %dma_wait3A_245] : memref<8x32xi32, #tpu.memory_space<vmem>> -> memref<1x32xi32, #tpu.memory_space<vmem>>
        %dma_wait3A_247 = tpu.memref_squeeze %dma_wait3A_246 : memref<1x32xi32, #tpu.memory_space<vmem>> -> memref<32xi32, #tpu.memory_space<vmem>>
        %dma_wait3A_248 = arith.constant 0 : i32
        %dma_wait3A_249 = arith.constant 0 : i32
        %dma_wait3A_250 = tpu.memref_slice %arg19[%dma_wait3A_248, %dma_wait3A_249] : memref<9728x128xf32, #tpu.memory_space<vmem_shared>> -> memref<9728x128xf32, #tpu.memory_space<vmem_shared>>
        tpu.wait_indirect_dma semaphore(%run_scoped3A_238 : memref<!tpu.dma_semaphore, #tpu.memory_space<semaphore_mem>>) src(%arg11 : memref<32x128xf32, #tpu.memory_space<vmem>>) dst(%dma_wait3A_250 : memref<9728x128xf32, #tpu.memory_space<vmem_shared>>)
        tpu.yield
      }) : () -> ()
      %run_scoped3A_231 = arith.constant 1 : i32
      "tpu.region"() ({
        %run_scoped3A_238 = tpu.sem_alloc : memref<!tpu.dma_semaphore, #tpu.memory_space<semaphore_mem>>
        %dma_start3A_239 = arith.constant 0 : i32
        %dma_start3A_240 = tpu.memref_slice %arg10[%run_scoped3A_231, %dma_start3A_239] : memref<8x32xi32, #tpu.memory_space<vmem>> -> memref<1x32xi32, #tpu.memory_space<vmem>>
        %dma_start3A_241 = tpu.memref_squeeze %dma_start3A_240 : memref<1x32xi32, #tpu.memory_space<vmem>> -> memref<32xi32, #tpu.memory_space<vmem>>
        %dma_start3A_242 = arith.constant 0 : i32
        %dma_start3A_243 = arith.constant 0 : i32
        %dma_start3A_244 = tpu.memref_slice %arg19[%dma_start3A_242, %dma_start3A_243] : memref<9728x128xf32, #tpu.memory_space<vmem_shared>> -> memref<9728x128xf32, #tpu.memory_space<vmem_shared>>
        tpu.enqueue_indirect_dma source(%arg12 : memref<32x128xf32, #tpu.memory_space<vmem>>) target(%dma_start3A_244 : memref<9728x128xf32, #tpu.memory_space<vmem_shared>>) offsets(%dma_start3A_241 : memref<32xi32, #tpu.memory_space<vmem>>) semaphore(%run_scoped3A_238 : memref<!tpu.dma_semaphore, #tpu.memory_space<semaphore_mem>>) {add = true}
        %dma_wait3A_245 = arith.constant 0 : i32
        %dma_wait3A_246 = tpu.memref_slice %arg10[%run_scoped3A_231, %dma_wait3A_245] : memref<8x32xi32, #tpu.memory_space<vmem>> -> memref<1x32xi32, #tpu.memory_space<vmem>>
        %dma_wait3A_247 = tpu.memref_squeeze %dma_wait3A_246 : memref<1x32xi32, #tpu.memory_space<vmem>> -> memref<32xi32, #tpu.memory_space<vmem>>
        %dma_wait3A_248 = arith.constant 0 : i32
        %dma_wait3A_249 = arith.constant 0 : i32
        %dma_wait3A_250 = tpu.memref_slice %arg19[%dma_wait3A_248, %dma_wait3A_249] : memref<9728x128xf32, #tpu.memory_space<vmem_shared>> -> memref<9728x128xf32, #tpu.memory_space<vmem_shared>>
        tpu.wait_indirect_dma semaphore(%run_scoped3A_238 : memref<!tpu.dma_semaphore, #tpu.memory_space<semaphore_mem>>) src(%arg12 : memref<32x128xf32, #tpu.memory_space<vmem>>) dst(%dma_wait3A_250 : memref<9728x128xf32, #tpu.memory_space<vmem_shared>>)
        tpu.yield
      }) : () -> ()
      %run_scoped3A_232 = arith.constant 2 : i32
      "tpu.region"() ({
        %run_scoped3A_238 = tpu.sem_alloc : memref<!tpu.dma_semaphore, #tpu.memory_space<semaphore_mem>>
        %dma_start3A_239 = arith.constant 0 : i32
        %dma_start3A_240 = tpu.memref_slice %arg10[%run_scoped3A_232, %dma_start3A_239] : memref<8x32xi32, #tpu.memory_space<vmem>> -> memref<1x32xi32, #tpu.memory_space<vmem>>
        %dma_start3A_241 = tpu.memref_squeeze %dma_start3A_240 : memref<1x32xi32, #tpu.memory_space<vmem>> -> memref<32xi32, #tpu.memory_space<vmem>>
        %dma_start3A_242 = arith.constant 0 : i32
        %dma_start3A_243 = arith.constant 0 : i32
        %dma_start3A_244 = tpu.memref_slice %arg19[%dma_start3A_242, %dma_start3A_243] : memref<9728x128xf32, #tpu.memory_space<vmem_shared>> -> memref<9728x128xf32, #tpu.memory_space<vmem_shared>>
        tpu.enqueue_indirect_dma source(%arg13 : memref<32x128xf32, #tpu.memory_space<vmem>>) target(%dma_start3A_244 : memref<9728x128xf32, #tpu.memory_space<vmem_shared>>) offsets(%dma_start3A_241 : memref<32xi32, #tpu.memory_space<vmem>>) semaphore(%run_scoped3A_238 : memref<!tpu.dma_semaphore, #tpu.memory_space<semaphore_mem>>) {add = true}
        %dma_wait3A_245 = arith.constant 0 : i32
        %dma_wait3A_246 = tpu.memref_slice %arg10[%run_scoped3A_232, %dma_wait3A_245] : memref<8x32xi32, #tpu.memory_space<vmem>> -> memref<1x32xi32, #tpu.memory_space<vmem>>
        %dma_wait3A_247 = tpu.memref_squeeze %dma_wait3A_246 : memref<1x32xi32, #tpu.memory_space<vmem>> -> memref<32xi32, #tpu.memory_space<vmem>>
        %dma_wait3A_248 = arith.constant 0 : i32
        %dma_wait3A_249 = arith.constant 0 : i32
        %dma_wait3A_250 = tpu.memref_slice %arg19[%dma_wait3A_248, %dma_wait3A_249] : memref<9728x128xf32, #tpu.memory_space<vmem_shared>> -> memref<9728x128xf32, #tpu.memory_space<vmem_shared>>
        tpu.wait_indirect_dma semaphore(%run_scoped3A_238 : memref<!tpu.dma_semaphore, #tpu.memory_space<semaphore_mem>>) src(%arg13 : memref<32x128xf32, #tpu.memory_space<vmem>>) dst(%dma_wait3A_250 : memref<9728x128xf32, #tpu.memory_space<vmem_shared>>)
        tpu.yield
      }) : () -> ()
      %run_scoped3A_233 = arith.constant 3 : i32
      "tpu.region"() ({
        %run_scoped3A_238 = tpu.sem_alloc : memref<!tpu.dma_semaphore, #tpu.memory_space<semaphore_mem>>
        %dma_start3A_239 = arith.constant 0 : i32
        %dma_start3A_240 = tpu.memref_slice %arg10[%run_scoped3A_233, %dma_start3A_239] : memref<8x32xi32, #tpu.memory_space<vmem>> -> memref<1x32xi32, #tpu.memory_space<vmem>>
        %dma_start3A_241 = tpu.memref_squeeze %dma_start3A_240 : memref<1x32xi32, #tpu.memory_space<vmem>> -> memref<32xi32, #tpu.memory_space<vmem>>
        %dma_start3A_242 = arith.constant 0 : i32
        %dma_start3A_243 = arith.constant 0 : i32
        %dma_start3A_244 = tpu.memref_slice %arg19[%dma_start3A_242, %dma_start3A_243] : memref<9728x128xf32, #tpu.memory_space<vmem_shared>> -> memref<9728x128xf32, #tpu.memory_space<vmem_shared>>
        tpu.enqueue_indirect_dma source(%arg14 : memref<32x128xf32, #tpu.memory_space<vmem>>) target(%dma_start3A_244 : memref<9728x128xf32, #tpu.memory_space<vmem_shared>>) offsets(%dma_start3A_241 : memref<32xi32, #tpu.memory_space<vmem>>) semaphore(%run_scoped3A_238 : memref<!tpu.dma_semaphore, #tpu.memory_space<semaphore_mem>>) {add = true}
        %dma_wait3A_245 = arith.constant 0 : i32
        %dma_wait3A_246 = tpu.memref_slice %arg10[%run_scoped3A_233, %dma_wait3A_245] : memref<8x32xi32, #tpu.memory_space<vmem>> -> memref<1x32xi32, #tpu.memory_space<vmem>>
        %dma_wait3A_247 = tpu.memref_squeeze %dma_wait3A_246 : memref<1x32xi32, #tpu.memory_space<vmem>> -> memref<32xi32, #tpu.memory_space<vmem>>
        %dma_wait3A_248 = arith.constant 0 : i32
        %dma_wait3A_249 = arith.constant 0 : i32
        %dma_wait3A_250 = tpu.memref_slice %arg19[%dma_wait3A_248, %dma_wait3A_249] : memref<9728x128xf32, #tpu.memory_space<vmem_shared>> -> memref<9728x128xf32, #tpu.memory_space<vmem_shared>>
        tpu.wait_indirect_dma semaphore(%run_scoped3A_238 : memref<!tpu.dma_semaphore, #tpu.memory_space<semaphore_mem>>) src(%arg14 : memref<32x128xf32, #tpu.memory_space<vmem>>) dst(%dma_wait3A_250 : memref<9728x128xf32, #tpu.memory_space<vmem_shared>>)
        tpu.yield
      }) : () -> ()
      %run_scoped3A_234 = arith.constant 4 : i32
      "tpu.region"() ({
        %run_scoped3A_238 = tpu.sem_alloc : memref<!tpu.dma_semaphore, #tpu.memory_space<semaphore_mem>>
        %dma_start3A_239 = arith.constant 0 : i32
        %dma_start3A_240 = tpu.memref_slice %arg10[%run_scoped3A_234, %dma_start3A_239] : memref<8x32xi32, #tpu.memory_space<vmem>> -> memref<1x32xi32, #tpu.memory_space<vmem>>
        %dma_start3A_241 = tpu.memref_squeeze %dma_start3A_240 : memref<1x32xi32, #tpu.memory_space<vmem>> -> memref<32xi32, #tpu.memory_space<vmem>>
        %dma_start3A_242 = arith.constant 0 : i32
        %dma_start3A_243 = arith.constant 0 : i32
        %dma_start3A_244 = tpu.memref_slice %arg19[%dma_start3A_242, %dma_start3A_243] : memref<9728x128xf32, #tpu.memory_space<vmem_shared>> -> memref<9728x128xf32, #tpu.memory_space<vmem_shared>>
        tpu.enqueue_indirect_dma source(%arg15 : memref<32x128xf32, #tpu.memory_space<vmem>>) target(%dma_start3A_244 : memref<9728x128xf32, #tpu.memory_space<vmem_shared>>) offsets(%dma_start3A_241 : memref<32xi32, #tpu.memory_space<vmem>>) semaphore(%run_scoped3A_238 : memref<!tpu.dma_semaphore, #tpu.memory_space<semaphore_mem>>) {add = true}
        %dma_wait3A_245 = arith.constant 0 : i32
        %dma_wait3A_246 = tpu.memref_slice %arg10[%run_scoped3A_234, %dma_wait3A_245] : memref<8x32xi32, #tpu.memory_space<vmem>> -> memref<1x32xi32, #tpu.memory_space<vmem>>
        %dma_wait3A_247 = tpu.memref_squeeze %dma_wait3A_246 : memref<1x32xi32, #tpu.memory_space<vmem>> -> memref<32xi32, #tpu.memory_space<vmem>>
        %dma_wait3A_248 = arith.constant 0 : i32
        %dma_wait3A_249 = arith.constant 0 : i32
        %dma_wait3A_250 = tpu.memref_slice %arg19[%dma_wait3A_248, %dma_wait3A_249] : memref<9728x128xf32, #tpu.memory_space<vmem_shared>> -> memref<9728x128xf32, #tpu.memory_space<vmem_shared>>
        tpu.wait_indirect_dma semaphore(%run_scoped3A_238 : memref<!tpu.dma_semaphore, #tpu.memory_space<semaphore_mem>>) src(%arg15 : memref<32x128xf32, #tpu.memory_space<vmem>>) dst(%dma_wait3A_250 : memref<9728x128xf32, #tpu.memory_space<vmem_shared>>)
        tpu.yield
      }) : () -> ()
      %run_scoped3A_235 = arith.constant 5 : i32
      "tpu.region"() ({
        %run_scoped3A_238 = tpu.sem_alloc : memref<!tpu.dma_semaphore, #tpu.memory_space<semaphore_mem>>
        %dma_start3A_239 = arith.constant 0 : i32
        %dma_start3A_240 = tpu.memref_slice %arg10[%run_scoped3A_235, %dma_start3A_239] : memref<8x32xi32, #tpu.memory_space<vmem>> -> memref<1x32xi32, #tpu.memory_space<vmem>>
        %dma_start3A_241 = tpu.memref_squeeze %dma_start3A_240 : memref<1x32xi32, #tpu.memory_space<vmem>> -> memref<32xi32, #tpu.memory_space<vmem>>
        %dma_start3A_242 = arith.constant 0 : i32
        %dma_start3A_243 = arith.constant 0 : i32
        %dma_start3A_244 = tpu.memref_slice %arg19[%dma_start3A_242, %dma_start3A_243] : memref<9728x128xf32, #tpu.memory_space<vmem_shared>> -> memref<9728x128xf32, #tpu.memory_space<vmem_shared>>
        tpu.enqueue_indirect_dma source(%arg16 : memref<32x128xf32, #tpu.memory_space<vmem>>) target(%dma_start3A_244 : memref<9728x128xf32, #tpu.memory_space<vmem_shared>>) offsets(%dma_start3A_241 : memref<32xi32, #tpu.memory_space<vmem>>) semaphore(%run_scoped3A_238 : memref<!tpu.dma_semaphore, #tpu.memory_space<semaphore_mem>>) {add = true}
        %dma_wait3A_245 = arith.constant 0 : i32
        %dma_wait3A_246 = tpu.memref_slice %arg10[%run_scoped3A_235, %dma_wait3A_245] : memref<8x32xi32, #tpu.memory_space<vmem>> -> memref<1x32xi32, #tpu.memory_space<vmem>>
        %dma_wait3A_247 = tpu.memref_squeeze %dma_wait3A_246 : memref<1x32xi32, #tpu.memory_space<vmem>> -> memref<32xi32, #tpu.memory_space<vmem>>
        %dma_wait3A_248 = arith.constant 0 : i32
        %dma_wait3A_249 = arith.constant 0 : i32
        %dma_wait3A_250 = tpu.memref_slice %arg19[%dma_wait3A_248, %dma_wait3A_249] : memref<9728x128xf32, #tpu.memory_space<vmem_shared>> -> memref<9728x128xf32, #tpu.memory_space<vmem_shared>>
        tpu.wait_indirect_dma semaphore(%run_scoped3A_238 : memref<!tpu.dma_semaphore, #tpu.memory_space<semaphore_mem>>) src(%arg16 : memref<32x128xf32, #tpu.memory_space<vmem>>) dst(%dma_wait3A_250 : memref<9728x128xf32, #tpu.memory_space<vmem_shared>>)
        tpu.yield
      }) : () -> ()
      %run_scoped3A_236 = arith.constant 6 : i32
      "tpu.region"() ({
        %run_scoped3A_238 = tpu.sem_alloc : memref<!tpu.dma_semaphore, #tpu.memory_space<semaphore_mem>>
        %dma_start3A_239 = arith.constant 0 : i32
        %dma_start3A_240 = tpu.memref_slice %arg10[%run_scoped3A_236, %dma_start3A_239] : memref<8x32xi32, #tpu.memory_space<vmem>> -> memref<1x32xi32, #tpu.memory_space<vmem>>
        %dma_start3A_241 = tpu.memref_squeeze %dma_start3A_240 : memref<1x32xi32, #tpu.memory_space<vmem>> -> memref<32xi32, #tpu.memory_space<vmem>>
        %dma_start3A_242 = arith.constant 0 : i32
        %dma_start3A_243 = arith.constant 0 : i32
        %dma_start3A_244 = tpu.memref_slice %arg19[%dma_start3A_242, %dma_start3A_243] : memref<9728x128xf32, #tpu.memory_space<vmem_shared>> -> memref<9728x128xf32, #tpu.memory_space<vmem_shared>>
        tpu.enqueue_indirect_dma source(%arg17 : memref<32x128xf32, #tpu.memory_space<vmem>>) target(%dma_start3A_244 : memref<9728x128xf32, #tpu.memory_space<vmem_shared>>) offsets(%dma_start3A_241 : memref<32xi32, #tpu.memory_space<vmem>>) semaphore(%run_scoped3A_238 : memref<!tpu.dma_semaphore, #tpu.memory_space<semaphore_mem>>) {add = true}
        %dma_wait3A_245 = arith.constant 0 : i32
        %dma_wait3A_246 = tpu.memref_slice %arg10[%run_scoped3A_236, %dma_wait3A_245] : memref<8x32xi32, #tpu.memory_space<vmem>> -> memref<1x32xi32, #tpu.memory_space<vmem>>
        %dma_wait3A_247 = tpu.memref_squeeze %dma_wait3A_246 : memref<1x32xi32, #tpu.memory_space<vmem>> -> memref<32xi32, #tpu.memory_space<vmem>>
        %dma_wait3A_248 = arith.constant 0 : i32
        %dma_wait3A_249 = arith.constant 0 : i32
        %dma_wait3A_250 = tpu.memref_slice %arg19[%dma_wait3A_248, %dma_wait3A_249] : memref<9728x128xf32, #tpu.memory_space<vmem_shared>> -> memref<9728x128xf32, #tpu.memory_space<vmem_shared>>
        tpu.wait_indirect_dma semaphore(%run_scoped3A_238 : memref<!tpu.dma_semaphore, #tpu.memory_space<semaphore_mem>>) src(%arg17 : memref<32x128xf32, #tpu.memory_space<vmem>>) dst(%dma_wait3A_250 : memref<9728x128xf32, #tpu.memory_space<vmem_shared>>)
        tpu.yield
      }) : () -> ()
      %run_scoped3A_237 = arith.constant 7 : i32
      "tpu.region"() ({
        %run_scoped3A_238 = tpu.sem_alloc : memref<!tpu.dma_semaphore, #tpu.memory_space<semaphore_mem>>
        %dma_start3A_239 = arith.constant 0 : i32
        %dma_start3A_240 = tpu.memref_slice %arg10[%run_scoped3A_237, %dma_start3A_239] : memref<8x32xi32, #tpu.memory_space<vmem>> -> memref<1x32xi32, #tpu.memory_space<vmem>>
        %dma_start3A_241 = tpu.memref_squeeze %dma_start3A_240 : memref<1x32xi32, #tpu.memory_space<vmem>> -> memref<32xi32, #tpu.memory_space<vmem>>
        %dma_start3A_242 = arith.constant 0 : i32
        %dma_start3A_243 = arith.constant 0 : i32
        %dma_start3A_244 = tpu.memref_slice %arg19[%dma_start3A_242, %dma_start3A_243] : memref<9728x128xf32, #tpu.memory_space<vmem_shared>> -> memref<9728x128xf32, #tpu.memory_space<vmem_shared>>
        tpu.enqueue_indirect_dma source(%arg18 : memref<32x128xf32, #tpu.memory_space<vmem>>) target(%dma_start3A_244 : memref<9728x128xf32, #tpu.memory_space<vmem_shared>>) offsets(%dma_start3A_241 : memref<32xi32, #tpu.memory_space<vmem>>) semaphore(%run_scoped3A_238 : memref<!tpu.dma_semaphore, #tpu.memory_space<semaphore_mem>>) {add = true}
        %dma_wait3A_245 = arith.constant 0 : i32
        %dma_wait3A_246 = tpu.memref_slice %arg10[%run_scoped3A_237, %dma_wait3A_245] : memref<8x32xi32, #tpu.memory_space<vmem>> -> memref<1x32xi32, #tpu.memory_space<vmem>>
        %dma_wait3A_247 = tpu.memref_squeeze %dma_wait3A_246 : memref<1x32xi32, #tpu.memory_space<vmem>> -> memref<32xi32, #tpu.memory_space<vmem>>
        %dma_wait3A_248 = arith.constant 0 : i32
        %dma_wait3A_249 = arith.constant 0 : i32
        %dma_wait3A_250 = tpu.memref_slice %arg19[%dma_wait3A_248, %dma_wait3A_249] : memref<9728x128xf32, #tpu.memory_space<vmem_shared>> -> memref<9728x128xf32, #tpu.memory_space<vmem_shared>>
        tpu.wait_indirect_dma semaphore(%run_scoped3A_238 : memref<!tpu.dma_semaphore, #tpu.memory_space<semaphore_mem>>) src(%arg18 : memref<32x128xf32, #tpu.memory_space<vmem>>) dst(%dma_wait3A_250 : memref<9728x128xf32, #tpu.memory_space<vmem_shared>>)
        tpu.yield
      }) : () -> ()
    }
    %scan3A_85 = arith.constant 40 : i32
    %barrier3A_86 = arith.constant 0 : index
    tpu.barrier barrier_id(%barrier3A_86)
    %mul3A_87 = arith.constant 608 : i32
    %mul3A_88 = arith.muli %arg1, %mul3A_87 : i32
    %mul3A_89 = arith.constant 608 : i32
    %mul3A_90 = arith.muli %arg1, %mul3A_89 : i32
    "tpu.region"() ({
      %run_scoped3A = tpu.sem_alloc : memref<!tpu.dma_semaphore, #tpu.memory_space<semaphore_mem>>
      %dma_start3A = arith.constant 0 : i32
      %dma_start3A_116 = arith.constant 0 : i32
      %dma_start3A_117 = tpu.memref_slice %arg7[%arg0, %dma_start3A, %dma_start3A_116] : memref<2x9728x128xf32, #tpu.memory_space<hbm>> -> memref<1x9728x128xf32, #tpu.memory_space<hbm>>
      %dma_start3A_118 = tpu.memref_squeeze %dma_start3A_117 : memref<1x9728x128xf32, #tpu.memory_space<hbm>> -> memref<9728x128xf32, #tpu.memory_space<hbm>>
      %dma_start3A_119 = arith.constant 0 : i32
      %dma_start3A_120 = tpu.memref_slice %dma_start3A_118[%mul3A_90, %dma_start3A_119] : memref<9728x128xf32, #tpu.memory_space<hbm>> -> memref<608x128xf32, #tpu.memory_space<hbm>>
      %dma_start3A_121 = arith.constant 0 : i32
      %dma_start3A_122 = tpu.memref_slice %arg19[%mul3A_88, %dma_start3A_121] : memref<9728x128xf32, #tpu.memory_space<vmem_shared>> -> memref<608x128xf32, #tpu.memory_space<vmem_shared>>
      tpu.enqueue_dma source(%dma_start3A_122 : memref<608x128xf32, #tpu.memory_space<vmem_shared>>) target(%dma_start3A_120 : memref<608x128xf32, #tpu.memory_space<hbm>>) target_semaphore(%run_scoped3A : memref<!tpu.dma_semaphore, #tpu.memory_space<semaphore_mem>>)
      %dma_wait3A = arith.constant 0 : i32
      %dma_wait3A_123 = arith.constant 0 : i32
      %dma_wait3A_124 = tpu.memref_slice %arg7[%arg0, %dma_wait3A, %dma_wait3A_123] : memref<2x9728x128xf32, #tpu.memory_space<hbm>> -> memref<1x9728x128xf32, #tpu.memory_space<hbm>>
      %dma_wait3A_125 = tpu.memref_squeeze %dma_wait3A_124 : memref<1x9728x128xf32, #tpu.memory_space<hbm>> -> memref<9728x128xf32, #tpu.memory_space<hbm>>
      %dma_wait3A_126 = arith.constant 0 : i32
      %dma_wait3A_127 = tpu.memref_slice %dma_wait3A_125[%mul3A_90, %dma_wait3A_126] : memref<9728x128xf32, #tpu.memory_space<hbm>> -> memref<608x128xf32, #tpu.memory_space<hbm>>
      %dma_wait3A_128 = arith.constant 0 : i32
      %dma_wait3A_129 = tpu.memref_slice %arg19[%mul3A_88, %dma_wait3A_128] : memref<9728x128xf32, #tpu.memory_space<vmem_shared>> -> memref<608x128xf32, #tpu.memory_space<vmem_shared>>
      tpu.wait_dma2 semaphore(%run_scoped3A : memref<!tpu.dma_semaphore, #tpu.memory_space<semaphore_mem>>) src(%dma_wait3A_129 : memref<608x128xf32, #tpu.memory_space<vmem_shared>>) dst(%dma_wait3A_127 : memref<608x128xf32, #tpu.memory_space<hbm>>)
      tpu.yield
    }) : () -> ()
    %barrier3A_91 = arith.constant 0 : index
    tpu.barrier barrier_id(%barrier3A_91)
    %scan3A_92 = arith.constant 0 : i32
    %scan3A_93 = arith.constant 32 : i32
    %scan3A_94 = arith.addi %scan3A_92, %scan3A_93 : i32
    %scan3A_95 = arith.constant 1 : i32
    scf.for %scan3A_116 = %scan3A_92 to %scan3A_94 step %scan3A_95  : i32 {
      %mul3A_117 = arith.constant 1 : i32
      %mul3A_118 = arith.muli %scan3A_116, %mul3A_117 : i32
      %add3A_119 = arith.constant 0 : i32
      %add3A_120 = arith.addi %add3A_119, %mul3A_118 : i32
      %scan3A_121 = arith.constant 0 : i32
      %scan3A_122 = arith.constant 8 : i32
      %scan3A_123 = arith.addi %scan3A_121, %scan3A_122 : i32
      %scan3A_124 = arith.constant 1 : i32
      scf.for %scan3A_126 = %scan3A_121 to %scan3A_123 step %scan3A_124  : i32 {
        %mul3A_127 = arith.constant 16 : i32
        %mul3A_128 = arith.muli %scan3A_126, %mul3A_127 : i32
        %add3A_129 = arith.constant 0 : i32
        %add3A_130 = arith.addi %add3A_129, %mul3A_128 : i32
        %broadcast_in_dim3A = arith.constant 0.000000e+00 : f32
        %broadcast_in_dim3A_131 = vector.broadcast %broadcast_in_dim3A : f32 to vector<16xf32>
        %swap3A = arith.index_cast %add3A_120 : i32 to index
        %swap3A_132 = arith.index_cast %add3A_130 : i32 to index
        %swap3A_133 = tpu.vector_load %arg11[%swap3A, %swap3A_132] {strides = array<i32>} : memref<32x128xf32, #tpu.memory_space<vmem>>, vector<1x16xf32>,
        %swap3A_134 = vector.shape_cast %swap3A_133 : vector<1x16xf32> to vector<16xf32>
        %swap3A_135 = vector.shape_cast %broadcast_in_dim3A_131 : vector<16xf32> to vector<1x16xf32>
        tpu.vector_store %arg11[%swap3A, %swap3A_132], %swap3A_135 {strides = array<i32>} : memref<32x128xf32, #tpu.memory_space<vmem>>, vector<1x16xf32>,
      }
      %scan3A_125 = arith.constant 8 : i32
    }
    %scan3A_96 = arith.constant 32 : i32
    %mul3A_97 = arith.constant 33 : i32
    %mul3A_98 = arith.muli %arg1, %mul3A_97 : i32
    %add3A_99 = arith.constant 0 : i32
    %add3A_100 = arith.addi %mul3A_98, %add3A_99 : i32
    "tpu.region"() ({
      %run_scoped3A = tpu.sem_alloc : memref<!tpu.dma_semaphore, #tpu.memory_space<semaphore_mem>>
      %dma_start3A = arith.constant 0 : i32
      %dma_start3A_116 = tpu.memref_slice %arg19[%add3A_100, %dma_start3A] : memref<9728x128xf32, #tpu.memory_space<vmem_shared>> -> memref<32x128xf32, #tpu.memory_space<vmem_shared>>
      %dma_start3A_117 = arith.constant 0 : i32
      %dma_start3A_118 = tpu.memref_slice %arg19[%add3A_100, %dma_start3A_117] : memref<9728x128xf32, #tpu.memory_space<vmem_shared>> -> memref<32x128xf32, #tpu.memory_space<vmem_shared>>
      tpu.enqueue_dma source(%arg11 : memref<32x128xf32, #tpu.memory_space<vmem>>) target(%dma_start3A_118 : memref<32x128xf32, #tpu.memory_space<vmem_shared>>) target_semaphore(%run_scoped3A : memref<!tpu.dma_semaphore, #tpu.memory_space<semaphore_mem>>)
      %dma_wait3A = arith.constant 0 : i32
      %dma_wait3A_119 = tpu.memref_slice %arg19[%add3A_100, %dma_wait3A] : memref<9728x128xf32, #tpu.memory_space<vmem_shared>> -> memref<32x128xf32, #tpu.memory_space<vmem_shared>>
      %dma_wait3A_120 = arith.constant 0 : i32
      %dma_wait3A_121 = tpu.memref_slice %arg19[%add3A_100, %dma_wait3A_120] : memref<9728x128xf32, #tpu.memory_space<vmem_shared>> -> memref<32x128xf32, #tpu.memory_space<vmem_shared>>
      tpu.wait_dma2 semaphore(%run_scoped3A : memref<!tpu.dma_semaphore, #tpu.memory_space<semaphore_mem>>) src(%arg11 : memref<32x128xf32, #tpu.memory_space<vmem>>) dst(%dma_wait3A_121 : memref<32x128xf32, #tpu.memory_space<vmem_shared>>)
      tpu.yield
    }) : () -> ()
    %mul3A_101 = arith.constant 33 : i32
    %mul3A_102 = arith.muli %arg1, %mul3A_101 : i32
    %add3A_103 = arith.constant 32 : i32
    %add3A_104 = arith.addi %mul3A_102, %add3A_103 : i32
    "tpu.region"() ({
      %run_scoped3A = tpu.sem_alloc : memref<!tpu.dma_semaphore, #tpu.memory_space<semaphore_mem>>
      %dma_start3A = arith.constant 0 : i32
      %dma_start3A_116 = arith.constant 0 : i32
      %dma_start3A_117 = tpu.memref_slice %arg11[%dma_start3A, %dma_start3A_116] : memref<32x128xf32, #tpu.memory_space<vmem>> -> memref<1x128xf32, #tpu.memory_space<vmem>>
      %dma_start3A_118 = arith.constant 0 : i32
      %dma_start3A_119 = tpu.memref_slice %arg19[%add3A_104, %dma_start3A_118] : memref<9728x128xf32, #tpu.memory_space<vmem_shared>> -> memref<1x128xf32, #tpu.memory_space<vmem_shared>>
      %dma_start3A_120 = arith.constant 0 : i32
      %dma_start3A_121 = tpu.memref_slice %arg19[%add3A_104, %dma_start3A_120] : memref<9728x128xf32, #tpu.memory_space<vmem_shared>> -> memref<1x128xf32, #tpu.memory_space<vmem_shared>>
      %dma_start3A_122 = arith.constant 0 : i32
      %dma_start3A_123 = arith.constant 0 : i32
      %dma_start3A_124 = tpu.memref_slice %arg11[%dma_start3A_122, %dma_start3A_123] : memref<32x128xf32, #tpu.memory_space<vmem>> -> memref<1x128xf32, #tpu.memory_space<vmem>>
      tpu.enqueue_dma source(%dma_start3A_124 : memref<1x128xf32, #tpu.memory_space<vmem>>) target(%dma_start3A_121 : memref<1x128xf32, #tpu.memory_space<vmem_shared>>) target_semaphore(%run_scoped3A : memref<!tpu.dma_semaphore, #tpu.memory_space<semaphore_mem>>)
      %dma_wait3A = arith.constant 0 : i32
      %dma_wait3A_125 = arith.constant 0 : i32
      %dma_wait3A_126 = tpu.memref_slice %arg11[%dma_wait3A, %dma_wait3A_125] : memref<32x128xf32, #tpu.memory_space<vmem>> -> memref<1x128xf32, #tpu.memory_space<vmem>>
      %dma_wait3A_127 = arith.constant 0 : i32
      %dma_wait3A_128 = tpu.memref_slice %arg19[%add3A_104, %dma_wait3A_127] : memref<9728x128xf32, #tpu.memory_space<vmem_shared>> -> memref<1x128xf32, #tpu.memory_space<vmem_shared>>
      %dma_wait3A_129 = arith.constant 0 : i32
      %dma_wait3A_130 = tpu.memref_slice %arg19[%add3A_104, %dma_wait3A_129] : memref<9728x128xf32, #tpu.memory_space<vmem_shared>> -> memref<1x128xf32, #tpu.memory_space<vmem_shared>>
      %dma_wait3A_131 = arith.constant 0 : i32
      %dma_wait3A_132 = arith.constant 0 : i32
      %dma_wait3A_133 = tpu.memref_slice %arg11[%dma_wait3A_131, %dma_wait3A_132] : memref<32x128xf32, #tpu.memory_space<vmem>> -> memref<1x128xf32, #tpu.memory_space<vmem>>
      tpu.wait_dma2 semaphore(%run_scoped3A : memref<!tpu.dma_semaphore, #tpu.memory_space<semaphore_mem>>) src(%dma_wait3A_133 : memref<1x128xf32, #tpu.memory_space<vmem>>) dst(%dma_wait3A_130 : memref<1x128xf32, #tpu.memory_space<vmem_shared>>)
      tpu.yield
    }) : () -> ()
    %barrier3A_105 = arith.constant 0 : index
    tpu.barrier barrier_id(%barrier3A_105)
    %scan3A_106 = arith.constant 0 : i32
    %scan3A_107 = arith.constant 40 : i32
    %scan3A_108 = arith.addi %scan3A_106, %scan3A_107 : i32
    %scan3A_109 = arith.constant 1 : i32
    scf.for %scan3A_116 = %scan3A_106 to %scan3A_108 step %scan3A_109  : i32 {
      %mul3A_117 = arith.constant 8 : i32
      %mul3A_118 = arith.muli %scan3A_116, %mul3A_117 : i32
      %add3A_119 = arith.constant 0 : i32
      %add3A_120 = arith.addi %add3A_119, %mul3A_118 : i32
      "tpu.region"() ({
        %run_scoped3A_238 = tpu.sem_alloc : memref<!tpu.dma_semaphore, #tpu.memory_space<semaphore_mem>>
        %dma_start3A_239 = arith.constant 0 : i32
        %dma_start3A_240 = arith.constant 0 : i32
        %dma_start3A_241 = tpu.memref_slice %arg5[%add3A, %dma_start3A_239, %dma_start3A_240] : memref<32x320x32xi32, #tpu.memory_space<hbm>> -> memref<1x320x32xi32, #tpu.memory_space<hbm>>
        %dma_start3A_242 = tpu.memref_squeeze %dma_start3A_241 : memref<1x320x32xi32, #tpu.memory_space<hbm>> -> memref<320x32xi32, #tpu.memory_space<hbm>>
        %dma_start3A_243 = arith.constant 0 : i32
        %dma_start3A_244 = tpu.memref_slice %dma_start3A_242[%add3A_120, %dma_start3A_243] : memref<320x32xi32, #tpu.memory_space<hbm>> -> memref<8x32xi32, #tpu.memory_space<hbm>>
        %dma_start3A_245 = arith.constant 0 : i32
        %dma_start3A_246 = arith.constant 0 : i32
        %dma_start3A_247 = tpu.memref_slice %arg5[%add3A, %dma_start3A_245, %dma_start3A_246] : memref<32x320x32xi32, #tpu.memory_space<hbm>> -> memref<1x320x32xi32, #tpu.memory_space<hbm>>
        %dma_start3A_248 = tpu.memref_squeeze %dma_start3A_247 : memref<1x320x32xi32, #tpu.memory_space<hbm>> -> memref<320x32xi32, #tpu.memory_space<hbm>>
        %dma_start3A_249 = arith.constant 0 : i32
        %dma_start3A_250 = tpu.memref_slice %dma_start3A_248[%add3A_120, %dma_start3A_249] : memref<320x32xi32, #tpu.memory_space<hbm>> -> memref<8x32xi32, #tpu.memory_space<hbm>>
        tpu.enqueue_dma source(%dma_start3A_250 : memref<8x32xi32, #tpu.memory_space<hbm>>) target(%arg9 : memref<8x32xi32, #tpu.memory_space<vmem>>) target_semaphore(%run_scoped3A_238 : memref<!tpu.dma_semaphore, #tpu.memory_space<semaphore_mem>>)
        %dma_wait3A_251 = arith.constant 0 : i32
        %dma_wait3A_252 = arith.constant 0 : i32
        %dma_wait3A_253 = tpu.memref_slice %arg5[%add3A, %dma_wait3A_251, %dma_wait3A_252] : memref<32x320x32xi32, #tpu.memory_space<hbm>> -> memref<1x320x32xi32, #tpu.memory_space<hbm>>
        %dma_wait3A_254 = tpu.memref_squeeze %dma_wait3A_253 : memref<1x320x32xi32, #tpu.memory_space<hbm>> -> memref<320x32xi32, #tpu.memory_space<hbm>>
        %dma_wait3A_255 = arith.constant 0 : i32
        %dma_wait3A_256 = tpu.memref_slice %dma_wait3A_254[%add3A_120, %dma_wait3A_255] : memref<320x32xi32, #tpu.memory_space<hbm>> -> memref<8x32xi32, #tpu.memory_space<hbm>>
        %dma_wait3A_257 = arith.constant 0 : i32
        %dma_wait3A_258 = arith.constant 0 : i32
        %dma_wait3A_259 = tpu.memref_slice %arg5[%add3A, %dma_wait3A_257, %dma_wait3A_258] : memref<32x320x32xi32, #tpu.memory_space<hbm>> -> memref<1x320x32xi32, #tpu.memory_space<hbm>>
        %dma_wait3A_260 = tpu.memref_squeeze %dma_wait3A_259 : memref<1x320x32xi32, #tpu.memory_space<hbm>> -> memref<320x32xi32, #tpu.memory_space<hbm>>
        %dma_wait3A_261 = arith.constant 0 : i32
        %dma_wait3A_262 = tpu.memref_slice %dma_wait3A_260[%add3A_120, %dma_wait3A_261] : memref<320x32xi32, #tpu.memory_space<hbm>> -> memref<8x32xi32, #tpu.memory_space<hbm>>
        tpu.wait_dma2 semaphore(%run_scoped3A_238 : memref<!tpu.dma_semaphore, #tpu.memory_space<semaphore_mem>>) src(%dma_wait3A_262 : memref<8x32xi32, #tpu.memory_space<hbm>>) dst(%arg9 : memref<8x32xi32, #tpu.memory_space<vmem>>)
        tpu.yield
      }) : () -> ()
      "tpu.region"() ({
        %run_scoped3A_238 = tpu.sem_alloc : memref<!tpu.dma_semaphore, #tpu.memory_space<semaphore_mem>>
        %dma_start3A_239 = arith.constant 0 : i32
        %dma_start3A_240 = arith.constant 0 : i32
        %dma_start3A_241 = tpu.memref_slice %arg6[%add3A, %dma_start3A_239, %dma_start3A_240] : memref<32x320x32xi32, #tpu.memory_space<hbm>> -> memref<1x320x32xi32, #tpu.memory_space<hbm>>
        %dma_start3A_242 = tpu.memref_squeeze %dma_start3A_241 : memref<1x320x32xi32, #tpu.memory_space<hbm>> -> memref<320x32xi32, #tpu.memory_space<hbm>>
        %dma_start3A_243 = arith.constant 0 : i32
        %dma_start3A_244 = tpu.memref_slice %dma_start3A_242[%add3A_120, %dma_start3A_243] : memref<320x32xi32, #tpu.memory_space<hbm>> -> memref<8x32xi32, #tpu.memory_space<hbm>>
        %dma_start3A_245 = arith.constant 0 : i32
        %dma_start3A_246 = arith.constant 0 : i32
        %dma_start3A_247 = tpu.memref_slice %arg6[%add3A, %dma_start3A_245, %dma_start3A_246] : memref<32x320x32xi32, #tpu.memory_space<hbm>> -> memref<1x320x32xi32, #tpu.memory_space<hbm>>
        %dma_start3A_248 = tpu.memref_squeeze %dma_start3A_247 : memref<1x320x32xi32, #tpu.memory_space<hbm>> -> memref<320x32xi32, #tpu.memory_space<hbm>>
        %dma_start3A_249 = arith.constant 0 : i32
        %dma_start3A_250 = tpu.memref_slice %dma_start3A_248[%add3A_120, %dma_start3A_249] : memref<320x32xi32, #tpu.memory_space<hbm>> -> memref<8x32xi32, #tpu.memory_space<hbm>>
        tpu.enqueue_dma source(%dma_start3A_250 : memref<8x32xi32, #tpu.memory_space<hbm>>) target(%arg10 : memref<8x32xi32, #tpu.memory_space<vmem>>) target_semaphore(%run_scoped3A_238 : memref<!tpu.dma_semaphore, #tpu.memory_space<semaphore_mem>>)
        %dma_wait3A_251 = arith.constant 0 : i32
        %dma_wait3A_252 = arith.constant 0 : i32
        %dma_wait3A_253 = tpu.memref_slice %arg6[%add3A, %dma_wait3A_251, %dma_wait3A_252] : memref<32x320x32xi32, #tpu.memory_space<hbm>> -> memref<1x320x32xi32, #tpu.memory_space<hbm>>
        %dma_wait3A_254 = tpu.memref_squeeze %dma_wait3A_253 : memref<1x320x32xi32, #tpu.memory_space<hbm>> -> memref<320x32xi32, #tpu.memory_space<hbm>>
        %dma_wait3A_255 = arith.constant 0 : i32
        %dma_wait3A_256 = tpu.memref_slice %dma_wait3A_254[%add3A_120, %dma_wait3A_255] : memref<320x32xi32, #tpu.memory_space<hbm>> -> memref<8x32xi32, #tpu.memory_space<hbm>>
        %dma_wait3A_257 = arith.constant 0 : i32
        %dma_wait3A_258 = arith.constant 0 : i32
        %dma_wait3A_259 = tpu.memref_slice %arg6[%add3A, %dma_wait3A_257, %dma_wait3A_258] : memref<32x320x32xi32, #tpu.memory_space<hbm>> -> memref<1x320x32xi32, #tpu.memory_space<hbm>>
        %dma_wait3A_260 = tpu.memref_squeeze %dma_wait3A_259 : memref<1x320x32xi32, #tpu.memory_space<hbm>> -> memref<320x32xi32, #tpu.memory_space<hbm>>
        %dma_wait3A_261 = arith.constant 0 : i32
        %dma_wait3A_262 = tpu.memref_slice %dma_wait3A_260[%add3A_120, %dma_wait3A_261] : memref<320x32xi32, #tpu.memory_space<hbm>> -> memref<8x32xi32, #tpu.memory_space<hbm>>
        tpu.wait_dma2 semaphore(%run_scoped3A_238 : memref<!tpu.dma_semaphore, #tpu.memory_space<semaphore_mem>>) src(%dma_wait3A_262 : memref<8x32xi32, #tpu.memory_space<hbm>>) dst(%arg10 : memref<8x32xi32, #tpu.memory_space<vmem>>)
        tpu.yield
      }) : () -> ()
      %dma_start3A = arith.constant 0 : i32
      %dma_start3A_121 = arith.constant 0 : i32
      %dma_start3A_122 = tpu.memref_slice %arg9[%dma_start3A, %dma_start3A_121] : memref<8x32xi32, #tpu.memory_space<vmem>> -> memref<1x32xi32, #tpu.memory_space<vmem>>
      %dma_start3A_123 = tpu.memref_squeeze %dma_start3A_122 : memref<1x32xi32, #tpu.memory_space<vmem>> -> memref<32xi32, #tpu.memory_space<vmem>>
      %dma_start3A_124 = arith.constant 0 : i32
      %dma_start3A_125 = arith.constant 0 : i32
      %dma_start3A_126 = tpu.memref_slice %arg2[%dma_start3A_124, %dma_start3A_125] : memref<10240x128xf32, #tpu.memory_space<hbm>> -> memref<10240x128xf32, #tpu.memory_space<hbm>>
      tpu.enqueue_indirect_dma source(%dma_start3A_126 : memref<10240x128xf32, #tpu.memory_space<hbm>>) target(%arg11 : memref<32x128xf32, #tpu.memory_space<vmem>>) offsets(%dma_start3A_123 : memref<32xi32, #tpu.memory_space<vmem>>) semaphore(%arg20 : memref<!tpu.dma_semaphore, #tpu.memory_space<semaphore_mem>>)
      %dma_start3A_127 = arith.constant 1 : i32
      %dma_start3A_128 = arith.constant 0 : i32
      %dma_start3A_129 = tpu.memref_slice %arg9[%dma_start3A_127, %dma_start3A_128] : memref<8x32xi32, #tpu.memory_space<vmem>> -> memref<1x32xi32, #tpu.memory_space<vmem>>
      %dma_start3A_130 = tpu.memref_squeeze %dma_start3A_129 : memref<1x32xi32, #tpu.memory_space<vmem>> -> memref<32xi32, #tpu.memory_space<vmem>>
      %dma_start3A_131 = arith.constant 0 : i32
      %dma_start3A_132 = arith.constant 0 : i32
      %dma_start3A_133 = tpu.memref_slice %arg2[%dma_start3A_131, %dma_start3A_132] : memref<10240x128xf32, #tpu.memory_space<hbm>> -> memref<10240x128xf32, #tpu.memory_space<hbm>>
      tpu.enqueue_indirect_dma source(%dma_start3A_133 : memref<10240x128xf32, #tpu.memory_space<hbm>>) target(%arg12 : memref<32x128xf32, #tpu.memory_space<vmem>>) offsets(%dma_start3A_130 : memref<32xi32, #tpu.memory_space<vmem>>) semaphore(%arg20 : memref<!tpu.dma_semaphore, #tpu.memory_space<semaphore_mem>>)
      %dma_start3A_134 = arith.constant 2 : i32
      %dma_start3A_135 = arith.constant 0 : i32
      %dma_start3A_136 = tpu.memref_slice %arg9[%dma_start3A_134, %dma_start3A_135] : memref<8x32xi32, #tpu.memory_space<vmem>> -> memref<1x32xi32, #tpu.memory_space<vmem>>
      %dma_start3A_137 = tpu.memref_squeeze %dma_start3A_136 : memref<1x32xi32, #tpu.memory_space<vmem>> -> memref<32xi32, #tpu.memory_space<vmem>>
      %dma_start3A_138 = arith.constant 0 : i32
      %dma_start3A_139 = arith.constant 0 : i32
      %dma_start3A_140 = tpu.memref_slice %arg2[%dma_start3A_138, %dma_start3A_139] : memref<10240x128xf32, #tpu.memory_space<hbm>> -> memref<10240x128xf32, #tpu.memory_space<hbm>>
      tpu.enqueue_indirect_dma source(%dma_start3A_140 : memref<10240x128xf32, #tpu.memory_space<hbm>>) target(%arg13 : memref<32x128xf32, #tpu.memory_space<vmem>>) offsets(%dma_start3A_137 : memref<32xi32, #tpu.memory_space<vmem>>) semaphore(%arg20 : memref<!tpu.dma_semaphore, #tpu.memory_space<semaphore_mem>>)
      %dma_start3A_141 = arith.constant 3 : i32
      %dma_start3A_142 = arith.constant 0 : i32
      %dma_start3A_143 = tpu.memref_slice %arg9[%dma_start3A_141, %dma_start3A_142] : memref<8x32xi32, #tpu.memory_space<vmem>> -> memref<1x32xi32, #tpu.memory_space<vmem>>
      %dma_start3A_144 = tpu.memref_squeeze %dma_start3A_143 : memref<1x32xi32, #tpu.memory_space<vmem>> -> memref<32xi32, #tpu.memory_space<vmem>>
      %dma_start3A_145 = arith.constant 0 : i32
      %dma_start3A_146 = arith.constant 0 : i32
      %dma_start3A_147 = tpu.memref_slice %arg2[%dma_start3A_145, %dma_start3A_146] : memref<10240x128xf32, #tpu.memory_space<hbm>> -> memref<10240x128xf32, #tpu.memory_space<hbm>>
      tpu.enqueue_indirect_dma source(%dma_start3A_147 : memref<10240x128xf32, #tpu.memory_space<hbm>>) target(%arg14 : memref<32x128xf32, #tpu.memory_space<vmem>>) offsets(%dma_start3A_144 : memref<32xi32, #tpu.memory_space<vmem>>) semaphore(%arg20 : memref<!tpu.dma_semaphore, #tpu.memory_space<semaphore_mem>>)
      %dma_start3A_148 = arith.constant 4 : i32
      %dma_start3A_149 = arith.constant 0 : i32
      %dma_start3A_150 = tpu.memref_slice %arg9[%dma_start3A_148, %dma_start3A_149] : memref<8x32xi32, #tpu.memory_space<vmem>> -> memref<1x32xi32, #tpu.memory_space<vmem>>
      %dma_start3A_151 = tpu.memref_squeeze %dma_start3A_150 : memref<1x32xi32, #tpu.memory_space<vmem>> -> memref<32xi32, #tpu.memory_space<vmem>>
      %dma_start3A_152 = arith.constant 0 : i32
      %dma_start3A_153 = arith.constant 0 : i32
      %dma_start3A_154 = tpu.memref_slice %arg2[%dma_start3A_152, %dma_start3A_153] : memref<10240x128xf32, #tpu.memory_space<hbm>> -> memref<10240x128xf32, #tpu.memory_space<hbm>>
      tpu.enqueue_indirect_dma source(%dma_start3A_154 : memref<10240x128xf32, #tpu.memory_space<hbm>>) target(%arg15 : memref<32x128xf32, #tpu.memory_space<vmem>>) offsets(%dma_start3A_151 : memref<32xi32, #tpu.memory_space<vmem>>) semaphore(%arg20 : memref<!tpu.dma_semaphore, #tpu.memory_space<semaphore_mem>>)
      %dma_start3A_155 = arith.constant 5 : i32
      %dma_start3A_156 = arith.constant 0 : i32
      %dma_start3A_157 = tpu.memref_slice %arg9[%dma_start3A_155, %dma_start3A_156] : memref<8x32xi32, #tpu.memory_space<vmem>> -> memref<1x32xi32, #tpu.memory_space<vmem>>
      %dma_start3A_158 = tpu.memref_squeeze %dma_start3A_157 : memref<1x32xi32, #tpu.memory_space<vmem>> -> memref<32xi32, #tpu.memory_space<vmem>>
      %dma_start3A_159 = arith.constant 0 : i32
      %dma_start3A_160 = arith.constant 0 : i32
      %dma_start3A_161 = tpu.memref_slice %arg2[%dma_start3A_159, %dma_start3A_160] : memref<10240x128xf32, #tpu.memory_space<hbm>> -> memref<10240x128xf32, #tpu.memory_space<hbm>>
      tpu.enqueue_indirect_dma source(%dma_start3A_161 : memref<10240x128xf32, #tpu.memory_space<hbm>>) target(%arg16 : memref<32x128xf32, #tpu.memory_space<vmem>>) offsets(%dma_start3A_158 : memref<32xi32, #tpu.memory_space<vmem>>) semaphore(%arg20 : memref<!tpu.dma_semaphore, #tpu.memory_space<semaphore_mem>>)
      %dma_start3A_162 = arith.constant 6 : i32
      %dma_start3A_163 = arith.constant 0 : i32
      %dma_start3A_164 = tpu.memref_slice %arg9[%dma_start3A_162, %dma_start3A_163] : memref<8x32xi32, #tpu.memory_space<vmem>> -> memref<1x32xi32, #tpu.memory_space<vmem>>
      %dma_start3A_165 = tpu.memref_squeeze %dma_start3A_164 : memref<1x32xi32, #tpu.memory_space<vmem>> -> memref<32xi32, #tpu.memory_space<vmem>>
      %dma_start3A_166 = arith.constant 0 : i32
      %dma_start3A_167 = arith.constant 0 : i32
      %dma_start3A_168 = tpu.memref_slice %arg2[%dma_start3A_166, %dma_start3A_167] : memref<10240x128xf32, #tpu.memory_space<hbm>> -> memref<10240x128xf32, #tpu.memory_space<hbm>>
      tpu.enqueue_indirect_dma source(%dma_start3A_168 : memref<10240x128xf32, #tpu.memory_space<hbm>>) target(%arg17 : memref<32x128xf32, #tpu.memory_space<vmem>>) offsets(%dma_start3A_165 : memref<32xi32, #tpu.memory_space<vmem>>) semaphore(%arg20 : memref<!tpu.dma_semaphore, #tpu.memory_space<semaphore_mem>>)
      %dma_start3A_169 = arith.constant 7 : i32
      %dma_start3A_170 = arith.constant 0 : i32
      %dma_start3A_171 = tpu.memref_slice %arg9[%dma_start3A_169, %dma_start3A_170] : memref<8x32xi32, #tpu.memory_space<vmem>> -> memref<1x32xi32, #tpu.memory_space<vmem>>
      %dma_start3A_172 = tpu.memref_squeeze %dma_start3A_171 : memref<1x32xi32, #tpu.memory_space<vmem>> -> memref<32xi32, #tpu.memory_space<vmem>>
      %dma_start3A_173 = arith.constant 0 : i32
      %dma_start3A_174 = arith.constant 0 : i32
      %dma_start3A_175 = tpu.memref_slice %arg2[%dma_start3A_173, %dma_start3A_174] : memref<10240x128xf32, #tpu.memory_space<hbm>> -> memref<10240x128xf32, #tpu.memory_space<hbm>>
      tpu.enqueue_indirect_dma source(%dma_start3A_175 : memref<10240x128xf32, #tpu.memory_space<hbm>>) target(%arg18 : memref<32x128xf32, #tpu.memory_space<vmem>>) offsets(%dma_start3A_172 : memref<32xi32, #tpu.memory_space<vmem>>) semaphore(%arg20 : memref<!tpu.dma_semaphore, #tpu.memory_space<semaphore_mem>>)
      %dma_wait3A = arith.constant 0 : i32
      %dma_wait3A_176 = arith.constant 0 : i32
      %dma_wait3A_177 = tpu.memref_slice %arg9[%dma_wait3A, %dma_wait3A_176] : memref<8x32xi32, #tpu.memory_space<vmem>> -> memref<1x32xi32, #tpu.memory_space<vmem>>
      %dma_wait3A_178 = tpu.memref_squeeze %dma_wait3A_177 : memref<1x32xi32, #tpu.memory_space<vmem>> -> memref<32xi32, #tpu.memory_space<vmem>>
      %dma_wait3A_179 = arith.constant 0 : i32
      %dma_wait3A_180 = arith.constant 0 : i32
      %dma_wait3A_181 = tpu.memref_slice %arg2[%dma_wait3A_179, %dma_wait3A_180] : memref<10240x128xf32, #tpu.memory_space<hbm>> -> memref<10240x128xf32, #tpu.memory_space<hbm>>
      tpu.wait_indirect_dma semaphore(%arg20 : memref<!tpu.dma_semaphore, #tpu.memory_space<semaphore_mem>>) src(%dma_wait3A_181 : memref<10240x128xf32, #tpu.memory_space<hbm>>) dst(%arg11 : memref<32x128xf32, #tpu.memory_space<vmem>>)
      %dma_wait3A_182 = arith.constant 0 : i32
      %dma_wait3A_183 = arith.constant 0 : i32
      %dma_wait3A_184 = tpu.memref_slice %arg9[%dma_wait3A_182, %dma_wait3A_183] : memref<8x32xi32, #tpu.memory_space<vmem>> -> memref<1x32xi32, #tpu.memory_space<vmem>>
      %dma_wait3A_185 = tpu.memref_squeeze %dma_wait3A_184 : memref<1x32xi32, #tpu.memory_space<vmem>> -> memref<32xi32, #tpu.memory_space<vmem>>
      %dma_wait3A_186 = arith.constant 0 : i32
      %dma_wait3A_187 = arith.constant 0 : i32
      %dma_wait3A_188 = tpu.memref_slice %arg2[%dma_wait3A_186, %dma_wait3A_187] : memref<10240x128xf32, #tpu.memory_space<hbm>> -> memref<10240x128xf32, #tpu.memory_space<hbm>>
      tpu.wait_indirect_dma semaphore(%arg20 : memref<!tpu.dma_semaphore, #tpu.memory_space<semaphore_mem>>) src(%dma_wait3A_188 : memref<10240x128xf32, #tpu.memory_space<hbm>>) dst(%arg12 : memref<32x128xf32, #tpu.memory_space<vmem>>)
      %dma_wait3A_189 = arith.constant 0 : i32
      %dma_wait3A_190 = arith.constant 0 : i32
      %dma_wait3A_191 = tpu.memref_slice %arg9[%dma_wait3A_189, %dma_wait3A_190] : memref<8x32xi32, #tpu.memory_space<vmem>> -> memref<1x32xi32, #tpu.memory_space<vmem>>
      %dma_wait3A_192 = tpu.memref_squeeze %dma_wait3A_191 : memref<1x32xi32, #tpu.memory_space<vmem>> -> memref<32xi32, #tpu.memory_space<vmem>>
      %dma_wait3A_193 = arith.constant 0 : i32
      %dma_wait3A_194 = arith.constant 0 : i32
      %dma_wait3A_195 = tpu.memref_slice %arg2[%dma_wait3A_193, %dma_wait3A_194] : memref<10240x128xf32, #tpu.memory_space<hbm>> -> memref<10240x128xf32, #tpu.memory_space<hbm>>
      tpu.wait_indirect_dma semaphore(%arg20 : memref<!tpu.dma_semaphore, #tpu.memory_space<semaphore_mem>>) src(%dma_wait3A_195 : memref<10240x128xf32, #tpu.memory_space<hbm>>) dst(%arg13 : memref<32x128xf32, #tpu.memory_space<vmem>>)
      %dma_wait3A_196 = arith.constant 0 : i32
      %dma_wait3A_197 = arith.constant 0 : i32
      %dma_wait3A_198 = tpu.memref_slice %arg9[%dma_wait3A_196, %dma_wait3A_197] : memref<8x32xi32, #tpu.memory_space<vmem>> -> memref<1x32xi32, #tpu.memory_space<vmem>>
      %dma_wait3A_199 = tpu.memref_squeeze %dma_wait3A_198 : memref<1x32xi32, #tpu.memory_space<vmem>> -> memref<32xi32, #tpu.memory_space<vmem>>
      %dma_wait3A_200 = arith.constant 0 : i32
      %dma_wait3A_201 = arith.constant 0 : i32
      %dma_wait3A_202 = tpu.memref_slice %arg2[%dma_wait3A_200, %dma_wait3A_201] : memref<10240x128xf32, #tpu.memory_space<hbm>> -> memref<10240x128xf32, #tpu.memory_space<hbm>>
      tpu.wait_indirect_dma semaphore(%arg20 : memref<!tpu.dma_semaphore, #tpu.memory_space<semaphore_mem>>) src(%dma_wait3A_202 : memref<10240x128xf32, #tpu.memory_space<hbm>>) dst(%arg14 : memref<32x128xf32, #tpu.memory_space<vmem>>)
      %dma_wait3A_203 = arith.constant 0 : i32
      %dma_wait3A_204 = arith.constant 0 : i32
      %dma_wait3A_205 = tpu.memref_slice %arg9[%dma_wait3A_203, %dma_wait3A_204] : memref<8x32xi32, #tpu.memory_space<vmem>> -> memref<1x32xi32, #tpu.memory_space<vmem>>
      %dma_wait3A_206 = tpu.memref_squeeze %dma_wait3A_205 : memref<1x32xi32, #tpu.memory_space<vmem>> -> memref<32xi32, #tpu.memory_space<vmem>>
      %dma_wait3A_207 = arith.constant 0 : i32
      %dma_wait3A_208 = arith.constant 0 : i32
      %dma_wait3A_209 = tpu.memref_slice %arg2[%dma_wait3A_207, %dma_wait3A_208] : memref<10240x128xf32, #tpu.memory_space<hbm>> -> memref<10240x128xf32, #tpu.memory_space<hbm>>
      tpu.wait_indirect_dma semaphore(%arg20 : memref<!tpu.dma_semaphore, #tpu.memory_space<semaphore_mem>>) src(%dma_wait3A_209 : memref<10240x128xf32, #tpu.memory_space<hbm>>) dst(%arg15 : memref<32x128xf32, #tpu.memory_space<vmem>>)
      %dma_wait3A_210 = arith.constant 0 : i32
      %dma_wait3A_211 = arith.constant 0 : i32
      %dma_wait3A_212 = tpu.memref_slice %arg9[%dma_wait3A_210, %dma_wait3A_211] : memref<8x32xi32, #tpu.memory_space<vmem>> -> memref<1x32xi32, #tpu.memory_space<vmem>>
      %dma_wait3A_213 = tpu.memref_squeeze %dma_wait3A_212 : memref<1x32xi32, #tpu.memory_space<vmem>> -> memref<32xi32, #tpu.memory_space<vmem>>
      %dma_wait3A_214 = arith.constant 0 : i32
      %dma_wait3A_215 = arith.constant 0 : i32
      %dma_wait3A_216 = tpu.memref_slice %arg2[%dma_wait3A_214, %dma_wait3A_215] : memref<10240x128xf32, #tpu.memory_space<hbm>> -> memref<10240x128xf32, #tpu.memory_space<hbm>>
      tpu.wait_indirect_dma semaphore(%arg20 : memref<!tpu.dma_semaphore, #tpu.memory_space<semaphore_mem>>) src(%dma_wait3A_216 : memref<10240x128xf32, #tpu.memory_space<hbm>>) dst(%arg16 : memref<32x128xf32, #tpu.memory_space<vmem>>)
      %dma_wait3A_217 = arith.constant 0 : i32
      %dma_wait3A_218 = arith.constant 0 : i32
      %dma_wait3A_219 = tpu.memref_slice %arg9[%dma_wait3A_217, %dma_wait3A_218] : memref<8x32xi32, #tpu.memory_space<vmem>> -> memref<1x32xi32, #tpu.memory_space<vmem>>
      %dma_wait3A_220 = tpu.memref_squeeze %dma_wait3A_219 : memref<1x32xi32, #tpu.memory_space<vmem>> -> memref<32xi32, #tpu.memory_space<vmem>>
      %dma_wait3A_221 = arith.constant 0 : i32
      %dma_wait3A_222 = arith.constant 0 : i32
      %dma_wait3A_223 = tpu.memref_slice %arg2[%dma_wait3A_221, %dma_wait3A_222] : memref<10240x128xf32, #tpu.memory_space<hbm>> -> memref<10240x128xf32, #tpu.memory_space<hbm>>
      tpu.wait_indirect_dma semaphore(%arg20 : memref<!tpu.dma_semaphore, #tpu.memory_space<semaphore_mem>>) src(%dma_wait3A_223 : memref<10240x128xf32, #tpu.memory_space<hbm>>) dst(%arg17 : memref<32x128xf32, #tpu.memory_space<vmem>>)
      %dma_wait3A_224 = arith.constant 0 : i32
      %dma_wait3A_225 = arith.constant 0 : i32
      %dma_wait3A_226 = tpu.memref_slice %arg9[%dma_wait3A_224, %dma_wait3A_225] : memref<8x32xi32, #tpu.memory_space<vmem>> -> memref<1x32xi32, #tpu.memory_space<vmem>>
      %dma_wait3A_227 = tpu.memref_squeeze %dma_wait3A_226 : memref<1x32xi32, #tpu.memory_space<vmem>> -> memref<32xi32, #tpu.memory_space<vmem>>
      %dma_wait3A_228 = arith.constant 0 : i32
      %dma_wait3A_229 = arith.constant 0 : i32
      %dma_wait3A_230 = tpu.memref_slice %arg2[%dma_wait3A_228, %dma_wait3A_229] : memref<10240x128xf32, #tpu.memory_space<hbm>> -> memref<10240x128xf32, #tpu.memory_space<hbm>>
      tpu.wait_indirect_dma semaphore(%arg20 : memref<!tpu.dma_semaphore, #tpu.memory_space<semaphore_mem>>) src(%dma_wait3A_230 : memref<10240x128xf32, #tpu.memory_space<hbm>>) dst(%arg18 : memref<32x128xf32, #tpu.memory_space<vmem>>)
      %run_scoped3A = arith.constant 0 : i32
      "tpu.region"() ({
        %run_scoped3A_238 = tpu.sem_alloc : memref<!tpu.dma_semaphore, #tpu.memory_space<semaphore_mem>>
        %dma_start3A_239 = arith.constant 0 : i32
        %dma_start3A_240 = tpu.memref_slice %arg10[%run_scoped3A, %dma_start3A_239] : memref<8x32xi32, #tpu.memory_space<vmem>> -> memref<1x32xi32, #tpu.memory_space<vmem>>
        %dma_start3A_241 = tpu.memref_squeeze %dma_start3A_240 : memref<1x32xi32, #tpu.memory_space<vmem>> -> memref<32xi32, #tpu.memory_space<vmem>>
        %dma_start3A_242 = arith.constant 0 : i32
        %dma_start3A_243 = arith.constant 0 : i32
        %dma_start3A_244 = tpu.memref_slice %arg19[%dma_start3A_242, %dma_start3A_243] : memref<9728x128xf32, #tpu.memory_space<vmem_shared>> -> memref<9728x128xf32, #tpu.memory_space<vmem_shared>>
        tpu.enqueue_indirect_dma source(%arg11 : memref<32x128xf32, #tpu.memory_space<vmem>>) target(%dma_start3A_244 : memref<9728x128xf32, #tpu.memory_space<vmem_shared>>) offsets(%dma_start3A_241 : memref<32xi32, #tpu.memory_space<vmem>>) semaphore(%run_scoped3A_238 : memref<!tpu.dma_semaphore, #tpu.memory_space<semaphore_mem>>) {add = true}
        %dma_wait3A_245 = arith.constant 0 : i32
        %dma_wait3A_246 = tpu.memref_slice %arg10[%run_scoped3A, %dma_wait3A_245] : memref<8x32xi32, #tpu.memory_space<vmem>> -> memref<1x32xi32, #tpu.memory_space<vmem>>
        %dma_wait3A_247 = tpu.memref_squeeze %dma_wait3A_246 : memref<1x32xi32, #tpu.memory_space<vmem>> -> memref<32xi32, #tpu.memory_space<vmem>>
        %dma_wait3A_248 = arith.constant 0 : i32
        %dma_wait3A_249 = arith.constant 0 : i32
        %dma_wait3A_250 = tpu.memref_slice %arg19[%dma_wait3A_248, %dma_wait3A_249] : memref<9728x128xf32, #tpu.memory_space<vmem_shared>> -> memref<9728x128xf32, #tpu.memory_space<vmem_shared>>
        tpu.wait_indirect_dma semaphore(%run_scoped3A_238 : memref<!tpu.dma_semaphore, #tpu.memory_space<semaphore_mem>>) src(%arg11 : memref<32x128xf32, #tpu.memory_space<vmem>>) dst(%dma_wait3A_250 : memref<9728x128xf32, #tpu.memory_space<vmem_shared>>)
        tpu.yield
      }) : () -> ()
      %run_scoped3A_231 = arith.constant 1 : i32
      "tpu.region"() ({
        %run_scoped3A_238 = tpu.sem_alloc : memref<!tpu.dma_semaphore, #tpu.memory_space<semaphore_mem>>
        %dma_start3A_239 = arith.constant 0 : i32
        %dma_start3A_240 = tpu.memref_slice %arg10[%run_scoped3A_231, %dma_start3A_239] : memref<8x32xi32, #tpu.memory_space<vmem>> -> memref<1x32xi32, #tpu.memory_space<vmem>>
        %dma_start3A_241 = tpu.memref_squeeze %dma_start3A_240 : memref<1x32xi32, #tpu.memory_space<vmem>> -> memref<32xi32, #tpu.memory_space<vmem>>
        %dma_start3A_242 = arith.constant 0 : i32
        %dma_start3A_243 = arith.constant 0 : i32
        %dma_start3A_244 = tpu.memref_slice %arg19[%dma_start3A_242, %dma_start3A_243] : memref<9728x128xf32, #tpu.memory_space<vmem_shared>> -> memref<9728x128xf32, #tpu.memory_space<vmem_shared>>
        tpu.enqueue_indirect_dma source(%arg12 : memref<32x128xf32, #tpu.memory_space<vmem>>) target(%dma_start3A_244 : memref<9728x128xf32, #tpu.memory_space<vmem_shared>>) offsets(%dma_start3A_241 : memref<32xi32, #tpu.memory_space<vmem>>) semaphore(%run_scoped3A_238 : memref<!tpu.dma_semaphore, #tpu.memory_space<semaphore_mem>>) {add = true}
        %dma_wait3A_245 = arith.constant 0 : i32
        %dma_wait3A_246 = tpu.memref_slice %arg10[%run_scoped3A_231, %dma_wait3A_245] : memref<8x32xi32, #tpu.memory_space<vmem>> -> memref<1x32xi32, #tpu.memory_space<vmem>>
        %dma_wait3A_247 = tpu.memref_squeeze %dma_wait3A_246 : memref<1x32xi32, #tpu.memory_space<vmem>> -> memref<32xi32, #tpu.memory_space<vmem>>
        %dma_wait3A_248 = arith.constant 0 : i32
        %dma_wait3A_249 = arith.constant 0 : i32
        %dma_wait3A_250 = tpu.memref_slice %arg19[%dma_wait3A_248, %dma_wait3A_249] : memref<9728x128xf32, #tpu.memory_space<vmem_shared>> -> memref<9728x128xf32, #tpu.memory_space<vmem_shared>>
        tpu.wait_indirect_dma semaphore(%run_scoped3A_238 : memref<!tpu.dma_semaphore, #tpu.memory_space<semaphore_mem>>) src(%arg12 : memref<32x128xf32, #tpu.memory_space<vmem>>) dst(%dma_wait3A_250 : memref<9728x128xf32, #tpu.memory_space<vmem_shared>>)
        tpu.yield
      }) : () -> ()
      %run_scoped3A_232 = arith.constant 2 : i32
      "tpu.region"() ({
        %run_scoped3A_238 = tpu.sem_alloc : memref<!tpu.dma_semaphore, #tpu.memory_space<semaphore_mem>>
        %dma_start3A_239 = arith.constant 0 : i32
        %dma_start3A_240 = tpu.memref_slice %arg10[%run_scoped3A_232, %dma_start3A_239] : memref<8x32xi32, #tpu.memory_space<vmem>> -> memref<1x32xi32, #tpu.memory_space<vmem>>
        %dma_start3A_241 = tpu.memref_squeeze %dma_start3A_240 : memref<1x32xi32, #tpu.memory_space<vmem>> -> memref<32xi32, #tpu.memory_space<vmem>>
        %dma_start3A_242 = arith.constant 0 : i32
        %dma_start3A_243 = arith.constant 0 : i32
        %dma_start3A_244 = tpu.memref_slice %arg19[%dma_start3A_242, %dma_start3A_243] : memref<9728x128xf32, #tpu.memory_space<vmem_shared>> -> memref<9728x128xf32, #tpu.memory_space<vmem_shared>>
        tpu.enqueue_indirect_dma source(%arg13 : memref<32x128xf32, #tpu.memory_space<vmem>>) target(%dma_start3A_244 : memref<9728x128xf32, #tpu.memory_space<vmem_shared>>) offsets(%dma_start3A_241 : memref<32xi32, #tpu.memory_space<vmem>>) semaphore(%run_scoped3A_238 : memref<!tpu.dma_semaphore, #tpu.memory_space<semaphore_mem>>) {add = true}
        %dma_wait3A_245 = arith.constant 0 : i32
        %dma_wait3A_246 = tpu.memref_slice %arg10[%run_scoped3A_232, %dma_wait3A_245] : memref<8x32xi32, #tpu.memory_space<vmem>> -> memref<1x32xi32, #tpu.memory_space<vmem>>
        %dma_wait3A_247 = tpu.memref_squeeze %dma_wait3A_246 : memref<1x32xi32, #tpu.memory_space<vmem>> -> memref<32xi32, #tpu.memory_space<vmem>>
        %dma_wait3A_248 = arith.constant 0 : i32
        %dma_wait3A_249 = arith.constant 0 : i32
        %dma_wait3A_250 = tpu.memref_slice %arg19[%dma_wait3A_248, %dma_wait3A_249] : memref<9728x128xf32, #tpu.memory_space<vmem_shared>> -> memref<9728x128xf32, #tpu.memory_space<vmem_shared>>
        tpu.wait_indirect_dma semaphore(%run_scoped3A_238 : memref<!tpu.dma_semaphore, #tpu.memory_space<semaphore_mem>>) src(%arg13 : memref<32x128xf32, #tpu.memory_space<vmem>>) dst(%dma_wait3A_250 : memref<9728x128xf32, #tpu.memory_space<vmem_shared>>)
        tpu.yield
      }) : () -> ()
      %run_scoped3A_233 = arith.constant 3 : i32
      "tpu.region"() ({
        %run_scoped3A_238 = tpu.sem_alloc : memref<!tpu.dma_semaphore, #tpu.memory_space<semaphore_mem>>
        %dma_start3A_239 = arith.constant 0 : i32
        %dma_start3A_240 = tpu.memref_slice %arg10[%run_scoped3A_233, %dma_start3A_239] : memref<8x32xi32, #tpu.memory_space<vmem>> -> memref<1x32xi32, #tpu.memory_space<vmem>>
        %dma_start3A_241 = tpu.memref_squeeze %dma_start3A_240 : memref<1x32xi32, #tpu.memory_space<vmem>> -> memref<32xi32, #tpu.memory_space<vmem>>
        %dma_start3A_242 = arith.constant 0 : i32
        %dma_start3A_243 = arith.constant 0 : i32
        %dma_start3A_244 = tpu.memref_slice %arg19[%dma_start3A_242, %dma_start3A_243] : memref<9728x128xf32, #tpu.memory_space<vmem_shared>> -> memref<9728x128xf32, #tpu.memory_space<vmem_shared>>
        tpu.enqueue_indirect_dma source(%arg14 : memref<32x128xf32, #tpu.memory_space<vmem>>) target(%dma_start3A_244 : memref<9728x128xf32, #tpu.memory_space<vmem_shared>>) offsets(%dma_start3A_241 : memref<32xi32, #tpu.memory_space<vmem>>) semaphore(%run_scoped3A_238 : memref<!tpu.dma_semaphore, #tpu.memory_space<semaphore_mem>>) {add = true}
        %dma_wait3A_245 = arith.constant 0 : i32
        %dma_wait3A_246 = tpu.memref_slice %arg10[%run_scoped3A_233, %dma_wait3A_245] : memref<8x32xi32, #tpu.memory_space<vmem>> -> memref<1x32xi32, #tpu.memory_space<vmem>>
        %dma_wait3A_247 = tpu.memref_squeeze %dma_wait3A_246 : memref<1x32xi32, #tpu.memory_space<vmem>> -> memref<32xi32, #tpu.memory_space<vmem>>
        %dma_wait3A_248 = arith.constant 0 : i32
        %dma_wait3A_249 = arith.constant 0 : i32
        %dma_wait3A_250 = tpu.memref_slice %arg19[%dma_wait3A_248, %dma_wait3A_249] : memref<9728x128xf32, #tpu.memory_space<vmem_shared>> -> memref<9728x128xf32, #tpu.memory_space<vmem_shared>>
        tpu.wait_indirect_dma semaphore(%run_scoped3A_238 : memref<!tpu.dma_semaphore, #tpu.memory_space<semaphore_mem>>) src(%arg14 : memref<32x128xf32, #tpu.memory_space<vmem>>) dst(%dma_wait3A_250 : memref<9728x128xf32, #tpu.memory_space<vmem_shared>>)
        tpu.yield
      }) : () -> ()
      %run_scoped3A_234 = arith.constant 4 : i32
      "tpu.region"() ({
        %run_scoped3A_238 = tpu.sem_alloc : memref<!tpu.dma_semaphore, #tpu.memory_space<semaphore_mem>>
        %dma_start3A_239 = arith.constant 0 : i32
        %dma_start3A_240 = tpu.memref_slice %arg10[%run_scoped3A_234, %dma_start3A_239] : memref<8x32xi32, #tpu.memory_space<vmem>> -> memref<1x32xi32, #tpu.memory_space<vmem>>
        %dma_start3A_241 = tpu.memref_squeeze %dma_start3A_240 : memref<1x32xi32, #tpu.memory_space<vmem>> -> memref<32xi32, #tpu.memory_space<vmem>>
        %dma_start3A_242 = arith.constant 0 : i32
        %dma_start3A_243 = arith.constant 0 : i32
        %dma_start3A_244 = tpu.memref_slice %arg19[%dma_start3A_242, %dma_start3A_243] : memref<9728x128xf32, #tpu.memory_space<vmem_shared>> -> memref<9728x128xf32, #tpu.memory_space<vmem_shared>>
        tpu.enqueue_indirect_dma source(%arg15 : memref<32x128xf32, #tpu.memory_space<vmem>>) target(%dma_start3A_244 : memref<9728x128xf32, #tpu.memory_space<vmem_shared>>) offsets(%dma_start3A_241 : memref<32xi32, #tpu.memory_space<vmem>>) semaphore(%run_scoped3A_238 : memref<!tpu.dma_semaphore, #tpu.memory_space<semaphore_mem>>) {add = true}
        %dma_wait3A_245 = arith.constant 0 : i32
        %dma_wait3A_246 = tpu.memref_slice %arg10[%run_scoped3A_234, %dma_wait3A_245] : memref<8x32xi32, #tpu.memory_space<vmem>> -> memref<1x32xi32, #tpu.memory_space<vmem>>
        %dma_wait3A_247 = tpu.memref_squeeze %dma_wait3A_246 : memref<1x32xi32, #tpu.memory_space<vmem>> -> memref<32xi32, #tpu.memory_space<vmem>>
        %dma_wait3A_248 = arith.constant 0 : i32
        %dma_wait3A_249 = arith.constant 0 : i32
        %dma_wait3A_250 = tpu.memref_slice %arg19[%dma_wait3A_248, %dma_wait3A_249] : memref<9728x128xf32, #tpu.memory_space<vmem_shared>> -> memref<9728x128xf32, #tpu.memory_space<vmem_shared>>
        tpu.wait_indirect_dma semaphore(%run_scoped3A_238 : memref<!tpu.dma_semaphore, #tpu.memory_space<semaphore_mem>>) src(%arg15 : memref<32x128xf32, #tpu.memory_space<vmem>>) dst(%dma_wait3A_250 : memref<9728x128xf32, #tpu.memory_space<vmem_shared>>)
        tpu.yield
      }) : () -> ()
      %run_scoped3A_235 = arith.constant 5 : i32
      "tpu.region"() ({
        %run_scoped3A_238 = tpu.sem_alloc : memref<!tpu.dma_semaphore, #tpu.memory_space<semaphore_mem>>
        %dma_start3A_239 = arith.constant 0 : i32
        %dma_start3A_240 = tpu.memref_slice %arg10[%run_scoped3A_235, %dma_start3A_239] : memref<8x32xi32, #tpu.memory_space<vmem>> -> memref<1x32xi32, #tpu.memory_space<vmem>>
        %dma_start3A_241 = tpu.memref_squeeze %dma_start3A_240 : memref<1x32xi32, #tpu.memory_space<vmem>> -> memref<32xi32, #tpu.memory_space<vmem>>
        %dma_start3A_242 = arith.constant 0 : i32
        %dma_start3A_243 = arith.constant 0 : i32
        %dma_start3A_244 = tpu.memref_slice %arg19[%dma_start3A_242, %dma_start3A_243] : memref<9728x128xf32, #tpu.memory_space<vmem_shared>> -> memref<9728x128xf32, #tpu.memory_space<vmem_shared>>
        tpu.enqueue_indirect_dma source(%arg16 : memref<32x128xf32, #tpu.memory_space<vmem>>) target(%dma_start3A_244 : memref<9728x128xf32, #tpu.memory_space<vmem_shared>>) offsets(%dma_start3A_241 : memref<32xi32, #tpu.memory_space<vmem>>) semaphore(%run_scoped3A_238 : memref<!tpu.dma_semaphore, #tpu.memory_space<semaphore_mem>>) {add = true}
        %dma_wait3A_245 = arith.constant 0 : i32
        %dma_wait3A_246 = tpu.memref_slice %arg10[%run_scoped3A_235, %dma_wait3A_245] : memref<8x32xi32, #tpu.memory_space<vmem>> -> memref<1x32xi32, #tpu.memory_space<vmem>>
        %dma_wait3A_247 = tpu.memref_squeeze %dma_wait3A_246 : memref<1x32xi32, #tpu.memory_space<vmem>> -> memref<32xi32, #tpu.memory_space<vmem>>
        %dma_wait3A_248 = arith.constant 0 : i32
        %dma_wait3A_249 = arith.constant 0 : i32
        %dma_wait3A_250 = tpu.memref_slice %arg19[%dma_wait3A_248, %dma_wait3A_249] : memref<9728x128xf32, #tpu.memory_space<vmem_shared>> -> memref<9728x128xf32, #tpu.memory_space<vmem_shared>>
        tpu.wait_indirect_dma semaphore(%run_scoped3A_238 : memref<!tpu.dma_semaphore, #tpu.memory_space<semaphore_mem>>) src(%arg16 : memref<32x128xf32, #tpu.memory_space<vmem>>) dst(%dma_wait3A_250 : memref<9728x128xf32, #tpu.memory_space<vmem_shared>>)
        tpu.yield
      }) : () -> ()
      %run_scoped3A_236 = arith.constant 6 : i32
      "tpu.region"() ({
        %run_scoped3A_238 = tpu.sem_alloc : memref<!tpu.dma_semaphore, #tpu.memory_space<semaphore_mem>>
        %dma_start3A_239 = arith.constant 0 : i32
        %dma_start3A_240 = tpu.memref_slice %arg10[%run_scoped3A_236, %dma_start3A_239] : memref<8x32xi32, #tpu.memory_space<vmem>> -> memref<1x32xi32, #tpu.memory_space<vmem>>
        %dma_start3A_241 = tpu.memref_squeeze %dma_start3A_240 : memref<1x32xi32, #tpu.memory_space<vmem>> -> memref<32xi32, #tpu.memory_space<vmem>>
        %dma_start3A_242 = arith.constant 0 : i32
        %dma_start3A_243 = arith.constant 0 : i32
        %dma_start3A_244 = tpu.memref_slice %arg19[%dma_start3A_242, %dma_start3A_243] : memref<9728x128xf32, #tpu.memory_space<vmem_shared>> -> memref<9728x128xf32, #tpu.memory_space<vmem_shared>>
        tpu.enqueue_indirect_dma source(%arg17 : memref<32x128xf32, #tpu.memory_space<vmem>>) target(%dma_start3A_244 : memref<9728x128xf32, #tpu.memory_space<vmem_shared>>) offsets(%dma_start3A_241 : memref<32xi32, #tpu.memory_space<vmem>>) semaphore(%run_scoped3A_238 : memref<!tpu.dma_semaphore, #tpu.memory_space<semaphore_mem>>) {add = true}
        %dma_wait3A_245 = arith.constant 0 : i32
        %dma_wait3A_246 = tpu.memref_slice %arg10[%run_scoped3A_236, %dma_wait3A_245] : memref<8x32xi32, #tpu.memory_space<vmem>> -> memref<1x32xi32, #tpu.memory_space<vmem>>
        %dma_wait3A_247 = tpu.memref_squeeze %dma_wait3A_246 : memref<1x32xi32, #tpu.memory_space<vmem>> -> memref<32xi32, #tpu.memory_space<vmem>>
        %dma_wait3A_248 = arith.constant 0 : i32
        %dma_wait3A_249 = arith.constant 0 : i32
        %dma_wait3A_250 = tpu.memref_slice %arg19[%dma_wait3A_248, %dma_wait3A_249] : memref<9728x128xf32, #tpu.memory_space<vmem_shared>> -> memref<9728x128xf32, #tpu.memory_space<vmem_shared>>
        tpu.wait_indirect_dma semaphore(%run_scoped3A_238 : memref<!tpu.dma_semaphore, #tpu.memory_space<semaphore_mem>>) src(%arg17 : memref<32x128xf32, #tpu.memory_space<vmem>>) dst(%dma_wait3A_250 : memref<9728x128xf32, #tpu.memory_space<vmem_shared>>)
        tpu.yield
      }) : () -> ()
      %run_scoped3A_237 = arith.constant 7 : i32
      "tpu.region"() ({
        %run_scoped3A_238 = tpu.sem_alloc : memref<!tpu.dma_semaphore, #tpu.memory_space<semaphore_mem>>
        %dma_start3A_239 = arith.constant 0 : i32
        %dma_start3A_240 = tpu.memref_slice %arg10[%run_scoped3A_237, %dma_start3A_239] : memref<8x32xi32, #tpu.memory_space<vmem>> -> memref<1x32xi32, #tpu.memory_space<vmem>>
        %dma_start3A_241 = tpu.memref_squeeze %dma_start3A_240 : memref<1x32xi32, #tpu.memory_space<vmem>> -> memref<32xi32, #tpu.memory_space<vmem>>
        %dma_start3A_242 = arith.constant 0 : i32
        %dma_start3A_243 = arith.constant 0 : i32
        %dma_start3A_244 = tpu.memref_slice %arg19[%dma_start3A_242, %dma_start3A_243] : memref<9728x128xf32, #tpu.memory_space<vmem_shared>> -> memref<9728x128xf32, #tpu.memory_space<vmem_shared>>
        tpu.enqueue_indirect_dma source(%arg18 : memref<32x128xf32, #tpu.memory_space<vmem>>) target(%dma_start3A_244 : memref<9728x128xf32, #tpu.memory_space<vmem_shared>>) offsets(%dma_start3A_241 : memref<32xi32, #tpu.memory_space<vmem>>) semaphore(%run_scoped3A_238 : memref<!tpu.dma_semaphore, #tpu.memory_space<semaphore_mem>>) {add = true}
        %dma_wait3A_245 = arith.constant 0 : i32
        %dma_wait3A_246 = tpu.memref_slice %arg10[%run_scoped3A_237, %dma_wait3A_245] : memref<8x32xi32, #tpu.memory_space<vmem>> -> memref<1x32xi32, #tpu.memory_space<vmem>>
        %dma_wait3A_247 = tpu.memref_squeeze %dma_wait3A_246 : memref<1x32xi32, #tpu.memory_space<vmem>> -> memref<32xi32, #tpu.memory_space<vmem>>
        %dma_wait3A_248 = arith.constant 0 : i32
        %dma_wait3A_249 = arith.constant 0 : i32
        %dma_wait3A_250 = tpu.memref_slice %arg19[%dma_wait3A_248, %dma_wait3A_249] : memref<9728x128xf32, #tpu.memory_space<vmem_shared>> -> memref<9728x128xf32, #tpu.memory_space<vmem_shared>>
        tpu.wait_indirect_dma semaphore(%run_scoped3A_238 : memref<!tpu.dma_semaphore, #tpu.memory_space<semaphore_mem>>) src(%arg18 : memref<32x128xf32, #tpu.memory_space<vmem>>) dst(%dma_wait3A_250 : memref<9728x128xf32, #tpu.memory_space<vmem_shared>>)
        tpu.yield
      }) : () -> ()
    }
    %scan3A_110 = arith.constant 40 : i32
    %barrier3A_111 = arith.constant 0 : index
    tpu.barrier barrier_id(%barrier3A_111)
    %mul3A_112 = arith.constant 32 : i32
    %mul3A_113 = arith.muli %arg1, %mul3A_112 : i32
    %mul3A_114 = arith.constant 32 : i32
    %mul3A_115 = arith.muli %arg1, %mul3A_114 : i32
    "tpu.region"() ({
      %run_scoped3A = tpu.sem_alloc : memref<!tpu.dma_semaphore, #tpu.memory_space<semaphore_mem>>
      %dma_start3A = arith.constant 0 : i32
      %dma_start3A_116 = arith.constant 0 : i32
      %dma_start3A_117 = tpu.memref_slice %arg8[%arg0, %dma_start3A, %dma_start3A_116] : memref<2x512x128xf32, #tpu.memory_space<hbm>> -> memref<1x512x128xf32, #tpu.memory_space<hbm>>
      %dma_start3A_118 = tpu.memref_squeeze %dma_start3A_117 : memref<1x512x128xf32, #tpu.memory_space<hbm>> -> memref<512x128xf32, #tpu.memory_space<hbm>>
      %dma_start3A_119 = arith.constant 0 : i32
      %dma_start3A_120 = tpu.memref_slice %dma_start3A_118[%mul3A_115, %dma_start3A_119] : memref<512x128xf32, #tpu.memory_space<hbm>> -> memref<32x128xf32, #tpu.memory_space<hbm>>
      %dma_start3A_121 = arith.constant 0 : i32
      %dma_start3A_122 = tpu.memref_slice %arg19[%mul3A_113, %dma_start3A_121] : memref<9728x128xf32, #tpu.memory_space<vmem_shared>> -> memref<32x128xf32, #tpu.memory_space<vmem_shared>>
      tpu.enqueue_dma source(%dma_start3A_122 : memref<32x128xf32, #tpu.memory_space<vmem_shared>>) target(%dma_start3A_120 : memref<32x128xf32, #tpu.memory_space<hbm>>) target_semaphore(%run_scoped3A : memref<!tpu.dma_semaphore, #tpu.memory_space<semaphore_mem>>)
      %dma_wait3A = arith.constant 0 : i32
      %dma_wait3A_123 = arith.constant 0 : i32
      %dma_wait3A_124 = tpu.memref_slice %arg8[%arg0, %dma_wait3A, %dma_wait3A_123] : memref<2x512x128xf32, #tpu.memory_space<hbm>> -> memref<1x512x128xf32, #tpu.memory_space<hbm>>
      %dma_wait3A_125 = tpu.memref_squeeze %dma_wait3A_124 : memref<1x512x128xf32, #tpu.memory_space<hbm>> -> memref<512x128xf32, #tpu.memory_space<hbm>>
      %dma_wait3A_126 = arith.constant 0 : i32
      %dma_wait3A_127 = tpu.memref_slice %dma_wait3A_125[%mul3A_115, %dma_wait3A_126] : memref<512x128xf32, #tpu.memory_space<hbm>> -> memref<32x128xf32, #tpu.memory_space<hbm>>
      %dma_wait3A_128 = arith.constant 0 : i32
      %dma_wait3A_129 = tpu.memref_slice %arg19[%mul3A_113, %dma_wait3A_128] : memref<9728x128xf32, #tpu.memory_space<vmem_shared>> -> memref<32x128xf32, #tpu.memory_space<vmem_shared>>
      tpu.wait_dma2 semaphore(%run_scoped3A : memref<!tpu.dma_semaphore, #tpu.memory_space<semaphore_mem>>) src(%dma_wait3A_129 : memref<32x128xf32, #tpu.memory_space<vmem_shared>>) dst(%dma_wait3A_127 : memref<32x128xf32, #tpu.memory_space<hbm>>)
      tpu.yield
    }) : () -> ()
    return
  }
}

module attributes {stable_mosaic.version = 14 : i64} {
  func.func @body(%arg0: i32, %arg1: memref<256x128xf32, #tpu.memory_space<vmem>>, %arg2: memref<128x128xf32, #tpu.memory_space<vmem>>, %arg3: memref<2x256x16xf32, #tpu.memory_space<vmem>>, %arg4: memref<256x128xf32, #tpu.memory_space<vmem>>) attributes {dimension_semantics = [#tpu.dimension_semantics<arbitrary>], iteration_bounds = array<i64: 40>, scalar_prefetch = 0 : i64, scratch_operands = 0 : i64, tpu.core_type = #tpu.core_type<tc>, window_params = [{transform_indices = @transform_0, window_bounds = array<i64: 256, 128>}, {pipeline_mode = #tpu.pipeline_mode<synchronous>, transform_indices = @transform_1, window_bounds = array<i64: 128, 128>}, {transform_indices = @transform_2, window_bounds = array<i64: 2, 256, 16>}, {transform_indices = @transform_3, window_bounds = array<i64: 256, 128>}]} {
    %get3A = arith.constant 0 : index
    %get3A_0 = arith.constant 0 : index
    %get3A_1 = arith.constant 0 : index
    %get3A_2 = vector.load %arg3[%get3A, %get3A_0, %get3A_1] : memref<2x256x16xf32, #tpu.memory_space<vmem>>, vector<1x256x16xf32>
    %get3A_3 = vector.shape_cast %get3A_2 : vector<1x256x16xf32> to vector<256x16xf32>
    %get3A_4 = arith.constant 1 : index
    %get3A_5 = arith.constant 0 : index
    %get3A_6 = arith.constant 0 : index
    %get3A_7 = vector.load %arg3[%get3A_4, %get3A_5, %get3A_6] : memref<2x256x16xf32, #tpu.memory_space<vmem>>, vector<1x256x16xf32>
    %get3A_8 = vector.shape_cast %get3A_7 : vector<1x256x16xf32> to vector<256x16xf32>
    %add3A = arith.addf %get3A_3, %get3A_8 : vector<256x16xf32>
    %reduce_sum3A = arith.constant dense<0.000000e+00> : vector<256xf32>
    %reduce_sum3A_9 = vector.multi_reduction <add>, %add3A, %reduce_sum3A [1] : vector<256x16xf32> to vector<256xf32>
    %mul3A = arith.constant 6.250000e-02 : f32
    %mul3A_10 = vector.broadcast %mul3A : f32 to vector<256xf32>
    %mul3A_11 = arith.mulf %reduce_sum3A_9, %mul3A_10 : vector<256xf32>
    %add3A_12 = arith.constant 1.000000e+00 : f32
    %add3A_13 = vector.broadcast %add3A_12 : f32 to vector<256xf32>
    %add3A_14 = arith.addf %mul3A_11, %add3A_13 : vector<256xf32>
    %rsqrt3A = math.rsqrt %add3A_14 : vector<256xf32>
    %get3A_15 = arith.constant 0 : index
    %get3A_16 = arith.constant 0 : index
    %get3A_17 = vector.load %arg1[%get3A_15, %get3A_16] : memref<256x128xf32, #tpu.memory_space<vmem>>, vector<256x128xf32>
    %get3A_18 = arith.constant 0 : index
    %get3A_19 = arith.constant 0 : index
    %get3A_20 = vector.load %arg2[%get3A_18, %get3A_19] : memref<128x128xf32, #tpu.memory_space<vmem>>, vector<128x128xf32>
    %dot_general3A = arith.constant dense<0.000000e+00> : vector<256x128xf32>
    %dot_general3A_21 = tpu.matmul %get3A_17, %get3A_20, %dot_general3A {dimension_numbers = #tpu.dot_dimension_numbers<[1], [1], [0], [0], [0, 0, 1, 0], [], []>, precision = #tpu.contract_precision<fp32>, transpose_lhs_hint = false} : vector<256x128xf32>, vector<128x128xf32>, vector<256x128xf32> -> vector<256x128xf32>
    %broadcast_in_dim3A = vector.shape_cast %rsqrt3A : vector<256xf32> to vector<256x1xf32>
    %mul3A_22 = vector.broadcast %broadcast_in_dim3A : vector<256x1xf32> to vector<256x128xf32>
    %mul3A_23 = arith.mulf %dot_general3A_21, %mul3A_22 : vector<256x128xf32>
    %mul3A_24 = arith.constant 256 : i32
    %mul3A_25 = arith.muli %arg0, %mul3A_24 : i32
    %iota3A = tpu.iota {dimensions = array<i32: 0>} : vector<256x1xi32>
    %add3A_26 = vector.broadcast %mul3A_25 : i32 to vector<256x1xi32>
    %add3A_27 = arith.addi %add3A_26, %iota3A : vector<256x1xi32>
    %lt3A = arith.constant 10000 : i32
    %lt3A_28 = vector.broadcast %lt3A : i32 to vector<256x1xi32>
    %lt3A_29 = arith.cmpi slt, %add3A_27, %lt3A_28 : vector<256x1xi32>
    %jit3A = arith.constant 0.000000e+00 : f32
    %broadcast_in_dim3A_30 = vector.shape_cast %lt3A_29 : vector<256x1xi1> to vector<256x1xi1>
    %broadcast_in_dim3A_31 = vector.broadcast %broadcast_in_dim3A_30 : vector<256x1xi1> to vector<256x128xi1>
    %broadcast_in_dim3A_32 = vector.broadcast %jit3A : f32 to vector<256x128xf32>
    %select_n3A = arith.select %broadcast_in_dim3A_31, %mul3A_23, %broadcast_in_dim3A_32 : vector<256x128xi1>, vector<256x128xf32>
    %swap3A = arith.constant 0 : index
    %swap3A_33 = arith.constant 0 : index
    %swap3A_34 = vector.load %arg4[%swap3A, %swap3A_33] : memref<256x128xf32, #tpu.memory_space<vmem>>, vector<256x128xf32>
    tpu.vector_store %arg4[%swap3A, %swap3A_33], %select_n3A {strides = array<i32>} : memref<256x128xf32, #tpu.memory_space<vmem>>, vector<256x128xf32>,
    return
  }
  func.func @transform_0(%arg0: i32) -> (i32, i32) {
    %c0_i32 = arith.constant 0 : i32
    %c0_i32_0 = arith.constant 0 : i32
    return %arg0, %c0_i32 : i32, i32
  }
  func.func @transform_1(%arg0: i32) -> (i32, i32) {
    %c0_i32 = arith.constant 0 : i32
    %c0_i32_0 = arith.constant 0 : i32
    %c0_i32_1 = arith.constant 0 : i32
    return %c0_i32, %c0_i32_0 : i32, i32
  }
  func.func @transform_2(%arg0: i32) -> (i32, i32, i32) {
    %c0_i32 = arith.constant 0 : i32
    %c0_i32_0 = arith.constant 0 : i32
    %c0_i32_1 = arith.constant 0 : i32
    return %c0_i32, %arg0, %c0_i32_0 : i32, i32, i32
  }
  func.func @transform_3(%arg0: i32) -> (i32, i32) {
    %c0_i32 = arith.constant 0 : i32
    %c0_i32_0 = arith.constant 0 : i32
    return %arg0, %c0_i32 : i32, i32
  }
}

module attributes {stable_mosaic.version = 14 : i64} {
  func.func @body(%arg0: i32, %arg1: memref<2x512x128xf32, #tpu.memory_space<vmem>>, %arg2: memref<512x128xf32, #tpu.memory_space<vmem>>, %arg3: memref<8x128xf32, #tpu.memory_space<vmem>>) attributes {dimension_semantics = [#tpu.dimension_semantics<arbitrary>], iteration_bounds = array<i64: 1>, scalar_prefetch = 0 : i64, scratch_operands = 0 : i64, tpu.core_type = #tpu.core_type<tc>, window_params = [{pipeline_mode = #tpu.pipeline_mode<synchronous>, transform_indices = @transform_0, window_bounds = array<i64: 2, 512, 128>}, {pipeline_mode = #tpu.pipeline_mode<synchronous>, transform_indices = @transform_1, window_bounds = array<i64: 512, 128>}, {pipeline_mode = #tpu.pipeline_mode<synchronous>, transform_indices = @transform_2, window_bounds = array<i64: 8, 128>}]} {
    %get3A = arith.constant 0 : index
    %get3A_0 = arith.constant 0 : index
    %get3A_1 = arith.constant 0 : index
    %get3A_2 = vector.load %arg1[%get3A, %get3A_0, %get3A_1] : memref<2x512x128xf32, #tpu.memory_space<vmem>>, vector<1x512x128xf32>
    %get3A_3 = vector.shape_cast %get3A_2 : vector<1x512x128xf32> to vector<512x128xf32>
    %get3A_4 = arith.constant 1 : index
    %get3A_5 = arith.constant 0 : index
    %get3A_6 = arith.constant 0 : index
    %get3A_7 = vector.load %arg1[%get3A_4, %get3A_5, %get3A_6] : memref<2x512x128xf32, #tpu.memory_space<vmem>>, vector<1x512x128xf32>
    %get3A_8 = vector.shape_cast %get3A_7 : vector<1x512x128xf32> to vector<512x128xf32>
    %add3A = arith.addf %get3A_3, %get3A_8 : vector<512x128xf32>
    %swap3A = arith.constant 0 : index
    %swap3A_9 = arith.constant 0 : index
    %swap3A_10 = vector.load %arg2[%swap3A, %swap3A_9] : memref<512x128xf32, #tpu.memory_space<vmem>>, vector<512x128xf32>
    tpu.vector_store %arg2[%swap3A, %swap3A_9], %add3A {strides = array<i32>} : memref<512x128xf32, #tpu.memory_space<vmem>>, vector<512x128xf32>,
    %reduce_sum3A = arith.constant dense<0.000000e+00> : vector<128xf32>
    %reduce_sum3A_11 = vector.multi_reduction <add>, %add3A, %reduce_sum3A [0] : vector<512x128xf32> to vector<128xf32>
    %broadcast_in_dim3A = vector.shape_cast %reduce_sum3A_11 : vector<128xf32> to vector<1x128xf32>
    %broadcast_in_dim3A_12 = arith.constant 0.000000e+00 : f32
    %broadcast_in_dim3A_13 = vector.broadcast %broadcast_in_dim3A_12 : f32 to vector<7x128xf32>
    %concatenate3A = tpu.concatenate %broadcast_in_dim3A, %broadcast_in_dim3A_13 in 0 : vector<1x128xf32>, vector<7x128xf32> -> vector<8x128xf32>
    %swap3A_14 = arith.constant 0 : index
    %swap3A_15 = arith.constant 0 : index
    %swap3A_16 = vector.load %arg3[%swap3A_14, %swap3A_15] : memref<8x128xf32, #tpu.memory_space<vmem>>, vector<8x128xf32>
    tpu.vector_store %arg3[%swap3A_14, %swap3A_15], %concatenate3A {strides = array<i32>} : memref<8x128xf32, #tpu.memory_space<vmem>>, vector<8x128xf32>,
    return
  }
  func.func @transform_0(%arg0: i32) -> (i32, i32, i32) {
    %c0_i32 = arith.constant 0 : i32
    %c0_i32_0 = arith.constant 0 : i32
    %c0_i32_1 = arith.constant 0 : i32
    %c0_i32_2 = arith.constant 0 : i32
    return %c0_i32, %c0_i32_0, %c0_i32_1 : i32, i32, i32
  }
  func.func @transform_1(%arg0: i32) -> (i32, i32) {
    %c0_i32 = arith.constant 0 : i32
    %c0_i32_0 = arith.constant 0 : i32
    %c0_i32_1 = arith.constant 0 : i32
    return %c0_i32, %c0_i32_0 : i32, i32
  }
  func.func @transform_2(%arg0: i32) -> (i32, i32) {
    %c0_i32 = arith.constant 0 : i32
    %c0_i32_0 = arith.constant 0 : i32
    %c0_i32_1 = arith.constant 0 : i32
    return %c0_i32, %c0_i32_0 : i32, i32
  }
}

module attributes {stable_mosaic.version = 14 : i64} {
  func.func @body(%arg0: i32, %arg1: memref<2x256x128xf32, #tpu.memory_space<vmem>>, %arg2: memref<256x128xf32, #tpu.memory_space<vmem>>, %arg3: memref<8x128xf32, #tpu.memory_space<vmem>>, %arg4: memref<256x128xf32, #tpu.memory_space<vmem>>, %arg5: memref<2x256x16xf32, #tpu.memory_space<vmem>>, %arg6: memref<1x128xf32, #tpu.memory_space<vmem>>, %arg7: memref<64x128xf32, #tpu.memory_space<vmem>>, %arg8: memref<256x128xf32, #tpu.memory_space<vmem>>) attributes {dimension_semantics = [#tpu.dimension_semantics<arbitrary>], iteration_bounds = array<i64: 40>, scalar_prefetch = 0 : i64, scratch_operands = 0 : i64, tpu.core_type = #tpu.core_type<tc>, window_params = [{transform_indices = @transform_0, window_bounds = array<i64: 2, 256, 128>}, {transform_indices = @transform_1, window_bounds = array<i64: 256, 128>}, {pipeline_mode = #tpu.pipeline_mode<synchronous>, transform_indices = @transform_2, window_bounds = array<i64: 8, 128>}, {transform_indices = @transform_3, window_bounds = array<i64: 256, 128>}, {transform_indices = @transform_4, window_bounds = array<i64: 2, 256, 16>}, {pipeline_mode = #tpu.pipeline_mode<synchronous>, transform_indices = @transform_5, window_bounds = array<i64: 1, 128>}, {pipeline_mode = #tpu.pipeline_mode<synchronous>, transform_indices = @transform_6, window_bounds = array<i64: 64, 128>}, {transform_indices = @transform_7, window_bounds = array<i64: 256, 128>}]} {
    %get3A = arith.constant 0 : index
    %get3A_0 = arith.constant 0 : index
    %get3A_1 = arith.constant 0 : index
    %get3A_2 = vector.load %arg5[%get3A, %get3A_0, %get3A_1] : memref<2x256x16xf32, #tpu.memory_space<vmem>>, vector<1x256x16xf32>
    %get3A_3 = vector.shape_cast %get3A_2 : vector<1x256x16xf32> to vector<256x16xf32>
    %get3A_4 = arith.constant 1 : index
    %get3A_5 = arith.constant 0 : index
    %get3A_6 = arith.constant 0 : index
    %get3A_7 = vector.load %arg5[%get3A_4, %get3A_5, %get3A_6] : memref<2x256x16xf32, #tpu.memory_space<vmem>>, vector<1x256x16xf32>
    %get3A_8 = vector.shape_cast %get3A_7 : vector<1x256x16xf32> to vector<256x16xf32>
    %add3A = arith.addf %get3A_3, %get3A_8 : vector<256x16xf32>
    %reduce_sum3A = arith.constant dense<0.000000e+00> : vector<256xf32>
    %reduce_sum3A_9 = vector.multi_reduction <add>, %add3A, %reduce_sum3A [1] : vector<256x16xf32> to vector<256xf32>
    %mul3A = arith.constant 6.250000e-02 : f32
    %mul3A_10 = vector.broadcast %mul3A : f32 to vector<256xf32>
    %mul3A_11 = arith.mulf %reduce_sum3A_9, %mul3A_10 : vector<256xf32>
    %add3A_12 = arith.constant 1.000000e+00 : f32
    %add3A_13 = vector.broadcast %add3A_12 : f32 to vector<256xf32>
    %add3A_14 = arith.addf %mul3A_11, %add3A_13 : vector<256xf32>
    %rsqrt3A = math.rsqrt %add3A_14 : vector<256xf32>
    %mul3A_15 = arith.constant 256 : i32
    %mul3A_16 = arith.muli %arg0, %mul3A_15 : i32
    %iota3A = tpu.iota {dimensions = array<i32: 0>} : vector<256x1xi32>
    %add3A_17 = vector.broadcast %mul3A_16 : i32 to vector<256x1xi32>
    %add3A_18 = arith.addi %add3A_17, %iota3A : vector<256x1xi32>
    %get3A_19 = arith.constant 0 : index
    %get3A_20 = arith.constant 0 : index
    %get3A_21 = arith.constant 0 : index
    %get3A_22 = vector.load %arg1[%get3A_19, %get3A_20, %get3A_21] : memref<2x256x128xf32, #tpu.memory_space<vmem>>, vector<1x256x128xf32>
    %get3A_23 = vector.shape_cast %get3A_22 : vector<1x256x128xf32> to vector<256x128xf32>
    %get3A_24 = arith.constant 1 : index
    %get3A_25 = arith.constant 0 : index
    %get3A_26 = arith.constant 0 : index
    %get3A_27 = vector.load %arg1[%get3A_24, %get3A_25, %get3A_26] : memref<2x256x128xf32, #tpu.memory_space<vmem>>, vector<1x256x128xf32>
    %get3A_28 = vector.shape_cast %get3A_27 : vector<1x256x128xf32> to vector<256x128xf32>
    %add3A_29 = arith.addf %get3A_23, %get3A_28 : vector<256x128xf32>
    %lt3A = arith.constant 9728 : i32
    %lt3A_30 = vector.broadcast %lt3A : i32 to vector<256x1xi32>
    %lt3A_31 = arith.cmpi slt, %add3A_18, %lt3A_30 : vector<256x1xi32>
    %get3A_32 = arith.constant 0 : index
    %get3A_33 = arith.constant 0 : index
    %get3A_34 = vector.load %arg2[%get3A_32, %get3A_33] : memref<256x128xf32, #tpu.memory_space<vmem>>, vector<256x128xf32>
    %broadcast_in_dim3A = vector.shape_cast %lt3A_31 : vector<256x1xi1> to vector<256x1xi1>
    %broadcast_in_dim3A_35 = vector.broadcast %broadcast_in_dim3A : vector<256x1xi1> to vector<256x128xi1>
    %select_n3A = arith.select %broadcast_in_dim3A_35, %add3A_29, %get3A_34 : vector<256x128xi1>, vector<256x128xf32>
    %eq3A = arith.constant 0 : i32
    %eq3A_36 = vector.broadcast %eq3A : i32 to vector<256x1xi32>
    %eq3A_37 = arith.cmpi eq, %add3A_18, %eq3A_36 : vector<256x1xi32>
    %get3A_38 = arith.constant 0 : index
    %get3A_39 = arith.constant 0 : index
    %get3A_40 = vector.load %arg3[%get3A_38, %get3A_39] : memref<8x128xf32, #tpu.memory_space<vmem>>, vector<1x128xf32>
    %jit3A = arith.constant 0.000000e+00 : f32
    %broadcast_in_dim3A_41 = vector.shape_cast %eq3A_37 : vector<256x1xi1> to vector<256x1xi1>
    %broadcast_in_dim3A_42 = vector.broadcast %broadcast_in_dim3A_41 : vector<256x1xi1> to vector<256x128xi1>
    %broadcast_in_dim3A_43 = vector.shape_cast %get3A_40 : vector<1x128xf32> to vector<1x128xf32>
    %broadcast_in_dim3A_44 = vector.broadcast %broadcast_in_dim3A_43 : vector<1x128xf32> to vector<256x128xf32>
    %broadcast_in_dim3A_45 = vector.broadcast %jit3A : f32 to vector<256x128xf32>
    %select_n3A_46 = arith.select %broadcast_in_dim3A_42, %broadcast_in_dim3A_44, %broadcast_in_dim3A_45 : vector<256x128xi1>, vector<256x128xf32>
    %sub3A = arith.subf %select_n3A, %select_n3A_46 : vector<256x128xf32>
    %get3A_47 = arith.constant 0 : index
    %get3A_48 = arith.constant 0 : index
    %get3A_49 = vector.load %arg4[%get3A_47, %get3A_48] : memref<256x128xf32, #tpu.memory_space<vmem>>, vector<256x128xf32>
    %add3A_50 = arith.addf %sub3A, %get3A_49 : vector<256x128xf32>
    %broadcast_in_dim3A_51 = vector.shape_cast %rsqrt3A : vector<256xf32> to vector<256x1xf32>
    %mul3A_52 = vector.broadcast %broadcast_in_dim3A_51 : vector<256x1xf32> to vector<256x128xf32>
    %mul3A_53 = arith.mulf %add3A_50, %mul3A_52 : vector<256x128xf32>
    %get3A_54 = arith.constant 0 : index
    %get3A_55 = arith.constant 0 : index
    %get3A_56 = vector.load %arg6[%get3A_54, %get3A_55] : memref<1x128xf32, #tpu.memory_space<vmem>>, vector<1x128xf32>
    %add3A_57 = vector.broadcast %get3A_56 : vector<1x128xf32> to vector<256x128xf32>
    %add3A_58 = arith.addf %mul3A_53, %add3A_57 : vector<256x128xf32>
    %max3A = arith.constant 0.000000e+00 : f32
    %max3A_59 = vector.broadcast %max3A : f32 to vector<256x128xf32>
    %max3A_60 = arith.maximumf %add3A_58, %max3A_59 : vector<256x128xf32>
    %get3A_61 = arith.constant 0 : index
    %get3A_62 = arith.constant 0 : index
    %get3A_63 = vector.load %arg7[%get3A_61, %get3A_62] : memref<64x128xf32, #tpu.memory_space<vmem>>, vector<64x128xf32>
    %dot_general3A = arith.constant dense<0.000000e+00> : vector<256x64xf32>
    %dot_general3A_64 = tpu.matmul %max3A_60, %get3A_63, %dot_general3A {dimension_numbers = #tpu.dot_dimension_numbers<[1], [1], [0], [0], [0, 0, 1, 0], [], []>, precision = #tpu.contract_precision<fp32>, transpose_lhs_hint = false} : vector<256x128xf32>, vector<64x128xf32>, vector<256x64xf32> -> vector<256x64xf32>
    %broadcast_in_dim3A_65 = vector.shape_cast %rsqrt3A : vector<256xf32> to vector<256x1xf32>
    %mul3A_66 = vector.broadcast %broadcast_in_dim3A_65 : vector<256x1xf32> to vector<256x64xf32>
    %mul3A_67 = arith.mulf %dot_general3A_64, %mul3A_66 : vector<256x64xf32>
    %mul3A_68 = arith.constant 256 : i32
    %mul3A_69 = arith.muli %arg0, %mul3A_68 : i32
    %iota3A_70 = tpu.iota {dimensions = array<i32: 0>} : vector<256x1xi32>
    %add3A_71 = vector.broadcast %mul3A_69 : i32 to vector<256x1xi32>
    %add3A_72 = arith.addi %add3A_71, %iota3A_70 : vector<256x1xi32>
    %lt3A_73 = arith.constant 10000 : i32
    %lt3A_74 = vector.broadcast %lt3A_73 : i32 to vector<256x1xi32>
    %lt3A_75 = arith.cmpi slt, %add3A_72, %lt3A_74 : vector<256x1xi32>
    %jit3A_76 = arith.constant 0.000000e+00 : f32
    %broadcast_in_dim3A_77 = vector.shape_cast %lt3A_75 : vector<256x1xi1> to vector<256x1xi1>
    %broadcast_in_dim3A_78 = vector.broadcast %broadcast_in_dim3A_77 : vector<256x1xi1> to vector<256x64xi1>
    %broadcast_in_dim3A_79 = vector.broadcast %jit3A_76 : f32 to vector<256x64xf32>
    %select_n3A_80 = arith.select %broadcast_in_dim3A_78, %mul3A_67, %broadcast_in_dim3A_79 : vector<256x64xi1>, vector<256x64xf32>
    %broadcast_in_dim3A_81 = arith.constant 0.000000e+00 : f32
    %broadcast_in_dim3A_82 = vector.broadcast %broadcast_in_dim3A_81 : f32 to vector<256x64xf32>
    %concatenate3A = tpu.concatenate %select_n3A_80, %broadcast_in_dim3A_82 in 1 : vector<256x64xf32>, vector<256x64xf32> -> vector<256x128xf32>
    %swap3A = arith.constant 0 : index
    %swap3A_83 = arith.constant 0 : index
    %swap3A_84 = vector.load %arg8[%swap3A, %swap3A_83] : memref<256x128xf32, #tpu.memory_space<vmem>>, vector<256x128xf32>
    tpu.vector_store %arg8[%swap3A, %swap3A_83], %concatenate3A {strides = array<i32>} : memref<256x128xf32, #tpu.memory_space<vmem>>, vector<256x128xf32>,
    return
  }
  func.func @transform_0(%arg0: i32) -> (i32, i32, i32) {
    %lt3A = arith.constant 38 : i32
    %lt3A_0 = arith.cmpi slt, %arg0, %lt3A : i32
    %jit3A = arith.constant 37 : i32
    %select_n3A = arith.select %lt3A_0, %arg0, %jit3A : i32
    %c0_i32 = arith.constant 0 : i32
    %c0_i32_1 = arith.constant 0 : i32
    %c0_i32_2 = arith.constant 0 : i32
    return %c0_i32, %select_n3A, %c0_i32_1 : i32, i32, i32
  }
  func.func @transform_1(%arg0: i32) -> (i32, i32) {
    %lt3A = arith.constant 38 : i32
    %lt3A_0 = arith.cmpi slt, %arg0, %lt3A : i32
    %sub3A = arith.constant 38 : i32
    %sub3A_1 = arith.subi %arg0, %sub3A : i32
    %jit3A = arith.constant 0 : i32
    %select_n3A = arith.select %lt3A_0, %jit3A, %sub3A_1 : i32
    %c0_i32 = arith.constant 0 : i32
    %c0_i32_2 = arith.constant 0 : i32
    return %select_n3A, %c0_i32 : i32, i32
  }
  func.func @transform_2(%arg0: i32) -> (i32, i32) {
    %c0_i32 = arith.constant 0 : i32
    %c0_i32_0 = arith.constant 0 : i32
    %c0_i32_1 = arith.constant 0 : i32
    return %c0_i32, %c0_i32_0 : i32, i32
  }
  func.func @transform_3(%arg0: i32) -> (i32, i32) {
    %c0_i32 = arith.constant 0 : i32
    %c0_i32_0 = arith.constant 0 : i32
    return %arg0, %c0_i32 : i32, i32
  }
  func.func @transform_4(%arg0: i32) -> (i32, i32, i32) {
    %c0_i32 = arith.constant 0 : i32
    %c0_i32_0 = arith.constant 0 : i32
    %c0_i32_1 = arith.constant 0 : i32
    return %c0_i32, %arg0, %c0_i32_0 : i32, i32, i32
  }
  func.func @transform_5(%arg0: i32) -> (i32, i32) {
    %c0_i32 = arith.constant 0 : i32
    %c0_i32_0 = arith.constant 0 : i32
    %c0_i32_1 = arith.constant 0 : i32
    return %c0_i32, %c0_i32_0 : i32, i32
  }
  func.func @transform_6(%arg0: i32) -> (i32, i32) {
    %c0_i32 = arith.constant 0 : i32
    %c0_i32_0 = arith.constant 0 : i32
    %c0_i32_1 = arith.constant 0 : i32
    return %c0_i32, %c0_i32_0 : i32, i32
  }
  func.func @transform_7(%arg0: i32) -> (i32, i32) {
    %c0_i32 = arith.constant 0 : i32
    %c0_i32_0 = arith.constant 0 : i32
    return %arg0, %c0_i32 : i32, i32
  }
}

module attributes {stable_mosaic.version = 14 : i64} {
  func.func @body(%arg0: i32, %arg1: memref<2x256x128xf32, #tpu.memory_space<vmem>>, %arg2: memref<256x128xf32, #tpu.memory_space<vmem>>, %arg3: memref<8x128xf32, #tpu.memory_space<vmem>>, %arg4: memref<256x128xf32, #tpu.memory_space<vmem>>, %arg5: memref<2x256x16xf32, #tpu.memory_space<vmem>>, %arg6: memref<1x64xf32, #tpu.memory_space<vmem>>, %arg7: memref<64x128xf32, #tpu.memory_space<vmem>>, %arg8: memref<1x128xf32, #tpu.memory_space<vmem>>, %arg9: memref<256x128xf32, #tpu.memory_space<vmem>>) attributes {dimension_semantics = [#tpu.dimension_semantics<arbitrary>], iteration_bounds = array<i64: 40>, scalar_prefetch = 0 : i64, scratch_operands = 0 : i64, tpu.core_type = #tpu.core_type<tc>, window_params = [{transform_indices = @transform_0, window_bounds = array<i64: 2, 256, 128>}, {transform_indices = @transform_1, window_bounds = array<i64: 256, 128>}, {pipeline_mode = #tpu.pipeline_mode<synchronous>, transform_indices = @transform_2, window_bounds = array<i64: 8, 128>}, {transform_indices = @transform_3, window_bounds = array<i64: 256, 128>}, {transform_indices = @transform_4, window_bounds = array<i64: 2, 256, 16>}, {pipeline_mode = #tpu.pipeline_mode<synchronous>, transform_indices = @transform_5, window_bounds = array<i64: 1, 64>}, {pipeline_mode = #tpu.pipeline_mode<synchronous>, transform_indices = @transform_6, window_bounds = array<i64: 64, 128>}, {pipeline_mode = #tpu.pipeline_mode<synchronous>, transform_indices = @transform_7, window_bounds = array<i64: 1, 128>}, {transform_indices = @transform_8, window_bounds = array<i64: 256, 128>}]} {
    %get3A = arith.constant 0 : index
    %get3A_0 = arith.constant 0 : index
    %get3A_1 = arith.constant 0 : index
    %get3A_2 = vector.load %arg5[%get3A, %get3A_0, %get3A_1] : memref<2x256x16xf32, #tpu.memory_space<vmem>>, vector<1x256x16xf32>
    %get3A_3 = vector.shape_cast %get3A_2 : vector<1x256x16xf32> to vector<256x16xf32>
    %get3A_4 = arith.constant 1 : index
    %get3A_5 = arith.constant 0 : index
    %get3A_6 = arith.constant 0 : index
    %get3A_7 = vector.load %arg5[%get3A_4, %get3A_5, %get3A_6] : memref<2x256x16xf32, #tpu.memory_space<vmem>>, vector<1x256x16xf32>
    %get3A_8 = vector.shape_cast %get3A_7 : vector<1x256x16xf32> to vector<256x16xf32>
    %add3A = arith.addf %get3A_3, %get3A_8 : vector<256x16xf32>
    %reduce_sum3A = arith.constant dense<0.000000e+00> : vector<256xf32>
    %reduce_sum3A_9 = vector.multi_reduction <add>, %add3A, %reduce_sum3A [1] : vector<256x16xf32> to vector<256xf32>
    %mul3A = arith.constant 6.250000e-02 : f32
    %mul3A_10 = vector.broadcast %mul3A : f32 to vector<256xf32>
    %mul3A_11 = arith.mulf %reduce_sum3A_9, %mul3A_10 : vector<256xf32>
    %add3A_12 = arith.constant 1.000000e+00 : f32
    %add3A_13 = vector.broadcast %add3A_12 : f32 to vector<256xf32>
    %add3A_14 = arith.addf %mul3A_11, %add3A_13 : vector<256xf32>
    %rsqrt3A = math.rsqrt %add3A_14 : vector<256xf32>
    %mul3A_15 = arith.constant 256 : i32
    %mul3A_16 = arith.muli %arg0, %mul3A_15 : i32
    %iota3A = tpu.iota {dimensions = array<i32: 0>} : vector<256x1xi32>
    %add3A_17 = vector.broadcast %mul3A_16 : i32 to vector<256x1xi32>
    %add3A_18 = arith.addi %add3A_17, %iota3A : vector<256x1xi32>
    %get3A_19 = arith.constant 0 : index
    %get3A_20 = arith.constant 0 : index
    %get3A_21 = arith.constant 0 : index
    %get3A_22 = vector.load %arg1[%get3A_19, %get3A_20, %get3A_21] : memref<2x256x128xf32, #tpu.memory_space<vmem>>, vector<1x256x128xf32>
    %get3A_23 = vector.shape_cast %get3A_22 : vector<1x256x128xf32> to vector<256x128xf32>
    %get3A_24 = arith.constant 1 : index
    %get3A_25 = arith.constant 0 : index
    %get3A_26 = arith.constant 0 : index
    %get3A_27 = vector.load %arg1[%get3A_24, %get3A_25, %get3A_26] : memref<2x256x128xf32, #tpu.memory_space<vmem>>, vector<1x256x128xf32>
    %get3A_28 = vector.shape_cast %get3A_27 : vector<1x256x128xf32> to vector<256x128xf32>
    %add3A_29 = arith.addf %get3A_23, %get3A_28 : vector<256x128xf32>
    %lt3A = arith.constant 9728 : i32
    %lt3A_30 = vector.broadcast %lt3A : i32 to vector<256x1xi32>
    %lt3A_31 = arith.cmpi slt, %add3A_18, %lt3A_30 : vector<256x1xi32>
    %get3A_32 = arith.constant 0 : index
    %get3A_33 = arith.constant 0 : index
    %get3A_34 = vector.load %arg2[%get3A_32, %get3A_33] : memref<256x128xf32, #tpu.memory_space<vmem>>, vector<256x128xf32>
    %broadcast_in_dim3A = vector.shape_cast %lt3A_31 : vector<256x1xi1> to vector<256x1xi1>
    %broadcast_in_dim3A_35 = vector.broadcast %broadcast_in_dim3A : vector<256x1xi1> to vector<256x128xi1>
    %select_n3A = arith.select %broadcast_in_dim3A_35, %add3A_29, %get3A_34 : vector<256x128xi1>, vector<256x128xf32>
    %eq3A = arith.constant 0 : i32
    %eq3A_36 = vector.broadcast %eq3A : i32 to vector<256x1xi32>
    %eq3A_37 = arith.cmpi eq, %add3A_18, %eq3A_36 : vector<256x1xi32>
    %get3A_38 = arith.constant 0 : index
    %get3A_39 = arith.constant 0 : index
    %get3A_40 = vector.load %arg3[%get3A_38, %get3A_39] : memref<8x128xf32, #tpu.memory_space<vmem>>, vector<1x128xf32>
    %jit3A = arith.constant 0.000000e+00 : f32
    %broadcast_in_dim3A_41 = vector.shape_cast %eq3A_37 : vector<256x1xi1> to vector<256x1xi1>
    %broadcast_in_dim3A_42 = vector.broadcast %broadcast_in_dim3A_41 : vector<256x1xi1> to vector<256x128xi1>
    %broadcast_in_dim3A_43 = vector.shape_cast %get3A_40 : vector<1x128xf32> to vector<1x128xf32>
    %broadcast_in_dim3A_44 = vector.broadcast %broadcast_in_dim3A_43 : vector<1x128xf32> to vector<256x128xf32>
    %broadcast_in_dim3A_45 = vector.broadcast %jit3A : f32 to vector<256x128xf32>
    %select_n3A_46 = arith.select %broadcast_in_dim3A_42, %broadcast_in_dim3A_44, %broadcast_in_dim3A_45 : vector<256x128xi1>, vector<256x128xf32>
    %sub3A = arith.subf %select_n3A, %select_n3A_46 : vector<256x128xf32>
    %get3A_47 = arith.constant 0 : index
    %get3A_48 = arith.constant 0 : index
    %get3A_49 = vector.load %arg4[%get3A_47, %get3A_48] : memref<256x128xf32, #tpu.memory_space<vmem>>, vector<256x128xf32>
    %add3A_50 = arith.addf %sub3A, %get3A_49 : vector<256x128xf32>
    %slice3A = vector.extract_strided_slice %add3A_50 {offsets = [0, 0], sizes = [256, 64], strides = [1, 1]} : vector<256x128xf32> to vector<256x64xf32>
    %broadcast_in_dim3A_51 = vector.shape_cast %rsqrt3A : vector<256xf32> to vector<256x1xf32>
    %mul3A_52 = vector.broadcast %broadcast_in_dim3A_51 : vector<256x1xf32> to vector<256x64xf32>
    %mul3A_53 = arith.mulf %slice3A, %mul3A_52 : vector<256x64xf32>
    %get3A_54 = arith.constant 0 : index
    %get3A_55 = arith.constant 0 : index
    %get3A_56 = vector.load %arg6[%get3A_54, %get3A_55] : memref<1x64xf32, #tpu.memory_space<vmem>>, vector<1x64xf32>
    %add3A_57 = vector.broadcast %get3A_56 : vector<1x64xf32> to vector<256x64xf32>
    %add3A_58 = arith.addf %mul3A_53, %add3A_57 : vector<256x64xf32>
    %max3A = arith.constant 0.000000e+00 : f32
    %max3A_59 = vector.broadcast %max3A : f32 to vector<256x64xf32>
    %max3A_60 = arith.maximumf %add3A_58, %max3A_59 : vector<256x64xf32>
    %get3A_61 = arith.constant 0 : index
    %get3A_62 = arith.constant 0 : index
    %get3A_63 = vector.load %arg7[%get3A_61, %get3A_62] : memref<64x128xf32, #tpu.memory_space<vmem>>, vector<64x128xf32>
    %dot_general3A = arith.constant dense<0.000000e+00> : vector<256x128xf32>
    %dot_general3A_64 = tpu.matmul %max3A_60, %get3A_63, %dot_general3A {dimension_numbers = #tpu.dot_dimension_numbers<[1], [0], [0], [1], [0, 0, 1, 1], [], []>, precision = #tpu.contract_precision<fp32>, transpose_lhs_hint = false} : vector<256x64xf32>, vector<64x128xf32>, vector<256x128xf32> -> vector<256x128xf32>
    %get3A_65 = arith.constant 0 : index
    %get3A_66 = arith.constant 0 : index
    %get3A_67 = vector.load %arg8[%get3A_65, %get3A_66] : memref<1x128xf32, #tpu.memory_space<vmem>>, vector<1x128xf32>
    %add3A_68 = vector.broadcast %get3A_67 : vector<1x128xf32> to vector<256x128xf32>
    %add3A_69 = arith.addf %dot_general3A_64, %add3A_68 : vector<256x128xf32>
    %swap3A = arith.constant 0 : index
    %swap3A_70 = arith.constant 0 : index
    %swap3A_71 = vector.load %arg9[%swap3A, %swap3A_70] : memref<256x128xf32, #tpu.memory_space<vmem>>, vector<256x128xf32>
    tpu.vector_store %arg9[%swap3A, %swap3A_70], %add3A_69 {strides = array<i32>} : memref<256x128xf32, #tpu.memory_space<vmem>>, vector<256x128xf32>,
    return
  }
  func.func @transform_0(%arg0: i32) -> (i32, i32, i32) {
    %lt3A = arith.constant 38 : i32
    %lt3A_0 = arith.cmpi slt, %arg0, %lt3A : i32
    %jit3A = arith.constant 37 : i32
    %select_n3A = arith.select %lt3A_0, %arg0, %jit3A : i32
    %c0_i32 = arith.constant 0 : i32
    %c0_i32_1 = arith.constant 0 : i32
    %c0_i32_2 = arith.constant 0 : i32
    return %c0_i32, %select_n3A, %c0_i32_1 : i32, i32, i32
  }
  func.func @transform_1(%arg0: i32) -> (i32, i32) {
    %lt3A = arith.constant 38 : i32
    %lt3A_0 = arith.cmpi slt, %arg0, %lt3A : i32
    %sub3A = arith.constant 38 : i32
    %sub3A_1 = arith.subi %arg0, %sub3A : i32
    %jit3A = arith.constant 0 : i32
    %select_n3A = arith.select %lt3A_0, %jit3A, %sub3A_1 : i32
    %c0_i32 = arith.constant 0 : i32
    %c0_i32_2 = arith.constant 0 : i32
    return %select_n3A, %c0_i32 : i32, i32
  }
  func.func @transform_2(%arg0: i32) -> (i32, i32) {
    %c0_i32 = arith.constant 0 : i32
    %c0_i32_0 = arith.constant 0 : i32
    %c0_i32_1 = arith.constant 0 : i32
    return %c0_i32, %c0_i32_0 : i32, i32
  }
  func.func @transform_3(%arg0: i32) -> (i32, i32) {
    %c0_i32 = arith.constant 0 : i32
    %c0_i32_0 = arith.constant 0 : i32
    return %arg0, %c0_i32 : i32, i32
  }
  func.func @transform_4(%arg0: i32) -> (i32, i32, i32) {
    %c0_i32 = arith.constant 0 : i32
    %c0_i32_0 = arith.constant 0 : i32
    %c0_i32_1 = arith.constant 0 : i32
    return %c0_i32, %arg0, %c0_i32_0 : i32, i32, i32
  }
  func.func @transform_5(%arg0: i32) -> (i32, i32) {
    %c0_i32 = arith.constant 0 : i32
    %c0_i32_0 = arith.constant 0 : i32
    %c0_i32_1 = arith.constant 0 : i32
    return %c0_i32, %c0_i32_0 : i32, i32
  }
  func.func @transform_6(%arg0: i32) -> (i32, i32) {
    %c0_i32 = arith.constant 0 : i32
    %c0_i32_0 = arith.constant 0 : i32
    %c0_i32_1 = arith.constant 0 : i32
    return %c0_i32, %c0_i32_0 : i32, i32
  }
  func.func @transform_7(%arg0: i32) -> (i32, i32) {
    %c0_i32 = arith.constant 0 : i32
    %c0_i32_0 = arith.constant 0 : i32
    %c0_i32_1 = arith.constant 0 : i32
    return %c0_i32, %c0_i32_0 : i32, i32
  }
  func.func @transform_8(%arg0: i32) -> (i32, i32) {
    %c0_i32 = arith.constant 0 : i32
    %c0_i32_0 = arith.constant 0 : i32
    return %arg0, %c0_i32 : i32, i32
  }
}

</mosaic_0001>

<sc_bundles>
// kernel: kernel.10.cloned.1.call-start
scs
__scs_entry_jumppad:
0x0: {  	(pc) =	sbr.rel $0x88, $3  }
0x1: {  	(tag) =	ssettag $0x0;
	lr =	simm.s32 $0x1  }
0x2: {  	[smem:$0x3F99] =	sst lr;
	_ =	strace $0xD0000000  }
0x3: {  	_ = 	snop  }
0x4: {  	_ = 	snop  }
0x5: {  	_ = 	snop  }
0x6: {  	_ = 	snop  }
0x7: {  	_ = 	snop  }
__scs_overlays_trampoline_lowered:
0x8: {  	[smem:$0x3FA8] =	sst s0  }
0x9: {  	[smem:$0x3FA9] =	sst s1  }
0xa: {  	[smem:$0x3FAA] =	sst s2  }
0xb: {  	[smem:$0x3FAB] =	sst s3  }
0xc: {  	[smem:$0x3FAC] =	sst s4  }
0xd: {  	[smem:$0x3FAD] =	sst s5  }
0xe: {  	[smem:$0x3FAE] =	sst s6  }
0xf: {  	[smem:$0x3FAF] =	sst s7  }
0x10: {  	[smem:$0x3FB0] =	sst s8  }
0x11: {  	[smem:$0x3FB1] =	sst s9;
	s0 =	simm.s32 @!p0 $0x0  }
0x12: {  	s1 =	sld [smem:$0x3F97];
	s0 =	simm.s32 @p0 $0x1  }
0x13: {  	[smem:$0x3FB2] =	sst s0;
	s0 =	simm.s32 @!p1 $0x0  }
0x14: {  	s2 =	sld [smem:$0x3F96];
	s0 =	simm.s32 @p1 $0x1  }
0x15: {  	[smem:$0x3FB3] =	sst s0;
	s0 =	simm.s32 @!p2 $0x0  }
0x16: {  	s3 =	sld [smem:$0x3FDB];
	s0 =	simm.s32 @p2 $0x1  }
0x17: {  	s4 =	simm.s32 $0x1BF5;
	[smem:$0x3FB5] =	sst s0  }
0x18: {  	s0 =	sld [smem:$0x3F98];
	_ =	swait.ge [sflag:s4], $0x0  }
0x19: {  	s7 =	sld [smem:$0x3F99]  }
0x1a: {  	s8 =	sadd.s32 $0xFFFFE003, lr  }
0x1b: {  	s9 =	sadd.s32 $0xFFFFFEF7, lr;
	s5 =	simm.s32 $0xFFFFFFFF;
	p2 =	slt.u32 s8, $0xFFFFF086  }
0x1c: {  	p1 =	slt.u32 s9, $0xF7A;
	s5 =	simm.s32 @!p2 $0x0  }
0x1d: {  	s5 =	simm.s32 @p1 $0x1;
	p0 =	seq.s32 s7, s2  }
0x1e: {  	s7 =	smul.u32 @!p0 $0xF7A, s2;
	p2 =	seq.s32 @!p0 s5, $0x0  }
0x1f: {  	s9 =	smul.u32 $0xF7A, s1;
	s8 =	simm.s32 @!p0 $0x1BF5;
	p2 =	por !p2, p0  }
0x20: {  	[sflag:s8] =	ssyncset.s32 @!p0 $0xFFFFF086;
	s6 =	sadd.s32 @!p0 s3, s7;
	s7 =	simm.s32 @!p0 $0x108  }
0x21: {  	s3 =	sadd.s32 s3, s9;
	s6 =	sadd.s32 @!p0 $0x88, s6;
	s7 =	simm.s32 @p2 $0x1082  }
0x22: {  	[simem:s7], [sflag:s8] =	dma.local @!p0 [hbm:s6], $0xF7A  }
0x23: {  	s9 =	sor.u32 $0xD0000000, s2;
	s6 =	simm.s32 $0x108;
	_ =	swait.ge @!p0 [sflag:s8], $0x0  }
0x24: {  	s3 =	sadd.s32 $0x88, s3;
	s6 =	simm.s32 @!p1 $0x1082;
	[sflag:s4] =	ssyncset.s32 $0xFFFFF086  }
0x25: {  	[simem:s6], [sflag:s4] =	dma.local [hbm:s3], $0xF7A  }
0x26: {  	[smem:$0x3F99] =	sst s1;
	(tag) =	ssettag s2;
	_ =	strace s9  }
0x27: {  	s1 =	sld [smem:$0x3FA9]  }
0x28: {  	s2 =	sld [smem:$0x3FAA]  }
0x29: {  	s4 =	sld [smem:$0x3FAC]  }
0x2a: {  	p0 =	seq.s32 s5, $0x0;
	s5 =	sld [smem:$0x3FAD]  }
0x2b: {  	s6 =	sld [smem:$0x3FAE]  }
0x2c: {  	s7 =	sld [smem:$0x3FAF]  }
0x2d: {  	s3 =	simm.s32 $0x108;
	s8 =	sld [smem:$0x3FB0]  }
0x2e: {  	s3 =	simm.s32 @!p0 $0x1082;
	s9 =	sld [smem:$0x3FB1]  }
0x2f: {  	lr =	sadd.s32 s0, s3;
	s0 =	sld [smem:$0x3FA8]  }
0x30: {  	s3 =	sld [smem:$0x3FAB]  }
0x31: {  	[smem:$0x3FB4] =	sst s10  }
0x32: {  	s10 =	sld [smem:$0x3FB2];
	_ =	sdelay $0x3  }
0x33: {  	p0 =	seq.s32 s10, $0x1;
	s10 =	sld [smem:$0x3FB4];
	_ =	sdelay $0x3  }
0x34: {  	[smem:$0x3FB4] =	sst s10  }
0x35: {  	s10 =	sld [smem:$0x3FB3];
	_ =	sdelay $0x3  }
0x36: {  	p1 =	seq.s32 s10, $0x1;
	s10 =	sld [smem:$0x3FB4];
	_ =	sdelay $0x3  }
0x37: {  	[smem:$0x3FB4] =	sst s10  }
0x38: {  	s10 =	sld [smem:$0x3FB5]  }
0x39: {  	_ = 	snop;
	(pc) =	sbr.ind lr, $3  }
0x3a: {  	_ = 	snop  }
0x3b: {  	_ = 	snop  }
0x3c: {  	p2 =	seq.s32 s10, $0x1;
	s10 =	sld [smem:$0x3FB4]  }
0x3d: {  	_ =	shalt  }
0x3e: {  	_ =	shalt  }
0x3f: {  	_ =	shalt  }
0x40: {  	_ =	shalt  }
0x41: {  	_ =	shalt  }
0x42: {  	_ =	shalt  }
0x43: {  	_ =	shalt  }
0x44: {  	_ =	shalt  }
0x45: {  	_ =	shalt  }
0x46: {  	_ =	shalt  }
0x47: {  	_ =	shalt  }
0x48: {  	_ =	shalt  }
0x49: {  	_ =	shalt  }
0x4a: {  	_ =	shalt  }
0x4b: {  	_ =	shalt  }
0x4c: {  	_ =	shalt  }
0x4d: {  	_ =	shalt  }
0x4e: {  	_ =	shalt  }
0x4f: {  	_ =	shalt  }
0x50: {  	_ =	shalt  }
0x51: {  	_ =	shalt  }
0x52: {  	_ =	shalt  }
0x53: {  	_ =	shalt  }
0x54: {  	_ =	shalt  }
0x55: {  	_ =	shalt  }
0x56: {  	_ =	shalt  }
0x57: {  	_ =	shalt  }
0x58: {  	_ =	shalt  }
0x59: {  	_ =	shalt  }
0x5a: {  	_ =	shalt  }
0x5b: {  	_ =	shalt  }
0x5c: {  	_ =	shalt  }
0x5d: {  	_ =	shalt  }
0x5e: {  	_ =	shalt  }
0x5f: {  	_ =	shalt  }
0x60: {  	_ =	shalt  }
0x61: {  	_ =	shalt  }
0x62: {  	_ =	shalt  }
0x63: {  	_ =	shalt  }
0x64: {  	_ =	shalt  }
0x65: {  	_ =	shalt  }
0x66: {  	_ =	shalt  }
0x67: {  	_ =	shalt  }
0x68: {  	_ =	shalt  }
0x69: {  	_ =	shalt  }
0x6a: {  	_ =	shalt  }
0x6b: {  	_ =	shalt  }
0x6c: {  	_ =	shalt  }
0x6d: {  	_ =	shalt  }
0x6e: {  	_ =	shalt  }
0x6f: {  	_ =	shalt  }
0x70: {  	_ =	shalt  }
0x71: {  	_ =	shalt  }
0x72: {  	_ =	shalt  }
0x73: {  	_ =	shalt  }
0x74: {  	_ =	shalt  }
0x75: {  	_ =	shalt  }
0x76: {  	_ =	shalt  }
0x77: {  	_ =	shalt  }
0x78: {  	_ =	shalt  }
0x79: {  	_ =	shalt  }
0x7a: {  	_ =	shalt  }
0x7b: {  	_ =	shalt  }
0x7c: {  	_ =	shalt  }
0x7d: {  	_ =	shalt  }
0x7e: {  	_ =	shalt  }
0x7f: {  	_ =	shalt  }
0x80: {  	_ =	shalt  }
0x81: {  	_ =	shalt  }
0x82: {  	_ =	shalt  }
0x83: {  	_ =	shalt  }
0x84: {  	_ =	shalt  }
0x85: {  	_ =	shalt  }
0x86: {  	_ =	shalt  }
0x87: {  	_ =	shalt  }
.Lfunc_end0:
.L_simem_size_0:
called_computation_lowered:
.L_overlay_start_0:
0x88: {  	s2 =	sld [smem:$0x3FD9]  }
0x89: {  	s3 =	sld [smem:$0x3FFE];
	_ =	sdelay $0x1  }
0x8a: {  	s1 =	srdreg.scid  }
0x8b: {  	s0 =	sand.u32 $0x1, s1  }
0x8c: {  	s16 =	sshll.u32 s0, $0xA;
	s2 =	sadd.s32 s3, s2  }
0x8d: {  	s2 =	sadd.s32 s2, s16  }
0x8e: {  	[smem:$0x3FC0] =	sst s2  }
0x8f: {  	_ = 	snop  }
0x90: {  	(tm) =	ssettm $0x1  }
0x91: {  	s17 =	sld [smem:$0x3FFB];
	_ =	sdelay $0x3  }
0x92: {  	_ =	strace s17  }
0x93: {  	s2 =	sld [smem:$0x3FFC];
	_ =	sdelay $0x3  }
0x94: {  	_ =	strace s2  }
0x95: {  	s2 =	sld [smem:$0x3FFD];
	_ =	sdelay $0x3  }
0x96: {  	_ =	strace s2  }
0x97: {  	_ =	strace $0x8FFFFFFF  }
0x98: {  	s18 =	sld [smem:$0x3FDB];
	_ =	sdelay $0x1  }
0x99: {  	s19 =	simm.s32 $_scs_section_size  }
0x9a: {  	s4 =	simm.s32 $_size__tile_overlayer_lowered;
	s5 =	simm.s32 $_tile_overlayer_lowered  }
0x9b: {  	s22 =	simm.s32 $0x1BFF;
	s21 =	sshll.u32 s5, $0x1;
	s2 =	sadd.s32 s19, s18  }
0x9c: {  	s6 =	simm.s32 $0x0;
	s20 =	sshll.u32 s4, $0x1;
	s4 =	sadd.s32 s21, s2  }
0x9d: {  	[timem:s6], [sflag:s22] =	dma.local [hbm:s4], s20  }
0x9e: {  	_ =	swait.ge [sflag:s22], s20  }
0x9f: {  	s3 =	ssub.s32 $0x0, s20;
	[sflag:s22] =	ssyncset.done $0x0  }
0xa0: {  	[sflag:s22] =	ssyncadd.s32 s3;
	_ =	sdelay $0x1  }
0xa1: {  	s23 =	simm.s32 $0x1B8B  }
0xa2: {  	_ =	swait.ge [sflag:s23], $0x1  }
0xa3: {  	[sflag:s23] =	ssyncset.done $0x0  }
0xa4: {  	s25 =	simm.s32 $0x1B8E;
	s24 =	sld [smem:$0x3FFE];
	[sflag:s23] =	ssyncadd.s32 $0xFFFFFFFF  }
0xa5: {  	s26 =	simm.s32 $execute0_lowered;
	[smem:$0x3FD2] =	sst s25  }
0xa6: {  	s4 =	sshll.u32 s26, $0x1;
	_ =	strace $0x80000046;
	[dreg:$0x1] =	wrdreg $0xFFFFFFFF  }
0xa7: {  	s28 =	simm.s32 $_size_execute0_lowered;
	s2 =	sadd.s32 s2, s4;
	[dreg:$0x0] =	wrdreg $0x0  }
0xa8: {  	s4 =	sshll.u32 s28, $0x1;
	[dreg:$0x2] =	wrdreg s2  }
0xa9: {  	[dreg:$0x3] =	wrdreg s4  }
0xaa: {  	[dreg:$0x4] =	wrdreg $0xC0  }
0xab: {  	_ =	task [dreg:s6], $0x5FFFF  }
0xac: {  	[dreg:$0x1] =	wrdreg $0xFFFFFFFF  }
0xad: {  	[dreg:$0x0] =	wrdreg $0x60  }
0xae: {  	[dreg:$0x2] =	wrdreg s24  }
0xaf: {  	[dreg:$0x3] =	wrdreg $0xA8000  }
0xb0: {  	[dreg:$0x4] =	wrdreg $0x9  }
0xb1: {  	_ =	task.clear_ibuf [dreg:s6], $0x5FFFF;
	_ =	strace $0x90000046  }
0xb2: {  	s29 =	simm.s32 $0x9;
	_ =	strace $0x80000048  }
0xb3: {  	_ =	swait.ge [sflag:s29], $0x1  }
0xb4: {  	[sflag:s29] =	ssyncadd.s32 $0xFFFFFFFF  }
0xb5: {  	_ =	strace $0x90000048  }
0xb6: {  	_ =	sfence  }
0xb7: {  	s30 =	sld [smem:$0x0];
	_ =	sdelay $0x2  }
0xb8: {  	s31 =	sshll.u32 s1, $0xD;
	s1 =	sshrl.u32 s1, $0x2  }
0xb9: {  	s3 =	sand.u32 $0x4000, s31;
	s1 =	sadd.s32 s1, s30  }
0xba: {  	s0 =	sor.u32 s3, s0;
	s1 =	sshll.u32 s1, $0x11  }
0xbb: {  	s0 =	sor.u32 s1, s0  }
0xbc: {  	s0 =	sadd.s32 $0x8F2B, s0  }
0xbd: {  	[sflag:s0] =	ssyncadd.remote.s32 $0x1  }
0xbe: {  	_ =	sfence.sel $0xFFFF  }
0xbf: {  	[dreg:$0x0] =	wrdreg $0xFFFFFFFF;
	(pc) =	sbr.abs _section_cstart, $3  }
0xc0: {  	[dreg:$0x1] =	wrdreg $0xFFFFFFFF  }
0xc1: {  	_ =	task.clear_ibuf [dreg:s6], $0x2FFFF;
	_ =	strace $0x9FFFFFFF  }
0xc2: {  	(tm) =	ssettm $0x7FFFFFFF  }
0xc3: {  	_ =	shalt  }
tec
execute0_lowered:
.L_overlay_start_1:
0x0: {  	(tag) =	ssettag $0x1  }
0x1: {  	s0 =	srdreg.scid;
	s5 =	rddreg [dreg:$0x0]  }
0x2: {  	s2 =	rddreg [dreg:$0x1];
	s3 =	simm.s32 $0x0;
	s12 =	simm.s32 $0x6800  }
0x3: {  	s13 =	simm.s32 $0x80;
	s4 =	sand.u32 $0x1, s0;
	s0 =	stileid.u32  }
0x4: {  	s14 =	simm.s32 $0x2800;
	s18 =	simm.s32 $0x0;
	s7 =	smul.u32 $0x50000, s0  }
0x5: {  	[smem:$0x7FF] =	sst s3;
	s1 =	sshll.u32 s4, $0x4;
	s8 =	smul.u32 $0x28000, s4  }
0x6: {  	s9 =	ssub.s32 $0x2, s4;
	s16 =	smul.u32 $0x2800, s0;
	s31 =	sshll.u32 s0, $0x6  }
0x7: {  	s6 =	sor.u32 s0, s1;
	s1 =	rddreg [dreg:$0x2];
	_ =	strace $0x80000047  }
0x8: {  	s30 =	sshrl.u32 s9, $0x1;
	s6 =	smul.u32 $0x500, s6;
	s29 =	sshrl.u32 s7, $0x2  }
0x9: {  	s10 =	sadd.s32 s8, s5;
	s11 =	ssub.s32 s9, s30;
	s4 =	sadd.s32 s29, s2  }
0xa: {  	s15 =	sadd.s32 $0xD200, s10;
	s10 =	smax.u32 s11, $0x1;
	s11 =	simm.s32 $0x1  }
0xb: {  	s6 =	sadd.s32 s6, s5;
	s7 =	sadd.s32 $0x8000, s4;
	s8 =	sadd.s32 $0xC000, s4  }
0xc: {  	s9 =	sadd.s32 $0x10000, s4;
	s15 =	sadd.s32 s16, s15;
	s16 =	sor.u32 $0x1C01, s31  }
0xd: {  	v0 =	vimm.f32 $1.000000000e+00;
	v1 =	vimm.f32 $0.0e+00;
	s17 =	sshrl.u32 s4, $0x3;
	s5 =	sadd.s32 $0x3200, s6;
	s6 =	sadd.s32 $0x4000, s4  }
.LBB2_1:
0xe: {  	[tilespmem:s3], [sflag:$0x1] =	stream.linear.gather [hbm4b:s5+s3], $0x2800, $0x38;
	[tilespmem:$0xD000] =	vst v63  }
0xf: {  	_ =	swait.ge [sflag:s11], $0x2800  }
0x10: {  	[sflag:s11] =	ssyncset.done $0x0  }
0x11: {  	s19 =	simm.s32 $0x200;
	s20 =	simm.s32 $0x0;
	[sflag:s11] =	ssyncadd.s32 $0xFFFFD800  }
.LBB2_2:
0x12: {  	p0 =	sne.s32 s19, $0xFE00;
	[tilespmem:s20+$0x2800] =	vst v0;
	s21 =	smov.u32 s19;
	s19 =	sadd.s32 $0x200, s19  }
.Ltmp0:
0x13: {  	[tilespmem:s20+$0x6800] =	vst v1;
	(pc) =	sbr.rel @p0 .LBB2_2-.Ltmp0, $2  }
0x14: {  	_ =	sdelay $0x2  }
0x15: {  	s20 =	sshra.s32 s21, $0x2  }
0x16: {  	[tilespmem:s20+$0x2800] =	vst v0  }
0x17: {  	[tilespmem:s20+$0x6800] =	vst v1  }
0x18: {  	[spmem:s4] =	stream.linear.scatter [tilespmem:s12], [sflag:$0x1], $0x4000, $0x38;
	[tilespmem:$0xD000] =	vst v63  }
0x19: {  	_ =	swait.ge [sflag:s11], $0x4000  }
0x1a: {  	[sflag:s11] =	ssyncset.done $0x0  }
0x1b: {  	[sflag:s11] =	ssyncadd.s32 $0xFFFFC000  }
0x1c: {  	[spmem:s6] =	stream.linear.scatter [tilespmem:s12], [sflag:$0x1], $0x4000, $0x38;
	[tilespmem:$0xD000] =	vst v63  }
0x1d: {  	_ =	swait.ge [sflag:s11], $0x4000  }
0x1e: {  	[sflag:s11] =	ssyncset.done $0x0  }
0x1f: {  	[sflag:s11] =	ssyncadd.s32 $0xFFFFC000  }
0x20: {  	[spmem:s7] =	stream.linear.scatter [tilespmem:s12], [sflag:$0x1], $0x4000, $0x38;
	[tilespmem:$0xD000] =	vst v63  }
0x21: {  	_ =	swait.ge [sflag:s11], $0x4000  }
0x22: {  	[sflag:s11] =	ssyncset.done $0x0  }
0x23: {  	[sflag:s11] =	ssyncadd.s32 $0xFFFFC000  }
0x24: {  	[spmem:s8] =	stream.linear.scatter [tilespmem:s12], [sflag:$0x1], $0x4000, $0x38;
	[tilespmem:$0xD000] =	vst v63  }
0x25: {  	_ =	swait.ge [sflag:s11], $0x4000  }
0x26: {  	[sflag:s11] =	ssyncset.done $0x0  }
0x27: {  	[sflag:s11] =	ssyncadd.s32 $0xFFFFC000  }
0x28: {  	[spmem:s9] =	stream.linear.scatter [tilespmem:s12], [sflag:$0x1], $0x4000, $0x38;
	[tilespmem:$0xD000] =	vst v63  }
0x29: {  	_ =	swait.ge [sflag:s11], $0x4000  }
0x2a: {  	[sflag:s11] =	ssyncset.done $0x0  }
0x2b: {  	[sflag:s11] =	ssyncadd.s32 $0xFFFFC000  }
0x2c: {  	s19 =	simm.s32 $0x0;
	[bflag:$0x0] =	sbarrier.arrive $0xFFFF  }
0x2d: {  	[spmem:s2] =	stream.indirect.scatter.add.f32 [tilespmem:s14], [sflag:$0x1], $0x10, s19, s13, $0xb8;
	[tilespmem:$0xD000] =	vst v63  }
0x2e: {  	_ =	swait.ge [sflag:s11], $0x800  }
0x2f: {  	s19 =	simm.s32 $0x200;
	[sflag:s11] =	ssyncset.done $0x0  }
.LBB2_4:
0x30: {  	s20 =	sshra.s32 s19, $0x2;
	[sflag:s11] =	ssyncadd.s32 $0xFFFFF800;
	p0 =	sne.s32 s19, $0x9E00  }
0x31: {  	[spmem:s2] =	stream.indirect.scatter.add.f32 [tilespmem:s14], [sflag:$0x1], $0x10, s20, s13, $0xb8;
	[tilespmem:$0xD000] =	vst v63  }
.Ltmp1:
0x32: {  	_ = 	snop;
	(pc) =	sbr.rel @p0 .LBB2_4-.Ltmp1, $4  }
0x33: {  	_ = 	snop  }
0x34: {  	s19 =	sadd.s32 $0x200, s19  }
0x35: {  	_ =	swait.ge [sflag:s11], $0x800  }
0x36: {  	[sflag:s11] =	ssyncset.done $0x0  }
0x37: {  	s18 =	sadd.s32 $0x1, s18  }
0x38: {  	[sflag:s11] =	ssyncadd.s32 $0xFFFFF800;
	p0 =	sne.s32 s18, s10  }
.Ltmp2:
0x39: {  	[bflag:$0x0] =	sbarrier.arrive $0xFFFF;
	(pc) =	sbr.rel @p0 .LBB2_1-.Ltmp2, $4  }
0x3a: {  	[hbm:s15], [sflag:s16] =	dma.local [spmem:s17], $0x2800  }
0x3b: {  	_ =	swait.ge [sflag:s11], $0x2800  }
0x3c: {  	[sflag:s11] =	ssyncset.done $0x0  }
0x3d: {  	[sflag:s11] =	ssyncadd.s32 $0xFFFFD800  }
0x3e: {  	_ =	sfence.sel $0x180000  }
0x3f: {  	[bflag:$0x0] =	sbarrier.arrive $0xFFFF  }
0x40: {  	p0 =	sne.s32 s0, $0x0;
	_ =	strace $0x90000047  }
0x41: {  	s0 =	sadd.s32 @!p0 $0x100000, s1;
	[bflag:$0x2] =	sbarrier.arrive $0xFFFF  }
0x42: {  	[sflag:s0] =	ssyncadd.tile.s32 @!p0 $0x1;
	_ =	shalt  }
.Lfunc_end2:
_tile_overlayer_lowered:
.L_overlay_start_2:
0x43: {  	(tag) =	ssettag $0x2  }
0x44: {  	s0 =	rddreg [dreg:$0x0];
	s2 =	stileid.u32  }
0x45: {  	s1 =	rddreg [dreg:$0x1];
	p0 =	sne.s32 s2, $0x0  }
0x46: {  	s3 =	rddreg [dreg:$0x2];
	[bflag:$0x3] =	sbarrier.arrive $0xFFFF;
	s2 =	simm.s32 @!p0 $0x1C01  }
0x47: {  	[timem:s3], [sflag:s2] =	dma.local @!p0 [hbm:s0], s1  }
0x48: {  	s0 =	simm.s32 @!p0 $0x1  }
0x49: {  	_ =	swait.ge @!p0 [sflag:s0], s1  }
0x4a: {  	s1 =	ssub.s32 @!p0 $0x0, s1;
	[sflag:s0] =	ssyncset.done @!p0 $0x0  }
0x4b: {  	[sflag:s0] =	ssyncadd.s32 @!p0 s1  }
0x4c: {  	[bflag:$0x3] =	sbarrier.arrive $0xFFFF  }
0x4d: {  	_ =	shalt  }

// kernel: kernel.13.cloned.1.call-start
scs
__scs_entry_jumppad:
0x0: {  	(pc) =	sbr.rel $0x88, $3  }
0x1: {  	(tag) =	ssettag $0x0;
	lr =	simm.s32 $0x1  }
0x2: {  	[smem:$0x3F99] =	sst lr;
	_ =	strace $0xD0000000  }
0x3: {  	_ = 	snop  }
0x4: {  	_ = 	snop  }
0x5: {  	_ = 	snop  }
0x6: {  	_ = 	snop  }
0x7: {  	_ = 	snop  }
__scs_overlays_trampoline_lowered:
0x8: {  	[smem:$0x3FA8] =	sst s0  }
0x9: {  	[smem:$0x3FA9] =	sst s1  }
0xa: {  	[smem:$0x3FAA] =	sst s2  }
0xb: {  	[smem:$0x3FAB] =	sst s3  }
0xc: {  	[smem:$0x3FAC] =	sst s4  }
0xd: {  	[smem:$0x3FAD] =	sst s5  }
0xe: {  	[smem:$0x3FAE] =	sst s6  }
0xf: {  	[smem:$0x3FAF] =	sst s7  }
0x10: {  	[smem:$0x3FB0] =	sst s8  }
0x11: {  	[smem:$0x3FB1] =	sst s9;
	s0 =	simm.s32 @!p0 $0x0  }
0x12: {  	s1 =	sld [smem:$0x3F97];
	s0 =	simm.s32 @p0 $0x1  }
0x13: {  	[smem:$0x3FB2] =	sst s0;
	s0 =	simm.s32 @!p1 $0x0  }
0x14: {  	s2 =	sld [smem:$0x3F96];
	s0 =	simm.s32 @p1 $0x1  }
0x15: {  	[smem:$0x3FB3] =	sst s0;
	s0 =	simm.s32 @!p2 $0x0  }
0x16: {  	s3 =	sld [smem:$0x3FDB];
	s0 =	simm.s32 @p2 $0x1  }
0x17: {  	s4 =	simm.s32 $0x1BF5;
	[smem:$0x3FB5] =	sst s0  }
0x18: {  	s0 =	sld [smem:$0x3F98];
	_ =	swait.ge [sflag:s4], $0x0  }
0x19: {  	s7 =	sld [smem:$0x3F99]  }
0x1a: {  	s8 =	sadd.s32 $0xFFFFE003, lr  }
0x1b: {  	s9 =	sadd.s32 $0xFFFFFEF7, lr;
	s5 =	simm.s32 $0xFFFFFFFF;
	p2 =	slt.u32 s8, $0xFFFFF086  }
0x1c: {  	p1 =	slt.u32 s9, $0xF7A;
	s5 =	simm.s32 @!p2 $0x0  }
0x1d: {  	s5 =	simm.s32 @p1 $0x1;
	p0 =	seq.s32 s7, s2  }
0x1e: {  	s7 =	smul.u32 @!p0 $0xF7A, s2;
	p2 =	seq.s32 @!p0 s5, $0x0  }
0x1f: {  	s9 =	smul.u32 $0xF7A, s1;
	s8 =	simm.s32 @!p0 $0x1BF5;
	p2 =	por !p2, p0  }
0x20: {  	[sflag:s8] =	ssyncset.s32 @!p0 $0xFFFFF086;
	s6 =	sadd.s32 @!p0 s3, s7;
	s7 =	simm.s32 @!p0 $0x108  }
0x21: {  	s3 =	sadd.s32 s3, s9;
	s6 =	sadd.s32 @!p0 $0x88, s6;
	s7 =	simm.s32 @p2 $0x1082  }
0x22: {  	[simem:s7], [sflag:s8] =	dma.local @!p0 [hbm:s6], $0xF7A  }
0x23: {  	s9 =	sor.u32 $0xD0000000, s2;
	s6 =	simm.s32 $0x108;
	_ =	swait.ge @!p0 [sflag:s8], $0x0  }
0x24: {  	s3 =	sadd.s32 $0x88, s3;
	s6 =	simm.s32 @!p1 $0x1082;
	[sflag:s4] =	ssyncset.s32 $0xFFFFF086  }
0x25: {  	[simem:s6], [sflag:s4] =	dma.local [hbm:s3], $0xF7A  }
0x26: {  	[smem:$0x3F99] =	sst s1;
	(tag) =	ssettag s2;
	_ =	strace s9  }
0x27: {  	s1 =	sld [smem:$0x3FA9]  }
0x28: {  	s2 =	sld [smem:$0x3FAA]  }
0x29: {  	s4 =	sld [smem:$0x3FAC]  }
0x2a: {  	p0 =	seq.s32 s5, $0x0;
	s5 =	sld [smem:$0x3FAD]  }
0x2b: {  	s6 =	sld [smem:$0x3FAE]  }
0x2c: {  	s7 =	sld [smem:$0x3FAF]  }
0x2d: {  	s3 =	simm.s32 $0x108;
	s8 =	sld [smem:$0x3FB0]  }
0x2e: {  	s3 =	simm.s32 @!p0 $0x1082;
	s9 =	sld [smem:$0x3FB1]  }
0x2f: {  	lr =	sadd.s32 s0, s3;
	s0 =	sld [smem:$0x3FA8]  }
0x30: {  	s3 =	sld [smem:$0x3FAB]  }
0x31: {  	[smem:$0x3FB4] =	sst s10  }
0x32: {  	s10 =	sld [smem:$0x3FB2];
	_ =	sdelay $0x3  }
0x33: {  	p0 =	seq.s32 s10, $0x1;
	s10 =	sld [smem:$0x3FB4];
	_ =	sdelay $0x3  }
0x34: {  	[smem:$0x3FB4] =	sst s10  }
0x35: {  	s10 =	sld [smem:$0x3FB3];
	_ =	sdelay $0x3  }
0x36: {  	p1 =	seq.s32 s10, $0x1;
	s10 =	sld [smem:$0x3FB4];
	_ =	sdelay $0x3  }
0x37: {  	[smem:$0x3FB4] =	sst s10  }
0x38: {  	s10 =	sld [smem:$0x3FB5]  }
0x39: {  	_ = 	snop;
	(pc) =	sbr.ind lr, $3  }
0x3a: {  	_ = 	snop  }
0x3b: {  	_ = 	snop  }
0x3c: {  	p2 =	seq.s32 s10, $0x1;
	s10 =	sld [smem:$0x3FB4]  }
0x3d: {  	_ =	shalt  }
0x3e: {  	_ =	shalt  }
0x3f: {  	_ =	shalt  }
0x40: {  	_ =	shalt  }
0x41: {  	_ =	shalt  }
0x42: {  	_ =	shalt  }
0x43: {  	_ =	shalt  }
0x44: {  	_ =	shalt  }
0x45: {  	_ =	shalt  }
0x46: {  	_ =	shalt  }
0x47: {  	_ =	shalt  }
0x48: {  	_ =	shalt  }
0x49: {  	_ =	shalt  }
0x4a: {  	_ =	shalt  }
0x4b: {  	_ =	shalt  }
0x4c: {  	_ =	shalt  }
0x4d: {  	_ =	shalt  }
0x4e: {  	_ =	shalt  }
0x4f: {  	_ =	shalt  }
0x50: {  	_ =	shalt  }
0x51: {  	_ =	shalt  }
0x52: {  	_ =	shalt  }
0x53: {  	_ =	shalt  }
0x54: {  	_ =	shalt  }
0x55: {  	_ =	shalt  }
0x56: {  	_ =	shalt  }
0x57: {  	_ =	shalt  }
0x58: {  	_ =	shalt  }
0x59: {  	_ =	shalt  }
0x5a: {  	_ =	shalt  }
0x5b: {  	_ =	shalt  }
0x5c: {  	_ =	shalt  }
0x5d: {  	_ =	shalt  }
0x5e: {  	_ =	shalt  }
0x5f: {  	_ =	shalt  }
0x60: {  	_ =	shalt  }
0x61: {  	_ =	shalt  }
0x62: {  	_ =	shalt  }
0x63: {  	_ =	shalt  }
0x64: {  	_ =	shalt  }
0x65: {  	_ =	shalt  }
0x66: {  	_ =	shalt  }
0x67: {  	_ =	shalt  }
0x68: {  	_ =	shalt  }
0x69: {  	_ =	shalt  }
0x6a: {  	_ =	shalt  }
0x6b: {  	_ =	shalt  }
0x6c: {  	_ =	shalt  }
0x6d: {  	_ =	shalt  }
0x6e: {  	_ =	shalt  }
0x6f: {  	_ =	shalt  }
0x70: {  	_ =	shalt  }
0x71: {  	_ =	shalt  }
0x72: {  	_ =	shalt  }
0x73: {  	_ =	shalt  }
0x74: {  	_ =	shalt  }
0x75: {  	_ =	shalt  }
0x76: {  	_ =	shalt  }
0x77: {  	_ =	shalt  }
0x78: {  	_ =	shalt  }
0x79: {  	_ =	shalt  }
0x7a: {  	_ =	shalt  }
0x7b: {  	_ =	shalt  }
0x7c: {  	_ =	shalt  }
0x7d: {  	_ =	shalt  }
0x7e: {  	_ =	shalt  }
0x7f: {  	_ =	shalt  }
0x80: {  	_ =	shalt  }
0x81: {  	_ =	shalt  }
0x82: {  	_ =	shalt  }
0x83: {  	_ =	shalt  }
0x84: {  	_ =	shalt  }
0x85: {  	_ =	shalt  }
0x86: {  	_ =	shalt  }
0x87: {  	_ =	shalt  }
.Lfunc_end0:
.L_simem_size_0:
called_computation.1_lowered:
.L_overlay_start_0:
0x88: {  	s2 =	sld [smem:$0x3FD9]  }
0x89: {  	s3 =	sld [smem:$0x3FFE];
	_ =	sdelay $0x1  }
0x8a: {  	s1 =	srdreg.scid  }
0x8b: {  	s0 =	sand.u32 $0x1, s1  }
0x8c: {  	s16 =	sshll.u32 s0, $0xA;
	s2 =	sadd.s32 s3, s2  }
0x8d: {  	s2 =	sadd.s32 s2, s16  }
0x8e: {  	[smem:$0x3FC0] =	sst s2  }
0x8f: {  	_ = 	snop  }
0x90: {  	(tm) =	ssettm $0x1  }
0x91: {  	s17 =	sld [smem:$0x3FFB];
	_ =	sdelay $0x3  }
0x92: {  	_ =	strace s17  }
0x93: {  	s2 =	sld [smem:$0x3FFC];
	_ =	sdelay $0x3  }
0x94: {  	_ =	strace s2  }
0x95: {  	s2 =	sld [smem:$0x3FFD];
	_ =	sdelay $0x3  }
0x96: {  	_ =	strace s2  }
0x97: {  	_ =	strace $0x8FFFFFFF  }
0x98: {  	s18 =	sld [smem:$0x3FDB];
	_ =	sdelay $0x1  }
0x99: {  	s19 =	simm.s32 $_scs_section_size  }
0x9a: {  	s4 =	simm.s32 $_size__tile_overlayer_lowered;
	s5 =	simm.s32 $_tile_overlayer_lowered  }
0x9b: {  	s22 =	simm.s32 $0x1BFF;
	s21 =	sshll.u32 s5, $0x1;
	s2 =	sadd.s32 s19, s18  }
0x9c: {  	s6 =	simm.s32 $0x0;
	s20 =	sshll.u32 s4, $0x1;
	s4 =	sadd.s32 s21, s2  }
0x9d: {  	[timem:s6], [sflag:s22] =	dma.local [hbm:s4], s20  }
0x9e: {  	_ =	swait.ge [sflag:s22], s20  }
0x9f: {  	s3 =	ssub.s32 $0x0, s20;
	[sflag:s22] =	ssyncset.done $0x0  }
0xa0: {  	[sflag:s22] =	ssyncadd.s32 s3;
	_ =	sdelay $0x1  }
0xa1: {  	s23 =	simm.s32 $0x1B8B  }
0xa2: {  	_ =	swait.ge [sflag:s23], $0x1  }
0xa3: {  	[sflag:s23] =	ssyncset.done $0x0  }
0xa4: {  	s25 =	simm.s32 $0x1B8E;
	s24 =	sld [smem:$0x3FFE];
	[sflag:s23] =	ssyncadd.s32 $0xFFFFFFFF  }
0xa5: {  	s26 =	simm.s32 $execute0_lowered;
	[smem:$0x3FD2] =	sst s25  }
0xa6: {  	s4 =	sshll.u32 s26, $0x1;
	_ =	strace $0x80000049;
	[dreg:$0x1] =	wrdreg $0xFFFFFFFF  }
0xa7: {  	s28 =	simm.s32 $_size_execute0_lowered;
	s2 =	sadd.s32 s2, s4;
	[dreg:$0x0] =	wrdreg $0x0  }
0xa8: {  	s4 =	sshll.u32 s28, $0x1;
	[dreg:$0x2] =	wrdreg s2  }
0xa9: {  	[dreg:$0x3] =	wrdreg s4  }
0xaa: {  	[dreg:$0x4] =	wrdreg $0xC0  }
0xab: {  	_ =	task [dreg:s6], $0x5FFFF  }
0xac: {  	[dreg:$0x1] =	wrdreg $0xFFFFFFFF  }
0xad: {  	[dreg:$0x0] =	wrdreg $0x60  }
0xae: {  	[dreg:$0x2] =	wrdreg s24  }
0xaf: {  	[dreg:$0x3] =	wrdreg $0x88000  }
0xb0: {  	[dreg:$0x4] =	wrdreg $0x9  }
0xb1: {  	_ =	task.clear_ibuf [dreg:s6], $0x5FFFF;
	_ =	strace $0x90000049  }
0xb2: {  	s29 =	simm.s32 $0x9;
	_ =	strace $0x8000004B  }
0xb3: {  	_ =	swait.ge [sflag:s29], $0x1  }
0xb4: {  	[sflag:s29] =	ssyncadd.s32 $0xFFFFFFFF  }
0xb5: {  	_ =	strace $0x9000004B  }
0xb6: {  	_ =	sfence  }
0xb7: {  	s30 =	sld [smem:$0x0];
	_ =	sdelay $0x2  }
0xb8: {  	s31 =	sshll.u32 s1, $0xD;
	s1 =	sshrl.u32 s1, $0x2  }
0xb9: {  	s3 =	sand.u32 $0x4000, s31;
	s1 =	sadd.s32 s1, s30  }
0xba: {  	s0 =	sor.u32 s3, s0;
	s1 =	sshll.u32 s1, $0x11  }
0xbb: {  	s0 =	sor.u32 s1, s0  }
0xbc: {  	s0 =	sadd.s32 $0x8F2B, s0  }
0xbd: {  	[sflag:s0] =	ssyncadd.remote.s32 $0x1  }
0xbe: {  	_ =	sfence.sel $0xFFFF  }
0xbf: {  	[dreg:$0x0] =	wrdreg $0xFFFFFFFF;
	(pc) =	sbr.abs _section_cstart, $3  }
0xc0: {  	[dreg:$0x1] =	wrdreg $0xFFFFFFFF  }
0xc1: {  	_ =	task.clear_ibuf [dreg:s6], $0x2FFFF;
	_ =	strace $0x9FFFFFFF  }
0xc2: {  	(tm) =	ssettm $0x7FFFFFFF  }
0xc3: {  	_ =	shalt  }
tec
execute0_lowered:
.L_overlay_start_1:
0x0: {  	(tag) =	ssettag $0x1  }
0x1: {  	s10 =	stileid.u32  }
0x2: {  	s5 =	rddreg [dreg:$0x0];
	s7 =	smul.u32 $0x4C000, s10  }
0x3: {  	s0 =	srdreg.scid;
	s2 =	rddreg [dreg:$0x1];
	s3 =	simm.s32 $0x0  }
0x4: {  	s0 =	sand.u32 $0x1, s0;
	[smem:$0x7FF] =	sst s3;
	s7 =	sshrl.u32 s7, $0x2  }
0x5: {  	s4 =	sadd.s32 $0xFD200, s5;
	s20 =	smul.u32 $0x2600, s10;
	s11 =	sadd.s32 s7, s2  }
0x6: {  	_ =	strace $0x8000004A;
	s7 =	sadd.s32 $0x1000, s11;
	[dreg:$0x7] =	wrdreg s11  }
0x7: {  	s21 =	sshll.u32 s10, $0x9;
	s23 =	sadd.s32 $0x2000, s11;
	[dreg:$0x8] =	wrdreg s7  }
0x8: {  	s1 =	sshll.u32 s0, $0x4;
	s24 =	sadd.s32 $0x3000, s11;
	[dreg:$0x9] =	wrdreg s23  }
0x9: {  	s6 =	smul.u32 $0x26000, s0;
	s25 =	sadd.s32 $0x4000, s11;
	[dreg:$0xa] =	wrdreg s24  }
0xa: {  	s8 =	ssub.s32 $0x2, s0;
	s26 =	sadd.s32 $0x5000, s11;
	[dreg:$0xb] =	wrdreg s25  }
0xb: {  	s0 =	sshll.u32 s0, $0xD;
	s28 =	sadd.s32 $0x6000, s11;
	[dreg:$0xc] =	wrdreg s26  }
0xc: {  	s1 =	sor.u32 s10, s1;
	s29 =	sadd.s32 $0x7000, s11;
	[dreg:$0xd] =	wrdreg s28  }
0xd: {  	s9 =	sshrl.u32 s8, $0x1;
	s30 =	sadd.s32 $0x8000, s11;
	[dreg:$0xe] =	wrdreg s29  }
0xe: {  	s0 =	sadd.s32 s0, s5;
	s12 =	sadd.s32 $0xB000, s11;
	[dreg:$0xf] =	wrdreg s30  }
0xf: {  	s1 =	smul.u32 $0x1400, s1;
	s13 =	sadd.s32 $0xC000, s11;
	[dreg:$0x12] =	wrdreg s12  }
0x10: {  	s6 =	sadd.s32 s6, s5;
	s15 =	sadd.s32 $0xD000, s11;
	[dreg:$0x13] =	wrdreg s13  }
0x11: {  	s0 =	sadd.s32 $0x3200, s0;
	s19 =	sadd.s32 $0xE000, s11;
	[dreg:$0x14] =	wrdreg s15  }
0x12: {  	s0 =	sadd.s32 s21, s0;
	s1 =	sadd.s32 s1, s5;
	[dreg:$0x15] =	wrdreg s19  }
0x13: {  	s5 =	ssub.s32 s8, s9;
	s8 =	sadd.s32 $0x9000, s11;
	[dreg:$0x17] =	wrdreg s0  }
0x14: {  	s6 =	sadd.s32 $0x125200, s6;
	s9 =	sadd.s32 $0xA000, s11;
	[dreg:$0x10] =	wrdreg s8  }
0x15: {  	s31 =	simm.s32 $0x800;
	s6 =	sadd.s32 s20, s6;
	[dreg:$0x11] =	wrdreg s9  }
0x16: {  	s17 =	smul.u32 $0x4200, s10;
	s23 =	sadd.s32 $0xF000, s11;
	[dreg:$0x16] =	wrdreg s6  }
0x17: {  	s22 =	sshll.u32 s10, $0xC;
	s26 =	sadd.s32 $0x10000, s11;
	[dreg:$0x18] =	wrdreg s23  }
0x18: {  	s10 =	simm.s32 $0x2800;
	s28 =	sadd.s32 $0x11000, s11;
	[dreg:$0x1c] =	wrdreg s26  }
0x19: {  	s21 =	simm.s32 $0x1;
	s29 =	sadd.s32 $0x12000, s11;
	[dreg:$0x1d] =	wrdreg s28  }
0x1a: {  	s7 =	sshrl.u32 s17, $0x2;
	s14 =	sadd.s32 $0xAD200, s1;
	[dreg:$0x1e] =	wrdreg s29  }
0x1b: {  	s25 =	sadd.s32 s22, s2;
	s16 =	sadd.s32 $0xD5200, s1;
	[dreg:$0x3] =	wrdreg s14  }
0x1c: {  	s12 =	simm.s32 $0x3800;
	s18 =	sadd.s32 $0x85200, s1;
	[dreg:$0x4] =	wrdreg s16  }
0x1d: {  	s20 =	simm.s32 $0x7800;
	s1 =	sadd.s32 $0x5D200, s1;
	[dreg:$0x5] =	wrdreg s18  }
0x1e: {  	s24 =	sadd.s32 s7, s2;
	s5 =	smax.u32 s5, $0x1;
	[dreg:$0x6] =	wrdreg s1  }
0x1f: {  	s0 =	sshrl.u32 s25, $0x3;
	s6 =	simm.s32 $0x20;
	[dreg:$0x1a] =	wrdreg s5  }
0x20: {  	s9 =	simm.s32 $0x80;
	s8 =	simm.s32 $0x1800;
	[dreg:$0x1b] =	wrdreg s0  }
0x21: {  	s7 =	simm.s32 $0x0;
	[dreg:$0x19] =	wrdreg s24;
	s30 =	sadd.s32 $0x1000, s24  }
0x22: {  	s1 =	simm.s32 $0x2;
	s0 =	simm.s32 $0x400;
	s14 =	simm.s32 $0x4800  }
0x23: {  	v0 =	vimm.f32 $0.0e+00;
	s16 =	simm.s32 $0x5800;
	s18 =	simm.s32 $0x6800;
	[dreg:$0x1f] =	wrdreg s30  }
.LBB2_1:
0x24: {  	[smem:$0x7FD] =	sst s7;
	s5 =	simm.s32 $0x0;
	s23 =	simm.s32 $0x200  }
.LBB2_2:
0x25: {  	p0 =	sne.s32 s23, $0x3E00;
	[tilespmem:s5+$0x870] =	vst v0  }
0x26: {  	[tilespmem:s5+$0x800] =	vst v0  }
0x27: {  	[tilespmem:s5+$0x810] =	vst v0  }
.Ltmp0:
0x28: {  	[tilespmem:s5+$0x820] =	vst v0;
	(pc) =	sbr.rel @p0 .LBB2_2-.Ltmp0, $4  }
0x29: {  	[tilespmem:s5+$0x830] =	vst v0  }
0x2a: {  	[tilespmem:s5+$0x840] =	vst v0  }
0x2b: {  	[tilespmem:s5+$0x850] =	vst v0  }
0x2c: {  	[tilespmem:s5+$0x860] =	vst v0;
	s5 =	sshra.s32 s23, $0x2;
	s23 =	sadd.s32 $0x200, s23  }
0x2d: {  	[tilespmem:s5+$0x870] =	vst v0  }
0x2e: {  	[tilespmem:s5+$0x800] =	vst v0  }
0x2f: {  	[tilespmem:s5+$0x810] =	vst v0  }
0x30: {  	[tilespmem:s5+$0x820] =	vst v0  }
0x31: {  	[tilespmem:s5+$0x830] =	vst v0  }
0x32: {  	[tilespmem:s5+$0x840] =	vst v0  }
0x33: {  	[tilespmem:s5+$0x850] =	vst v0  }
0x34: {  	[tilespmem:s5+$0x860] =	vst v0;
	s24 =	rddreg [dreg:$0x7]  }
0x35: {  	[spmem:s24] =	stream.linear.scatter [tilespmem:s31], [sflag:$0x2], $0x1000, $0x38;
	[tilespmem:$0x1B800] =	vst v63  }
0x36: {  	_ =	swait.ge [sflag:s1], $0x1000  }
0x37: {  	[sflag:s1] =	ssyncset.done $0x0  }
0x38: {  	s25 =	rddreg [dreg:$0x8];
	[sflag:s1] =	ssyncadd.s32 $0xFFFFF000  }
0x39: {  	[spmem:s25] =	stream.linear.scatter [tilespmem:s31], [sflag:$0x2], $0x1000, $0x38;
	[tilespmem:$0x1B800] =	vst v63  }
0x3a: {  	_ =	swait.ge [sflag:s1], $0x1000  }
0x3b: {  	[sflag:s1] =	ssyncset.done $0x0  }
0x3c: {  	s26 =	rddreg [dreg:$0x9];
	[sflag:s1] =	ssyncadd.s32 $0xFFFFF000  }
0x3d: {  	[spmem:s26] =	stream.linear.scatter [tilespmem:s31], [sflag:$0x2], $0x1000, $0x38;
	[tilespmem:$0x1B800] =	vst v63  }
0x3e: {  	_ =	swait.ge [sflag:s1], $0x1000  }
0x3f: {  	[sflag:s1] =	ssyncset.done $0x0  }
0x40: {  	s7 =	rddreg [dreg:$0xa];
	[sflag:s1] =	ssyncadd.s32 $0xFFFFF000  }
0x41: {  	[spmem:s7] =	stream.linear.scatter [tilespmem:s31], [sflag:$0x2], $0x1000, $0x38;
	[tilespmem:$0x1B800] =	vst v63  }
0x42: {  	_ =	swait.ge [sflag:s1], $0x1000  }
0x43: {  	[sflag:s1] =	ssyncset.done $0x0  }
0x44: {  	s11 =	rddreg [dreg:$0xb];
	[sflag:s1] =	ssyncadd.s32 $0xFFFFF000  }
0x45: {  	[spmem:s11] =	stream.linear.scatter [tilespmem:s31], [sflag:$0x2], $0x1000, $0x38;
	[tilespmem:$0x1B800] =	vst v63  }
0x46: {  	_ =	swait.ge [sflag:s1], $0x1000  }
0x47: {  	[sflag:s1] =	ssyncset.done $0x0  }
0x48: {  	s13 =	rddreg [dreg:$0xc];
	[sflag:s1] =	ssyncadd.s32 $0xFFFFF000  }
0x49: {  	[spmem:s13] =	stream.linear.scatter [tilespmem:s31], [sflag:$0x2], $0x1000, $0x38;
	[tilespmem:$0x1B800] =	vst v63  }
0x4a: {  	_ =	swait.ge [sflag:s1], $0x1000  }
0x4b: {  	[sflag:s1] =	ssyncset.done $0x0  }
0x4c: {  	s15 =	rddreg [dreg:$0xd];
	[sflag:s1] =	ssyncadd.s32 $0xFFFFF000  }
0x4d: {  	[spmem:s15] =	stream.linear.scatter [tilespmem:s31], [sflag:$0x2], $0x1000, $0x38;
	[tilespmem:$0x1B800] =	vst v63  }
0x4e: {  	_ =	swait.ge [sflag:s1], $0x1000  }
0x4f: {  	[sflag:s1] =	ssyncset.done $0x0  }
0x50: {  	s17 =	rddreg [dreg:$0xe];
	[sflag:s1] =	ssyncadd.s32 $0xFFFFF000  }
0x51: {  	[spmem:s17] =	stream.linear.scatter [tilespmem:s31], [sflag:$0x2], $0x1000, $0x38;
	[tilespmem:$0x1B800] =	vst v63  }
0x52: {  	_ =	swait.ge [sflag:s1], $0x1000  }
0x53: {  	[sflag:s1] =	ssyncset.done $0x0  }
0x54: {  	s19 =	rddreg [dreg:$0xf];
	[sflag:s1] =	ssyncadd.s32 $0xFFFFF000  }
0x55: {  	[spmem:s19] =	stream.linear.scatter [tilespmem:s31], [sflag:$0x2], $0x1000, $0x38;
	[tilespmem:$0x1B800] =	vst v63  }
0x56: {  	_ =	swait.ge [sflag:s1], $0x1000  }
0x57: {  	[sflag:s1] =	ssyncset.done $0x0  }
0x58: {  	s22 =	rddreg [dreg:$0x10];
	[sflag:s1] =	ssyncadd.s32 $0xFFFFF000  }
0x59: {  	[spmem:s22] =	stream.linear.scatter [tilespmem:s31], [sflag:$0x2], $0x1000, $0x38;
	[tilespmem:$0x1B800] =	vst v63  }
0x5a: {  	_ =	swait.ge [sflag:s1], $0x1000  }
0x5b: {  	[sflag:s1] =	ssyncset.done $0x0  }
0x5c: {  	s23 =	rddreg [dreg:$0x11];
	[sflag:s1] =	ssyncadd.s32 $0xFFFFF000  }
0x5d: {  	[spmem:s23] =	stream.linear.scatter [tilespmem:s31], [sflag:$0x2], $0x1000, $0x38;
	[tilespmem:$0x1B800] =	vst v63  }
0x5e: {  	_ =	swait.ge [sflag:s1], $0x1000  }
0x5f: {  	[sflag:s1] =	ssyncset.done $0x0  }
0x60: {  	s24 =	rddreg [dreg:$0x12];
	[sflag:s1] =	ssyncadd.s32 $0xFFFFF000  }
0x61: {  	[spmem:s24] =	stream.linear.scatter [tilespmem:s31], [sflag:$0x2], $0x1000, $0x38;
	[tilespmem:$0x1B800] =	vst v63  }
0x62: {  	_ =	swait.ge [sflag:s1], $0x1000  }
0x63: {  	[sflag:s1] =	ssyncset.done $0x0  }
0x64: {  	s25 =	rddreg [dreg:$0x13];
	[sflag:s1] =	ssyncadd.s32 $0xFFFFF000  }
0x65: {  	[spmem:s25] =	stream.linear.scatter [tilespmem:s31], [sflag:$0x2], $0x1000, $0x38;
	[tilespmem:$0x1B800] =	vst v63  }
0x66: {  	_ =	swait.ge [sflag:s1], $0x1000  }
0x67: {  	[sflag:s1] =	ssyncset.done $0x0  }
0x68: {  	s26 =	rddreg [dreg:$0x14];
	[sflag:s1] =	ssyncadd.s32 $0xFFFFF000  }
0x69: {  	[spmem:s26] =	stream.linear.scatter [tilespmem:s31], [sflag:$0x2], $0x1000, $0x38;
	[tilespmem:$0x1B800] =	vst v63  }
0x6a: {  	_ =	swait.ge [sflag:s1], $0x1000  }
0x6b: {  	[sflag:s1] =	ssyncset.done $0x0  }
0x6c: {  	s7 =	rddreg [dreg:$0x15];
	[sflag:s1] =	ssyncadd.s32 $0xFFFFF000  }
0x6d: {  	[spmem:s7] =	stream.linear.scatter [tilespmem:s31], [sflag:$0x2], $0x1000, $0x38;
	[tilespmem:$0x1B800] =	vst v63  }
0x6e: {  	_ =	swait.ge [sflag:s1], $0x1000  }
0x6f: {  	[sflag:s1] =	ssyncset.done $0x0  }
0x70: {  	s11 =	rddreg [dreg:$0x18];
	[sflag:s1] =	ssyncadd.s32 $0xFFFFF000  }
0x71: {  	[spmem:s11] =	stream.linear.scatter [tilespmem:s31], [sflag:$0x2], $0x1000, $0x38;
	[tilespmem:$0x1B800] =	vst v63  }
0x72: {  	_ =	swait.ge [sflag:s1], $0x1000  }
0x73: {  	[sflag:s1] =	ssyncset.done $0x0  }
0x74: {  	s13 =	rddreg [dreg:$0x1c];
	[sflag:s1] =	ssyncadd.s32 $0xFFFFF000  }
0x75: {  	[spmem:s13] =	stream.linear.scatter [tilespmem:s31], [sflag:$0x2], $0x1000, $0x38;
	[tilespmem:$0x1B800] =	vst v63  }
0x76: {  	_ =	swait.ge [sflag:s1], $0x1000  }
0x77: {  	[sflag:s1] =	ssyncset.done $0x0  }
0x78: {  	s15 =	rddreg [dreg:$0x1d];
	[sflag:s1] =	ssyncadd.s32 $0xFFFFF000  }
0x79: {  	[spmem:s15] =	stream.linear.scatter [tilespmem:s31], [sflag:$0x2], $0x1000, $0x38;
	[tilespmem:$0x1B800] =	vst v63  }
0x7a: {  	_ =	swait.ge [sflag:s1], $0x1000  }
0x7b: {  	[sflag:s1] =	ssyncset.done $0x0  }
0x7c: {  	s17 =	rddreg [dreg:$0x1e];
	[sflag:s1] =	ssyncadd.s32 $0xFFFFF000  }
0x7d: {  	[spmem:s17] =	stream.linear.scatter [tilespmem:s31], [sflag:$0x2], $0x1000, $0x38;
	[tilespmem:$0x1B800] =	vst v63  }
0x7e: {  	_ =	swait.ge [sflag:s1], $0x1000  }
0x7f: {  	[sflag:s1] =	ssyncset.done $0x0  }
0x80: {  	[sflag:s1] =	ssyncadd.s32 $0xFFFFF000  }
0x81: {  	[bflag:$0x0] =	sbarrier.arrive $0xFFFF  }
0x82: {  	s19 =	rddreg [dreg:$0x3]  }
0x83: {  	s5 =	sadd.s32 $0x0, s19  }
0x84: {  	[tilespmem:s3], [sflag:$0x2] =	stream.linear.gather [hbm4b:s5+s3], $0x400, $0x38;
	[tilespmem:$0x1B800] =	vst v63  }
0x85: {  	_ =	swait.ge [sflag:s1], $0x400  }
0x86: {  	s22 =	rddreg [dreg:$0x4];
	[sflag:s1] =	ssyncset.done $0x0  }
0x87: {  	[sflag:s1] =	ssyncadd.s32 $0xFFFFFC00;
	s5 =	sadd.s32 $0x0, s22  }
0x88: {  	[tilespmem:s0], [sflag:$0x2] =	stream.linear.gather [hbm4b:s5+s3], $0x400, $0x38;
	[tilespmem:$0x1B800] =	vst v63  }
0x89: {  	_ =	swait.ge [sflag:s1], $0x400  }
0x8a: {  	[sflag:s1] =	ssyncset.done $0x0  }
0x8b: {  	[sflag:s1] =	ssyncadd.s32 $0xFFFFFC00  }
0x8c: {  	[tilespmem:s31], [sflag:$0x1] =	stream.indirect.gather [hbm4b:s4+s6], $0x80, s3, s6, $0xb8;
	[tilespmem:$0x1B800] =	vst v63  }
0x8d: {  	_ = 	snop  }
0x8e: {  	[tilespmem:s8], [sflag:$0x1] =	stream.indirect.gather [hbm4b:s4+s6], $0x80, s9, s6, $0xb8;
	[tilespmem:$0x1B800] =	vst v63  }
0x8f: {  	s11 =	simm.s32 $0x100  }
0x90: {  	[tilespmem:s10], [sflag:$0x1] =	stream.indirect.gather [hbm4b:s4+s6], $0x80, s11, s6, $0xb8;
	[tilespmem:$0x1B800] =	vst v63  }
0x91: {  	s13 =	simm.s32 $0x180  }
0x92: {  	[tilespmem:s12], [sflag:$0x1] =	stream.indirect.gather [hbm4b:s4+s6], $0x80, s13, s6, $0xb8;
	[tilespmem:$0x1B800] =	vst v63  }
0x93: {  	s15 =	simm.s32 $0x200  }
0x94: {  	[tilespmem:s14], [sflag:$0x1] =	stream.indirect.gather [hbm4b:s4+s6], $0x80, s15, s6, $0xb8;
	[tilespmem:$0x1B800] =	vst v63  }
0x95: {  	s17 =	simm.s32 $0x280  }
0x96: {  	[tilespmem:s16], [sflag:$0x1] =	stream.indirect.gather [hbm4b:s4+s6], $0x80, s17, s6, $0xb8;
	[tilespmem:$0x1B800] =	vst v63  }
0x97: {  	s19 =	simm.s32 $0x300  }
0x98: {  	[tilespmem:s18], [sflag:$0x1] =	stream.indirect.gather [hbm4b:s4+s6], $0x80, s19, s6, $0xb8;
	[tilespmem:$0x1B800] =	vst v63  }
0x99: {  	s22 =	simm.s32 $0x380  }
0x9a: {  	[tilespmem:s20], [sflag:$0x1] =	stream.indirect.gather [hbm4b:s4+s6], $0x80, s22, s6, $0xb8;
	[tilespmem:$0x1B800] =	vst v63  }
0x9b: {  	_ =	swait.ge [sflag:s21], $0x1000  }
0x9c: {  	[sflag:s21] =	ssyncset.done $0x0  }
0x9d: {  	[sflag:s21] =	ssyncadd.s32 $0xFFFFF000  }
0x9e: {  	_ =	swait.ge [sflag:s21], $0x1000  }
0x9f: {  	[sflag:s21] =	ssyncset.done $0x0  }
0xa0: {  	[sflag:s21] =	ssyncadd.s32 $0xFFFFF000  }
0xa1: {  	_ =	swait.ge [sflag:s21], $0x1000  }
0xa2: {  	[sflag:s21] =	ssyncset.done $0x0  }
0xa3: {  	[sflag:s21] =	ssyncadd.s32 $0xFFFFF000  }
0xa4: {  	_ =	swait.ge [sflag:s21], $0x1000  }
0xa5: {  	[sflag:s21] =	ssyncset.done $0x0  }
0xa6: {  	[sflag:s21] =	ssyncadd.s32 $0xFFFFF000  }
0xa7: {  	_ =	swait.ge [sflag:s21], $0x1000  }
0xa8: {  	[sflag:s21] =	ssyncset.done $0x0  }
0xa9: {  	[sflag:s21] =	ssyncadd.s32 $0xFFFFF000  }
0xaa: {  	_ =	swait.ge [sflag:s21], $0x1000  }
0xab: {  	[sflag:s21] =	ssyncset.done $0x0  }
0xac: {  	[sflag:s21] =	ssyncadd.s32 $0xFFFFF000  }
0xad: {  	_ =	swait.ge [sflag:s21], $0x1000  }
0xae: {  	[sflag:s21] =	ssyncset.done $0x0  }
0xaf: {  	[sflag:s21] =	ssyncadd.s32 $0xFFFFF000  }
0xb0: {  	_ =	swait.ge [sflag:s21], $0x1000  }
0xb1: {  	[sflag:s21] =	ssyncset.done $0x0  }
0xb2: {  	[sflag:s21] =	ssyncadd.s32 $0xFFFFF000  }
0xb3: {  	[spmem:s2] =	stream.indirect.scatter.add.f32 [tilespmem:s31], [sflag:$0x2], $0x80, s0, s6, $0xb8;
	[tilespmem:$0x1B800] =	vst v63  }
0xb4: {  	_ =	swait.ge [sflag:s1], $0x1000  }
0xb5: {  	[sflag:s1] =	ssyncset.done $0x0  }
0xb6: {  	s24 =	simm.s32 $0x480;
	[sflag:s1] =	ssyncadd.s32 $0xFFFFF000  }
0xb7: {  	[spmem:s2] =	stream.indirect.scatter.add.f32 [tilespmem:s8], [sflag:$0x2], $0x80, s24, s6, $0xb8;
	[tilespmem:$0x1B800] =	vst v63  }
0xb8: {  	_ =	swait.ge [sflag:s1], $0x1000  }
0xb9: {  	[sflag:s1] =	ssyncset.done $0x0  }
0xba: {  	s25 =	simm.s32 $0x500;
	[sflag:s1] =	ssyncadd.s32 $0xFFFFF000  }
0xbb: {  	[spmem:s2] =	stream.indirect.scatter.add.f32 [tilespmem:s10], [sflag:$0x2], $0x80, s25, s6, $0xb8;
	[tilespmem:$0x1B800] =	vst v63  }
0xbc: {  	_ =	swait.ge [sflag:s1], $0x1000  }
0xbd: {  	[sflag:s1] =	ssyncset.done $0x0  }
0xbe: {  	s26 =	simm.s32 $0x580;
	[sflag:s1] =	ssyncadd.s32 $0xFFFFF000  }
0xbf: {  	[spmem:s2] =	stream.indirect.scatter.add.f32 [tilespmem:s12], [sflag:$0x2], $0x80, s26, s6, $0xb8;
	[tilespmem:$0x1B800] =	vst v63  }
0xc0: {  	_ =	swait.ge [sflag:s1], $0x1000  }
0xc1: {  	[sflag:s1] =	ssyncset.done $0x0  }
0xc2: {  	s28 =	simm.s32 $0x600;
	[sflag:s1] =	ssyncadd.s32 $0xFFFFF000  }
0xc3: {  	[spmem:s2] =	stream.indirect.scatter.add.f32 [tilespmem:s14], [sflag:$0x2], $0x80, s28, s6, $0xb8;
	[tilespmem:$0x1B800] =	vst v63  }
0xc4: {  	_ =	swait.ge [sflag:s1], $0x1000  }
0xc5: {  	[sflag:s1] =	ssyncset.done $0x0  }
0xc6: {  	s29 =	simm.s32 $0x680;
	[sflag:s1] =	ssyncadd.s32 $0xFFFFF000  }
0xc7: {  	[spmem:s2] =	stream.indirect.scatter.add.f32 [tilespmem:s16], [sflag:$0x2], $0x80, s29, s6, $0xb8;
	[tilespmem:$0x1B800] =	vst v63  }
0xc8: {  	_ =	swait.ge [sflag:s1], $0x1000  }
0xc9: {  	[sflag:s1] =	ssyncset.done $0x0  }
0xca: {  	s30 =	simm.s32 $0x700;
	[sflag:s1] =	ssyncadd.s32 $0xFFFFF000  }
0xcb: {  	[spmem:s2] =	stream.indirect.scatter.add.f32 [tilespmem:s18], [sflag:$0x2], $0x80, s30, s6, $0xb8;
	[tilespmem:$0x1B800] =	vst v63  }
0xcc: {  	_ =	swait.ge [sflag:s1], $0x1000  }
0xcd: {  	[sflag:s1] =	ssyncset.done $0x0  }
0xce: {  	s23 =	simm.s32 $0x780;
	[sflag:s1] =	ssyncadd.s32 $0xFFFFF000  }
0xcf: {  	[spmem:s2] =	stream.indirect.scatter.add.f32 [tilespmem:s20], [sflag:$0x2], $0x80, s23, s6, $0xb8;
	[tilespmem:$0x1B800] =	vst v63  }
0xd0: {  	s5 =	simm.s32 $0x80;
	_ =	swait.ge [sflag:s1], $0x1000  }
0xd1: {  	s23 =	simm.s32 $0x100;
	s7 =	rddreg [dreg:$0x3];
	[sflag:s1] =	ssyncset.done $0x0  }
.LBB2_4:
0xd2: {  	[sflag:s1] =	ssyncadd.s32 $0xFFFFF000;
	s7 =	sadd.s32 s5, s7  }
0xd3: {  	[tilespmem:s3], [sflag:$0x2] =	stream.linear.gather [hbm4b:s7+s3], $0x400, $0x38;
	[tilespmem:$0x1B800] =	vst v63  }
0xd4: {  	_ =	swait.ge [sflag:s1], $0x400  }
0xd5: {  	s7 =	rddreg [dreg:$0x4];
	[sflag:s1] =	ssyncset.done $0x0  }
0xd6: {  	[sflag:s1] =	ssyncadd.s32 $0xFFFFFC00;
	s7 =	sadd.s32 s5, s7  }
0xd7: {  	[tilespmem:s0], [sflag:$0x2] =	stream.linear.gather [hbm4b:s7+s3], $0x400, $0x38;
	[tilespmem:$0x1B800] =	vst v63  }
0xd8: {  	_ =	swait.ge [sflag:s1], $0x400  }
0xd9: {  	[sflag:s1] =	ssyncset.done $0x0  }
0xda: {  	s9 =	smov.u32 s23;
	[sflag:s1] =	ssyncadd.s32 $0xFFFFFC00  }
0xdb: {  	[tilespmem:s31], [sflag:$0x1] =	stream.indirect.gather [hbm4b:s4+s6], $0x80, s3, s6, $0xb8;
	[tilespmem:$0x1B800] =	vst v63  }
0xdc: {  	s5 =	smov.u32 s9;
	s9 =	simm.s32 $0x80  }
0xdd: {  	[tilespmem:s8], [sflag:$0x1] =	stream.indirect.gather [hbm4b:s4+s6], $0x80, s9, s6, $0xb8;
	[tilespmem:$0x1B800] =	vst v63  }
0xde: {  	_ = 	snop  }
0xdf: {  	[tilespmem:s10], [sflag:$0x1] =	stream.indirect.gather [hbm4b:s4+s6], $0x80, s11, s6, $0xb8;
	[tilespmem:$0x1B800] =	vst v63  }
0xe0: {  	_ = 	snop  }
0xe1: {  	[tilespmem:s12], [sflag:$0x1] =	stream.indirect.gather [hbm4b:s4+s6], $0x80, s13, s6, $0xb8;
	[tilespmem:$0x1B800] =	vst v63  }
0xe2: {  	_ = 	snop  }
0xe3: {  	[tilespmem:s14], [sflag:$0x1] =	stream.indirect.gather [hbm4b:s4+s6], $0x80, s15, s6, $0xb8;
	[tilespmem:$0x1B800] =	vst v63  }
0xe4: {  	_ = 	snop  }
0xe5: {  	[tilespmem:s16], [sflag:$0x1] =	stream.indirect.gather [hbm4b:s4+s6], $0x80, s17, s6, $0xb8;
	[tilespmem:$0x1B800] =	vst v63  }
0xe6: {  	_ = 	snop  }
0xe7: {  	[tilespmem:s18], [sflag:$0x1] =	stream.indirect.gather [hbm4b:s4+s6], $0x80, s19, s6, $0xb8;
	[tilespmem:$0x1B800] =	vst v63  }
0xe8: {  	_ = 	snop  }
0xe9: {  	[tilespmem:s20], [sflag:$0x1] =	stream.indirect.gather [hbm4b:s4+s6], $0x80, s22, s6, $0xb8;
	[tilespmem:$0x1B800] =	vst v63  }
0xea: {  	_ =	swait.ge [sflag:s21], $0x1000  }
0xeb: {  	[sflag:s21] =	ssyncset.done $0x0  }
0xec: {  	[sflag:s21] =	ssyncadd.s32 $0xFFFFF000  }
0xed: {  	_ =	swait.ge [sflag:s21], $0x1000  }
0xee: {  	[sflag:s21] =	ssyncset.done $0x0  }
0xef: {  	[sflag:s21] =	ssyncadd.s32 $0xFFFFF000  }
0xf0: {  	_ =	swait.ge [sflag:s21], $0x1000  }
0xf1: {  	[sflag:s21] =	ssyncset.done $0x0  }
0xf2: {  	[sflag:s21] =	ssyncadd.s32 $0xFFFFF000  }
0xf3: {  	_ =	swait.ge [sflag:s21], $0x1000  }
0xf4: {  	[sflag:s21] =	ssyncset.done $0x0  }
0xf5: {  	[sflag:s21] =	ssyncadd.s32 $0xFFFFF000  }
0xf6: {  	_ =	swait.ge [sflag:s21], $0x1000  }
0xf7: {  	[sflag:s21] =	ssyncset.done $0x0  }
0xf8: {  	[sflag:s21] =	ssyncadd.s32 $0xFFFFF000  }
0xf9: {  	_ =	swait.ge [sflag:s21], $0x1000  }
0xfa: {  	[sflag:s21] =	ssyncset.done $0x0  }
0xfb: {  	[sflag:s21] =	ssyncadd.s32 $0xFFFFF000  }
0xfc: {  	_ =	swait.ge [sflag:s21], $0x1000  }
0xfd: {  	[sflag:s21] =	ssyncset.done $0x0  }
0xfe: {  	[sflag:s21] =	ssyncadd.s32 $0xFFFFF000  }
0xff: {  	_ =	swait.ge [sflag:s21], $0x1000  }
0x100: {  	[sflag:s21] =	ssyncset.done $0x0  }
0x101: {  	[sflag:s21] =	ssyncadd.s32 $0xFFFFF000  }
0x102: {  	[spmem:s2] =	stream.indirect.scatter.add.f32 [tilespmem:s31], [sflag:$0x2], $0x80, s0, s6, $0xb8;
	[tilespmem:$0x1B800] =	vst v63  }
0x103: {  	_ =	swait.ge [sflag:s1], $0x1000  }
0x104: {  	[sflag:s1] =	ssyncset.done $0x0  }
0x105: {  	[sflag:s1] =	ssyncadd.s32 $0xFFFFF000  }
0x106: {  	[spmem:s2] =	stream.indirect.scatter.add.f32 [tilespmem:s8], [sflag:$0x2], $0x80, s24, s6, $0xb8;
	[tilespmem:$0x1B800] =	vst v63  }
0x107: {  	_ =	swait.ge [sflag:s1], $0x1000  }
0x108: {  	[sflag:s1] =	ssyncset.done $0x0  }
0x109: {  	[sflag:s1] =	ssyncadd.s32 $0xFFFFF000  }
0x10a: {  	[spmem:s2] =	stream.indirect.scatter.add.f32 [tilespmem:s10], [sflag:$0x2], $0x80, s25, s6, $0xb8;
	[tilespmem:$0x1B800] =	vst v63  }
0x10b: {  	_ =	swait.ge [sflag:s1], $0x1000  }
0x10c: {  	[sflag:s1] =	ssyncset.done $0x0  }
0x10d: {  	[sflag:s1] =	ssyncadd.s32 $0xFFFFF000  }
0x10e: {  	[spmem:s2] =	stream.indirect.scatter.add.f32 [tilespmem:s12], [sflag:$0x2], $0x80, s26, s6, $0xb8;
	[tilespmem:$0x1B800] =	vst v63  }
0x10f: {  	_ =	swait.ge [sflag:s1], $0x1000  }
0x110: {  	[sflag:s1] =	ssyncset.done $0x0  }
0x111: {  	[sflag:s1] =	ssyncadd.s32 $0xFFFFF000  }
0x112: {  	[spmem:s2] =	stream.indirect.scatter.add.f32 [tilespmem:s14], [sflag:$0x2], $0x80, s28, s6, $0xb8;
	[tilespmem:$0x1B800] =	vst v63  }
0x113: {  	_ =	swait.ge [sflag:s1], $0x1000  }
0x114: {  	[sflag:s1] =	ssyncset.done $0x0  }
0x115: {  	[sflag:s1] =	ssyncadd.s32 $0xFFFFF000  }
0x116: {  	[spmem:s2] =	stream.indirect.scatter.add.f32 [tilespmem:s16], [sflag:$0x2], $0x80, s29, s6, $0xb8;
	[tilespmem:$0x1B800] =	vst v63  }
0x117: {  	_ =	swait.ge [sflag:s1], $0x1000  }
0x118: {  	[sflag:s1] =	ssyncset.done $0x0  }
0x119: {  	[sflag:s1] =	ssyncadd.s32 $0xFFFFF000  }
0x11a: {  	[spmem:s2] =	stream.indirect.scatter.add.f32 [tilespmem:s18], [sflag:$0x2], $0x80, s30, s6, $0xb8;
	[tilespmem:$0x1B800] =	vst v63  }
0x11b: {  	p0 =	sne.s32 s23, $0x1380;
	_ =	swait.ge [sflag:s1], $0x1000  }
.Ltmp1:
0x11c: {  	[sflag:s1] =	ssyncset.done $0x0;
	(pc) =	sbr.rel @p0 .LBB2_4-.Ltmp1, $4  }
0x11d: {  	s7 =	simm.s32 $0x780;
	[sflag:s1] =	ssyncadd.s32 $0xFFFFF000  }
0x11e: {  	[spmem:s2] =	stream.indirect.scatter.add.f32 [tilespmem:s20], [sflag:$0x2], $0x80, s7, s6, $0xb8;
	[tilespmem:$0x1B800] =	vst v63  }
0x11f: {  	_ =	swait.ge [sflag:s1], $0x1000  }
0x120: {  	s23 =	sadd.s32 $0x80, s23;
	s7 =	rddreg [dreg:$0x3];
	[sflag:s1] =	ssyncset.done $0x0  }
0x121: {  	[sflag:s1] =	ssyncadd.s32 $0xFFFFF000;
	s7 =	sadd.s32 s5, s7  }
0x122: {  	[tilespmem:s3], [sflag:$0x2] =	stream.linear.gather [hbm4b:s7+s3], $0x400, $0x38;
	[tilespmem:$0x1B800] =	vst v63  }
0x123: {  	_ =	swait.ge [sflag:s1], $0x400  }
0x124: {  	s23 =	rddreg [dreg:$0x4];
	[sflag:s1] =	ssyncset.done $0x0  }
0x125: {  	[sflag:s1] =	ssyncadd.s32 $0xFFFFFC00;
	s23 =	sadd.s32 s5, s23  }
0x126: {  	[tilespmem:s0], [sflag:$0x2] =	stream.linear.gather [hbm4b:s23+s3], $0x400, $0x38;
	[tilespmem:$0x1B800] =	vst v63  }
0x127: {  	_ =	swait.ge [sflag:s1], $0x400  }
0x128: {  	[sflag:s1] =	ssyncset.done $0x0  }
0x129: {  	[sflag:s1] =	ssyncadd.s32 $0xFFFFFC00  }
0x12a: {  	[tilespmem:s31], [sflag:$0x1] =	stream.indirect.gather [hbm4b:s4+s6], $0x80, s3, s6, $0xb8;
	[tilespmem:$0x1B800] =	vst v63  }
0x12b: {  	_ = 	snop  }
0x12c: {  	[tilespmem:s8], [sflag:$0x1] =	stream.indirect.gather [hbm4b:s4+s6], $0x80, s9, s6, $0xb8;
	[tilespmem:$0x1B800] =	vst v63  }
0x12d: {  	_ = 	snop  }
0x12e: {  	[tilespmem:s10], [sflag:$0x1] =	stream.indirect.gather [hbm4b:s4+s6], $0x80, s11, s6, $0xb8;
	[tilespmem:$0x1B800] =	vst v63  }
0x12f: {  	_ = 	snop  }
0x130: {  	[tilespmem:s12], [sflag:$0x1] =	stream.indirect.gather [hbm4b:s4+s6], $0x80, s13, s6, $0xb8;
	[tilespmem:$0x1B800] =	vst v63  }
0x131: {  	_ = 	snop  }
0x132: {  	[tilespmem:s14], [sflag:$0x1] =	stream.indirect.gather [hbm4b:s4+s6], $0x80, s15, s6, $0xb8;
	[tilespmem:$0x1B800] =	vst v63  }
0x133: {  	_ = 	snop  }
0x134: {  	[tilespmem:s16], [sflag:$0x1] =	stream.indirect.gather [hbm4b:s4+s6], $0x80, s17, s6, $0xb8;
	[tilespmem:$0x1B800] =	vst v63  }
0x135: {  	_ = 	snop  }
0x136: {  	[tilespmem:s18], [sflag:$0x1] =	stream.indirect.gather [hbm4b:s4+s6], $0x80, s19, s6, $0xb8;
	[tilespmem:$0x1B800] =	vst v63  }
0x137: {  	_ = 	snop  }
0x138: {  	[tilespmem:s20], [sflag:$0x1] =	stream.indirect.gather [hbm4b:s4+s6], $0x80, s22, s6, $0xb8;
	[tilespmem:$0x1B800] =	vst v63  }
0x139: {  	_ =	swait.ge [sflag:s21], $0x1000  }
0x13a: {  	[sflag:s21] =	ssyncset.done $0x0  }
0x13b: {  	[sflag:s21] =	ssyncadd.s32 $0xFFFFF000  }
0x13c: {  	_ =	swait.ge [sflag:s21], $0x1000  }
0x13d: {  	[sflag:s21] =	ssyncset.done $0x0  }
0x13e: {  	[sflag:s21] =	ssyncadd.s32 $0xFFFFF000  }
0x13f: {  	_ =	swait.ge [sflag:s21], $0x1000  }
0x140: {  	[sflag:s21] =	ssyncset.done $0x0  }
0x141: {  	[sflag:s21] =	ssyncadd.s32 $0xFFFFF000  }
0x142: {  	_ =	swait.ge [sflag:s21], $0x1000  }
0x143: {  	[sflag:s21] =	ssyncset.done $0x0  }
0x144: {  	[sflag:s21] =	ssyncadd.s32 $0xFFFFF000  }
0x145: {  	_ =	swait.ge [sflag:s21], $0x1000  }
0x146: {  	[sflag:s21] =	ssyncset.done $0x0  }
0x147: {  	[sflag:s21] =	ssyncadd.s32 $0xFFFFF000  }
0x148: {  	_ =	swait.ge [sflag:s21], $0x1000  }
0x149: {  	[sflag:s21] =	ssyncset.done $0x0  }
0x14a: {  	[sflag:s21] =	ssyncadd.s32 $0xFFFFF000  }
0x14b: {  	_ =	swait.ge [sflag:s21], $0x1000  }
0x14c: {  	[sflag:s21] =	ssyncset.done $0x0  }
0x14d: {  	[sflag:s21] =	ssyncadd.s32 $0xFFFFF000  }
0x14e: {  	_ =	swait.ge [sflag:s21], $0x1000  }
0x14f: {  	[sflag:s21] =	ssyncset.done $0x0  }
0x150: {  	[sflag:s21] =	ssyncadd.s32 $0xFFFFF000  }
0x151: {  	[spmem:s2] =	stream.indirect.scatter.add.f32 [tilespmem:s31], [sflag:$0x2], $0x80, s0, s6, $0xb8;
	[tilespmem:$0x1B800] =	vst v63  }
0x152: {  	_ =	swait.ge [sflag:s1], $0x1000  }
0x153: {  	[sflag:s1] =	ssyncset.done $0x0  }
0x154: {  	[sflag:s1] =	ssyncadd.s32 $0xFFFFF000  }
0x155: {  	[spmem:s2] =	stream.indirect.scatter.add.f32 [tilespmem:s8], [sflag:$0x2], $0x80, s24, s6, $0xb8;
	[tilespmem:$0x1B800] =	vst v63  }
0x156: {  	_ =	swait.ge [sflag:s1], $0x1000  }
0x157: {  	[sflag:s1] =	ssyncset.done $0x0  }
0x158: {  	[sflag:s1] =	ssyncadd.s32 $0xFFFFF000  }
0x159: {  	[spmem:s2] =	stream.indirect.scatter.add.f32 [tilespmem:s10], [sflag:$0x2], $0x80, s25, s6, $0xb8;
	[tilespmem:$0x1B800] =	vst v63  }
0x15a: {  	_ =	swait.ge [sflag:s1], $0x1000  }
0x15b: {  	[sflag:s1] =	ssyncset.done $0x0  }
0x15c: {  	[sflag:s1] =	ssyncadd.s32 $0xFFFFF000  }
0x15d: {  	[spmem:s2] =	stream.indirect.scatter.add.f32 [tilespmem:s12], [sflag:$0x2], $0x80, s26, s6, $0xb8;
	[tilespmem:$0x1B800] =	vst v63  }
0x15e: {  	_ =	swait.ge [sflag:s1], $0x1000  }
0x15f: {  	[sflag:s1] =	ssyncset.done $0x0  }
0x160: {  	[sflag:s1] =	ssyncadd.s32 $0xFFFFF000  }
0x161: {  	[spmem:s2] =	stream.indirect.scatter.add.f32 [tilespmem:s14], [sflag:$0x2], $0x80, s28, s6, $0xb8;
	[tilespmem:$0x1B800] =	vst v63  }
0x162: {  	_ =	swait.ge [sflag:s1], $0x1000  }
0x163: {  	[sflag:s1] =	ssyncset.done $0x0  }
0x164: {  	[sflag:s1] =	ssyncadd.s32 $0xFFFFF000  }
0x165: {  	[spmem:s2] =	stream.indirect.scatter.add.f32 [tilespmem:s16], [sflag:$0x2], $0x80, s29, s6, $0xb8;
	[tilespmem:$0x1B800] =	vst v63  }
0x166: {  	_ =	swait.ge [sflag:s1], $0x1000  }
0x167: {  	[sflag:s1] =	ssyncset.done $0x0  }
0x168: {  	[sflag:s1] =	ssyncadd.s32 $0xFFFFF000  }
0x169: {  	[spmem:s2] =	stream.indirect.scatter.add.f32 [tilespmem:s18], [sflag:$0x2], $0x80, s30, s6, $0xb8;
	[tilespmem:$0x1B800] =	vst v63  }
0x16a: {  	_ =	swait.ge [sflag:s1], $0x1000  }
0x16b: {  	[sflag:s1] =	ssyncset.done $0x0  }
0x16c: {  	s25 =	simm.s32 $0x780;
	[sflag:s1] =	ssyncadd.s32 $0xFFFFF000  }
0x16d: {  	[spmem:s2] =	stream.indirect.scatter.add.f32 [tilespmem:s20], [sflag:$0x2], $0x80, s25, s6, $0xb8;
	[tilespmem:$0x1B800] =	vst v63  }
0x16e: {  	_ =	swait.ge [sflag:s1], $0x1000  }
0x16f: {  	[sflag:s1] =	ssyncset.done $0x0  }
0x170: {  	[sflag:s1] =	ssyncadd.s32 $0xFFFFF000  }
0x171: {  	s26 =	stileid.u32;
	[bflag:$0x0] =	sbarrier.arrive $0xFFFF  }
0x172: {  	s5 =	sshll.u32 s26, $0x6;
	s29 =	rddreg [dreg:$0x7]  }
0x173: {  	s28 =	sor.u32 $0x1C02, s5;
	s30 =	rddreg [dreg:$0x16]  }
0x174: {  	[smem:$0x7FC] =	sst s28;
	s5 =	sshrl.u32 s29, $0x3  }
0x175: {  	[hbm:s30], [sflag:s28] =	dma.local [spmem:s5], $0x2600  }
0x176: {  	_ =	swait.ge [sflag:s1], $0x2600  }
0x177: {  	[sflag:s1] =	ssyncset.done $0x0  }
0x178: {  	[sflag:s1] =	ssyncadd.s32 $0xFFFFDA00  }
0x179: {  	s23 =	simm.s32 $0x200;
	s5 =	simm.s32 $0x0;
	[bflag:$0x0] =	sbarrier.arrive $0xFFFF  }
.LBB2_6:
0x17a: {  	p0 =	sne.s32 s23, $0x3E00;
	[tilespmem:s5+$0x870] =	vst v0  }
0x17b: {  	[tilespmem:s5+$0x800] =	vst v0  }
0x17c: {  	[tilespmem:s5+$0x810] =	vst v0  }
.Ltmp2:
0x17d: {  	[tilespmem:s5+$0x820] =	vst v0;
	(pc) =	sbr.rel @p0 .LBB2_6-.Ltmp2, $4  }
0x17e: {  	[tilespmem:s5+$0x830] =	vst v0  }
0x17f: {  	[tilespmem:s5+$0x840] =	vst v0  }
0x180: {  	[tilespmem:s5+$0x850] =	vst v0  }
0x181: {  	[tilespmem:s5+$0x860] =	vst v0;
	s5 =	sshra.s32 s23, $0x2;
	s23 =	sadd.s32 $0x200, s23  }
0x182: {  	[tilespmem:s5+$0x870] =	vst v0  }
0x183: {  	[tilespmem:s5+$0x800] =	vst v0  }
0x184: {  	[tilespmem:s5+$0x810] =	vst v0  }
0x185: {  	[tilespmem:s5+$0x820] =	vst v0  }
0x186: {  	[tilespmem:s5+$0x830] =	vst v0  }
0x187: {  	[tilespmem:s5+$0x840] =	vst v0  }
0x188: {  	[tilespmem:s5+$0x850] =	vst v0  }
0x189: {  	[tilespmem:s5+$0x860] =	vst v0;
	s15 =	rddreg [dreg:$0x19]  }
0x18a: {  	[spmem:s15] =	stream.linear.scatter [tilespmem:s31], [sflag:$0x2], $0x1000, $0x38;
	[tilespmem:$0x1B800] =	vst v63  }
0x18b: {  	_ =	swait.ge [sflag:s1], $0x1000  }
0x18c: {  	[sflag:s1] =	ssyncset.done $0x0  }
0x18d: {  	s17 =	rddreg [dreg:$0x1f];
	[sflag:s1] =	ssyncadd.s32 $0xFFFFF000  }
0x18e: {  	[spmem:s17] =	stream.linear.scatter [tilespmem:s31], [sflag:$0x2], $0x80, $0x38;
	[tilespmem:$0x1B800] =	vst v63  }
0x18f: {  	_ =	swait.ge [sflag:s1], $0x80  }
0x190: {  	[sflag:s1] =	ssyncset.done $0x0  }
0x191: {  	[sflag:s1] =	ssyncadd.s32 $0xFFFFFF80  }
0x192: {  	[bflag:$0x0] =	sbarrier.arrive $0xFFFF  }
0x193: {  	s19 =	rddreg [dreg:$0x5]  }
0x194: {  	s5 =	sadd.s32 $0x0, s19  }
0x195: {  	[tilespmem:s3], [sflag:$0x2] =	stream.linear.gather [hbm4b:s5+s3], $0x400, $0x38;
	[tilespmem:$0x1B800] =	vst v63  }
0x196: {  	_ =	swait.ge [sflag:s1], $0x400  }
0x197: {  	s22 =	rddreg [dreg:$0x6];
	[sflag:s1] =	ssyncset.done $0x0  }
0x198: {  	[sflag:s1] =	ssyncadd.s32 $0xFFFFFC00;
	s5 =	sadd.s32 $0x0, s22  }
0x199: {  	[tilespmem:s0], [sflag:$0x2] =	stream.linear.gather [hbm4b:s5+s3], $0x400, $0x38;
	[tilespmem:$0x1B800] =	vst v63  }
0x19a: {  	_ =	swait.ge [sflag:s1], $0x400  }
0x19b: {  	[sflag:s1] =	ssyncset.done $0x0  }
0x19c: {  	[sflag:s1] =	ssyncadd.s32 $0xFFFFFC00  }
0x19d: {  	[tilespmem:s31], [sflag:$0x1] =	stream.indirect.gather [hbm4b:s4+s6], $0x80, s3, s6, $0xb8;
	[tilespmem:$0x1B800] =	vst v63  }
0x19e: {  	_ = 	snop  }
0x19f: {  	[tilespmem:s8], [sflag:$0x1] =	stream.indirect.gather [hbm4b:s4+s6], $0x80, s9, s6, $0xb8;
	[tilespmem:$0x1B800] =	vst v63  }
0x1a0: {  	s11 =	simm.s32 $0x100  }
0x1a1: {  	[tilespmem:s10], [sflag:$0x1] =	stream.indirect.gather [hbm4b:s4+s6], $0x80, s11, s6, $0xb8;
	[tilespmem:$0x1B800] =	vst v63  }
0x1a2: {  	s13 =	simm.s32 $0x180  }
0x1a3: {  	[tilespmem:s12], [sflag:$0x1] =	stream.indirect.gather [hbm4b:s4+s6], $0x80, s13, s6, $0xb8;
	[tilespmem:$0x1B800] =	vst v63  }
0x1a4: {  	s15 =	simm.s32 $0x200  }
0x1a5: {  	[tilespmem:s14], [sflag:$0x1] =	stream.indirect.gather [hbm4b:s4+s6], $0x80, s15, s6, $0xb8;
	[tilespmem:$0x1B800] =	vst v63  }
0x1a6: {  	s17 =	simm.s32 $0x280  }
0x1a7: {  	[tilespmem:s16], [sflag:$0x1] =	stream.indirect.gather [hbm4b:s4+s6], $0x80, s17, s6, $0xb8;
	[tilespmem:$0x1B800] =	vst v63  }
0x1a8: {  	s19 =	simm.s32 $0x300  }
0x1a9: {  	[tilespmem:s18], [sflag:$0x1] =	stream.indirect.gather [hbm4b:s4+s6], $0x80, s19, s6, $0xb8;
	[tilespmem:$0x1B800] =	vst v63  }
0x1aa: {  	s22 =	simm.s32 $0x380  }
0x1ab: {  	[tilespmem:s20], [sflag:$0x1] =	stream.indirect.gather [hbm4b:s4+s6], $0x80, s22, s6, $0xb8;
	[tilespmem:$0x1B800] =	vst v63  }
0x1ac: {  	_ =	swait.ge [sflag:s21], $0x1000  }
0x1ad: {  	[sflag:s21] =	ssyncset.done $0x0  }
0x1ae: {  	[sflag:s21] =	ssyncadd.s32 $0xFFFFF000  }
0x1af: {  	_ =	swait.ge [sflag:s21], $0x1000  }
0x1b0: {  	[sflag:s21] =	ssyncset.done $0x0  }
0x1b1: {  	[sflag:s21] =	ssyncadd.s32 $0xFFFFF000  }
0x1b2: {  	_ =	swait.ge [sflag:s21], $0x1000  }
0x1b3: {  	[sflag:s21] =	ssyncset.done $0x0  }
0x1b4: {  	[sflag:s21] =	ssyncadd.s32 $0xFFFFF000  }
0x1b5: {  	_ =	swait.ge [sflag:s21], $0x1000  }
0x1b6: {  	[sflag:s21] =	ssyncset.done $0x0  }
0x1b7: {  	[sflag:s21] =	ssyncadd.s32 $0xFFFFF000  }
0x1b8: {  	_ =	swait.ge [sflag:s21], $0x1000  }
0x1b9: {  	[sflag:s21] =	ssyncset.done $0x0  }
0x1ba: {  	[sflag:s21] =	ssyncadd.s32 $0xFFFFF000  }
0x1bb: {  	_ =	swait.ge [sflag:s21], $0x1000  }
0x1bc: {  	[sflag:s21] =	ssyncset.done $0x0  }
0x1bd: {  	[sflag:s21] =	ssyncadd.s32 $0xFFFFF000  }
0x1be: {  	_ =	swait.ge [sflag:s21], $0x1000  }
0x1bf: {  	[sflag:s21] =	ssyncset.done $0x0  }
0x1c0: {  	[sflag:s21] =	ssyncadd.s32 $0xFFFFF000  }
0x1c1: {  	_ =	swait.ge [sflag:s21], $0x1000  }
0x1c2: {  	[sflag:s21] =	ssyncset.done $0x0  }
0x1c3: {  	[sflag:s21] =	ssyncadd.s32 $0xFFFFF000  }
0x1c4: {  	[spmem:s2] =	stream.indirect.scatter.add.f32 [tilespmem:s31], [sflag:$0x2], $0x80, s0, s6, $0xb8;
	[tilespmem:$0x1B800] =	vst v63  }
0x1c5: {  	_ =	swait.ge [sflag:s1], $0x1000  }
0x1c6: {  	[sflag:s1] =	ssyncset.done $0x0  }
0x1c7: {  	s24 =	simm.s32 $0x480;
	[sflag:s1] =	ssyncadd.s32 $0xFFFFF000  }
0x1c8: {  	[spmem:s2] =	stream.indirect.scatter.add.f32 [tilespmem:s8], [sflag:$0x2], $0x80, s24, s6, $0xb8;
	[tilespmem:$0x1B800] =	vst v63  }
0x1c9: {  	_ =	swait.ge [sflag:s1], $0x1000  }
0x1ca: {  	[sflag:s1] =	ssyncset.done $0x0  }
0x1cb: {  	s25 =	simm.s32 $0x500;
	[sflag:s1] =	ssyncadd.s32 $0xFFFFF000  }
0x1cc: {  	[spmem:s2] =	stream.indirect.scatter.add.f32 [tilespmem:s10], [sflag:$0x2], $0x80, s25, s6, $0xb8;
	[tilespmem:$0x1B800] =	vst v63  }
0x1cd: {  	_ =	swait.ge [sflag:s1], $0x1000  }
0x1ce: {  	[sflag:s1] =	ssyncset.done $0x0  }
0x1cf: {  	s26 =	simm.s32 $0x580;
	[sflag:s1] =	ssyncadd.s32 $0xFFFFF000  }
0x1d0: {  	[spmem:s2] =	stream.indirect.scatter.add.f32 [tilespmem:s12], [sflag:$0x2], $0x80, s26, s6, $0xb8;
	[tilespmem:$0x1B800] =	vst v63  }
0x1d1: {  	_ =	swait.ge [sflag:s1], $0x1000  }
0x1d2: {  	[sflag:s1] =	ssyncset.done $0x0  }
0x1d3: {  	s28 =	simm.s32 $0x600;
	[sflag:s1] =	ssyncadd.s32 $0xFFFFF000  }
0x1d4: {  	[spmem:s2] =	stream.indirect.scatter.add.f32 [tilespmem:s14], [sflag:$0x2], $0x80, s28, s6, $0xb8;
	[tilespmem:$0x1B800] =	vst v63  }
0x1d5: {  	_ =	swait.ge [sflag:s1], $0x1000  }
0x1d6: {  	[sflag:s1] =	ssyncset.done $0x0  }
0x1d7: {  	s29 =	simm.s32 $0x680;
	[sflag:s1] =	ssyncadd.s32 $0xFFFFF000  }
0x1d8: {  	[spmem:s2] =	stream.indirect.scatter.add.f32 [tilespmem:s16], [sflag:$0x2], $0x80, s29, s6, $0xb8;
	[tilespmem:$0x1B800] =	vst v63  }
0x1d9: {  	_ =	swait.ge [sflag:s1], $0x1000  }
0x1da: {  	[sflag:s1] =	ssyncset.done $0x0  }
0x1db: {  	s30 =	simm.s32 $0x700;
	[sflag:s1] =	ssyncadd.s32 $0xFFFFF000  }
0x1dc: {  	[spmem:s2] =	stream.indirect.scatter.add.f32 [tilespmem:s18], [sflag:$0x2], $0x80, s30, s6, $0xb8;
	[tilespmem:$0x1B800] =	vst v63  }
0x1dd: {  	_ =	swait.ge [sflag:s1], $0x1000  }
0x1de: {  	[sflag:s1] =	ssyncset.done $0x0  }
0x1df: {  	s23 =	simm.s32 $0x780;
	[sflag:s1] =	ssyncadd.s32 $0xFFFFF000  }
0x1e0: {  	[spmem:s2] =	stream.indirect.scatter.add.f32 [tilespmem:s20], [sflag:$0x2], $0x80, s23, s6, $0xb8;
	[tilespmem:$0x1B800] =	vst v63  }
0x1e1: {  	s5 =	simm.s32 $0x80;
	_ =	swait.ge [sflag:s1], $0x1000  }
0x1e2: {  	s23 =	simm.s32 $0x100;
	s7 =	rddreg [dreg:$0x5];
	[sflag:s1] =	ssyncset.done $0x0  }
.LBB2_8:
0x1e3: {  	[sflag:s1] =	ssyncadd.s32 $0xFFFFF000;
	s7 =	sadd.s32 s5, s7  }
0x1e4: {  	[tilespmem:s3], [sflag:$0x2] =	stream.linear.gather [hbm4b:s7+s3], $0x400, $0x38;
	[tilespmem:$0x1B800] =	vst v63  }
0x1e5: {  	_ =	swait.ge [sflag:s1], $0x400  }
0x1e6: {  	s7 =	rddreg [dreg:$0x6];
	[sflag:s1] =	ssyncset.done $0x0  }
0x1e7: {  	[sflag:s1] =	ssyncadd.s32 $0xFFFFFC00;
	s7 =	sadd.s32 s5, s7  }
0x1e8: {  	[tilespmem:s0], [sflag:$0x2] =	stream.linear.gather [hbm4b:s7+s3], $0x400, $0x38;
	[tilespmem:$0x1B800] =	vst v63  }
0x1e9: {  	_ =	swait.ge [sflag:s1], $0x400  }
0x1ea: {  	[sflag:s1] =	ssyncset.done $0x0  }
0x1eb: {  	s9 =	smov.u32 s23;
	[sflag:s1] =	ssyncadd.s32 $0xFFFFFC00  }
0x1ec: {  	[tilespmem:s31], [sflag:$0x1] =	stream.indirect.gather [hbm4b:s4+s6], $0x80, s3, s6, $0xb8;
	[tilespmem:$0x1B800] =	vst v63  }
0x1ed: {  	s5 =	smov.u32 s9;
	s9 =	simm.s32 $0x80  }
0x1ee: {  	[tilespmem:s8], [sflag:$0x1] =	stream.indirect.gather [hbm4b:s4+s6], $0x80, s9, s6, $0xb8;
	[tilespmem:$0x1B800] =	vst v63  }
0x1ef: {  	_ = 	snop  }
0x1f0: {  	[tilespmem:s10], [sflag:$0x1] =	stream.indirect.gather [hbm4b:s4+s6], $0x80, s11, s6, $0xb8;
	[tilespmem:$0x1B800] =	vst v63  }
0x1f1: {  	_ = 	snop  }
0x1f2: {  	[tilespmem:s12], [sflag:$0x1] =	stream.indirect.gather [hbm4b:s4+s6], $0x80, s13, s6, $0xb8;
	[tilespmem:$0x1B800] =	vst v63  }
0x1f3: {  	_ = 	snop  }
0x1f4: {  	[tilespmem:s14], [sflag:$0x1] =	stream.indirect.gather [hbm4b:s4+s6], $0x80, s15, s6, $0xb8;
	[tilespmem:$0x1B800] =	vst v63  }
0x1f5: {  	_ = 	snop  }
0x1f6: {  	[tilespmem:s16], [sflag:$0x1] =	stream.indirect.gather [hbm4b:s4+s6], $0x80, s17, s6, $0xb8;
	[tilespmem:$0x1B800] =	vst v63  }
0x1f7: {  	_ = 	snop  }
0x1f8: {  	[tilespmem:s18], [sflag:$0x1] =	stream.indirect.gather [hbm4b:s4+s6], $0x80, s19, s6, $0xb8;
	[tilespmem:$0x1B800] =	vst v63  }
0x1f9: {  	_ = 	snop  }
0x1fa: {  	[tilespmem:s20], [sflag:$0x1] =	stream.indirect.gather [hbm4b:s4+s6], $0x80, s22, s6, $0xb8;
	[tilespmem:$0x1B800] =	vst v63  }
0x1fb: {  	_ =	swait.ge [sflag:s21], $0x1000  }
0x1fc: {  	[sflag:s21] =	ssyncset.done $0x0  }
0x1fd: {  	[sflag:s21] =	ssyncadd.s32 $0xFFFFF000  }
0x1fe: {  	_ =	swait.ge [sflag:s21], $0x1000  }
0x1ff: {  	[sflag:s21] =	ssyncset.done $0x0  }
0x200: {  	[sflag:s21] =	ssyncadd.s32 $0xFFFFF000  }
0x201: {  	_ =	swait.ge [sflag:s21], $0x1000  }
0x202: {  	[sflag:s21] =	ssyncset.done $0x0  }
0x203: {  	[sflag:s21] =	ssyncadd.s32 $0xFFFFF000  }
0x204: {  	_ =	swait.ge [sflag:s21], $0x1000  }
0x205: {  	[sflag:s21] =	ssyncset.done $0x0  }
0x206: {  	[sflag:s21] =	ssyncadd.s32 $0xFFFFF000  }
0x207: {  	_ =	swait.ge [sflag:s21], $0x1000  }
0x208: {  	[sflag:s21] =	ssyncset.done $0x0  }
0x209: {  	[sflag:s21] =	ssyncadd.s32 $0xFFFFF000  }
0x20a: {  	_ =	swait.ge [sflag:s21], $0x1000  }
0x20b: {  	[sflag:s21] =	ssyncset.done $0x0  }
0x20c: {  	[sflag:s21] =	ssyncadd.s32 $0xFFFFF000  }
0x20d: {  	_ =	swait.ge [sflag:s21], $0x1000  }
0x20e: {  	[sflag:s21] =	ssyncset.done $0x0  }
0x20f: {  	[sflag:s21] =	ssyncadd.s32 $0xFFFFF000  }
0x210: {  	_ =	swait.ge [sflag:s21], $0x1000  }
0x211: {  	[sflag:s21] =	ssyncset.done $0x0  }
0x212: {  	[sflag:s21] =	ssyncadd.s32 $0xFFFFF000  }
0x213: {  	[spmem:s2] =	stream.indirect.scatter.add.f32 [tilespmem:s31], [sflag:$0x2], $0x80, s0, s6, $0xb8;
	[tilespmem:$0x1B800] =	vst v63  }
0x214: {  	_ =	swait.ge [sflag:s1], $0x1000  }
0x215: {  	[sflag:s1] =	ssyncset.done $0x0  }
0x216: {  	[sflag:s1] =	ssyncadd.s32 $0xFFFFF000  }
0x217: {  	[spmem:s2] =	stream.indirect.scatter.add.f32 [tilespmem:s8], [sflag:$0x2], $0x80, s24, s6, $0xb8;
	[tilespmem:$0x1B800] =	vst v63  }
0x218: {  	_ =	swait.ge [sflag:s1], $0x1000  }
0x219: {  	[sflag:s1] =	ssyncset.done $0x0  }
0x21a: {  	[sflag:s1] =	ssyncadd.s32 $0xFFFFF000  }
0x21b: {  	[spmem:s2] =	stream.indirect.scatter.add.f32 [tilespmem:s10], [sflag:$0x2], $0x80, s25, s6, $0xb8;
	[tilespmem:$0x1B800] =	vst v63  }
0x21c: {  	_ =	swait.ge [sflag:s1], $0x1000  }
0x21d: {  	[sflag:s1] =	ssyncset.done $0x0  }
0x21e: {  	[sflag:s1] =	ssyncadd.s32 $0xFFFFF000  }
0x21f: {  	[spmem:s2] =	stream.indirect.scatter.add.f32 [tilespmem:s12], [sflag:$0x2], $0x80, s26, s6, $0xb8;
	[tilespmem:$0x1B800] =	vst v63  }
0x220: {  	_ =	swait.ge [sflag:s1], $0x1000  }
0x221: {  	[sflag:s1] =	ssyncset.done $0x0  }
0x222: {  	[sflag:s1] =	ssyncadd.s32 $0xFFFFF000  }
0x223: {  	[spmem:s2] =	stream.indirect.scatter.add.f32 [tilespmem:s14], [sflag:$0x2], $0x80, s28, s6, $0xb8;
	[tilespmem:$0x1B800] =	vst v63  }
0x224: {  	_ =	swait.ge [sflag:s1], $0x1000  }
0x225: {  	[sflag:s1] =	ssyncset.done $0x0  }
0x226: {  	[sflag:s1] =	ssyncadd.s32 $0xFFFFF000  }
0x227: {  	[spmem:s2] =	stream.indirect.scatter.add.f32 [tilespmem:s16], [sflag:$0x2], $0x80, s29, s6, $0xb8;
	[tilespmem:$0x1B800] =	vst v63  }
0x228: {  	_ =	swait.ge [sflag:s1], $0x1000  }
0x229: {  	[sflag:s1] =	ssyncset.done $0x0  }
0x22a: {  	[sflag:s1] =	ssyncadd.s32 $0xFFFFF000  }
0x22b: {  	[spmem:s2] =	stream.indirect.scatter.add.f32 [tilespmem:s18], [sflag:$0x2], $0x80, s30, s6, $0xb8;
	[tilespmem:$0x1B800] =	vst v63  }
0x22c: {  	p0 =	sne.s32 s23, $0x1380;
	_ =	swait.ge [sflag:s1], $0x1000  }
.Ltmp3:
0x22d: {  	[sflag:s1] =	ssyncset.done $0x0;
	(pc) =	sbr.rel @p0 .LBB2_8-.Ltmp3, $4  }
0x22e: {  	s7 =	simm.s32 $0x780;
	[sflag:s1] =	ssyncadd.s32 $0xFFFFF000  }
0x22f: {  	[spmem:s2] =	stream.indirect.scatter.add.f32 [tilespmem:s20], [sflag:$0x2], $0x80, s7, s6, $0xb8;
	[tilespmem:$0x1B800] =	vst v63  }
0x230: {  	_ =	swait.ge [sflag:s1], $0x1000  }
0x231: {  	s23 =	sadd.s32 $0x80, s23;
	s7 =	rddreg [dreg:$0x5];
	[sflag:s1] =	ssyncset.done $0x0  }
0x232: {  	[sflag:s1] =	ssyncadd.s32 $0xFFFFF000;
	s7 =	sadd.s32 s5, s7  }
0x233: {  	[tilespmem:s3], [sflag:$0x2] =	stream.linear.gather [hbm4b:s7+s3], $0x400, $0x38;
	[tilespmem:$0x1B800] =	vst v63  }
0x234: {  	_ =	swait.ge [sflag:s1], $0x400  }
0x235: {  	s23 =	rddreg [dreg:$0x6];
	[sflag:s1] =	ssyncset.done $0x0  }
0x236: {  	s23 =	sadd.s32 s5, s23;
	[sflag:s1] =	ssyncadd.s32 $0xFFFFFC00  }
0x237: {  	[tilespmem:s0], [sflag:$0x2] =	stream.linear.gather [hbm4b:s23+s3], $0x400, $0x38;
	[tilespmem:$0x1B800] =	vst v63  }
0x238: {  	_ =	swait.ge [sflag:s1], $0x400  }
0x239: {  	[sflag:s1] =	ssyncset.done $0x0  }
0x23a: {  	[sflag:s1] =	ssyncadd.s32 $0xFFFFFC00  }
0x23b: {  	[tilespmem:s31], [sflag:$0x1] =	stream.indirect.gather [hbm4b:s4+s6], $0x80, s3, s6, $0xb8;
	[tilespmem:$0x1B800] =	vst v63  }
0x23c: {  	_ = 	snop  }
0x23d: {  	[tilespmem:s8], [sflag:$0x1] =	stream.indirect.gather [hbm4b:s4+s6], $0x80, s9, s6, $0xb8;
	[tilespmem:$0x1B800] =	vst v63  }
0x23e: {  	_ = 	snop  }
0x23f: {  	[tilespmem:s10], [sflag:$0x1] =	stream.indirect.gather [hbm4b:s4+s6], $0x80, s11, s6, $0xb8;
	[tilespmem:$0x1B800] =	vst v63  }
0x240: {  	_ = 	snop  }
0x241: {  	[tilespmem:s12], [sflag:$0x1] =	stream.indirect.gather [hbm4b:s4+s6], $0x80, s13, s6, $0xb8;
	[tilespmem:$0x1B800] =	vst v63  }
0x242: {  	_ = 	snop  }
0x243: {  	[tilespmem:s14], [sflag:$0x1] =	stream.indirect.gather [hbm4b:s4+s6], $0x80, s15, s6, $0xb8;
	[tilespmem:$0x1B800] =	vst v63  }
0x244: {  	_ = 	snop  }
0x245: {  	[tilespmem:s16], [sflag:$0x1] =	stream.indirect.gather [hbm4b:s4+s6], $0x80, s17, s6, $0xb8;
	[tilespmem:$0x1B800] =	vst v63  }
0x246: {  	_ = 	snop  }
0x247: {  	[tilespmem:s18], [sflag:$0x1] =	stream.indirect.gather [hbm4b:s4+s6], $0x80, s19, s6, $0xb8;
	[tilespmem:$0x1B800] =	vst v63  }
0x248: {  	_ = 	snop  }
0x249: {  	[tilespmem:s20], [sflag:$0x1] =	stream.indirect.gather [hbm4b:s4+s6], $0x80, s22, s6, $0xb8;
	[tilespmem:$0x1B800] =	vst v63  }
0x24a: {  	_ =	swait.ge [sflag:s21], $0x1000  }
0x24b: {  	[sflag:s21] =	ssyncset.done $0x0  }
0x24c: {  	[sflag:s21] =	ssyncadd.s32 $0xFFFFF000  }
0x24d: {  	_ =	swait.ge [sflag:s21], $0x1000  }
0x24e: {  	[sflag:s21] =	ssyncset.done $0x0  }
0x24f: {  	[sflag:s21] =	ssyncadd.s32 $0xFFFFF000  }
0x250: {  	_ =	swait.ge [sflag:s21], $0x1000  }
0x251: {  	[sflag:s21] =	ssyncset.done $0x0  }
0x252: {  	[sflag:s21] =	ssyncadd.s32 $0xFFFFF000  }
0x253: {  	_ =	swait.ge [sflag:s21], $0x1000  }
0x254: {  	[sflag:s21] =	ssyncset.done $0x0  }
0x255: {  	[sflag:s21] =	ssyncadd.s32 $0xFFFFF000  }
0x256: {  	_ =	swait.ge [sflag:s21], $0x1000  }
0x257: {  	[sflag:s21] =	ssyncset.done $0x0  }
0x258: {  	[sflag:s21] =	ssyncadd.s32 $0xFFFFF000  }
0x259: {  	_ =	swait.ge [sflag:s21], $0x1000  }
0x25a: {  	[sflag:s21] =	ssyncset.done $0x0  }
0x25b: {  	[sflag:s21] =	ssyncadd.s32 $0xFFFFF000  }
0x25c: {  	_ =	swait.ge [sflag:s21], $0x1000  }
0x25d: {  	[sflag:s21] =	ssyncset.done $0x0  }
0x25e: {  	[sflag:s21] =	ssyncadd.s32 $0xFFFFF000  }
0x25f: {  	_ =	swait.ge [sflag:s21], $0x1000  }
0x260: {  	[sflag:s21] =	ssyncset.done $0x0  }
0x261: {  	[sflag:s21] =	ssyncadd.s32 $0xFFFFF000  }
0x262: {  	[spmem:s2] =	stream.indirect.scatter.add.f32 [tilespmem:s31], [sflag:$0x2], $0x80, s0, s6, $0xb8;
	[tilespmem:$0x1B800] =	vst v63  }
0x263: {  	_ =	swait.ge [sflag:s1], $0x1000  }
0x264: {  	[sflag:s1] =	ssyncset.done $0x0  }
0x265: {  	[sflag:s1] =	ssyncadd.s32 $0xFFFFF000  }
0x266: {  	[spmem:s2] =	stream.indirect.scatter.add.f32 [tilespmem:s8], [sflag:$0x2], $0x80, s24, s6, $0xb8;
	[tilespmem:$0x1B800] =	vst v63  }
0x267: {  	_ =	swait.ge [sflag:s1], $0x1000  }
0x268: {  	[sflag:s1] =	ssyncset.done $0x0  }
0x269: {  	[sflag:s1] =	ssyncadd.s32 $0xFFFFF000  }
0x26a: {  	[spmem:s2] =	stream.indirect.scatter.add.f32 [tilespmem:s10], [sflag:$0x2], $0x80, s25, s6, $0xb8;
	[tilespmem:$0x1B800] =	vst v63  }
0x26b: {  	_ =	swait.ge [sflag:s1], $0x1000  }
0x26c: {  	[sflag:s1] =	ssyncset.done $0x0  }
0x26d: {  	[sflag:s1] =	ssyncadd.s32 $0xFFFFF000  }
0x26e: {  	[spmem:s2] =	stream.indirect.scatter.add.f32 [tilespmem:s12], [sflag:$0x2], $0x80, s26, s6, $0xb8;
	[tilespmem:$0x1B800] =	vst v63  }
0x26f: {  	_ =	swait.ge [sflag:s1], $0x1000  }
0x270: {  	[sflag:s1] =	ssyncset.done $0x0  }
0x271: {  	[sflag:s1] =	ssyncadd.s32 $0xFFFFF000  }
0x272: {  	[spmem:s2] =	stream.indirect.scatter.add.f32 [tilespmem:s14], [sflag:$0x2], $0x80, s28, s6, $0xb8;
	[tilespmem:$0x1B800] =	vst v63  }
0x273: {  	_ =	swait.ge [sflag:s1], $0x1000  }
0x274: {  	[sflag:s1] =	ssyncset.done $0x0  }
0x275: {  	[sflag:s1] =	ssyncadd.s32 $0xFFFFF000  }
0x276: {  	[spmem:s2] =	stream.indirect.scatter.add.f32 [tilespmem:s16], [sflag:$0x2], $0x80, s29, s6, $0xb8;
	[tilespmem:$0x1B800] =	vst v63  }
0x277: {  	_ =	swait.ge [sflag:s1], $0x1000  }
0x278: {  	[sflag:s1] =	ssyncset.done $0x0  }
0x279: {  	[sflag:s1] =	ssyncadd.s32 $0xFFFFF000  }
0x27a: {  	[spmem:s2] =	stream.indirect.scatter.add.f32 [tilespmem:s18], [sflag:$0x2], $0x80, s30, s6, $0xb8;
	[tilespmem:$0x1B800] =	vst v63  }
0x27b: {  	_ =	swait.ge [sflag:s1], $0x1000  }
0x27c: {  	[sflag:s1] =	ssyncset.done $0x0  }
0x27d: {  	s24 =	simm.s32 $0x780;
	[sflag:s1] =	ssyncadd.s32 $0xFFFFF000  }
0x27e: {  	[spmem:s2] =	stream.indirect.scatter.add.f32 [tilespmem:s20], [sflag:$0x2], $0x80, s24, s6, $0xb8;
	[tilespmem:$0x1B800] =	vst v63  }
0x27f: {  	_ =	swait.ge [sflag:s1], $0x1000  }
0x280: {  	[sflag:s1] =	ssyncset.done $0x0  }
0x281: {  	[sflag:s1] =	ssyncadd.s32 $0xFFFFF000  }
0x282: {  	[bflag:$0x0] =	sbarrier.arrive $0xFFFF  }
0x283: {  	s28 =	sld [smem:$0x7FC]  }
0x284: {  	s25 =	rddreg [dreg:$0x17]  }
0x285: {  	s26 =	rddreg [dreg:$0x1b]  }
0x286: {  	[hbm:s25], [sflag:s28] =	dma.local [spmem:s26], $0x200  }
0x287: {  	_ =	swait.ge [sflag:s1], $0x200  }
0x288: {  	s29 =	sld [smem:$0x7FD];
	_ =	sdelay $0x2  }
0x289: {  	s30 =	rddreg [dreg:$0x1a];
	s7 =	sadd.s32 $0x1, s29  }
0x28a: {  	p0 =	sne.s32 s7, s30  }
.Ltmp4:
0x28b: {  	_ = 	snop;
	(pc) =	sbr.rel @p0 .LBB2_1-.Ltmp4, $3  }
0x28c: {  	_ =	sdelay $0x1  }
0x28d: {  	[sflag:s1] =	ssyncset.done $0x0  }
0x28e: {  	[sflag:s1] =	ssyncadd.s32 $0xFFFFFE00  }
0x28f: {  	_ =	sfence.sel $0x180000  }
0x290: {  	[bflag:$0x0] =	sbarrier.arrive $0xFFFF  }
0x291: {  	_ =	strace $0x9000004A  }
0x292: {  	s0 =	stileid.u32;
	[bflag:$0x2] =	sbarrier.arrive $0xFFFF  }
0x293: {  	p0 =	sne.s32 s0, $0x0;
	s0 =	rddreg [dreg:$0x2]  }
0x294: {  	s0 =	sadd.s32 @!p0 $0x100000, s0  }
0x295: {  	[sflag:s0] =	ssyncadd.tile.s32 @!p0 $0x1;
	_ =	shalt  }
.Lfunc_end2:
_tile_overlayer_lowered:
.L_overlay_start_2:
0x296: {  	(tag) =	ssettag $0x2  }
0x297: {  	s0 =	rddreg [dreg:$0x0];
	s2 =	stileid.u32  }
0x298: {  	s1 =	rddreg [dreg:$0x1];
	p0 =	sne.s32 s2, $0x0  }
0x299: {  	s3 =	rddreg [dreg:$0x2];
	[bflag:$0x3] =	sbarrier.arrive $0xFFFF;
	s2 =	simm.s32 @!p0 $0x1C02  }
0x29a: {  	[timem:s3], [sflag:s2] =	dma.local @!p0 [hbm:s0], s1  }
0x29b: {  	s0 =	simm.s32 @!p0 $0x2  }
0x29c: {  	_ =	swait.ge @!p0 [sflag:s0], s1  }
0x29d: {  	s1 =	ssub.s32 @!p0 $0x0, s1;
	[sflag:s0] =	ssyncset.done @!p0 $0x0  }
0x29e: {  	[sflag:s0] =	ssyncadd.s32 @!p0 s1  }
0x29f: {  	[bflag:$0x3] =	sbarrier.arrive $0xFFFF  }
0x2a0: {  	_ =	shalt  }

// kernel: kernel.16.cloned.1.call-start
scs
__scs_entry_jumppad:
0x0: {  	(pc) =	sbr.rel $0x88, $3  }
0x1: {  	(tag) =	ssettag $0x0;
	lr =	simm.s32 $0x1  }
0x2: {  	[smem:$0x3F99] =	sst lr;
	_ =	strace $0xD0000000  }
0x3: {  	_ = 	snop  }
0x4: {  	_ = 	snop  }
0x5: {  	_ = 	snop  }
0x6: {  	_ = 	snop  }
0x7: {  	_ = 	snop  }
__scs_overlays_trampoline_lowered:
0x8: {  	[smem:$0x3FA8] =	sst s0  }
0x9: {  	[smem:$0x3FA9] =	sst s1  }
0xa: {  	[smem:$0x3FAA] =	sst s2  }
0xb: {  	[smem:$0x3FAB] =	sst s3  }
0xc: {  	[smem:$0x3FAC] =	sst s4  }
0xd: {  	[smem:$0x3FAD] =	sst s5  }
0xe: {  	[smem:$0x3FAE] =	sst s6  }
0xf: {  	[smem:$0x3FAF] =	sst s7  }
0x10: {  	[smem:$0x3FB0] =	sst s8  }
0x11: {  	[smem:$0x3FB1] =	sst s9;
	s0 =	simm.s32 @!p0 $0x0  }
0x12: {  	s1 =	sld [smem:$0x3F97];
	s0 =	simm.s32 @p0 $0x1  }
0x13: {  	[smem:$0x3FB2] =	sst s0;
	s0 =	simm.s32 @!p1 $0x0  }
0x14: {  	s2 =	sld [smem:$0x3F96];
	s0 =	simm.s32 @p1 $0x1  }
0x15: {  	[smem:$0x3FB3] =	sst s0;
	s0 =	simm.s32 @!p2 $0x0  }
0x16: {  	s3 =	sld [smem:$0x3FDB];
	s0 =	simm.s32 @p2 $0x1  }
0x17: {  	s4 =	simm.s32 $0x1BF5;
	[smem:$0x3FB5] =	sst s0  }
0x18: {  	s0 =	sld [smem:$0x3F98];
	_ =	swait.ge [sflag:s4], $0x0  }
0x19: {  	s7 =	sld [smem:$0x3F99]  }
0x1a: {  	s8 =	sadd.s32 $0xFFFFE003, lr  }
0x1b: {  	s9 =	sadd.s32 $0xFFFFFEF7, lr;
	s5 =	simm.s32 $0xFFFFFFFF;
	p2 =	slt.u32 s8, $0xFFFFF086  }
0x1c: {  	p1 =	slt.u32 s9, $0xF7A;
	s5 =	simm.s32 @!p2 $0x0  }
0x1d: {  	s5 =	simm.s32 @p1 $0x1;
	p0 =	seq.s32 s7, s2  }
0x1e: {  	s7 =	smul.u32 @!p0 $0xF7A, s2;
	p2 =	seq.s32 @!p0 s5, $0x0  }
0x1f: {  	s9 =	smul.u32 $0xF7A, s1;
	s8 =	simm.s32 @!p0 $0x1BF5;
	p2 =	por !p2, p0  }
0x20: {  	[sflag:s8] =	ssyncset.s32 @!p0 $0xFFFFF086;
	s6 =	sadd.s32 @!p0 s3, s7;
	s7 =	simm.s32 @!p0 $0x108  }
0x21: {  	s3 =	sadd.s32 s3, s9;
	s6 =	sadd.s32 @!p0 $0x88, s6;
	s7 =	simm.s32 @p2 $0x1082  }
0x22: {  	[simem:s7], [sflag:s8] =	dma.local @!p0 [hbm:s6], $0xF7A  }
0x23: {  	s9 =	sor.u32 $0xD0000000, s2;
	s6 =	simm.s32 $0x108;
	_ =	swait.ge @!p0 [sflag:s8], $0x0  }
0x24: {  	s3 =	sadd.s32 $0x88, s3;
	s6 =	simm.s32 @!p1 $0x1082;
	[sflag:s4] =	ssyncset.s32 $0xFFFFF086  }
0x25: {  	[simem:s6], [sflag:s4] =	dma.local [hbm:s3], $0xF7A  }
0x26: {  	[smem:$0x3F99] =	sst s1;
	(tag) =	ssettag s2;
	_ =	strace s9  }
0x27: {  	s1 =	sld [smem:$0x3FA9]  }
0x28: {  	s2 =	sld [smem:$0x3FAA]  }
0x29: {  	s4 =	sld [smem:$0x3FAC]  }
0x2a: {  	p0 =	seq.s32 s5, $0x0;
	s5 =	sld [smem:$0x3FAD]  }
0x2b: {  	s6 =	sld [smem:$0x3FAE]  }
0x2c: {  	s7 =	sld [smem:$0x3FAF]  }
0x2d: {  	s3 =	simm.s32 $0x108;
	s8 =	sld [smem:$0x3FB0]  }
0x2e: {  	s3 =	simm.s32 @!p0 $0x1082;
	s9 =	sld [smem:$0x3FB1]  }
0x2f: {  	lr =	sadd.s32 s0, s3;
	s0 =	sld [smem:$0x3FA8]  }
0x30: {  	s3 =	sld [smem:$0x3FAB]  }
0x31: {  	[smem:$0x3FB4] =	sst s10  }
0x32: {  	s10 =	sld [smem:$0x3FB2];
	_ =	sdelay $0x3  }
0x33: {  	p0 =	seq.s32 s10, $0x1;
	s10 =	sld [smem:$0x3FB4];
	_ =	sdelay $0x3  }
0x34: {  	[smem:$0x3FB4] =	sst s10  }
0x35: {  	s10 =	sld [smem:$0x3FB3];
	_ =	sdelay $0x3  }
0x36: {  	p1 =	seq.s32 s10, $0x1;
	s10 =	sld [smem:$0x3FB4];
	_ =	sdelay $0x3  }
0x37: {  	[smem:$0x3FB4] =	sst s10  }
0x38: {  	s10 =	sld [smem:$0x3FB5]  }
0x39: {  	_ = 	snop;
	(pc) =	sbr.ind lr, $3  }
0x3a: {  	_ = 	snop  }
0x3b: {  	_ = 	snop  }
0x3c: {  	p2 =	seq.s32 s10, $0x1;
	s10 =	sld [smem:$0x3FB4]  }
0x3d: {  	_ =	shalt  }
0x3e: {  	_ =	shalt  }
0x3f: {  	_ =	shalt  }
0x40: {  	_ =	shalt  }
0x41: {  	_ =	shalt  }
0x42: {  	_ =	shalt  }
0x43: {  	_ =	shalt  }
0x44: {  	_ =	shalt  }
0x45: {  	_ =	shalt  }
0x46: {  	_ =	shalt  }
0x47: {  	_ =	shalt  }
0x48: {  	_ =	shalt  }
0x49: {  	_ =	shalt  }
0x4a: {  	_ =	shalt  }
0x4b: {  	_ =	shalt  }
0x4c: {  	_ =	shalt  }
0x4d: {  	_ =	shalt  }
0x4e: {  	_ =	shalt  }
0x4f: {  	_ =	shalt  }
0x50: {  	_ =	shalt  }
0x51: {  	_ =	shalt  }
0x52: {  	_ =	shalt  }
0x53: {  	_ =	shalt  }
0x54: {  	_ =	shalt  }
0x55: {  	_ =	shalt  }
0x56: {  	_ =	shalt  }
0x57: {  	_ =	shalt  }
0x58: {  	_ =	shalt  }
0x59: {  	_ =	shalt  }
0x5a: {  	_ =	shalt  }
0x5b: {  	_ =	shalt  }
0x5c: {  	_ =	shalt  }
0x5d: {  	_ =	shalt  }
0x5e: {  	_ =	shalt  }
0x5f: {  	_ =	shalt  }
0x60: {  	_ =	shalt  }
0x61: {  	_ =	shalt  }
0x62: {  	_ =	shalt  }
0x63: {  	_ =	shalt  }
0x64: {  	_ =	shalt  }
0x65: {  	_ =	shalt  }
0x66: {  	_ =	shalt  }
0x67: {  	_ =	shalt  }
0x68: {  	_ =	shalt  }
0x69: {  	_ =	shalt  }
0x6a: {  	_ =	shalt  }
0x6b: {  	_ =	shalt  }
0x6c: {  	_ =	shalt  }
0x6d: {  	_ =	shalt  }
0x6e: {  	_ =	shalt  }
0x6f: {  	_ =	shalt  }
0x70: {  	_ =	shalt  }
0x71: {  	_ =	shalt  }
0x72: {  	_ =	shalt  }
0x73: {  	_ =	shalt  }
0x74: {  	_ =	shalt  }
0x75: {  	_ =	shalt  }
0x76: {  	_ =	shalt  }
0x77: {  	_ =	shalt  }
0x78: {  	_ =	shalt  }
0x79: {  	_ =	shalt  }
0x7a: {  	_ =	shalt  }
0x7b: {  	_ =	shalt  }
0x7c: {  	_ =	shalt  }
0x7d: {  	_ =	shalt  }
0x7e: {  	_ =	shalt  }
0x7f: {  	_ =	shalt  }
0x80: {  	_ =	shalt  }
0x81: {  	_ =	shalt  }
0x82: {  	_ =	shalt  }
0x83: {  	_ =	shalt  }
0x84: {  	_ =	shalt  }
0x85: {  	_ =	shalt  }
0x86: {  	_ =	shalt  }
0x87: {  	_ =	shalt  }
.Lfunc_end0:
.L_simem_size_0:
called_computation.2_lowered:
.L_overlay_start_0:
0x88: {  	s2 =	sld [smem:$0x3FD9]  }
0x89: {  	s3 =	sld [smem:$0x3FFE];
	_ =	sdelay $0x1  }
0x8a: {  	s1 =	srdreg.scid  }
0x8b: {  	s0 =	sand.u32 $0x1, s1  }
0x8c: {  	s16 =	sshll.u32 s0, $0xA;
	s2 =	sadd.s32 s3, s2  }
0x8d: {  	s2 =	sadd.s32 s2, s16  }
0x8e: {  	[smem:$0x3FC0] =	sst s2  }
0x8f: {  	_ = 	snop  }
0x90: {  	(tm) =	ssettm $0x1  }
0x91: {  	s17 =	sld [smem:$0x3FFB];
	_ =	sdelay $0x3  }
0x92: {  	_ =	strace s17  }
0x93: {  	s2 =	sld [smem:$0x3FFC];
	_ =	sdelay $0x3  }
0x94: {  	_ =	strace s2  }
0x95: {  	s2 =	sld [smem:$0x3FFD];
	_ =	sdelay $0x3  }
0x96: {  	_ =	strace s2  }
0x97: {  	_ =	strace $0x8FFFFFFF  }
0x98: {  	s18 =	sld [smem:$0x3FDB];
	_ =	sdelay $0x1  }
0x99: {  	s19 =	simm.s32 $_scs_section_size  }
0x9a: {  	s4 =	simm.s32 $_size__tile_overlayer_lowered;
	s5 =	simm.s32 $_tile_overlayer_lowered  }
0x9b: {  	s22 =	simm.s32 $0x1BFF;
	s21 =	sshll.u32 s5, $0x1;
	s2 =	sadd.s32 s19, s18  }
0x9c: {  	s6 =	simm.s32 $0x0;
	s20 =	sshll.u32 s4, $0x1;
	s4 =	sadd.s32 s21, s2  }
0x9d: {  	[timem:s6], [sflag:s22] =	dma.local [hbm:s4], s20  }
0x9e: {  	_ =	swait.ge [sflag:s22], s20  }
0x9f: {  	s3 =	ssub.s32 $0x0, s20;
	[sflag:s22] =	ssyncset.done $0x0  }
0xa0: {  	[sflag:s22] =	ssyncadd.s32 s3;
	_ =	sdelay $0x1  }
0xa1: {  	s23 =	simm.s32 $0x1B8B  }
0xa2: {  	_ =	swait.ge [sflag:s23], $0x1  }
0xa3: {  	[sflag:s23] =	ssyncset.done $0x0  }
0xa4: {  	s25 =	simm.s32 $0x1B8E;
	s24 =	sld [smem:$0x3FFE];
	[sflag:s23] =	ssyncadd.s32 $0xFFFFFFFF  }
0xa5: {  	s26 =	simm.s32 $execute0_lowered;
	[smem:$0x3FD2] =	sst s25  }
0xa6: {  	s4 =	sshll.u32 s26, $0x1;
	_ =	strace $0x8000004C;
	[dreg:$0x1] =	wrdreg $0xFFFFFFFF  }
0xa7: {  	s28 =	simm.s32 $_size_execute0_lowered;
	s2 =	sadd.s32 s2, s4;
	[dreg:$0x0] =	wrdreg $0x0  }
0xa8: {  	s4 =	sshll.u32 s28, $0x1;
	[dreg:$0x2] =	wrdreg s2  }
0xa9: {  	[dreg:$0x3] =	wrdreg s4  }
0xaa: {  	[dreg:$0x4] =	wrdreg $0xC0  }
0xab: {  	_ =	task [dreg:s6], $0x5FFFF  }
0xac: {  	[dreg:$0x1] =	wrdreg $0xFFFFFFFF  }
0xad: {  	[dreg:$0x0] =	wrdreg $0x60  }
0xae: {  	[dreg:$0x2] =	wrdreg s24  }
0xaf: {  	[dreg:$0x3] =	wrdreg $0x88000  }
0xb0: {  	[dreg:$0x4] =	wrdreg $0x9  }
0xb1: {  	_ =	task.clear_ibuf [dreg:s6], $0x5FFFF;
	_ =	strace $0x9000004C  }
0xb2: {  	s29 =	simm.s32 $0x9;
	_ =	strace $0x8000004E  }
0xb3: {  	_ =	swait.ge [sflag:s29], $0x1  }
0xb4: {  	[sflag:s29] =	ssyncadd.s32 $0xFFFFFFFF  }
0xb5: {  	_ =	strace $0x9000004E  }
0xb6: {  	_ =	sfence  }
0xb7: {  	s30 =	sld [smem:$0x0];
	_ =	sdelay $0x2  }
0xb8: {  	s31 =	sshll.u32 s1, $0xD;
	s1 =	sshrl.u32 s1, $0x2  }
0xb9: {  	s3 =	sand.u32 $0x4000, s31;
	s1 =	sadd.s32 s1, s30  }
0xba: {  	s0 =	sor.u32 s3, s0;
	s1 =	sshll.u32 s1, $0x11  }
0xbb: {  	s0 =	sor.u32 s1, s0  }
0xbc: {  	s0 =	sadd.s32 $0x8F2B, s0  }
0xbd: {  	[sflag:s0] =	ssyncadd.remote.s32 $0x1  }
0xbe: {  	_ =	sfence.sel $0xFFFF  }
0xbf: {  	[dreg:$0x0] =	wrdreg $0xFFFFFFFF;
	(pc) =	sbr.abs _section_cstart, $3  }
0xc0: {  	[dreg:$0x1] =	wrdreg $0xFFFFFFFF  }
0xc1: {  	_ =	task.clear_ibuf [dreg:s6], $0x2FFFF;
	_ =	strace $0x9FFFFFFF  }
0xc2: {  	(tm) =	ssettm $0x7FFFFFFF  }
0xc3: {  	_ =	shalt  }
tec
execute0_lowered:
.L_overlay_start_1:
0x0: {  	(tag) =	ssettag $0x1  }
0x1: {  	s10 =	stileid.u32  }
0x2: {  	s5 =	rddreg [dreg:$0x0];
	s7 =	smul.u32 $0x4C000, s10  }
0x3: {  	s0 =	srdreg.scid;
	s2 =	rddreg [dreg:$0x1];
	s3 =	simm.s32 $0x0  }
0x4: {  	s0 =	sand.u32 $0x1, s0;
	[smem:$0x7FF] =	sst s3;
	s7 =	sshrl.u32 s7, $0x2  }
0x5: {  	s4 =	sadd.s32 $0xFD200, s5;
	s20 =	smul.u32 $0x2600, s10;
	s11 =	sadd.s32 s7, s2  }
0x6: {  	_ =	strace $0x8000004D;
	s7 =	sadd.s32 $0x1000, s11;
	[dreg:$0x7] =	wrdreg s11  }
0x7: {  	s21 =	sshll.u32 s10, $0x9;
	s23 =	sadd.s32 $0x2000, s11;
	[dreg:$0x8] =	wrdreg s7  }
0x8: {  	s1 =	sshll.u32 s0, $0x4;
	s24 =	sadd.s32 $0x3000, s11;
	[dreg:$0x9] =	wrdreg s23  }
0x9: {  	s6 =	smul.u32 $0x26000, s0;
	s25 =	sadd.s32 $0x4000, s11;
	[dreg:$0xa] =	wrdreg s24  }
0xa: {  	s8 =	ssub.s32 $0x2, s0;
	s26 =	sadd.s32 $0x5000, s11;
	[dreg:$0xb] =	wrdreg s25  }
0xb: {  	s0 =	sshll.u32 s0, $0xD;
	s28 =	sadd.s32 $0x6000, s11;
	[dreg:$0xc] =	wrdreg s26  }
0xc: {  	s1 =	sor.u32 s10, s1;
	s29 =	sadd.s32 $0x7000, s11;
	[dreg:$0xd] =	wrdreg s28  }
0xd: {  	s9 =	sshrl.u32 s8, $0x1;
	s30 =	sadd.s32 $0x8000, s11;
	[dreg:$0xe] =	wrdreg s29  }
0xe: {  	s0 =	sadd.s32 s0, s5;
	s12 =	sadd.s32 $0xB000, s11;
	[dreg:$0xf] =	wrdreg s30  }
0xf: {  	s1 =	smul.u32 $0x1400, s1;
	s13 =	sadd.s32 $0xC000, s11;
	[dreg:$0x12] =	wrdreg s12  }
0x10: {  	s6 =	sadd.s32 s6, s5;
	s15 =	sadd.s32 $0xD000, s11;
	[dreg:$0x13] =	wrdreg s13  }
0x11: {  	s0 =	sadd.s32 $0x3200, s0;
	s19 =	sadd.s32 $0xE000, s11;
	[dreg:$0x14] =	wrdreg s15  }
0x12: {  	s0 =	sadd.s32 s21, s0;
	s1 =	sadd.s32 s1, s5;
	[dreg:$0x15] =	wrdreg s19  }
0x13: {  	s5 =	ssub.s32 s8, s9;
	s8 =	sadd.s32 $0x9000, s11;
	[dreg:$0x17] =	wrdreg s0  }
0x14: {  	s6 =	sadd.s32 $0x125200, s6;
	s9 =	sadd.s32 $0xA000, s11;
	[dreg:$0x10] =	wrdreg s8  }
0x15: {  	s31 =	simm.s32 $0x800;
	s6 =	sadd.s32 s20, s6;
	[dreg:$0x11] =	wrdreg s9  }
0x16: {  	s17 =	smul.u32 $0x4200, s10;
	s23 =	sadd.s32 $0xF000, s11;
	[dreg:$0x16] =	wrdreg s6  }
0x17: {  	s22 =	sshll.u32 s10, $0xC;
	s26 =	sadd.s32 $0x10000, s11;
	[dreg:$0x18] =	wrdreg s23  }
0x18: {  	s10 =	simm.s32 $0x2800;
	s28 =	sadd.s32 $0x11000, s11;
	[dreg:$0x1c] =	wrdreg s26  }
0x19: {  	s21 =	simm.s32 $0x1;
	s29 =	sadd.s32 $0x12000, s11;
	[dreg:$0x1d] =	wrdreg s28  }
0x1a: {  	s7 =	sshrl.u32 s17, $0x2;
	s14 =	sadd.s32 $0xAD200, s1;
	[dreg:$0x1e] =	wrdreg s29  }
0x1b: {  	s25 =	sadd.s32 s22, s2;
	s16 =	sadd.s32 $0xD5200, s1;
	[dreg:$0x3] =	wrdreg s14  }
0x1c: {  	s12 =	simm.s32 $0x3800;
	s18 =	sadd.s32 $0x85200, s1;
	[dreg:$0x4] =	wrdreg s16  }
0x1d: {  	s20 =	simm.s32 $0x7800;
	s1 =	sadd.s32 $0x5D200, s1;
	[dreg:$0x5] =	wrdreg s18  }
0x1e: {  	s24 =	sadd.s32 s7, s2;
	s5 =	smax.u32 s5, $0x1;
	[dreg:$0x6] =	wrdreg s1  }
0x1f: {  	s0 =	sshrl.u32 s25, $0x3;
	s6 =	simm.s32 $0x20;
	[dreg:$0x1a] =	wrdreg s5  }
0x20: {  	s9 =	simm.s32 $0x80;
	s8 =	simm.s32 $0x1800;
	[dreg:$0x1b] =	wrdreg s0  }
0x21: {  	s7 =	simm.s32 $0x0;
	[dreg:$0x19] =	wrdreg s24;
	s30 =	sadd.s32 $0x1000, s24  }
0x22: {  	s1 =	simm.s32 $0x2;
	s0 =	simm.s32 $0x400;
	s14 =	simm.s32 $0x4800  }
0x23: {  	v0 =	vimm.f32 $0.0e+00;
	s16 =	simm.s32 $0x5800;
	s18 =	simm.s32 $0x6800;
	[dreg:$0x1f] =	wrdreg s30  }
.LBB2_1:
0x24: {  	[smem:$0x7FD] =	sst s7;
	s5 =	simm.s32 $0x0;
	s23 =	simm.s32 $0x200  }
.LBB2_2:
0x25: {  	p0 =	sne.s32 s23, $0x3E00;
	[tilespmem:s5+$0x870] =	vst v0  }
0x26: {  	[tilespmem:s5+$0x800] =	vst v0  }
0x27: {  	[tilespmem:s5+$0x810] =	vst v0  }
.Ltmp0:
0x28: {  	[tilespmem:s5+$0x820] =	vst v0;
	(pc) =	sbr.rel @p0 .LBB2_2-.Ltmp0, $4  }
0x29: {  	[tilespmem:s5+$0x830] =	vst v0  }
0x2a: {  	[tilespmem:s5+$0x840] =	vst v0  }
0x2b: {  	[tilespmem:s5+$0x850] =	vst v0  }
0x2c: {  	[tilespmem:s5+$0x860] =	vst v0;
	s5 =	sshra.s32 s23, $0x2;
	s23 =	sadd.s32 $0x200, s23  }
0x2d: {  	[tilespmem:s5+$0x870] =	vst v0  }
0x2e: {  	[tilespmem:s5+$0x800] =	vst v0  }
0x2f: {  	[tilespmem:s5+$0x810] =	vst v0  }
0x30: {  	[tilespmem:s5+$0x820] =	vst v0  }
0x31: {  	[tilespmem:s5+$0x830] =	vst v0  }
0x32: {  	[tilespmem:s5+$0x840] =	vst v0  }
0x33: {  	[tilespmem:s5+$0x850] =	vst v0  }
0x34: {  	[tilespmem:s5+$0x860] =	vst v0;
	s24 =	rddreg [dreg:$0x7]  }
0x35: {  	[spmem:s24] =	stream.linear.scatter [tilespmem:s31], [sflag:$0x2], $0x1000, $0x38;
	[tilespmem:$0x1B800] =	vst v63  }
0x36: {  	_ =	swait.ge [sflag:s1], $0x1000  }
0x37: {  	[sflag:s1] =	ssyncset.done $0x0  }
0x38: {  	s25 =	rddreg [dreg:$0x8];
	[sflag:s1] =	ssyncadd.s32 $0xFFFFF000  }
0x39: {  	[spmem:s25] =	stream.linear.scatter [tilespmem:s31], [sflag:$0x2], $0x1000, $0x38;
	[tilespmem:$0x1B800] =	vst v63  }
0x3a: {  	_ =	swait.ge [sflag:s1], $0x1000  }
0x3b: {  	[sflag:s1] =	ssyncset.done $0x0  }
0x3c: {  	s26 =	rddreg [dreg:$0x9];
	[sflag:s1] =	ssyncadd.s32 $0xFFFFF000  }
0x3d: {  	[spmem:s26] =	stream.linear.scatter [tilespmem:s31], [sflag:$0x2], $0x1000, $0x38;
	[tilespmem:$0x1B800] =	vst v63  }
0x3e: {  	_ =	swait.ge [sflag:s1], $0x1000  }
0x3f: {  	[sflag:s1] =	ssyncset.done $0x0  }
0x40: {  	s7 =	rddreg [dreg:$0xa];
	[sflag:s1] =	ssyncadd.s32 $0xFFFFF000  }
0x41: {  	[spmem:s7] =	stream.linear.scatter [tilespmem:s31], [sflag:$0x2], $0x1000, $0x38;
	[tilespmem:$0x1B800] =	vst v63  }
0x42: {  	_ =	swait.ge [sflag:s1], $0x1000  }
0x43: {  	[sflag:s1] =	ssyncset.done $0x0  }
0x44: {  	s11 =	rddreg [dreg:$0xb];
	[sflag:s1] =	ssyncadd.s32 $0xFFFFF000  }
0x45: {  	[spmem:s11] =	stream.linear.scatter [tilespmem:s31], [sflag:$0x2], $0x1000, $0x38;
	[tilespmem:$0x1B800] =	vst v63  }
0x46: {  	_ =	swait.ge [sflag:s1], $0x1000  }
0x47: {  	[sflag:s1] =	ssyncset.done $0x0  }
0x48: {  	s13 =	rddreg [dreg:$0xc];
	[sflag:s1] =	ssyncadd.s32 $0xFFFFF000  }
0x49: {  	[spmem:s13] =	stream.linear.scatter [tilespmem:s31], [sflag:$0x2], $0x1000, $0x38;
	[tilespmem:$0x1B800] =	vst v63  }
0x4a: {  	_ =	swait.ge [sflag:s1], $0x1000  }
0x4b: {  	[sflag:s1] =	ssyncset.done $0x0  }
0x4c: {  	s15 =	rddreg [dreg:$0xd];
	[sflag:s1] =	ssyncadd.s32 $0xFFFFF000  }
0x4d: {  	[spmem:s15] =	stream.linear.scatter [tilespmem:s31], [sflag:$0x2], $0x1000, $0x38;
	[tilespmem:$0x1B800] =	vst v63  }
0x4e: {  	_ =	swait.ge [sflag:s1], $0x1000  }
0x4f: {  	[sflag:s1] =	ssyncset.done $0x0  }
0x50: {  	s17 =	rddreg [dreg:$0xe];
	[sflag:s1] =	ssyncadd.s32 $0xFFFFF000  }
0x51: {  	[spmem:s17] =	stream.linear.scatter [tilespmem:s31], [sflag:$0x2], $0x1000, $0x38;
	[tilespmem:$0x1B800] =	vst v63  }
0x52: {  	_ =	swait.ge [sflag:s1], $0x1000  }
0x53: {  	[sflag:s1] =	ssyncset.done $0x0  }
0x54: {  	s19 =	rddreg [dreg:$0xf];
	[sflag:s1] =	ssyncadd.s32 $0xFFFFF000  }
0x55: {  	[spmem:s19] =	stream.linear.scatter [tilespmem:s31], [sflag:$0x2], $0x1000, $0x38;
	[tilespmem:$0x1B800] =	vst v63  }
0x56: {  	_ =	swait.ge [sflag:s1], $0x1000  }
0x57: {  	[sflag:s1] =	ssyncset.done $0x0  }
0x58: {  	s22 =	rddreg [dreg:$0x10];
	[sflag:s1] =	ssyncadd.s32 $0xFFFFF000  }
0x59: {  	[spmem:s22] =	stream.linear.scatter [tilespmem:s31], [sflag:$0x2], $0x1000, $0x38;
	[tilespmem:$0x1B800] =	vst v63  }
0x5a: {  	_ =	swait.ge [sflag:s1], $0x1000  }
0x5b: {  	[sflag:s1] =	ssyncset.done $0x0  }
0x5c: {  	s23 =	rddreg [dreg:$0x11];
	[sflag:s1] =	ssyncadd.s32 $0xFFFFF000  }
0x5d: {  	[spmem:s23] =	stream.linear.scatter [tilespmem:s31], [sflag:$0x2], $0x1000, $0x38;
	[tilespmem:$0x1B800] =	vst v63  }
0x5e: {  	_ =	swait.ge [sflag:s1], $0x1000  }
0x5f: {  	[sflag:s1] =	ssyncset.done $0x0  }
0x60: {  	s24 =	rddreg [dreg:$0x12];
	[sflag:s1] =	ssyncadd.s32 $0xFFFFF000  }
0x61: {  	[spmem:s24] =	stream.linear.scatter [tilespmem:s31], [sflag:$0x2], $0x1000, $0x38;
	[tilespmem:$0x1B800] =	vst v63  }
0x62: {  	_ =	swait.ge [sflag:s1], $0x1000  }
0x63: {  	[sflag:s1] =	ssyncset.done $0x0  }
0x64: {  	s25 =	rddreg [dreg:$0x13];
	[sflag:s1] =	ssyncadd.s32 $0xFFFFF000  }
0x65: {  	[spmem:s25] =	stream.linear.scatter [tilespmem:s31], [sflag:$0x2], $0x1000, $0x38;
	[tilespmem:$0x1B800] =	vst v63  }
0x66: {  	_ =	swait.ge [sflag:s1], $0x1000  }
0x67: {  	[sflag:s1] =	ssyncset.done $0x0  }
0x68: {  	s26 =	rddreg [dreg:$0x14];
	[sflag:s1] =	ssyncadd.s32 $0xFFFFF000  }
0x69: {  	[spmem:s26] =	stream.linear.scatter [tilespmem:s31], [sflag:$0x2], $0x1000, $0x38;
	[tilespmem:$0x1B800] =	vst v63  }
0x6a: {  	_ =	swait.ge [sflag:s1], $0x1000  }
0x6b: {  	[sflag:s1] =	ssyncset.done $0x0  }
0x6c: {  	s7 =	rddreg [dreg:$0x15];
	[sflag:s1] =	ssyncadd.s32 $0xFFFFF000  }
0x6d: {  	[spmem:s7] =	stream.linear.scatter [tilespmem:s31], [sflag:$0x2], $0x1000, $0x38;
	[tilespmem:$0x1B800] =	vst v63  }
0x6e: {  	_ =	swait.ge [sflag:s1], $0x1000  }
0x6f: {  	[sflag:s1] =	ssyncset.done $0x0  }
0x70: {  	s11 =	rddreg [dreg:$0x18];
	[sflag:s1] =	ssyncadd.s32 $0xFFFFF000  }
0x71: {  	[spmem:s11] =	stream.linear.scatter [tilespmem:s31], [sflag:$0x2], $0x1000, $0x38;
	[tilespmem:$0x1B800] =	vst v63  }
0x72: {  	_ =	swait.ge [sflag:s1], $0x1000  }
0x73: {  	[sflag:s1] =	ssyncset.done $0x0  }
0x74: {  	s13 =	rddreg [dreg:$0x1c];
	[sflag:s1] =	ssyncadd.s32 $0xFFFFF000  }
0x75: {  	[spmem:s13] =	stream.linear.scatter [tilespmem:s31], [sflag:$0x2], $0x1000, $0x38;
	[tilespmem:$0x1B800] =	vst v63  }
0x76: {  	_ =	swait.ge [sflag:s1], $0x1000  }
0x77: {  	[sflag:s1] =	ssyncset.done $0x0  }
0x78: {  	s15 =	rddreg [dreg:$0x1d];
	[sflag:s1] =	ssyncadd.s32 $0xFFFFF000  }
0x79: {  	[spmem:s15] =	stream.linear.scatter [tilespmem:s31], [sflag:$0x2], $0x1000, $0x38;
	[tilespmem:$0x1B800] =	vst v63  }
0x7a: {  	_ =	swait.ge [sflag:s1], $0x1000  }
0x7b: {  	[sflag:s1] =	ssyncset.done $0x0  }
0x7c: {  	s17 =	rddreg [dreg:$0x1e];
	[sflag:s1] =	ssyncadd.s32 $0xFFFFF000  }
0x7d: {  	[spmem:s17] =	stream.linear.scatter [tilespmem:s31], [sflag:$0x2], $0x1000, $0x38;
	[tilespmem:$0x1B800] =	vst v63  }
0x7e: {  	_ =	swait.ge [sflag:s1], $0x1000  }
0x7f: {  	[sflag:s1] =	ssyncset.done $0x0  }
0x80: {  	[sflag:s1] =	ssyncadd.s32 $0xFFFFF000  }
0x81: {  	[bflag:$0x0] =	sbarrier.arrive $0xFFFF  }
0x82: {  	s19 =	rddreg [dreg:$0x3]  }
0x83: {  	s5 =	sadd.s32 $0x0, s19  }
0x84: {  	[tilespmem:s3], [sflag:$0x2] =	stream.linear.gather [hbm4b:s5+s3], $0x400, $0x38;
	[tilespmem:$0x1B800] =	vst v63  }
0x85: {  	_ =	swait.ge [sflag:s1], $0x400  }
0x86: {  	s22 =	rddreg [dreg:$0x4];
	[sflag:s1] =	ssyncset.done $0x0  }
0x87: {  	[sflag:s1] =	ssyncadd.s32 $0xFFFFFC00;
	s5 =	sadd.s32 $0x0, s22  }
0x88: {  	[tilespmem:s0], [sflag:$0x2] =	stream.linear.gather [hbm4b:s5+s3], $0x400, $0x38;
	[tilespmem:$0x1B800] =	vst v63  }
0x89: {  	_ =	swait.ge [sflag:s1], $0x400  }
0x8a: {  	[sflag:s1] =	ssyncset.done $0x0  }
0x8b: {  	[sflag:s1] =	ssyncadd.s32 $0xFFFFFC00  }
0x8c: {  	[tilespmem:s31], [sflag:$0x1] =	stream.indirect.gather [hbm4b:s4+s6], $0x80, s3, s6, $0xb8;
	[tilespmem:$0x1B800] =	vst v63  }
0x8d: {  	_ = 	snop  }
0x8e: {  	[tilespmem:s8], [sflag:$0x1] =	stream.indirect.gather [hbm4b:s4+s6], $0x80, s9, s6, $0xb8;
	[tilespmem:$0x1B800] =	vst v63  }
0x8f: {  	s11 =	simm.s32 $0x100  }
0x90: {  	[tilespmem:s10], [sflag:$0x1] =	stream.indirect.gather [hbm4b:s4+s6], $0x80, s11, s6, $0xb8;
	[tilespmem:$0x1B800] =	vst v63  }
0x91: {  	s13 =	simm.s32 $0x180  }
0x92: {  	[tilespmem:s12], [sflag:$0x1] =	stream.indirect.gather [hbm4b:s4+s6], $0x80, s13, s6, $0xb8;
	[tilespmem:$0x1B800] =	vst v63  }
0x93: {  	s15 =	simm.s32 $0x200  }
0x94: {  	[tilespmem:s14], [sflag:$0x1] =	stream.indirect.gather [hbm4b:s4+s6], $0x80, s15, s6, $0xb8;
	[tilespmem:$0x1B800] =	vst v63  }
0x95: {  	s17 =	simm.s32 $0x280  }
0x96: {  	[tilespmem:s16], [sflag:$0x1] =	stream.indirect.gather [hbm4b:s4+s6], $0x80, s17, s6, $0xb8;
	[tilespmem:$0x1B800] =	vst v63  }
0x97: {  	s19 =	simm.s32 $0x300  }
0x98: {  	[tilespmem:s18], [sflag:$0x1] =	stream.indirect.gather [hbm4b:s4+s6], $0x80, s19, s6, $0xb8;
	[tilespmem:$0x1B800] =	vst v63  }
0x99: {  	s22 =	simm.s32 $0x380  }
0x9a: {  	[tilespmem:s20], [sflag:$0x1] =	stream.indirect.gather [hbm4b:s4+s6], $0x80, s22, s6, $0xb8;
	[tilespmem:$0x1B800] =	vst v63  }
0x9b: {  	_ =	swait.ge [sflag:s21], $0x1000  }
0x9c: {  	[sflag:s21] =	ssyncset.done $0x0  }
0x9d: {  	[sflag:s21] =	ssyncadd.s32 $0xFFFFF000  }
0x9e: {  	_ =	swait.ge [sflag:s21], $0x1000  }
0x9f: {  	[sflag:s21] =	ssyncset.done $0x0  }
0xa0: {  	[sflag:s21] =	ssyncadd.s32 $0xFFFFF000  }
0xa1: {  	_ =	swait.ge [sflag:s21], $0x1000  }
0xa2: {  	[sflag:s21] =	ssyncset.done $0x0  }
0xa3: {  	[sflag:s21] =	ssyncadd.s32 $0xFFFFF000  }
0xa4: {  	_ =	swait.ge [sflag:s21], $0x1000  }
0xa5: {  	[sflag:s21] =	ssyncset.done $0x0  }
0xa6: {  	[sflag:s21] =	ssyncadd.s32 $0xFFFFF000  }
0xa7: {  	_ =	swait.ge [sflag:s21], $0x1000  }
0xa8: {  	[sflag:s21] =	ssyncset.done $0x0  }
0xa9: {  	[sflag:s21] =	ssyncadd.s32 $0xFFFFF000  }
0xaa: {  	_ =	swait.ge [sflag:s21], $0x1000  }
0xab: {  	[sflag:s21] =	ssyncset.done $0x0  }
0xac: {  	[sflag:s21] =	ssyncadd.s32 $0xFFFFF000  }
0xad: {  	_ =	swait.ge [sflag:s21], $0x1000  }
0xae: {  	[sflag:s21] =	ssyncset.done $0x0  }
0xaf: {  	[sflag:s21] =	ssyncadd.s32 $0xFFFFF000  }
0xb0: {  	_ =	swait.ge [sflag:s21], $0x1000  }
0xb1: {  	[sflag:s21] =	ssyncset.done $0x0  }
0xb2: {  	[sflag:s21] =	ssyncadd.s32 $0xFFFFF000  }
0xb3: {  	[spmem:s2] =	stream.indirect.scatter.add.f32 [tilespmem:s31], [sflag:$0x2], $0x80, s0, s6, $0xb8;
	[tilespmem:$0x1B800] =	vst v63  }
0xb4: {  	_ =	swait.ge [sflag:s1], $0x1000  }
0xb5: {  	[sflag:s1] =	ssyncset.done $0x0  }
0xb6: {  	s24 =	simm.s32 $0x480;
	[sflag:s1] =	ssyncadd.s32 $0xFFFFF000  }
0xb7: {  	[spmem:s2] =	stream.indirect.scatter.add.f32 [tilespmem:s8], [sflag:$0x2], $0x80, s24, s6, $0xb8;
	[tilespmem:$0x1B800] =	vst v63  }
0xb8: {  	_ =	swait.ge [sflag:s1], $0x1000  }
0xb9: {  	[sflag:s1] =	ssyncset.done $0x0  }
0xba: {  	s25 =	simm.s32 $0x500;
	[sflag:s1] =	ssyncadd.s32 $0xFFFFF000  }
0xbb: {  	[spmem:s2] =	stream.indirect.scatter.add.f32 [tilespmem:s10], [sflag:$0x2], $0x80, s25, s6, $0xb8;
	[tilespmem:$0x1B800] =	vst v63  }
0xbc: {  	_ =	swait.ge [sflag:s1], $0x1000  }
0xbd: {  	[sflag:s1] =	ssyncset.done $0x0  }
0xbe: {  	s26 =	simm.s32 $0x580;
	[sflag:s1] =	ssyncadd.s32 $0xFFFFF000  }
0xbf: {  	[spmem:s2] =	stream.indirect.scatter.add.f32 [tilespmem:s12], [sflag:$0x2], $0x80, s26, s6, $0xb8;
	[tilespmem:$0x1B800] =	vst v63  }
0xc0: {  	_ =	swait.ge [sflag:s1], $0x1000  }
0xc1: {  	[sflag:s1] =	ssyncset.done $0x0  }
0xc2: {  	s28 =	simm.s32 $0x600;
	[sflag:s1] =	ssyncadd.s32 $0xFFFFF000  }
0xc3: {  	[spmem:s2] =	stream.indirect.scatter.add.f32 [tilespmem:s14], [sflag:$0x2], $0x80, s28, s6, $0xb8;
	[tilespmem:$0x1B800] =	vst v63  }
0xc4: {  	_ =	swait.ge [sflag:s1], $0x1000  }
0xc5: {  	[sflag:s1] =	ssyncset.done $0x0  }
0xc6: {  	s29 =	simm.s32 $0x680;
	[sflag:s1] =	ssyncadd.s32 $0xFFFFF000  }
0xc7: {  	[spmem:s2] =	stream.indirect.scatter.add.f32 [tilespmem:s16], [sflag:$0x2], $0x80, s29, s6, $0xb8;
	[tilespmem:$0x1B800] =	vst v63  }
0xc8: {  	_ =	swait.ge [sflag:s1], $0x1000  }
0xc9: {  	[sflag:s1] =	ssyncset.done $0x0  }
0xca: {  	s30 =	simm.s32 $0x700;
	[sflag:s1] =	ssyncadd.s32 $0xFFFFF000  }
0xcb: {  	[spmem:s2] =	stream.indirect.scatter.add.f32 [tilespmem:s18], [sflag:$0x2], $0x80, s30, s6, $0xb8;
	[tilespmem:$0x1B800] =	vst v63  }
0xcc: {  	_ =	swait.ge [sflag:s1], $0x1000  }
0xcd: {  	[sflag:s1] =	ssyncset.done $0x0  }
0xce: {  	s23 =	simm.s32 $0x780;
	[sflag:s1] =	ssyncadd.s32 $0xFFFFF000  }
0xcf: {  	[spmem:s2] =	stream.indirect.scatter.add.f32 [tilespmem:s20], [sflag:$0x2], $0x80, s23, s6, $0xb8;
	[tilespmem:$0x1B800] =	vst v63  }
0xd0: {  	s5 =	simm.s32 $0x80;
	_ =	swait.ge [sflag:s1], $0x1000  }
0xd1: {  	s23 =	simm.s32 $0x100;
	s7 =	rddreg [dreg:$0x3];
	[sflag:s1] =	ssyncset.done $0x0  }
.LBB2_4:
0xd2: {  	[sflag:s1] =	ssyncadd.s32 $0xFFFFF000;
	s7 =	sadd.s32 s5, s7  }
0xd3: {  	[tilespmem:s3], [sflag:$0x2] =	stream.linear.gather [hbm4b:s7+s3], $0x400, $0x38;
	[tilespmem:$0x1B800] =	vst v63  }
0xd4: {  	_ =	swait.ge [sflag:s1], $0x400  }
0xd5: {  	s7 =	rddreg [dreg:$0x4];
	[sflag:s1] =	ssyncset.done $0x0  }
0xd6: {  	[sflag:s1] =	ssyncadd.s32 $0xFFFFFC00;
	s7 =	sadd.s32 s5, s7  }
0xd7: {  	[tilespmem:s0], [sflag:$0x2] =	stream.linear.gather [hbm4b:s7+s3], $0x400, $0x38;
	[tilespmem:$0x1B800] =	vst v63  }
0xd8: {  	_ =	swait.ge [sflag:s1], $0x400  }
0xd9: {  	[sflag:s1] =	ssyncset.done $0x0  }
0xda: {  	s9 =	smov.u32 s23;
	[sflag:s1] =	ssyncadd.s32 $0xFFFFFC00  }
0xdb: {  	[tilespmem:s31], [sflag:$0x1] =	stream.indirect.gather [hbm4b:s4+s6], $0x80, s3, s6, $0xb8;
	[tilespmem:$0x1B800] =	vst v63  }
0xdc: {  	s5 =	smov.u32 s9;
	s9 =	simm.s32 $0x80  }
0xdd: {  	[tilespmem:s8], [sflag:$0x1] =	stream.indirect.gather [hbm4b:s4+s6], $0x80, s9, s6, $0xb8;
	[tilespmem:$0x1B800] =	vst v63  }
0xde: {  	_ = 	snop  }
0xdf: {  	[tilespmem:s10], [sflag:$0x1] =	stream.indirect.gather [hbm4b:s4+s6], $0x80, s11, s6, $0xb8;
	[tilespmem:$0x1B800] =	vst v63  }
0xe0: {  	_ = 	snop  }
0xe1: {  	[tilespmem:s12], [sflag:$0x1] =	stream.indirect.gather [hbm4b:s4+s6], $0x80, s13, s6, $0xb8;
	[tilespmem:$0x1B800] =	vst v63  }
0xe2: {  	_ = 	snop  }
0xe3: {  	[tilespmem:s14], [sflag:$0x1] =	stream.indirect.gather [hbm4b:s4+s6], $0x80, s15, s6, $0xb8;
	[tilespmem:$0x1B800] =	vst v63  }
0xe4: {  	_ = 	snop  }
0xe5: {  	[tilespmem:s16], [sflag:$0x1] =	stream.indirect.gather [hbm4b:s4+s6], $0x80, s17, s6, $0xb8;
	[tilespmem:$0x1B800] =	vst v63  }
0xe6: {  	_ = 	snop  }
0xe7: {  	[tilespmem:s18], [sflag:$0x1] =	stream.indirect.gather [hbm4b:s4+s6], $0x80, s19, s6, $0xb8;
	[tilespmem:$0x1B800] =	vst v63  }
0xe8: {  	_ = 	snop  }
0xe9: {  	[tilespmem:s20], [sflag:$0x1] =	stream.indirect.gather [hbm4b:s4+s6], $0x80, s22, s6, $0xb8;
	[tilespmem:$0x1B800] =	vst v63  }
0xea: {  	_ =	swait.ge [sflag:s21], $0x1000  }
0xeb: {  	[sflag:s21] =	ssyncset.done $0x0  }
0xec: {  	[sflag:s21] =	ssyncadd.s32 $0xFFFFF000  }
0xed: {  	_ =	swait.ge [sflag:s21], $0x1000  }
0xee: {  	[sflag:s21] =	ssyncset.done $0x0  }
0xef: {  	[sflag:s21] =	ssyncadd.s32 $0xFFFFF000  }
0xf0: {  	_ =	swait.ge [sflag:s21], $0x1000  }
0xf1: {  	[sflag:s21] =	ssyncset.done $0x0  }
0xf2: {  	[sflag:s21] =	ssyncadd.s32 $0xFFFFF000  }
0xf3: {  	_ =	swait.ge [sflag:s21], $0x1000  }
0xf4: {  	[sflag:s21] =	ssyncset.done $0x0  }
0xf5: {  	[sflag:s21] =	ssyncadd.s32 $0xFFFFF000  }
0xf6: {  	_ =	swait.ge [sflag:s21], $0x1000  }
0xf7: {  	[sflag:s21] =	ssyncset.done $0x0  }
0xf8: {  	[sflag:s21] =	ssyncadd.s32 $0xFFFFF000  }
0xf9: {  	_ =	swait.ge [sflag:s21], $0x1000  }
0xfa: {  	[sflag:s21] =	ssyncset.done $0x0  }
0xfb: {  	[sflag:s21] =	ssyncadd.s32 $0xFFFFF000  }
0xfc: {  	_ =	swait.ge [sflag:s21], $0x1000  }
0xfd: {  	[sflag:s21] =	ssyncset.done $0x0  }
0xfe: {  	[sflag:s21] =	ssyncadd.s32 $0xFFFFF000  }
0xff: {  	_ =	swait.ge [sflag:s21], $0x1000  }
0x100: {  	[sflag:s21] =	ssyncset.done $0x0  }
0x101: {  	[sflag:s21] =	ssyncadd.s32 $0xFFFFF000  }
0x102: {  	[spmem:s2] =	stream.indirect.scatter.add.f32 [tilespmem:s31], [sflag:$0x2], $0x80, s0, s6, $0xb8;
	[tilespmem:$0x1B800] =	vst v63  }
0x103: {  	_ =	swait.ge [sflag:s1], $0x1000  }
0x104: {  	[sflag:s1] =	ssyncset.done $0x0  }
0x105: {  	[sflag:s1] =	ssyncadd.s32 $0xFFFFF000  }
0x106: {  	[spmem:s2] =	stream.indirect.scatter.add.f32 [tilespmem:s8], [sflag:$0x2], $0x80, s24, s6, $0xb8;
	[tilespmem:$0x1B800] =	vst v63  }
0x107: {  	_ =	swait.ge [sflag:s1], $0x1000  }
0x108: {  	[sflag:s1] =	ssyncset.done $0x0  }
0x109: {  	[sflag:s1] =	ssyncadd.s32 $0xFFFFF000  }
0x10a: {  	[spmem:s2] =	stream.indirect.scatter.add.f32 [tilespmem:s10], [sflag:$0x2], $0x80, s25, s6, $0xb8;
	[tilespmem:$0x1B800] =	vst v63  }
0x10b: {  	_ =	swait.ge [sflag:s1], $0x1000  }
0x10c: {  	[sflag:s1] =	ssyncset.done $0x0  }
0x10d: {  	[sflag:s1] =	ssyncadd.s32 $0xFFFFF000  }
0x10e: {  	[spmem:s2] =	stream.indirect.scatter.add.f32 [tilespmem:s12], [sflag:$0x2], $0x80, s26, s6, $0xb8;
	[tilespmem:$0x1B800] =	vst v63  }
0x10f: {  	_ =	swait.ge [sflag:s1], $0x1000  }
0x110: {  	[sflag:s1] =	ssyncset.done $0x0  }
0x111: {  	[sflag:s1] =	ssyncadd.s32 $0xFFFFF000  }
0x112: {  	[spmem:s2] =	stream.indirect.scatter.add.f32 [tilespmem:s14], [sflag:$0x2], $0x80, s28, s6, $0xb8;
	[tilespmem:$0x1B800] =	vst v63  }
0x113: {  	_ =	swait.ge [sflag:s1], $0x1000  }
0x114: {  	[sflag:s1] =	ssyncset.done $0x0  }
0x115: {  	[sflag:s1] =	ssyncadd.s32 $0xFFFFF000  }
0x116: {  	[spmem:s2] =	stream.indirect.scatter.add.f32 [tilespmem:s16], [sflag:$0x2], $0x80, s29, s6, $0xb8;
	[tilespmem:$0x1B800] =	vst v63  }
0x117: {  	_ =	swait.ge [sflag:s1], $0x1000  }
0x118: {  	[sflag:s1] =	ssyncset.done $0x0  }
0x119: {  	[sflag:s1] =	ssyncadd.s32 $0xFFFFF000  }
0x11a: {  	[spmem:s2] =	stream.indirect.scatter.add.f32 [tilespmem:s18], [sflag:$0x2], $0x80, s30, s6, $0xb8;
	[tilespmem:$0x1B800] =	vst v63  }
0x11b: {  	p0 =	sne.s32 s23, $0x1380;
	_ =	swait.ge [sflag:s1], $0x1000  }
.Ltmp1:
0x11c: {  	[sflag:s1] =	ssyncset.done $0x0;
	(pc) =	sbr.rel @p0 .LBB2_4-.Ltmp1, $4  }
0x11d: {  	s7 =	simm.s32 $0x780;
	[sflag:s1] =	ssyncadd.s32 $0xFFFFF000  }
0x11e: {  	[spmem:s2] =	stream.indirect.scatter.add.f32 [tilespmem:s20], [sflag:$0x2], $0x80, s7, s6, $0xb8;
	[tilespmem:$0x1B800] =	vst v63  }
0x11f: {  	_ =	swait.ge [sflag:s1], $0x1000  }
0x120: {  	s23 =	sadd.s32 $0x80, s23;
	s7 =	rddreg [dreg:$0x3];
	[sflag:s1] =	ssyncset.done $0x0  }
0x121: {  	[sflag:s1] =	ssyncadd.s32 $0xFFFFF000;
	s7 =	sadd.s32 s5, s7  }
0x122: {  	[tilespmem:s3], [sflag:$0x2] =	stream.linear.gather [hbm4b:s7+s3], $0x400, $0x38;
	[tilespmem:$0x1B800] =	vst v63  }
0x123: {  	_ =	swait.ge [sflag:s1], $0x400  }
0x124: {  	s23 =	rddreg [dreg:$0x4];
	[sflag:s1] =	ssyncset.done $0x0  }
0x125: {  	[sflag:s1] =	ssyncadd.s32 $0xFFFFFC00;
	s23 =	sadd.s32 s5, s23  }
0x126: {  	[tilespmem:s0], [sflag:$0x2] =	stream.linear.gather [hbm4b:s23+s3], $0x400, $0x38;
	[tilespmem:$0x1B800] =	vst v63  }
0x127: {  	_ =	swait.ge [sflag:s1], $0x400  }
0x128: {  	[sflag:s1] =	ssyncset.done $0x0  }
0x129: {  	[sflag:s1] =	ssyncadd.s32 $0xFFFFFC00  }
0x12a: {  	[tilespmem:s31], [sflag:$0x1] =	stream.indirect.gather [hbm4b:s4+s6], $0x80, s3, s6, $0xb8;
	[tilespmem:$0x1B800] =	vst v63  }
0x12b: {  	_ = 	snop  }
0x12c: {  	[tilespmem:s8], [sflag:$0x1] =	stream.indirect.gather [hbm4b:s4+s6], $0x80, s9, s6, $0xb8;
	[tilespmem:$0x1B800] =	vst v63  }
0x12d: {  	_ = 	snop  }
0x12e: {  	[tilespmem:s10], [sflag:$0x1] =	stream.indirect.gather [hbm4b:s4+s6], $0x80, s11, s6, $0xb8;
	[tilespmem:$0x1B800] =	vst v63  }
0x12f: {  	_ = 	snop  }
0x130: {  	[tilespmem:s12], [sflag:$0x1] =	stream.indirect.gather [hbm4b:s4+s6], $0x80, s13, s6, $0xb8;
	[tilespmem:$0x1B800] =	vst v63  }
0x131: {  	_ = 	snop  }
0x132: {  	[tilespmem:s14], [sflag:$0x1] =	stream.indirect.gather [hbm4b:s4+s6], $0x80, s15, s6, $0xb8;
	[tilespmem:$0x1B800] =	vst v63  }
0x133: {  	_ = 	snop  }
0x134: {  	[tilespmem:s16], [sflag:$0x1] =	stream.indirect.gather [hbm4b:s4+s6], $0x80, s17, s6, $0xb8;
	[tilespmem:$0x1B800] =	vst v63  }
0x135: {  	_ = 	snop  }
0x136: {  	[tilespmem:s18], [sflag:$0x1] =	stream.indirect.gather [hbm4b:s4+s6], $0x80, s19, s6, $0xb8;
	[tilespmem:$0x1B800] =	vst v63  }
0x137: {  	_ = 	snop  }
0x138: {  	[tilespmem:s20], [sflag:$0x1] =	stream.indirect.gather [hbm4b:s4+s6], $0x80, s22, s6, $0xb8;
	[tilespmem:$0x1B800] =	vst v63  }
0x139: {  	_ =	swait.ge [sflag:s21], $0x1000  }
0x13a: {  	[sflag:s21] =	ssyncset.done $0x0  }
0x13b: {  	[sflag:s21] =	ssyncadd.s32 $0xFFFFF000  }
0x13c: {  	_ =	swait.ge [sflag:s21], $0x1000  }
0x13d: {  	[sflag:s21] =	ssyncset.done $0x0  }
0x13e: {  	[sflag:s21] =	ssyncadd.s32 $0xFFFFF000  }
0x13f: {  	_ =	swait.ge [sflag:s21], $0x1000  }
0x140: {  	[sflag:s21] =	ssyncset.done $0x0  }
0x141: {  	[sflag:s21] =	ssyncadd.s32 $0xFFFFF000  }
0x142: {  	_ =	swait.ge [sflag:s21], $0x1000  }
0x143: {  	[sflag:s21] =	ssyncset.done $0x0  }
0x144: {  	[sflag:s21] =	ssyncadd.s32 $0xFFFFF000  }
0x145: {  	_ =	swait.ge [sflag:s21], $0x1000  }
0x146: {  	[sflag:s21] =	ssyncset.done $0x0  }
0x147: {  	[sflag:s21] =	ssyncadd.s32 $0xFFFFF000  }
0x148: {  	_ =	swait.ge [sflag:s21], $0x1000  }
0x149: {  	[sflag:s21] =	ssyncset.done $0x0  }
0x14a: {  	[sflag:s21] =	ssyncadd.s32 $0xFFFFF000  }
0x14b: {  	_ =	swait.ge [sflag:s21], $0x1000  }
0x14c: {  	[sflag:s21] =	ssyncset.done $0x0  }
0x14d: {  	[sflag:s21] =	ssyncadd.s32 $0xFFFFF000  }
0x14e: {  	_ =	swait.ge [sflag:s21], $0x1000  }
0x14f: {  	[sflag:s21] =	ssyncset.done $0x0  }
0x150: {  	[sflag:s21] =	ssyncadd.s32 $0xFFFFF000  }
0x151: {  	[spmem:s2] =	stream.indirect.scatter.add.f32 [tilespmem:s31], [sflag:$0x2], $0x80, s0, s6, $0xb8;
	[tilespmem:$0x1B800] =	vst v63  }
0x152: {  	_ =	swait.ge [sflag:s1], $0x1000  }
0x153: {  	[sflag:s1] =	ssyncset.done $0x0  }
0x154: {  	[sflag:s1] =	ssyncadd.s32 $0xFFFFF000  }
0x155: {  	[spmem:s2] =	stream.indirect.scatter.add.f32 [tilespmem:s8], [sflag:$0x2], $0x80, s24, s6, $0xb8;
	[tilespmem:$0x1B800] =	vst v63  }
0x156: {  	_ =	swait.ge [sflag:s1], $0x1000  }
0x157: {  	[sflag:s1] =	ssyncset.done $0x0  }
0x158: {  	[sflag:s1] =	ssyncadd.s32 $0xFFFFF000  }
0x159: {  	[spmem:s2] =	stream.indirect.scatter.add.f32 [tilespmem:s10], [sflag:$0x2], $0x80, s25, s6, $0xb8;
	[tilespmem:$0x1B800] =	vst v63  }
0x15a: {  	_ =	swait.ge [sflag:s1], $0x1000  }
0x15b: {  	[sflag:s1] =	ssyncset.done $0x0  }
0x15c: {  	[sflag:s1] =	ssyncadd.s32 $0xFFFFF000  }
0x15d: {  	[spmem:s2] =	stream.indirect.scatter.add.f32 [tilespmem:s12], [sflag:$0x2], $0x80, s26, s6, $0xb8;
	[tilespmem:$0x1B800] =	vst v63  }
0x15e: {  	_ =	swait.ge [sflag:s1], $0x1000  }
0x15f: {  	[sflag:s1] =	ssyncset.done $0x0  }
0x160: {  	[sflag:s1] =	ssyncadd.s32 $0xFFFFF000  }
0x161: {  	[spmem:s2] =	stream.indirect.scatter.add.f32 [tilespmem:s14], [sflag:$0x2], $0x80, s28, s6, $0xb8;
	[tilespmem:$0x1B800] =	vst v63  }
0x162: {  	_ =	swait.ge [sflag:s1], $0x1000  }
0x163: {  	[sflag:s1] =	ssyncset.done $0x0  }
0x164: {  	[sflag:s1] =	ssyncadd.s32 $0xFFFFF000  }
0x165: {  	[spmem:s2] =	stream.indirect.scatter.add.f32 [tilespmem:s16], [sflag:$0x2], $0x80, s29, s6, $0xb8;
	[tilespmem:$0x1B800] =	vst v63  }
0x166: {  	_ =	swait.ge [sflag:s1], $0x1000  }
0x167: {  	[sflag:s1] =	ssyncset.done $0x0  }
0x168: {  	[sflag:s1] =	ssyncadd.s32 $0xFFFFF000  }
0x169: {  	[spmem:s2] =	stream.indirect.scatter.add.f32 [tilespmem:s18], [sflag:$0x2], $0x80, s30, s6, $0xb8;
	[tilespmem:$0x1B800] =	vst v63  }
0x16a: {  	_ =	swait.ge [sflag:s1], $0x1000  }
0x16b: {  	[sflag:s1] =	ssyncset.done $0x0  }
0x16c: {  	s25 =	simm.s32 $0x780;
	[sflag:s1] =	ssyncadd.s32 $0xFFFFF000  }
0x16d: {  	[spmem:s2] =	stream.indirect.scatter.add.f32 [tilespmem:s20], [sflag:$0x2], $0x80, s25, s6, $0xb8;
	[tilespmem:$0x1B800] =	vst v63  }
0x16e: {  	_ =	swait.ge [sflag:s1], $0x1000  }
0x16f: {  	[sflag:s1] =	ssyncset.done $0x0  }
0x170: {  	[sflag:s1] =	ssyncadd.s32 $0xFFFFF000  }
0x171: {  	s26 =	stileid.u32;
	[bflag:$0x0] =	sbarrier.arrive $0xFFFF  }
0x172: {  	s5 =	sshll.u32 s26, $0x6;
	s29 =	rddreg [dreg:$0x7]  }
0x173: {  	s28 =	sor.u32 $0x1C02, s5;
	s30 =	rddreg [dreg:$0x16]  }
0x174: {  	[smem:$0x7FC] =	sst s28;
	s5 =	sshrl.u32 s29, $0x3  }
0x175: {  	[hbm:s30], [sflag:s28] =	dma.local [spmem:s5], $0x2600  }
0x176: {  	_ =	swait.ge [sflag:s1], $0x2600  }
0x177: {  	[sflag:s1] =	ssyncset.done $0x0  }
0x178: {  	[sflag:s1] =	ssyncadd.s32 $0xFFFFDA00  }
0x179: {  	s23 =	simm.s32 $0x200;
	s5 =	simm.s32 $0x0;
	[bflag:$0x0] =	sbarrier.arrive $0xFFFF  }
.LBB2_6:
0x17a: {  	p0 =	sne.s32 s23, $0x3E00;
	[tilespmem:s5+$0x870] =	vst v0  }
0x17b: {  	[tilespmem:s5+$0x800] =	vst v0  }
0x17c: {  	[tilespmem:s5+$0x810] =	vst v0  }
.Ltmp2:
0x17d: {  	[tilespmem:s5+$0x820] =	vst v0;
	(pc) =	sbr.rel @p0 .LBB2_6-.Ltmp2, $4  }
0x17e: {  	[tilespmem:s5+$0x830] =	vst v0  }
0x17f: {  	[tilespmem:s5+$0x840] =	vst v0  }
0x180: {  	[tilespmem:s5+$0x850] =	vst v0  }
0x181: {  	[tilespmem:s5+$0x860] =	vst v0;
	s5 =	sshra.s32 s23, $0x2;
	s23 =	sadd.s32 $0x200, s23  }
0x182: {  	[tilespmem:s5+$0x870] =	vst v0  }
0x183: {  	[tilespmem:s5+$0x800] =	vst v0  }
0x184: {  	[tilespmem:s5+$0x810] =	vst v0  }
0x185: {  	[tilespmem:s5+$0x820] =	vst v0  }
0x186: {  	[tilespmem:s5+$0x830] =	vst v0  }
0x187: {  	[tilespmem:s5+$0x840] =	vst v0  }
0x188: {  	[tilespmem:s5+$0x850] =	vst v0  }
0x189: {  	[tilespmem:s5+$0x860] =	vst v0;
	s15 =	rddreg [dreg:$0x19]  }
0x18a: {  	[spmem:s15] =	stream.linear.scatter [tilespmem:s31], [sflag:$0x2], $0x1000, $0x38;
	[tilespmem:$0x1B800] =	vst v63  }
0x18b: {  	_ =	swait.ge [sflag:s1], $0x1000  }
0x18c: {  	[sflag:s1] =	ssyncset.done $0x0  }
0x18d: {  	s17 =	rddreg [dreg:$0x1f];
	[sflag:s1] =	ssyncadd.s32 $0xFFFFF000  }
0x18e: {  	[spmem:s17] =	stream.linear.scatter [tilespmem:s31], [sflag:$0x2], $0x80, $0x38;
	[tilespmem:$0x1B800] =	vst v63  }
0x18f: {  	_ =	swait.ge [sflag:s1], $0x80  }
0x190: {  	[sflag:s1] =	ssyncset.done $0x0  }
0x191: {  	[sflag:s1] =	ssyncadd.s32 $0xFFFFFF80  }
0x192: {  	[bflag:$0x0] =	sbarrier.arrive $0xFFFF  }
0x193: {  	s19 =	rddreg [dreg:$0x5]  }
0x194: {  	s5 =	sadd.s32 $0x0, s19  }
0x195: {  	[tilespmem:s3], [sflag:$0x2] =	stream.linear.gather [hbm4b:s5+s3], $0x400, $0x38;
	[tilespmem:$0x1B800] =	vst v63  }
0x196: {  	_ =	swait.ge [sflag:s1], $0x400  }
0x197: {  	s22 =	rddreg [dreg:$0x6];
	[sflag:s1] =	ssyncset.done $0x0  }
0x198: {  	[sflag:s1] =	ssyncadd.s32 $0xFFFFFC00;
	s5 =	sadd.s32 $0x0, s22  }
0x199: {  	[tilespmem:s0], [sflag:$0x2] =	stream.linear.gather [hbm4b:s5+s3], $0x400, $0x38;
	[tilespmem:$0x1B800] =	vst v63  }
0x19a: {  	_ =	swait.ge [sflag:s1], $0x400  }
0x19b: {  	[sflag:s1] =	ssyncset.done $0x0  }
0x19c: {  	[sflag:s1] =	ssyncadd.s32 $0xFFFFFC00  }
0x19d: {  	[tilespmem:s31], [sflag:$0x1] =	stream.indirect.gather [hbm4b:s4+s6], $0x80, s3, s6, $0xb8;
	[tilespmem:$0x1B800] =	vst v63  }
0x19e: {  	_ = 	snop  }
0x19f: {  	[tilespmem:s8], [sflag:$0x1] =	stream.indirect.gather [hbm4b:s4+s6], $0x80, s9, s6, $0xb8;
	[tilespmem:$0x1B800] =	vst v63  }
0x1a0: {  	s11 =	simm.s32 $0x100  }
0x1a1: {  	[tilespmem:s10], [sflag:$0x1] =	stream.indirect.gather [hbm4b:s4+s6], $0x80, s11, s6, $0xb8;
	[tilespmem:$0x1B800] =	vst v63  }
0x1a2: {  	s13 =	simm.s32 $0x180  }
0x1a3: {  	[tilespmem:s12], [sflag:$0x1] =	stream.indirect.gather [hbm4b:s4+s6], $0x80, s13, s6, $0xb8;
	[tilespmem:$0x1B800] =	vst v63  }
0x1a4: {  	s15 =	simm.s32 $0x200  }
0x1a5: {  	[tilespmem:s14], [sflag:$0x1] =	stream.indirect.gather [hbm4b:s4+s6], $0x80, s15, s6, $0xb8;
	[tilespmem:$0x1B800] =	vst v63  }
0x1a6: {  	s17 =	simm.s32 $0x280  }
0x1a7: {  	[tilespmem:s16], [sflag:$0x1] =	stream.indirect.gather [hbm4b:s4+s6], $0x80, s17, s6, $0xb8;
	[tilespmem:$0x1B800] =	vst v63  }
0x1a8: {  	s19 =	simm.s32 $0x300  }
0x1a9: {  	[tilespmem:s18], [sflag:$0x1] =	stream.indirect.gather [hbm4b:s4+s6], $0x80, s19, s6, $0xb8;
	[tilespmem:$0x1B800] =	vst v63  }
0x1aa: {  	s22 =	simm.s32 $0x380  }
0x1ab: {  	[tilespmem:s20], [sflag:$0x1] =	stream.indirect.gather [hbm4b:s4+s6], $0x80, s22, s6, $0xb8;
	[tilespmem:$0x1B800] =	vst v63  }
0x1ac: {  	_ =	swait.ge [sflag:s21], $0x1000  }
0x1ad: {  	[sflag:s21] =	ssyncset.done $0x0  }
0x1ae: {  	[sflag:s21] =	ssyncadd.s32 $0xFFFFF000  }
0x1af: {  	_ =	swait.ge [sflag:s21], $0x1000  }
0x1b0: {  	[sflag:s21] =	ssyncset.done $0x0  }
0x1b1: {  	[sflag:s21] =	ssyncadd.s32 $0xFFFFF000  }
0x1b2: {  	_ =	swait.ge [sflag:s21], $0x1000  }
0x1b3: {  	[sflag:s21] =	ssyncset.done $0x0  }
0x1b4: {  	[sflag:s21] =	ssyncadd.s32 $0xFFFFF000  }
0x1b5: {  	_ =	swait.ge [sflag:s21], $0x1000  }
0x1b6: {  	[sflag:s21] =	ssyncset.done $0x0  }
0x1b7: {  	[sflag:s21] =	ssyncadd.s32 $0xFFFFF000  }
0x1b8: {  	_ =	swait.ge [sflag:s21], $0x1000  }
0x1b9: {  	[sflag:s21] =	ssyncset.done $0x0  }
0x1ba: {  	[sflag:s21] =	ssyncadd.s32 $0xFFFFF000  }
0x1bb: {  	_ =	swait.ge [sflag:s21], $0x1000  }
0x1bc: {  	[sflag:s21] =	ssyncset.done $0x0  }
0x1bd: {  	[sflag:s21] =	ssyncadd.s32 $0xFFFFF000  }
0x1be: {  	_ =	swait.ge [sflag:s21], $0x1000  }
0x1bf: {  	[sflag:s21] =	ssyncset.done $0x0  }
0x1c0: {  	[sflag:s21] =	ssyncadd.s32 $0xFFFFF000  }
0x1c1: {  	_ =	swait.ge [sflag:s21], $0x1000  }
0x1c2: {  	[sflag:s21] =	ssyncset.done $0x0  }
0x1c3: {  	[sflag:s21] =	ssyncadd.s32 $0xFFFFF000  }
0x1c4: {  	[spmem:s2] =	stream.indirect.scatter.add.f32 [tilespmem:s31], [sflag:$0x2], $0x80, s0, s6, $0xb8;
	[tilespmem:$0x1B800] =	vst v63  }
0x1c5: {  	_ =	swait.ge [sflag:s1], $0x1000  }
0x1c6: {  	[sflag:s1] =	ssyncset.done $0x0  }
0x1c7: {  	s24 =	simm.s32 $0x480;
	[sflag:s1] =	ssyncadd.s32 $0xFFFFF000  }
0x1c8: {  	[spmem:s2] =	stream.indirect.scatter.add.f32 [tilespmem:s8], [sflag:$0x2], $0x80, s24, s6, $0xb8;
	[tilespmem:$0x1B800] =	vst v63  }
0x1c9: {  	_ =	swait.ge [sflag:s1], $0x1000  }
0x1ca: {  	[sflag:s1] =	ssyncset.done $0x0  }
0x1cb: {  	s25 =	simm.s32 $0x500;
	[sflag:s1] =	ssyncadd.s32 $0xFFFFF000  }
0x1cc: {  	[spmem:s2] =	stream.indirect.scatter.add.f32 [tilespmem:s10], [sflag:$0x2], $0x80, s25, s6, $0xb8;
	[tilespmem:$0x1B800] =	vst v63  }
0x1cd: {  	_ =	swait.ge [sflag:s1], $0x1000  }
0x1ce: {  	[sflag:s1] =	ssyncset.done $0x0  }
0x1cf: {  	s26 =	simm.s32 $0x580;
	[sflag:s1] =	ssyncadd.s32 $0xFFFFF000  }
0x1d0: {  	[spmem:s2] =	stream.indirect.scatter.add.f32 [tilespmem:s12], [sflag:$0x2], $0x80, s26, s6, $0xb8;
	[tilespmem:$0x1B800] =	vst v63  }
0x1d1: {  	_ =	swait.ge [sflag:s1], $0x1000  }
0x1d2: {  	[sflag:s1] =	ssyncset.done $0x0  }
0x1d3: {  	s28 =	simm.s32 $0x600;
	[sflag:s1] =	ssyncadd.s32 $0xFFFFF000  }
0x1d4: {  	[spmem:s2] =	stream.indirect.scatter.add.f32 [tilespmem:s14], [sflag:$0x2], $0x80, s28, s6, $0xb8;
	[tilespmem:$0x1B800] =	vst v63  }
0x1d5: {  	_ =	swait.ge [sflag:s1], $0x1000  }
0x1d6: {  	[sflag:s1] =	ssyncset.done $0x0  }
0x1d7: {  	s29 =	simm.s32 $0x680;
	[sflag:s1] =	ssyncadd.s32 $0xFFFFF000  }
0x1d8: {  	[spmem:s2] =	stream.indirect.scatter.add.f32 [tilespmem:s16], [sflag:$0x2], $0x80, s29, s6, $0xb8;
	[tilespmem:$0x1B800] =	vst v63  }
0x1d9: {  	_ =	swait.ge [sflag:s1], $0x1000  }
0x1da: {  	[sflag:s1] =	ssyncset.done $0x0  }
0x1db: {  	s30 =	simm.s32 $0x700;
	[sflag:s1] =	ssyncadd.s32 $0xFFFFF000  }
0x1dc: {  	[spmem:s2] =	stream.indirect.scatter.add.f32 [tilespmem:s18], [sflag:$0x2], $0x80, s30, s6, $0xb8;
	[tilespmem:$0x1B800] =	vst v63  }
0x1dd: {  	_ =	swait.ge [sflag:s1], $0x1000  }
0x1de: {  	[sflag:s1] =	ssyncset.done $0x0  }
0x1df: {  	s23 =	simm.s32 $0x780;
	[sflag:s1] =	ssyncadd.s32 $0xFFFFF000  }
0x1e0: {  	[spmem:s2] =	stream.indirect.scatter.add.f32 [tilespmem:s20], [sflag:$0x2], $0x80, s23, s6, $0xb8;
	[tilespmem:$0x1B800] =	vst v63  }
0x1e1: {  	s5 =	simm.s32 $0x80;
	_ =	swait.ge [sflag:s1], $0x1000  }
0x1e2: {  	s23 =	simm.s32 $0x100;
	s7 =	rddreg [dreg:$0x5];
	[sflag:s1] =	ssyncset.done $0x0  }
.LBB2_8:
0x1e3: {  	[sflag:s1] =	ssyncadd.s32 $0xFFFFF000;
	s7 =	sadd.s32 s5, s7  }
0x1e4: {  	[tilespmem:s3], [sflag:$0x2] =	stream.linear.gather [hbm4b:s7+s3], $0x400, $0x38;
	[tilespmem:$0x1B800] =	vst v63  }
0x1e5: {  	_ =	swait.ge [sflag:s1], $0x400  }
0x1e6: {  	s7 =	rddreg [dreg:$0x6];
	[sflag:s1] =	ssyncset.done $0x0  }
0x1e7: {  	[sflag:s1] =	ssyncadd.s32 $0xFFFFFC00;
	s7 =	sadd.s32 s5, s7  }
0x1e8: {  	[tilespmem:s0], [sflag:$0x2] =	stream.linear.gather [hbm4b:s7+s3], $0x400, $0x38;
	[tilespmem:$0x1B800] =	vst v63  }
0x1e9: {  	_ =	swait.ge [sflag:s1], $0x400  }
0x1ea: {  	[sflag:s1] =	ssyncset.done $0x0  }
0x1eb: {  	s9 =	smov.u32 s23;
	[sflag:s1] =	ssyncadd.s32 $0xFFFFFC00  }
0x1ec: {  	[tilespmem:s31], [sflag:$0x1] =	stream.indirect.gather [hbm4b:s4+s6], $0x80, s3, s6, $0xb8;
	[tilespmem:$0x1B800] =	vst v63  }
0x1ed: {  	s5 =	smov.u32 s9;
	s9 =	simm.s32 $0x80  }
0x1ee: {  	[tilespmem:s8], [sflag:$0x1] =	stream.indirect.gather [hbm4b:s4+s6], $0x80, s9, s6, $0xb8;
	[tilespmem:$0x1B800] =	vst v63  }
0x1ef: {  	_ = 	snop  }
0x1f0: {  	[tilespmem:s10], [sflag:$0x1] =	stream.indirect.gather [hbm4b:s4+s6], $0x80, s11, s6, $0xb8;
	[tilespmem:$0x1B800] =	vst v63  }
0x1f1: {  	_ = 	snop  }
0x1f2: {  	[tilespmem:s12], [sflag:$0x1] =	stream.indirect.gather [hbm4b:s4+s6], $0x80, s13, s6, $0xb8;
	[tilespmem:$0x1B800] =	vst v63  }
0x1f3: {  	_ = 	snop  }
0x1f4: {  	[tilespmem:s14], [sflag:$0x1] =	stream.indirect.gather [hbm4b:s4+s6], $0x80, s15, s6, $0xb8;
	[tilespmem:$0x1B800] =	vst v63  }
0x1f5: {  	_ = 	snop  }
0x1f6: {  	[tilespmem:s16], [sflag:$0x1] =	stream.indirect.gather [hbm4b:s4+s6], $0x80, s17, s6, $0xb8;
	[tilespmem:$0x1B800] =	vst v63  }
0x1f7: {  	_ = 	snop  }
0x1f8: {  	[tilespmem:s18], [sflag:$0x1] =	stream.indirect.gather [hbm4b:s4+s6], $0x80, s19, s6, $0xb8;
	[tilespmem:$0x1B800] =	vst v63  }
0x1f9: {  	_ = 	snop  }
0x1fa: {  	[tilespmem:s20], [sflag:$0x1] =	stream.indirect.gather [hbm4b:s4+s6], $0x80, s22, s6, $0xb8;
	[tilespmem:$0x1B800] =	vst v63  }
0x1fb: {  	_ =	swait.ge [sflag:s21], $0x1000  }
0x1fc: {  	[sflag:s21] =	ssyncset.done $0x0  }
0x1fd: {  	[sflag:s21] =	ssyncadd.s32 $0xFFFFF000  }
0x1fe: {  	_ =	swait.ge [sflag:s21], $0x1000  }
0x1ff: {  	[sflag:s21] =	ssyncset.done $0x0  }
0x200: {  	[sflag:s21] =	ssyncadd.s32 $0xFFFFF000  }
0x201: {  	_ =	swait.ge [sflag:s21], $0x1000  }
0x202: {  	[sflag:s21] =	ssyncset.done $0x0  }
0x203: {  	[sflag:s21] =	ssyncadd.s32 $0xFFFFF000  }
0x204: {  	_ =	swait.ge [sflag:s21], $0x1000  }
0x205: {  	[sflag:s21] =	ssyncset.done $0x0  }
0x206: {  	[sflag:s21] =	ssyncadd.s32 $0xFFFFF000  }
0x207: {  	_ =	swait.ge [sflag:s21], $0x1000  }
0x208: {  	[sflag:s21] =	ssyncset.done $0x0  }
0x209: {  	[sflag:s21] =	ssyncadd.s32 $0xFFFFF000  }
0x20a: {  	_ =	swait.ge [sflag:s21], $0x1000  }
0x20b: {  	[sflag:s21] =	ssyncset.done $0x0  }
0x20c: {  	[sflag:s21] =	ssyncadd.s32 $0xFFFFF000  }
0x20d: {  	_ =	swait.ge [sflag:s21], $0x1000  }
0x20e: {  	[sflag:s21] =	ssyncset.done $0x0  }
0x20f: {  	[sflag:s21] =	ssyncadd.s32 $0xFFFFF000  }
0x210: {  	_ =	swait.ge [sflag:s21], $0x1000  }
0x211: {  	[sflag:s21] =	ssyncset.done $0x0  }
0x212: {  	[sflag:s21] =	ssyncadd.s32 $0xFFFFF000  }
0x213: {  	[spmem:s2] =	stream.indirect.scatter.add.f32 [tilespmem:s31], [sflag:$0x2], $0x80, s0, s6, $0xb8;
	[tilespmem:$0x1B800] =	vst v63  }
0x214: {  	_ =	swait.ge [sflag:s1], $0x1000  }
0x215: {  	[sflag:s1] =	ssyncset.done $0x0  }
0x216: {  	[sflag:s1] =	ssyncadd.s32 $0xFFFFF000  }
0x217: {  	[spmem:s2] =	stream.indirect.scatter.add.f32 [tilespmem:s8], [sflag:$0x2], $0x80, s24, s6, $0xb8;
	[tilespmem:$0x1B800] =	vst v63  }
0x218: {  	_ =	swait.ge [sflag:s1], $0x1000  }
0x219: {  	[sflag:s1] =	ssyncset.done $0x0  }
0x21a: {  	[sflag:s1] =	ssyncadd.s32 $0xFFFFF000  }
0x21b: {  	[spmem:s2] =	stream.indirect.scatter.add.f32 [tilespmem:s10], [sflag:$0x2], $0x80, s25, s6, $0xb8;
	[tilespmem:$0x1B800] =	vst v63  }
0x21c: {  	_ =	swait.ge [sflag:s1], $0x1000  }
0x21d: {  	[sflag:s1] =	ssyncset.done $0x0  }
0x21e: {  	[sflag:s1] =	ssyncadd.s32 $0xFFFFF000  }
0x21f: {  	[spmem:s2] =	stream.indirect.scatter.add.f32 [tilespmem:s12], [sflag:$0x2], $0x80, s26, s6, $0xb8;
	[tilespmem:$0x1B800] =	vst v63  }
0x220: {  	_ =	swait.ge [sflag:s1], $0x1000  }
0x221: {  	[sflag:s1] =	ssyncset.done $0x0  }
0x222: {  	[sflag:s1] =	ssyncadd.s32 $0xFFFFF000  }
0x223: {  	[spmem:s2] =	stream.indirect.scatter.add.f32 [tilespmem:s14], [sflag:$0x2], $0x80, s28, s6, $0xb8;
	[tilespmem:$0x1B800] =	vst v63  }
0x224: {  	_ =	swait.ge [sflag:s1], $0x1000  }
0x225: {  	[sflag:s1] =	ssyncset.done $0x0  }
0x226: {  	[sflag:s1] =	ssyncadd.s32 $0xFFFFF000  }
0x227: {  	[spmem:s2] =	stream.indirect.scatter.add.f32 [tilespmem:s16], [sflag:$0x2], $0x80, s29, s6, $0xb8;
	[tilespmem:$0x1B800] =	vst v63  }
0x228: {  	_ =	swait.ge [sflag:s1], $0x1000  }
0x229: {  	[sflag:s1] =	ssyncset.done $0x0  }
0x22a: {  	[sflag:s1] =	ssyncadd.s32 $0xFFFFF000  }
0x22b: {  	[spmem:s2] =	stream.indirect.scatter.add.f32 [tilespmem:s18], [sflag:$0x2], $0x80, s30, s6, $0xb8;
	[tilespmem:$0x1B800] =	vst v63  }
0x22c: {  	p0 =	sne.s32 s23, $0x1380;
	_ =	swait.ge [sflag:s1], $0x1000  }
.Ltmp3:
0x22d: {  	[sflag:s1] =	ssyncset.done $0x0;
	(pc) =	sbr.rel @p0 .LBB2_8-.Ltmp3, $4  }
0x22e: {  	s7 =	simm.s32 $0x780;
	[sflag:s1] =	ssyncadd.s32 $0xFFFFF000  }
0x22f: {  	[spmem:s2] =	stream.indirect.scatter.add.f32 [tilespmem:s20], [sflag:$0x2], $0x80, s7, s6, $0xb8;
	[tilespmem:$0x1B800] =	vst v63  }
0x230: {  	_ =	swait.ge [sflag:s1], $0x1000  }
0x231: {  	s23 =	sadd.s32 $0x80, s23;
	s7 =	rddreg [dreg:$0x5];
	[sflag:s1] =	ssyncset.done $0x0  }
0x232: {  	[sflag:s1] =	ssyncadd.s32 $0xFFFFF000;
	s7 =	sadd.s32 s5, s7  }
0x233: {  	[tilespmem:s3], [sflag:$0x2] =	stream.linear.gather [hbm4b:s7+s3], $0x400, $0x38;
	[tilespmem:$0x1B800] =	vst v63  }
0x234: {  	_ =	swait.ge [sflag:s1], $0x400  }
0x235: {  	s23 =	rddreg [dreg:$0x6];
	[sflag:s1] =	ssyncset.done $0x0  }
0x236: {  	s23 =	sadd.s32 s5, s23;
	[sflag:s1] =	ssyncadd.s32 $0xFFFFFC00  }
0x237: {  	[tilespmem:s0], [sflag:$0x2] =	stream.linear.gather [hbm4b:s23+s3], $0x400, $0x38;
	[tilespmem:$0x1B800] =	vst v63  }
0x238: {  	_ =	swait.ge [sflag:s1], $0x400  }
0x239: {  	[sflag:s1] =	ssyncset.done $0x0  }
0x23a: {  	[sflag:s1] =	ssyncadd.s32 $0xFFFFFC00  }
0x23b: {  	[tilespmem:s31], [sflag:$0x1] =	stream.indirect.gather [hbm4b:s4+s6], $0x80, s3, s6, $0xb8;
	[tilespmem:$0x1B800] =	vst v63  }
0x23c: {  	_ = 	snop  }
0x23d: {  	[tilespmem:s8], [sflag:$0x1] =	stream.indirect.gather [hbm4b:s4+s6], $0x80, s9, s6, $0xb8;
	[tilespmem:$0x1B800] =	vst v63  }
0x23e: {  	_ = 	snop  }
0x23f: {  	[tilespmem:s10], [sflag:$0x1] =	stream.indirect.gather [hbm4b:s4+s6], $0x80, s11, s6, $0xb8;
	[tilespmem:$0x1B800] =	vst v63  }
0x240: {  	_ = 	snop  }
0x241: {  	[tilespmem:s12], [sflag:$0x1] =	stream.indirect.gather [hbm4b:s4+s6], $0x80, s13, s6, $0xb8;
	[tilespmem:$0x1B800] =	vst v63  }
0x242: {  	_ = 	snop  }
0x243: {  	[tilespmem:s14], [sflag:$0x1] =	stream.indirect.gather [hbm4b:s4+s6], $0x80, s15, s6, $0xb8;
	[tilespmem:$0x1B800] =	vst v63  }
0x244: {  	_ = 	snop  }
0x245: {  	[tilespmem:s16], [sflag:$0x1] =	stream.indirect.gather [hbm4b:s4+s6], $0x80, s17, s6, $0xb8;
	[tilespmem:$0x1B800] =	vst v63  }
0x246: {  	_ = 	snop  }
0x247: {  	[tilespmem:s18], [sflag:$0x1] =	stream.indirect.gather [hbm4b:s4+s6], $0x80, s19, s6, $0xb8;
	[tilespmem:$0x1B800] =	vst v63  }
0x248: {  	_ = 	snop  }
0x249: {  	[tilespmem:s20], [sflag:$0x1] =	stream.indirect.gather [hbm4b:s4+s6], $0x80, s22, s6, $0xb8;
	[tilespmem:$0x1B800] =	vst v63  }
0x24a: {  	_ =	swait.ge [sflag:s21], $0x1000  }
0x24b: {  	[sflag:s21] =	ssyncset.done $0x0  }
0x24c: {  	[sflag:s21] =	ssyncadd.s32 $0xFFFFF000  }
0x24d: {  	_ =	swait.ge [sflag:s21], $0x1000  }
0x24e: {  	[sflag:s21] =	ssyncset.done $0x0  }
0x24f: {  	[sflag:s21] =	ssyncadd.s32 $0xFFFFF000  }
0x250: {  	_ =	swait.ge [sflag:s21], $0x1000  }
0x251: {  	[sflag:s21] =	ssyncset.done $0x0  }
0x252: {  	[sflag:s21] =	ssyncadd.s32 $0xFFFFF000  }
0x253: {  	_ =	swait.ge [sflag:s21], $0x1000  }
0x254: {  	[sflag:s21] =	ssyncset.done $0x0  }
0x255: {  	[sflag:s21] =	ssyncadd.s32 $0xFFFFF000  }
0x256: {  	_ =	swait.ge [sflag:s21], $0x1000  }
0x257: {  	[sflag:s21] =	ssyncset.done $0x0  }
0x258: {  	[sflag:s21] =	ssyncadd.s32 $0xFFFFF000  }
0x259: {  	_ =	swait.ge [sflag:s21], $0x1000  }
0x25a: {  	[sflag:s21] =	ssyncset.done $0x0  }
0x25b: {  	[sflag:s21] =	ssyncadd.s32 $0xFFFFF000  }
0x25c: {  	_ =	swait.ge [sflag:s21], $0x1000  }
0x25d: {  	[sflag:s21] =	ssyncset.done $0x0  }
0x25e: {  	[sflag:s21] =	ssyncadd.s32 $0xFFFFF000  }
0x25f: {  	_ =	swait.ge [sflag:s21], $0x1000  }
0x260: {  	[sflag:s21] =	ssyncset.done $0x0  }
0x261: {  	[sflag:s21] =	ssyncadd.s32 $0xFFFFF000  }
0x262: {  	[spmem:s2] =	stream.indirect.scatter.add.f32 [tilespmem:s31], [sflag:$0x2], $0x80, s0, s6, $0xb8;
	[tilespmem:$0x1B800] =	vst v63  }
0x263: {  	_ =	swait.ge [sflag:s1], $0x1000  }
0x264: {  	[sflag:s1] =	ssyncset.done $0x0  }
0x265: {  	[sflag:s1] =	ssyncadd.s32 $0xFFFFF000  }
0x266: {  	[spmem:s2] =	stream.indirect.scatter.add.f32 [tilespmem:s8], [sflag:$0x2], $0x80, s24, s6, $0xb8;
	[tilespmem:$0x1B800] =	vst v63  }
0x267: {  	_ =	swait.ge [sflag:s1], $0x1000  }
0x268: {  	[sflag:s1] =	ssyncset.done $0x0  }
0x269: {  	[sflag:s1] =	ssyncadd.s32 $0xFFFFF000  }
0x26a: {  	[spmem:s2] =	stream.indirect.scatter.add.f32 [tilespmem:s10], [sflag:$0x2], $0x80, s25, s6, $0xb8;
	[tilespmem:$0x1B800] =	vst v63  }
0x26b: {  	_ =	swait.ge [sflag:s1], $0x1000  }
0x26c: {  	[sflag:s1] =	ssyncset.done $0x0  }
0x26d: {  	[sflag:s1] =	ssyncadd.s32 $0xFFFFF000  }
0x26e: {  	[spmem:s2] =	stream.indirect.scatter.add.f32 [tilespmem:s12], [sflag:$0x2], $0x80, s26, s6, $0xb8;
	[tilespmem:$0x1B800] =	vst v63  }
0x26f: {  	_ =	swait.ge [sflag:s1], $0x1000  }
0x270: {  	[sflag:s1] =	ssyncset.done $0x0  }
0x271: {  	[sflag:s1] =	ssyncadd.s32 $0xFFFFF000  }
0x272: {  	[spmem:s2] =	stream.indirect.scatter.add.f32 [tilespmem:s14], [sflag:$0x2], $0x80, s28, s6, $0xb8;
	[tilespmem:$0x1B800] =	vst v63  }
0x273: {  	_ =	swait.ge [sflag:s1], $0x1000  }
0x274: {  	[sflag:s1] =	ssyncset.done $0x0  }
0x275: {  	[sflag:s1] =	ssyncadd.s32 $0xFFFFF000  }
0x276: {  	[spmem:s2] =	stream.indirect.scatter.add.f32 [tilespmem:s16], [sflag:$0x2], $0x80, s29, s6, $0xb8;
	[tilespmem:$0x1B800] =	vst v63  }
0x277: {  	_ =	swait.ge [sflag:s1], $0x1000  }
0x278: {  	[sflag:s1] =	ssyncset.done $0x0  }
0x279: {  	[sflag:s1] =	ssyncadd.s32 $0xFFFFF000  }
0x27a: {  	[spmem:s2] =	stream.indirect.scatter.add.f32 [tilespmem:s18], [sflag:$0x2], $0x80, s30, s6, $0xb8;
	[tilespmem:$0x1B800] =	vst v63  }
0x27b: {  	_ =	swait.ge [sflag:s1], $0x1000  }
0x27c: {  	[sflag:s1] =	ssyncset.done $0x0  }
0x27d: {  	s24 =	simm.s32 $0x780;
	[sflag:s1] =	ssyncadd.s32 $0xFFFFF000  }
0x27e: {  	[spmem:s2] =	stream.indirect.scatter.add.f32 [tilespmem:s20], [sflag:$0x2], $0x80, s24, s6, $0xb8;
	[tilespmem:$0x1B800] =	vst v63  }
0x27f: {  	_ =	swait.ge [sflag:s1], $0x1000  }
0x280: {  	[sflag:s1] =	ssyncset.done $0x0  }
0x281: {  	[sflag:s1] =	ssyncadd.s32 $0xFFFFF000  }
0x282: {  	[bflag:$0x0] =	sbarrier.arrive $0xFFFF  }
0x283: {  	s28 =	sld [smem:$0x7FC]  }
0x284: {  	s25 =	rddreg [dreg:$0x17]  }
0x285: {  	s26 =	rddreg [dreg:$0x1b]  }
0x286: {  	[hbm:s25], [sflag:s28] =	dma.local [spmem:s26], $0x200  }
0x287: {  	_ =	swait.ge [sflag:s1], $0x200  }
0x288: {  	s29 =	sld [smem:$0x7FD];
	_ =	sdelay $0x2  }
0x289: {  	s30 =	rddreg [dreg:$0x1a];
	s7 =	sadd.s32 $0x1, s29  }
0x28a: {  	p0 =	sne.s32 s7, s30  }
.Ltmp4:
0x28b: {  	_ = 	snop;
	(pc) =	sbr.rel @p0 .LBB2_1-.Ltmp4, $3  }
0x28c: {  	_ =	sdelay $0x1  }
0x28d: {  	[sflag:s1] =	ssyncset.done $0x0  }
0x28e: {  	[sflag:s1] =	ssyncadd.s32 $0xFFFFFE00  }
0x28f: {  	_ =	sfence.sel $0x180000  }
0x290: {  	[bflag:$0x0] =	sbarrier.arrive $0xFFFF  }
0x291: {  	_ =	strace $0x9000004D  }
0x292: {  	s0 =	stileid.u32;
	[bflag:$0x2] =	sbarrier.arrive $0xFFFF  }
0x293: {  	p0 =	sne.s32 s0, $0x0;
	s0 =	rddreg [dreg:$0x2]  }
0x294: {  	s0 =	sadd.s32 @!p0 $0x100000, s0  }
0x295: {  	[sflag:s0] =	ssyncadd.tile.s32 @!p0 $0x1;
	_ =	shalt  }
.Lfunc_end2:
_tile_overlayer_lowered:
.L_overlay_start_2:
0x296: {  	(tag) =	ssettag $0x2  }
0x297: {  	s0 =	rddreg [dreg:$0x0];
	s2 =	stileid.u32  }
0x298: {  	s1 =	rddreg [dreg:$0x1];
	p0 =	sne.s32 s2, $0x0  }
0x299: {  	s3 =	rddreg [dreg:$0x2];
	[bflag:$0x3] =	sbarrier.arrive $0xFFFF;
	s2 =	simm.s32 @!p0 $0x1C02  }
0x29a: {  	[timem:s3], [sflag:s2] =	dma.local @!p0 [hbm:s0], s1  }
0x29b: {  	s0 =	simm.s32 @!p0 $0x2  }
0x29c: {  	_ =	swait.ge @!p0 [sflag:s0], s1  }
0x29d: {  	s1 =	ssub.s32 @!p0 $0x0, s1;
	[sflag:s0] =	ssyncset.done @!p0 $0x0  }
0x29e: {  	[sflag:s0] =	ssyncadd.s32 @!p0 s1  }
0x29f: {  	[bflag:$0x3] =	sbarrier.arrive $0xFFFF  }
0x2a0: {  	_ =	shalt  }

</sc_bundles>
